<compile_context>
chip_gen: v7x
topology: tpu7x:2x2x1
jax: 0.10.2.dev20260603
libtpu: 0.0.44.dev20260713+nightly
codegen_flags: <defaults>
</compile_context>

<pallas_src>
import jax
import jax.numpy as jnp
from jax import lax
from jax.experimental import pallas as pl
from jax.experimental.pallas import tpu as pltpu
from jax.experimental.pallas import tpu_sc as plsc

N = 100000
B = 4096
INPUT = 32
NDIM = 16
HID = INPUT * NDIM

NC = 2
NS = 16
NW = NC * NS
CHUNK = B // NW

BLK = 512
GRID = B // BLK

_f32 = jnp.float32


def _worker_id():
  return lax.axis_index("s") * NC + lax.axis_index("c")


_MESH = plsc.VectorSubcoreMesh(
    core_axis_name="c", subcore_axis_name="s",
    num_cores=NC, num_subcores=NS)


def _sc_gather_wide_body(mgn, iobs, h_out, idx_v, rows_v, sem):
  base = _worker_id() * CHUNK
  pltpu.sync_copy(iobs.at[pl.ds(base, CHUNK)], idx_v)
  pltpu.async_copy(mgn.at[idx_v], rows_v, sem).wait()
  pltpu.sync_copy(rows_v, h_out.at[pl.ds(base, CHUNK)])


_sc_gather_wide = pl.kernel(
    _sc_gather_wide_body,
    out_type=jax.ShapeDtypeStruct((B, HID), _f32),
    mesh=_MESH,
    scratch_types=[
        pltpu.VMEM((CHUNK,), jnp.int32),
        pltpu.VMEM((CHUNK, HID), _f32),
        pltpu.SemaphoreType.DMA,
    ],
    name="mgn_sc_gather_wide",
)


def _sc_gather_narrow_body(lx, lt, xo, mo, iobs, win,
                           lxg_out, ltg_out, xw_out, mw_out,
                           idx_v, win_v, lxg_v, ltg_v, xw_v, mw_v, sem):
  base = _worker_id() * CHUNK
  pltpu.sync_copy(iobs.at[pl.ds(base, CHUNK)], idx_v)
  pltpu.async_copy(win.at[idx_v], win_v, sem).wait()
  c2 = pltpu.async_copy(lx.at[idx_v], lxg_v, sem)
  c3 = pltpu.async_copy(lt.at[idx_v], ltg_v, sem)
  c4 = pltpu.async_copy(xo.at[win_v], xw_v, sem)
  c5 = pltpu.async_copy(mo.at[win_v], mw_v, sem)
  c2.wait()
  c3.wait()
  c4.wait()
  c5.wait()
  pltpu.sync_copy(lxg_v, lxg_out.at[pl.ds(base, CHUNK)])
  pltpu.sync_copy(ltg_v, ltg_out.at[pl.ds(base, CHUNK)])
  pltpu.sync_copy(xw_v, xw_out.at[pl.ds(base, CHUNK)])
  pltpu.sync_copy(mw_v, mw_out.at[pl.ds(base, CHUNK)])


_sc_gather_narrow = pl.kernel(
    _sc_gather_narrow_body,
    out_type=(
        jax.ShapeDtypeStruct((B, INPUT), _f32),
        jax.ShapeDtypeStruct((B, INPUT), _f32),
        jax.ShapeDtypeStruct((B, INPUT), _f32),
        jax.ShapeDtypeStruct((B, INPUT), _f32),
    ),
    mesh=_MESH,
    scratch_types=[
        pltpu.VMEM((CHUNK,), jnp.int32),
        pltpu.VMEM((CHUNK,), jnp.int32),
        pltpu.VMEM((CHUNK, INPUT), _f32),
        pltpu.VMEM((CHUNK, INPUT), _f32),
        pltpu.VMEM((CHUNK, INPUT), _f32),
        pltpu.VMEM((CHUNK, INPUT), _f32),
        pltpu.SemaphoreType.DMA,
    ],
    compiler_params=pltpu.CompilerParams(use_tc_tiling_on_sc=False),
    name="mgn_sc_gather_narrow",
)


SC_RW = 3128
CCH = 112
NCH = SC_RW // CCH


def _sc_copy_all_body(mgn, out, b0, b1, sr0, sr1, sw0, sw1):
  wid = _worker_id()
  base = wid * SC_RW
  bufs = (b0, b1)
  srs = (sr0, sr1)
  sws = (sw0, sw1)

  def chunk(k):
    return pl.ds(base + k * CCH, CCH)

  reads = [None] * NCH
  writes = [None] * NCH
  reads[0] = pltpu.async_copy(mgn.at[chunk(0)], b0.at[:CCH], sr0)
  for k in range(NCH):
    if k + 1 < NCH:
      if k - 1 >= 0:
        writes[k - 1].wait()
      nxt = (k + 1) % 2
      reads[k + 1] = pltpu.async_copy(
          mgn.at[chunk(k + 1)], bufs[nxt].at[:CCH], srs[nxt])
    reads[k].wait()
    writes[k] = pltpu.async_copy(bufs[k % 2].at[:CCH], out.at[chunk(k)],
                                 sws[k % 2])
  writes[NCH - 2].wait()
  writes[NCH - 1].wait()
  t0 = base + NCH * CCH
  pltpu.sync_copy(mgn.at[pl.ds(t0, 8)], b0.at[:8])
  pltpu.sync_copy(b0.at[:8], out.at[pl.ds(t0, 8)])
  @pl.when(wid < NW - 1)
  def _():
    pltpu.sync_copy(mgn.at[pl.ds(t0 + 8, 96)], b1.at[:96])
    pltpu.sync_copy(b1.at[:96], out.at[pl.ds(t0 + 8, 96)])


_sc_copy_all = pl.kernel(
    _sc_copy_all_body,
    out_type=jax.ShapeDtypeStruct((N, HID), _f32),
    mesh=_MESH,
    scratch_types=[
        pltpu.VMEM((CCH, HID), _f32),
        pltpu.VMEM((CCH, HID), _f32),
        pltpu.SemaphoreType.DMA,
        pltpu.SemaphoreType.DMA,
        pltpu.SemaphoreType.DMA,
        pltpu.SemaphoreType.DMA,
    ],
    name="mgn_sc_copy_all",
)


def _sc_scatter_wide_body(hnew, iobs, win, mgn_io,
                          idx_v, win_v, rows_v, sem):
  base = _worker_id() * CHUNK
  pltpu.sync_copy(iobs.at[pl.ds(base, CHUNK)], idx_v)
  pltpu.async_copy(win.at[idx_v], win_v, sem).wait()
  pltpu.async_copy(hnew.at[win_v], rows_v, sem).wait()
  pltpu.async_copy(rows_v, mgn_io.at[idx_v], sem).wait()


_sc_scatter_wide = pl.kernel(
    _sc_scatter_wide_body,
    out_type=(),
    mesh=_MESH,
    scratch_types=[
        pltpu.VMEM((CHUNK,), jnp.int32),
        pltpu.VMEM((CHUNK,), jnp.int32),
        pltpu.VMEM((CHUNK, HID), _f32),
        pltpu.SemaphoreType.DMA,
    ],
    name="mgn_sc_scatter_wide",
)


def _sc_scatter_narrow_body(lxw, ltw, iobs, lx_io, lt_io,
                            idx_v, lxw_v, ltw_v, sem):
  base = _worker_id() * CHUNK
  pltpu.sync_copy(iobs.at[pl.ds(base, CHUNK)], idx_v)
  pltpu.sync_copy(lxw.at[pl.ds(base, CHUNK)], lxw_v)
  pltpu.sync_copy(ltw.at[pl.ds(base, CHUNK)], ltw_v)
  s2 = pltpu.async_copy(lxw_v, lx_io.at[idx_v], sem)
  s3 = pltpu.async_copy(ltw_v, lt_io.at[idx_v], sem)
  s2.wait()
  s3.wait()


_sc_scatter_narrow = pl.kernel(
    _sc_scatter_narrow_body,
    out_type=(),
    mesh=_MESH,
    scratch_types=[
        pltpu.VMEM((CHUNK,), jnp.int32),
        pltpu.VMEM((CHUNK, INPUT), _f32),
        pltpu.VMEM((CHUNK, INPUT), _f32),
        pltpu.SemaphoreType.DMA,
    ],
    compiler_params=pltpu.CompilerParams(use_tc_tiling_on_sc=False),
    name="mgn_sc_scatter_narrow",
)


def _tc_body(ct_ref, xfull_ref, mfull_ref, h_ref, lxg_ref, ltg_ref,
             xw_ref, mw_ref, wgx_ref, wgh_ref, wr_ref, wz_ref, wh_ref,
             vr_ref, vz_ref, vh_ref, br_ref, bz_ref, bh_ref,
             ur_ref, uz_ref, uh_ref,
             hnew_ref, lxw_ref, ltw_ref):
  bid = pl.program_id(0)
  ct = ct_ref[0, 0]
  xfull = xfull_ref[...]
  mfull = mfull_ref[...]
  mean_x = (jnp.sum(xfull, axis=0, keepdims=True)
            / jnp.sum(mfull + 1e-6, axis=0, keepdims=True))
  start = bid * BLK
  x = xfull_ref[pl.ds(start, BLK), :]
  m = mfull_ref[pl.ds(start, BLK), :]
  lxg = lxg_ref[...]
  ltg = ltg_ref[...]
  xw = xw_ref[...]
  mw = mw_ref[...]

  interval = ct - ltg
  gxo = jnp.exp(-jnp.maximum(interval * wgx_ref[...], 0.0))
  lx_win = lxg * (1.0 - mw) + xw * mw
  lt_win = ltg * (1.0 - mw) + ct * mw
  one_m = 1.0 - m
  x_hat = m * x + one_m * gxo * lx_win + one_m * (1.0 - gxo) * mean_x

  e_col = lax.broadcasted_iota(jnp.int32, (INPUT, HID), 1) // NDIM
  e_row = lax.broadcasted_iota(jnp.int32, (INPUT, HID), 0)
  expand = (e_col == e_row).astype(_f32)
  xh_e = jnp.dot(x_hat, expand, preferred_element_type=_f32)
  m_e = jnp.dot(m, expand, preferred_element_type=_f32)
  int_e = jnp.dot(interval, expand, preferred_element_type=_f32)
  gho = jnp.exp(-jnp.maximum(int_e * wgh_ref[...], 0.0))
  h = gho * h_ref[...]

  k_row = lax.broadcasted_iota(jnp.int32, (NDIM, HID), 0)
  k_col = lax.broadcasted_iota(jnp.int32, (NDIM, HID), 1) % NDIM
  tile_k = (k_row == k_col).astype(_f32)
  p_blk = lax.broadcasted_iota(jnp.int32, (HID, HID), 0) // NDIM
  q_blk = lax.broadcasted_iota(jnp.int32, (HID, HID), 1) // NDIM
  blkmask = (p_blk == q_blk).astype(_f32)
  bd_r = jnp.dot(ur_ref[...], tile_k, preferred_element_type=_f32) * blkmask
  bd_z = jnp.dot(uz_ref[...], tile_k, preferred_element_type=_f32) * blkmask
  bd_h = jnp.dot(uh_ref[...], tile_k, preferred_element_type=_f32) * blkmask

  pre_r = (xh_e * wr_ref[...] + jnp.dot(h, bd_r, preferred_element_type=_f32)
           + m_e * vr_ref[...] + br_ref[...])
  r = 1.0 / (1.0 + jnp.exp(-pre_r))
  pre_z = (xh_e * wz_ref[...] + jnp.dot(h, bd_z, preferred_element_type=_f32)
           + m_e * vz_ref[...] + bz_ref[...])
  z = 1.0 / (1.0 + jnp.exp(-pre_z))
  pre_h = (xh_e * wh_ref[...]
           + jnp.dot(r * h, bd_h, preferred_element_type=_f32)
           + m_e * vh_ref[...] + bh_ref[...])
  h_tilde = jnp.tanh(pre_h)
  hnew_ref[...] = z * h + (1.0 - z) * h_tilde
  lxw_ref[...] = lx_win
  ltw_ref[...] = lt_win


def _tc_compute(ct2, x_obs, m_obs, h_rows, lxg, ltg, xw, mw,
                wgx, wgh, wr, wz, wh, vr, vz, vh, br, bz, bh, ur, uz, uh):
  full32 = pl.BlockSpec((B, INPUT), lambda i: (0, 0))
  blk32 = pl.BlockSpec((BLK, INPUT), lambda i: (i, 0))
  blk512 = pl.BlockSpec((BLK, HID), lambda i: (i, 0))
  row512 = pl.BlockSpec((1, HID), lambda i: (0, 0))
  row32 = pl.BlockSpec((1, INPUT), lambda i: (0, 0))
  u_spec = pl.BlockSpec((HID, NDIM), lambda i: (0, 0))
  return pl.pallas_call(
      _tc_body,
      grid=(GRID,),
      in_specs=[
          pl.BlockSpec((1, 1), lambda i: (0, 0)),
          full32, full32,
          blk512,
          blk32, blk32, blk32, blk32,
          row32,
          row512, row512, row512, row512,
          row512, row512, row512,
          row512, row512, row512,
          u_spec, u_spec, u_spec,
      ],
      out_specs=[blk512, blk32, blk32],
      out_shape=[
          jax.ShapeDtypeStruct((B, HID), _f32),
          jax.ShapeDtypeStruct((B, INPUT), _f32),
          jax.ShapeDtypeStruct((B, INPUT), _f32),
      ],
      name="mgn_tc_cell",
  )(ct2, x_obs, m_obs, h_rows, lxg, ltg, xw, mw,
    wgx, wgh, wr, wz, wh, vr, vz, vh, br, bz, bh, ur, uz, uh)


def kernel(current_time, mgn_h, X_obs, M_obs, i_obs, last_x, last_t,
           W_gamma_x, W_gamma_h, W_r, W_z, W_h, U_r, U_z, U_h,
           V_r, V_z, V_h, b_r, b_z, b_h):
  i_obs = i_obs.astype(jnp.int32)
  win = jnp.zeros((N,), jnp.int32).at[i_obs].set(
      jnp.arange(B, dtype=jnp.int32))

  h_rows = _sc_gather_wide(mgn_h, i_obs)
  lxg, ltg, xw, mw = _sc_gather_narrow(
      last_x, last_t, X_obs, M_obs, i_obs, win)

  ct2 = current_time.reshape(1, 1)
  wgx = W_gamma_x[:, 0, 0].reshape(1, INPUT)
  wgh = W_gamma_h[:, 0, :].reshape(1, HID)
  wr = W_r[:, 0, :].reshape(1, HID)
  wz = W_z[:, 0, :].reshape(1, HID)
  wh = W_h[:, 0, :].reshape(1, HID)
  vr = V_r[:, 0, :].reshape(1, HID)
  vz = V_z[:, 0, :].reshape(1, HID)
  vh = V_h[:, 0, :].reshape(1, HID)
  br = b_r.reshape(1, HID)
  bz = b_z.reshape(1, HID)
  bh = b_h.reshape(1, HID)
  ur = U_r.reshape(HID, NDIM)
  uz = U_z.reshape(HID, NDIM)
  uh = U_h.reshape(HID, NDIM)

  h_new, lx_win, lt_win = _tc_compute(
      ct2, X_obs, M_obs, h_rows, lxg, ltg, xw, mw,
      wgx, wgh, wr, wz, wh, vr, vz, vh, br, bz, bh, ur, uz, uh)

  mgn_ref = jax.new_ref(_sc_copy_all(mgn_h))
  lx_ref = jax.new_ref(last_x)
  lt_ref = jax.new_ref(last_t)
  _sc_scatter_wide(h_new, i_obs, win, mgn_ref)
  _sc_scatter_narrow(lx_win, lt_win, i_obs, lx_ref, lt_ref)
  return mgn_ref[...], lx_ref[...], lt_ref[...]

# --- scband reference (transcript-rebuilt; emitter-appended) ---
"""Pipeline reference for scband-mgn-gru-d-60224031424824 (READ-ONLY COPY).

The authoritative reference and input builder live on the scoring server;
editing this copy changes nothing except your own understanding.
"""

import jax, jax.numpy as jnp
import numpy as np

N = 100000
B = 4096
INPUT = 32
NDIM = 16
HID = INPUT * NDIM


def setup_inputs(seed: int = 0):
    key = jax.random.key(seed)
    ks = jax.random.split(key, 24)
    s = 1.0 / np.sqrt(NDIM)
    inp = {}
    inp['current_time'] = jax.random.uniform(ks[0], (1,), dtype=jnp.float32) * 10.0
    inp['mgn_h'] = jax.random.normal(ks[1], (N, HID), dtype=jnp.float32)
    inp['X_obs'] = jax.random.normal(ks[2], (B, INPUT), dtype=jnp.float32)
    inp['M_obs'] = jnp.round(jax.random.uniform(ks[3], (B, INPUT))).astype(jnp.float32)
    inp['i_obs'] = jax.random.randint(ks[4], (B,), 0, N, dtype=jnp.int32)
    inp['last_x'] = jax.random.normal(ks[5], (N, INPUT), dtype=jnp.float32)
    inp['last_t'] = jnp.zeros((N, INPUT), dtype=jnp.float32)
    inp['W_gamma_x'] = jax.random.normal(ks[6], (INPUT, 1, 1), dtype=jnp.float32) * s
    inp['W_gamma_h'] = jax.random.normal(ks[7], (INPUT, 1, NDIM), dtype=jnp.float32) * s
    inp['W_r'] = jax.random.normal(ks[8], (INPUT, 1, NDIM), dtype=jnp.float32) * s
    inp['W_z'] = jax.random.normal(ks[9], (INPUT, 1, NDIM), dtype=jnp.float32) * s
    inp['W_h'] = jax.random.normal(ks[10], (INPUT, 1, NDIM), dtype=jnp.float32) * s
    inp['U_r'] = jax.random.normal(ks[11], (INPUT, NDIM, NDIM), dtype=jnp.float32) * s
    inp['U_z'] = jax.random.normal(ks[12], (INPUT, NDIM, NDIM), dtype=jnp.float32) * s
    inp['U_h'] = jax.random.normal(ks[13], (INPUT, NDIM, NDIM), dtype=jnp.float32) * s
    inp['V_r'] = jax.random.normal(ks[14], (INPUT, 1, NDIM), dtype=jnp.float32) * s
    inp['V_z'] = jax.random.normal(ks[15], (INPUT, 1, NDIM), dtype=jnp.float32) * s
    inp['V_h'] = jax.random.normal(ks[16], (INPUT, 1, NDIM), dtype=jnp.float32) * s
    inp['b_r'] = jnp.zeros((INPUT, NDIM), dtype=jnp.float32)
    inp['b_z'] = jnp.zeros((INPUT, NDIM), dtype=jnp.float32)
    inp['b_h'] = jnp.zeros((INPUT, NDIM), dtype=jnp.float32)
    return inp


def _forward(i_obs, current_time, mgn_h, X_obs, M_obs, last_x, last_t, W_gamma_x, W_gamma_h, W_r, W_z, W_h, U_r, U_z, U_h, V_r, V_z, V_h, b_r, b_z, b_h):
    # scatter-overwrite of last observed values at observed rows
    last_x = last_x.at[i_obs].set(last_x[i_obs] * (1.0 - M_obs) + X_obs * M_obs)
    mean_x = jnp.sum(X_obs, axis=0, keepdims=True) / jnp.sum(M_obs + 1e-06, axis=0, keepdims=True)
    interval = current_time - last_t
    last_t = last_t.at[i_obs].set(last_t[i_obs] * (1.0 - M_obs) + current_time * M_obs)
    gx = jnp.exp(-jnp.maximum(0.0, jnp.einsum('bij,ijk->bik', interval[:, :, None], W_gamma_x)))[:, :, 0]
    gh = jnp.exp(-jnp.maximum(0.0, jnp.einsum('bij,ijk->bik', interval[:, :, None], W_gamma_h)))
    gxo = gx[i_obs]
    X_hat = M_obs * X_obs + (1.0 - M_obs) * gxo * last_x[i_obs] + (1.0 - M_obs) * (1.0 - gxo) * mean_x
    # GRU-D cell on gathered hidden states
    h = mgn_h[i_obs].reshape(X_hat.shape[0], INPUT, NDIM)
    h = gh[i_obs] * h
    Xp = X_hat[:, :, None]
    Mp = M_obs[:, :, None]
    r = jax.nn.sigmoid(jnp.einsum('bij,ijk->bik', Xp, W_r) + jnp.einsum('bij,ijk->bik', h, U_r) + jnp.einsum('bij,ijk->bik', Mp, V_r) + b_r)
    z = jax.nn.sigmoid(jnp.einsum('bij,ijk->bik', Xp, W_z) + jnp.einsum('bij,ijk->bik', h, U_z) + jnp.einsum('bij,ijk->bik', Mp, V_z) + b_z)
    h_tilde = jnp.tanh(jnp.einsum('bij,ijk->bik', Xp, W_h) + jnp.einsum('bij,ijk->bik', r * h, U_h) + jnp.einsum('bij,ijk->bik', Mp, V_h) + b_h)
    h_new = (z * h + (1.0 - z) * h_tilde).reshape(X_hat.shape[0], HID)
    mgn_h = mgn_h.at[i_obs].set(h_new)
    return (mgn_h, last_x, last_t)


def reference(current_time, mgn_h, X_obs, M_obs, i_obs, last_x, last_t, W_gamma_x, W_gamma_h, W_r, W_z, W_h, U_r, U_z, U_h, V_r, V_z, V_h, b_r, b_z, b_h):
    return _forward(i_obs, current_time, mgn_h, X_obs, M_obs, last_x, last_t, W_gamma_x, W_gamma_h, W_r, W_z, W_h, U_r, U_z, U_h, V_r, V_z, V_h, b_r, b_z, b_h)

if __name__ == "__main__":
    import jax
    _d = setup_inputs()
    print(jax.jit(kernel)(*tuple(_d.values())))

</pallas_src>

<mosaic_0001>
#map = affine_map<(d0, d1) -> (0, 0)>
#map1 = affine_map<(d0, d1) -> (0)>
module attributes {stable_mosaic.version = 14 : i64} {
  func.func @mgn_sc_gather_narrow(%arg0: i32, %arg1: i32, %arg2: memref<100000x32xf32, #tpu.memory_space<hbm>>, %arg3: memref<100000x32xf32, #tpu.memory_space<hbm>>, %arg4: memref<4096x32xf32, #tpu.memory_space<hbm>>, %arg5: memref<4096x32xf32, #tpu.memory_space<hbm>>, %arg6: memref<4096xi32, #tpu.memory_space<hbm>>, %arg7: memref<100000xi32, #tpu.memory_space<hbm>>, %arg8: memref<4096x32xf32, #tpu.memory_space<hbm>>, %arg9: memref<4096x32xf32, #tpu.memory_space<hbm>>, %arg10: memref<4096x32xf32, #tpu.memory_space<hbm>>, %arg11: memref<4096x32xf32, #tpu.memory_space<hbm>>, %arg12: memref<128xi32, #tpu.memory_space<vmem>>, %arg13: memref<128xi32, #tpu.memory_space<vmem>>, %arg14: memref<128x32xf32, #tpu.memory_space<vmem>>, %arg15: memref<128x32xf32, #tpu.memory_space<vmem>>, %arg16: memref<128x32xf32, #tpu.memory_space<vmem>>, %arg17: memref<128x32xf32, #tpu.memory_space<vmem>>, %arg18: memref<!tpu.dma_semaphore, #tpu.memory_space<semaphore_mem>>) attributes {dimension_semantics = [#tpu.dimension_semantics<core_parallel>, #tpu.dimension_semantics<subcore_parallel>], iteration_bounds = array<i64: 2, 16>, scalar_prefetch = 0 : i64, scratch_operands = 7 : i64, tpu.core_type = #tpu.core_type<sc_vector_subcore>, window_params = [{transform_indices = #map}, {transform_indices = #map}, {transform_indices = #map}, {transform_indices = #map}, {transform_indices = #map1}, {transform_indices = #map1}, {transform_indices = #map}, {transform_indices = #map}, {transform_indices = #map}, {transform_indices = #map}]} {
    %mul3A = arith.constant 2 : i32
    %mul3A_0 = arith.muli %arg1, %mul3A : i32
    %add3A = arith.addi %mul3A_0, %arg0 : i32
    %mul3A_1 = arith.constant 128 : i32
    %mul3A_2 = arith.muli %add3A, %mul3A_1 : i32
    "tpu.region"() ({
      %run_scoped3A = tpu.sem_alloc : memref<!tpu.dma_semaphore, #tpu.memory_space<semaphore_mem>>
      %dma_start3A_29 = tpu.memref_slice %arg6[%mul3A_2] : memref<4096xi32, #tpu.memory_space<hbm>> -> memref<128xi32, #tpu.memory_space<hbm>>
      %dma_start3A_30 = tpu.memref_slice %arg6[%mul3A_2] : memref<4096xi32, #tpu.memory_space<hbm>> -> memref<128xi32, #tpu.memory_space<hbm>>
      tpu.enqueue_dma source(%dma_start3A_30 : memref<128xi32, #tpu.memory_space<hbm>>) target(%arg12 : memref<128xi32, #tpu.memory_space<vmem>>) target_semaphore(%run_scoped3A : memref<!tpu.dma_semaphore, #tpu.memory_space<semaphore_mem>>)
      %dma_wait3A_31 = tpu.memref_slice %arg6[%mul3A_2] : memref<4096xi32, #tpu.memory_space<hbm>> -> memref<128xi32, #tpu.memory_space<hbm>>
      %dma_wait3A_32 = tpu.memref_slice %arg6[%mul3A_2] : memref<4096xi32, #tpu.memory_space<hbm>> -> memref<128xi32, #tpu.memory_space<hbm>>
      tpu.wait_dma2 semaphore(%run_scoped3A : memref<!tpu.dma_semaphore, #tpu.memory_space<semaphore_mem>>) src(%dma_wait3A_32 : memref<128xi32, #tpu.memory_space<hbm>>) dst(%arg12 : memref<128xi32, #tpu.memory_space<vmem>>)
      tpu.yield
    }) : () -> ()
    %dma_start3A = arith.constant 0 : i32
    %dma_start3A_3 = tpu.memref_slice %arg7[%dma_start3A] : memref<100000xi32, #tpu.memory_space<hbm>> -> memref<100000xi32, #tpu.memory_space<hbm>>
    tpu.enqueue_indirect_dma source(%dma_start3A_3 : memref<100000xi32, #tpu.memory_space<hbm>>) target(%arg13 : memref<128xi32, #tpu.memory_space<vmem>>) offsets(%arg12 : memref<128xi32, #tpu.memory_space<vmem>>) semaphore(%arg18 : memref<!tpu.dma_semaphore, #tpu.memory_space<semaphore_mem>>)
    %dma_wait3A = arith.constant 0 : i32
    %dma_wait3A_4 = tpu.memref_slice %arg7[%dma_wait3A] : memref<100000xi32, #tpu.memory_space<hbm>> -> memref<100000xi32, #tpu.memory_space<hbm>>
    tpu.wait_indirect_dma semaphore(%arg18 : memref<!tpu.dma_semaphore, #tpu.memory_space<semaphore_mem>>) src(%dma_wait3A_4 : memref<100000xi32, #tpu.memory_space<hbm>>) dst(%arg13 : memref<128xi32, #tpu.memory_space<vmem>>)
    %dma_start3A_5 = arith.constant 0 : i32
    %dma_start3A_6 = arith.constant 0 : i32
    %dma_start3A_7 = tpu.memref_slice %arg2[%dma_start3A_5, %dma_start3A_6] : memref<100000x32xf32, #tpu.memory_space<hbm>> -> memref<100000x32xf32, #tpu.memory_space<hbm>>
    tpu.enqueue_indirect_dma source(%dma_start3A_7 : memref<100000x32xf32, #tpu.memory_space<hbm>>) target(%arg14 : memref<128x32xf32, #tpu.memory_space<vmem>>) offsets(%arg12 : memref<128xi32, #tpu.memory_space<vmem>>) semaphore(%arg18 : memref<!tpu.dma_semaphore, #tpu.memory_space<semaphore_mem>>)
    %dma_start3A_8 = arith.constant 0 : i32
    %dma_start3A_9 = arith.constant 0 : i32
    %dma_start3A_10 = tpu.memref_slice %arg3[%dma_start3A_8, %dma_start3A_9] : memref<100000x32xf32, #tpu.memory_space<hbm>> -> memref<100000x32xf32, #tpu.memory_space<hbm>>
    tpu.enqueue_indirect_dma source(%dma_start3A_10 : memref<100000x32xf32, #tpu.memory_space<hbm>>) target(%arg15 : memref<128x32xf32, #tpu.memory_space<vmem>>) offsets(%arg12 : memref<128xi32, #tpu.memory_space<vmem>>) semaphore(%arg18 : memref<!tpu.dma_semaphore, #tpu.memory_space<semaphore_mem>>)
    %dma_start3A_11 = arith.constant 0 : i32
    %dma_start3A_12 = arith.constant 0 : i32
    %dma_start3A_13 = tpu.memref_slice %arg4[%dma_start3A_11, %dma_start3A_12] : memref<4096x32xf32, #tpu.memory_space<hbm>> -> memref<4096x32xf32, #tpu.memory_space<hbm>>
    tpu.enqueue_indirect_dma source(%dma_start3A_13 : memref<4096x32xf32, #tpu.memory_space<hbm>>) target(%arg16 : memref<128x32xf32, #tpu.memory_space<vmem>>) offsets(%arg13 : memref<128xi32, #tpu.memory_space<vmem>>) semaphore(%arg18 : memref<!tpu.dma_semaphore, #tpu.memory_space<semaphore_mem>>)
    %dma_start3A_14 = arith.constant 0 : i32
    %dma_start3A_15 = arith.constant 0 : i32
    %dma_start3A_16 = tpu.memref_slice %arg5[%dma_start3A_14, %dma_start3A_15] : memref<4096x32xf32, #tpu.memory_space<hbm>> -> memref<4096x32xf32, #tpu.memory_space<hbm>>
    tpu.enqueue_indirect_dma source(%dma_start3A_16 : memref<4096x32xf32, #tpu.memory_space<hbm>>) target(%arg17 : memref<128x32xf32, #tpu.memory_space<vmem>>) offsets(%arg13 : memref<128xi32, #tpu.memory_space<vmem>>) semaphore(%arg18 : memref<!tpu.dma_semaphore, #tpu.memory_space<semaphore_mem>>)
    %dma_wait3A_17 = arith.constant 0 : i32
    %dma_wait3A_18 = arith.constant 0 : i32
    %dma_wait3A_19 = tpu.memref_slice %arg2[%dma_wait3A_17, %dma_wait3A_18] : memref<100000x32xf32, #tpu.memory_space<hbm>> -> memref<100000x32xf32, #tpu.memory_space<hbm>>
    tpu.wait_indirect_dma semaphore(%arg18 : memref<!tpu.dma_semaphore, #tpu.memory_space<semaphore_mem>>) src(%dma_wait3A_19 : memref<100000x32xf32, #tpu.memory_space<hbm>>) dst(%arg14 : memref<128x32xf32, #tpu.memory_space<vmem>>)
    %dma_wait3A_20 = arith.constant 0 : i32
    %dma_wait3A_21 = arith.constant 0 : i32
    %dma_wait3A_22 = tpu.memref_slice %arg3[%dma_wait3A_20, %dma_wait3A_21] : memref<100000x32xf32, #tpu.memory_space<hbm>> -> memref<100000x32xf32, #tpu.memory_space<hbm>>
    tpu.wait_indirect_dma semaphore(%arg18 : memref<!tpu.dma_semaphore, #tpu.memory_space<semaphore_mem>>) src(%dma_wait3A_22 : memref<100000x32xf32, #tpu.memory_space<hbm>>) dst(%arg15 : memref<128x32xf32, #tpu.memory_space<vmem>>)
    %dma_wait3A_23 = arith.constant 0 : i32
    %dma_wait3A_24 = arith.constant 0 : i32
    %dma_wait3A_25 = tpu.memref_slice %arg4[%dma_wait3A_23, %dma_wait3A_24] : memref<4096x32xf32, #tpu.memory_space<hbm>> -> memref<4096x32xf32, #tpu.memory_space<hbm>>
    tpu.wait_indirect_dma semaphore(%arg18 : memref<!tpu.dma_semaphore, #tpu.memory_space<semaphore_mem>>) src(%dma_wait3A_25 : memref<4096x32xf32, #tpu.memory_space<hbm>>) dst(%arg16 : memref<128x32xf32, #tpu.memory_space<vmem>>)
    %dma_wait3A_26 = arith.constant 0 : i32
    %dma_wait3A_27 = arith.constant 0 : i32
    %dma_wait3A_28 = tpu.memref_slice %arg5[%dma_wait3A_26, %dma_wait3A_27] : memref<4096x32xf32, #tpu.memory_space<hbm>> -> memref<4096x32xf32, #tpu.memory_space<hbm>>
    tpu.wait_indirect_dma semaphore(%arg18 : memref<!tpu.dma_semaphore, #tpu.memory_space<semaphore_mem>>) src(%dma_wait3A_28 : memref<4096x32xf32, #tpu.memory_space<hbm>>) dst(%arg17 : memref<128x32xf32, #tpu.memory_space<vmem>>)
    "tpu.region"() ({
      %run_scoped3A = tpu.sem_alloc : memref<!tpu.dma_semaphore, #tpu.memory_space<semaphore_mem>>
      %dma_start3A_29 = arith.constant 0 : i32
      %dma_start3A_30 = tpu.memref_slice %arg8[%mul3A_2, %dma_start3A_29] : memref<4096x32xf32, #tpu.memory_space<hbm>> -> memref<128x32xf32, #tpu.memory_space<hbm>>
      %dma_start3A_31 = arith.constant 0 : i32
      %dma_start3A_32 = tpu.memref_slice %arg8[%mul3A_2, %dma_start3A_31] : memref<4096x32xf32, #tpu.memory_space<hbm>> -> memref<128x32xf32, #tpu.memory_space<hbm>>
      tpu.enqueue_dma source(%arg14 : memref<128x32xf32, #tpu.memory_space<vmem>>) target(%dma_start3A_32 : memref<128x32xf32, #tpu.memory_space<hbm>>) target_semaphore(%run_scoped3A : memref<!tpu.dma_semaphore, #tpu.memory_space<semaphore_mem>>)
      %dma_wait3A_33 = arith.constant 0 : i32
      %dma_wait3A_34 = tpu.memref_slice %arg8[%mul3A_2, %dma_wait3A_33] : memref<4096x32xf32, #tpu.memory_space<hbm>> -> memref<128x32xf32, #tpu.memory_space<hbm>>
      %dma_wait3A_35 = arith.constant 0 : i32
      %dma_wait3A_36 = tpu.memref_slice %arg8[%mul3A_2, %dma_wait3A_35] : memref<4096x32xf32, #tpu.memory_space<hbm>> -> memref<128x32xf32, #tpu.memory_space<hbm>>
      tpu.wait_dma2 semaphore(%run_scoped3A : memref<!tpu.dma_semaphore, #tpu.memory_space<semaphore_mem>>) src(%arg14 : memref<128x32xf32, #tpu.memory_space<vmem>>) dst(%dma_wait3A_36 : memref<128x32xf32, #tpu.memory_space<hbm>>)
      tpu.yield
    }) : () -> ()
    "tpu.region"() ({
      %run_scoped3A = tpu.sem_alloc : memref<!tpu.dma_semaphore, #tpu.memory_space<semaphore_mem>>
      %dma_start3A_29 = arith.constant 0 : i32
      %dma_start3A_30 = tpu.memref_slice %arg9[%mul3A_2, %dma_start3A_29] : memref<4096x32xf32, #tpu.memory_space<hbm>> -> memref<128x32xf32, #tpu.memory_space<hbm>>
      %dma_start3A_31 = arith.constant 0 : i32
      %dma_start3A_32 = tpu.memref_slice %arg9[%mul3A_2, %dma_start3A_31] : memref<4096x32xf32, #tpu.memory_space<hbm>> -> memref<128x32xf32, #tpu.memory_space<hbm>>
      tpu.enqueue_dma source(%arg15 : memref<128x32xf32, #tpu.memory_space<vmem>>) target(%dma_start3A_32 : memref<128x32xf32, #tpu.memory_space<hbm>>) target_semaphore(%run_scoped3A : memref<!tpu.dma_semaphore, #tpu.memory_space<semaphore_mem>>)
      %dma_wait3A_33 = arith.constant 0 : i32
      %dma_wait3A_34 = tpu.memref_slice %arg9[%mul3A_2, %dma_wait3A_33] : memref<4096x32xf32, #tpu.memory_space<hbm>> -> memref<128x32xf32, #tpu.memory_space<hbm>>
      %dma_wait3A_35 = arith.constant 0 : i32
      %dma_wait3A_36 = tpu.memref_slice %arg9[%mul3A_2, %dma_wait3A_35] : memref<4096x32xf32, #tpu.memory_space<hbm>> -> memref<128x32xf32, #tpu.memory_space<hbm>>
      tpu.wait_dma2 semaphore(%run_scoped3A : memref<!tpu.dma_semaphore, #tpu.memory_space<semaphore_mem>>) src(%arg15 : memref<128x32xf32, #tpu.memory_space<vmem>>) dst(%dma_wait3A_36 : memref<128x32xf32, #tpu.memory_space<hbm>>)
      tpu.yield
    }) : () -> ()
    "tpu.region"() ({
      %run_scoped3A = tpu.sem_alloc : memref<!tpu.dma_semaphore, #tpu.memory_space<semaphore_mem>>
      %dma_start3A_29 = arith.constant 0 : i32
      %dma_start3A_30 = tpu.memref_slice %arg10[%mul3A_2, %dma_start3A_29] : memref<4096x32xf32, #tpu.memory_space<hbm>> -> memref<128x32xf32, #tpu.memory_space<hbm>>
      %dma_start3A_31 = arith.constant 0 : i32
      %dma_start3A_32 = tpu.memref_slice %arg10[%mul3A_2, %dma_start3A_31] : memref<4096x32xf32, #tpu.memory_space<hbm>> -> memref<128x32xf32, #tpu.memory_space<hbm>>
      tpu.enqueue_dma source(%arg16 : memref<128x32xf32, #tpu.memory_space<vmem>>) target(%dma_start3A_32 : memref<128x32xf32, #tpu.memory_space<hbm>>) target_semaphore(%run_scoped3A : memref<!tpu.dma_semaphore, #tpu.memory_space<semaphore_mem>>)
      %dma_wait3A_33 = arith.constant 0 : i32
      %dma_wait3A_34 = tpu.memref_slice %arg10[%mul3A_2, %dma_wait3A_33] : memref<4096x32xf32, #tpu.memory_space<hbm>> -> memref<128x32xf32, #tpu.memory_space<hbm>>
      %dma_wait3A_35 = arith.constant 0 : i32
      %dma_wait3A_36 = tpu.memref_slice %arg10[%mul3A_2, %dma_wait3A_35] : memref<4096x32xf32, #tpu.memory_space<hbm>> -> memref<128x32xf32, #tpu.memory_space<hbm>>
      tpu.wait_dma2 semaphore(%run_scoped3A : memref<!tpu.dma_semaphore, #tpu.memory_space<semaphore_mem>>) src(%arg16 : memref<128x32xf32, #tpu.memory_space<vmem>>) dst(%dma_wait3A_36 : memref<128x32xf32, #tpu.memory_space<hbm>>)
      tpu.yield
    }) : () -> ()
    "tpu.region"() ({
      %run_scoped3A = tpu.sem_alloc : memref<!tpu.dma_semaphore, #tpu.memory_space<semaphore_mem>>
      %dma_start3A_29 = arith.constant 0 : i32
      %dma_start3A_30 = tpu.memref_slice %arg11[%mul3A_2, %dma_start3A_29] : memref<4096x32xf32, #tpu.memory_space<hbm>> -> memref<128x32xf32, #tpu.memory_space<hbm>>
      %dma_start3A_31 = arith.constant 0 : i32
      %dma_start3A_32 = tpu.memref_slice %arg11[%mul3A_2, %dma_start3A_31] : memref<4096x32xf32, #tpu.memory_space<hbm>> -> memref<128x32xf32, #tpu.memory_space<hbm>>
      tpu.enqueue_dma source(%arg17 : memref<128x32xf32, #tpu.memory_space<vmem>>) target(%dma_start3A_32 : memref<128x32xf32, #tpu.memory_space<hbm>>) target_semaphore(%run_scoped3A : memref<!tpu.dma_semaphore, #tpu.memory_space<semaphore_mem>>)
      %dma_wait3A_33 = arith.constant 0 : i32
      %dma_wait3A_34 = tpu.memref_slice %arg11[%mul3A_2, %dma_wait3A_33] : memref<4096x32xf32, #tpu.memory_space<hbm>> -> memref<128x32xf32, #tpu.memory_space<hbm>>
      %dma_wait3A_35 = arith.constant 0 : i32
      %dma_wait3A_36 = tpu.memref_slice %arg11[%mul3A_2, %dma_wait3A_35] : memref<4096x32xf32, #tpu.memory_space<hbm>> -> memref<128x32xf32, #tpu.memory_space<hbm>>
      tpu.wait_dma2 semaphore(%run_scoped3A : memref<!tpu.dma_semaphore, #tpu.memory_space<semaphore_mem>>) src(%arg17 : memref<128x32xf32, #tpu.memory_space<vmem>>) dst(%dma_wait3A_36 : memref<128x32xf32, #tpu.memory_space<hbm>>)
      tpu.yield
    }) : () -> ()
    return
  }
}

#map = affine_map<(d0, d1) -> (0, 0)>
#map1 = affine_map<(d0, d1) -> (0)>
module attributes {stable_mosaic.version = 14 : i64} {
  func.func @new_body(%arg0: i32, %arg1: i32, %arg2: memref<4096x32xf32, #tpu.memory_space<hbm>>, %arg3: memref<4096x32xf32, #tpu.memory_space<hbm>>, %arg4: memref<4096xi32, #tpu.memory_space<hbm>>, %arg5: memref<100000x32xf32, #tpu.memory_space<hbm>>, %arg6: memref<100000x32xf32, #tpu.memory_space<hbm>>, %arg7: memref<100000x32xf32, #tpu.memory_space<hbm>>, %arg8: memref<100000x32xf32, #tpu.memory_space<hbm>>, %arg9: memref<128xi32, #tpu.memory_space<vmem>>, %arg10: memref<128x32xf32, #tpu.memory_space<vmem>>, %arg11: memref<128x32xf32, #tpu.memory_space<vmem>>, %arg12: memref<!tpu.dma_semaphore, #tpu.memory_space<semaphore_mem>>) attributes {dimension_semantics = [#tpu.dimension_semantics<core_parallel>, #tpu.dimension_semantics<subcore_parallel>], iteration_bounds = array<i64: 2, 16>, scalar_prefetch = 0 : i64, scratch_operands = 4 : i64, tpu.core_type = #tpu.core_type<sc_vector_subcore>, window_params = [{transform_indices = #map}, {transform_indices = #map}, {transform_indices = #map1}, {transform_indices = #map}, {transform_indices = #map}, {transform_indices = #map}, {transform_indices = #map}]} {
    %mul3A = arith.constant 2 : i32
    %mul3A_0 = arith.muli %arg1, %mul3A : i32
    %add3A = arith.addi %mul3A_0, %arg0 : i32
    %mul3A_1 = arith.constant 128 : i32
    %mul3A_2 = arith.muli %add3A, %mul3A_1 : i32
    "tpu.region"() ({
      %run_scoped3A = tpu.sem_alloc : memref<!tpu.dma_semaphore, #tpu.memory_space<semaphore_mem>>
      %dma_start3A_13 = tpu.memref_slice %arg4[%mul3A_2] : memref<4096xi32, #tpu.memory_space<hbm>> -> memref<128xi32, #tpu.memory_space<hbm>>
      %dma_start3A_14 = tpu.memref_slice %arg4[%mul3A_2] : memref<4096xi32, #tpu.memory_space<hbm>> -> memref<128xi32, #tpu.memory_space<hbm>>
      tpu.enqueue_dma source(%dma_start3A_14 : memref<128xi32, #tpu.memory_space<hbm>>) target(%arg9 : memref<128xi32, #tpu.memory_space<vmem>>) target_semaphore(%run_scoped3A : memref<!tpu.dma_semaphore, #tpu.memory_space<semaphore_mem>>)
      %dma_wait3A_15 = tpu.memref_slice %arg4[%mul3A_2] : memref<4096xi32, #tpu.memory_space<hbm>> -> memref<128xi32, #tpu.memory_space<hbm>>
      %dma_wait3A_16 = tpu.memref_slice %arg4[%mul3A_2] : memref<4096xi32, #tpu.memory_space<hbm>> -> memref<128xi32, #tpu.memory_space<hbm>>
      tpu.wait_dma2 semaphore(%run_scoped3A : memref<!tpu.dma_semaphore, #tpu.memory_space<semaphore_mem>>) src(%dma_wait3A_16 : memref<128xi32, #tpu.memory_space<hbm>>) dst(%arg9 : memref<128xi32, #tpu.memory_space<vmem>>)
      tpu.yield
    }) : () -> ()
    "tpu.region"() ({
      %run_scoped3A = tpu.sem_alloc : memref<!tpu.dma_semaphore, #tpu.memory_space<semaphore_mem>>
      %dma_start3A_13 = arith.constant 0 : i32
      %dma_start3A_14 = tpu.memref_slice %arg2[%mul3A_2, %dma_start3A_13] : memref<4096x32xf32, #tpu.memory_space<hbm>> -> memref<128x32xf32, #tpu.memory_space<hbm>>
      %dma_start3A_15 = arith.constant 0 : i32
      %dma_start3A_16 = tpu.memref_slice %arg2[%mul3A_2, %dma_start3A_15] : memref<4096x32xf32, #tpu.memory_space<hbm>> -> memref<128x32xf32, #tpu.memory_space<hbm>>
      tpu.enqueue_dma source(%dma_start3A_16 : memref<128x32xf32, #tpu.memory_space<hbm>>) target(%arg10 : memref<128x32xf32, #tpu.memory_space<vmem>>) target_semaphore(%run_scoped3A : memref<!tpu.dma_semaphore, #tpu.memory_space<semaphore_mem>>)
      %dma_wait3A_17 = arith.constant 0 : i32
      %dma_wait3A_18 = tpu.memref_slice %arg2[%mul3A_2, %dma_wait3A_17] : memref<4096x32xf32, #tpu.memory_space<hbm>> -> memref<128x32xf32, #tpu.memory_space<hbm>>
      %dma_wait3A_19 = arith.constant 0 : i32
      %dma_wait3A_20 = tpu.memref_slice %arg2[%mul3A_2, %dma_wait3A_19] : memref<4096x32xf32, #tpu.memory_space<hbm>> -> memref<128x32xf32, #tpu.memory_space<hbm>>
      tpu.wait_dma2 semaphore(%run_scoped3A : memref<!tpu.dma_semaphore, #tpu.memory_space<semaphore_mem>>) src(%dma_wait3A_20 : memref<128x32xf32, #tpu.memory_space<hbm>>) dst(%arg10 : memref<128x32xf32, #tpu.memory_space<vmem>>)
      tpu.yield
    }) : () -> ()
    "tpu.region"() ({
      %run_scoped3A = tpu.sem_alloc : memref<!tpu.dma_semaphore, #tpu.memory_space<semaphore_mem>>
      %dma_start3A_13 = arith.constant 0 : i32
      %dma_start3A_14 = tpu.memref_slice %arg3[%mul3A_2, %dma_start3A_13] : memref<4096x32xf32, #tpu.memory_space<hbm>> -> memref<128x32xf32, #tpu.memory_space<hbm>>
      %dma_start3A_15 = arith.constant 0 : i32
      %dma_start3A_16 = tpu.memref_slice %arg3[%mul3A_2, %dma_start3A_15] : memref<4096x32xf32, #tpu.memory_space<hbm>> -> memref<128x32xf32, #tpu.memory_space<hbm>>
      tpu.enqueue_dma source(%dma_start3A_16 : memref<128x32xf32, #tpu.memory_space<hbm>>) target(%arg11 : memref<128x32xf32, #tpu.memory_space<vmem>>) target_semaphore(%run_scoped3A : memref<!tpu.dma_semaphore, #tpu.memory_space<semaphore_mem>>)
      %dma_wait3A_17 = arith.constant 0 : i32
      %dma_wait3A_18 = tpu.memref_slice %arg3[%mul3A_2, %dma_wait3A_17] : memref<4096x32xf32, #tpu.memory_space<hbm>> -> memref<128x32xf32, #tpu.memory_space<hbm>>
      %dma_wait3A_19 = arith.constant 0 : i32
      %dma_wait3A_20 = tpu.memref_slice %arg3[%mul3A_2, %dma_wait3A_19] : memref<4096x32xf32, #tpu.memory_space<hbm>> -> memref<128x32xf32, #tpu.memory_space<hbm>>
      tpu.wait_dma2 semaphore(%run_scoped3A : memref<!tpu.dma_semaphore, #tpu.memory_space<semaphore_mem>>) src(%dma_wait3A_20 : memref<128x32xf32, #tpu.memory_space<hbm>>) dst(%arg11 : memref<128x32xf32, #tpu.memory_space<vmem>>)
      tpu.yield
    }) : () -> ()
    %dma_start3A = arith.constant 0 : i32
    %dma_start3A_3 = arith.constant 0 : i32
    %dma_start3A_4 = tpu.memref_slice %arg5[%dma_start3A, %dma_start3A_3] : memref<100000x32xf32, #tpu.memory_space<hbm>> -> memref<100000x32xf32, #tpu.memory_space<hbm>>
    tpu.enqueue_indirect_dma source(%arg10 : memref<128x32xf32, #tpu.memory_space<vmem>>) target(%dma_start3A_4 : memref<100000x32xf32, #tpu.memory_space<hbm>>) offsets(%arg9 : memref<128xi32, #tpu.memory_space<vmem>>) semaphore(%arg12 : memref<!tpu.dma_semaphore, #tpu.memory_space<semaphore_mem>>)
    %dma_start3A_5 = arith.constant 0 : i32
    %dma_start3A_6 = arith.constant 0 : i32
    %dma_start3A_7 = tpu.memref_slice %arg6[%dma_start3A_5, %dma_start3A_6] : memref<100000x32xf32, #tpu.memory_space<hbm>> -> memref<100000x32xf32, #tpu.memory_space<hbm>>
    tpu.enqueue_indirect_dma source(%arg11 : memref<128x32xf32, #tpu.memory_space<vmem>>) target(%dma_start3A_7 : memref<100000x32xf32, #tpu.memory_space<hbm>>) offsets(%arg9 : memref<128xi32, #tpu.memory_space<vmem>>) semaphore(%arg12 : memref<!tpu.dma_semaphore, #tpu.memory_space<semaphore_mem>>)
    %dma_wait3A = arith.constant 0 : i32
    %dma_wait3A_8 = arith.constant 0 : i32
    %dma_wait3A_9 = tpu.memref_slice %arg5[%dma_wait3A, %dma_wait3A_8] : memref<100000x32xf32, #tpu.memory_space<hbm>> -> memref<100000x32xf32, #tpu.memory_space<hbm>>
    tpu.wait_indirect_dma semaphore(%arg12 : memref<!tpu.dma_semaphore, #tpu.memory_space<semaphore_mem>>) src(%arg10 : memref<128x32xf32, #tpu.memory_space<vmem>>) dst(%dma_wait3A_9 : memref<100000x32xf32, #tpu.memory_space<hbm>>)
    %dma_wait3A_10 = arith.constant 0 : i32
    %dma_wait3A_11 = arith.constant 0 : i32
    %dma_wait3A_12 = tpu.memref_slice %arg6[%dma_wait3A_10, %dma_wait3A_11] : memref<100000x32xf32, #tpu.memory_space<hbm>> -> memref<100000x32xf32, #tpu.memory_space<hbm>>
    tpu.wait_indirect_dma semaphore(%arg12 : memref<!tpu.dma_semaphore, #tpu.memory_space<semaphore_mem>>) src(%arg11 : memref<128x32xf32, #tpu.memory_space<vmem>>) dst(%dma_wait3A_12 : memref<100000x32xf32, #tpu.memory_space<hbm>>)
    return
  }
}

#map = affine_map<(d0, d1) -> (0, 0)>
module attributes {stable_mosaic.version = 14 : i64} {
  func.func @mgn_sc_copy_all(%arg0: i32, %arg1: i32, %arg2: memref<100000x512xf32, #tpu.memory_space<hbm>>, %arg3: memref<100000x512xf32, #tpu.memory_space<hbm>>, %arg4: memref<112x512xf32, #tpu.memory_space<vmem>>, %arg5: memref<112x512xf32, #tpu.memory_space<vmem>>, %arg6: memref<!tpu.dma_semaphore, #tpu.memory_space<semaphore_mem>>, %arg7: memref<!tpu.dma_semaphore, #tpu.memory_space<semaphore_mem>>, %arg8: memref<!tpu.dma_semaphore, #tpu.memory_space<semaphore_mem>>, %arg9: memref<!tpu.dma_semaphore, #tpu.memory_space<semaphore_mem>>) attributes {dimension_semantics = [#tpu.dimension_semantics<core_parallel>, #tpu.dimension_semantics<subcore_parallel>], iteration_bounds = array<i64: 2, 16>, scalar_prefetch = 0 : i64, scratch_operands = 6 : i64, tpu.core_type = #tpu.core_type<sc_vector_subcore>, window_params = [{transform_indices = #map}, {transform_indices = #map}]} {
    %mul3A = arith.constant 2 : i32
    %mul3A_0 = arith.muli %arg1, %mul3A : i32
    %add3A = arith.addi %mul3A_0, %arg0 : i32
    %mul3A_1 = arith.constant 3128 : i32
    %mul3A_2 = arith.muli %add3A, %mul3A_1 : i32
    %add3A_3 = arith.constant 0 : i32
    %add3A_4 = arith.addi %mul3A_2, %add3A_3 : i32
    %dma_start3A = arith.constant 0 : i32
    %dma_start3A_5 = arith.constant 0 : i32
    %dma_start3A_6 = tpu.memref_slice %arg4[%dma_start3A, %dma_start3A_5] : memref<112x512xf32, #tpu.memory_space<vmem>> -> memref<112x512xf32, #tpu.memory_space<vmem>>
    %dma_start3A_7 = arith.constant 0 : i32
    %dma_start3A_8 = tpu.memref_slice %arg2[%add3A_4, %dma_start3A_7] : memref<100000x512xf32, #tpu.memory_space<hbm>> -> memref<112x512xf32, #tpu.memory_space<hbm>>
    %dma_start3A_9 = arith.constant 0 : i32
    %dma_start3A_10 = arith.constant 0 : i32
    %dma_start3A_11 = tpu.memref_slice %arg4[%dma_start3A_9, %dma_start3A_10] : memref<112x512xf32, #tpu.memory_space<vmem>> -> memref<112x512xf32, #tpu.memory_space<vmem>>
    %dma_start3A_12 = arith.constant 0 : i32
    %dma_start3A_13 = tpu.memref_slice %arg2[%add3A_4, %dma_start3A_12] : memref<100000x512xf32, #tpu.memory_space<hbm>> -> memref<112x512xf32, #tpu.memory_space<hbm>>
    tpu.enqueue_dma source(%dma_start3A_13 : memref<112x512xf32, #tpu.memory_space<hbm>>) target(%dma_start3A_11 : memref<112x512xf32, #tpu.memory_space<vmem>>) target_semaphore(%arg6 : memref<!tpu.dma_semaphore, #tpu.memory_space<semaphore_mem>>)
    %add3A_14 = arith.constant 112 : i32
    %add3A_15 = arith.addi %mul3A_2, %add3A_14 : i32
    %dma_start3A_16 = arith.constant 0 : i32
    %dma_start3A_17 = arith.constant 0 : i32
    %dma_start3A_18 = tpu.memref_slice %arg5[%dma_start3A_16, %dma_start3A_17] : memref<112x512xf32, #tpu.memory_space<vmem>> -> memref<112x512xf32, #tpu.memory_space<vmem>>
    %dma_start3A_19 = arith.constant 0 : i32
    %dma_start3A_20 = tpu.memref_slice %arg2[%add3A_15, %dma_start3A_19] : memref<100000x512xf32, #tpu.memory_space<hbm>> -> memref<112x512xf32, #tpu.memory_space<hbm>>
    %dma_start3A_21 = arith.constant 0 : i32
    %dma_start3A_22 = arith.constant 0 : i32
    %dma_start3A_23 = tpu.memref_slice %arg5[%dma_start3A_21, %dma_start3A_22] : memref<112x512xf32, #tpu.memory_space<vmem>> -> memref<112x512xf32, #tpu.memory_space<vmem>>
    %dma_start3A_24 = arith.constant 0 : i32
    %dma_start3A_25 = tpu.memref_slice %arg2[%add3A_15, %dma_start3A_24] : memref<100000x512xf32, #tpu.memory_space<hbm>> -> memref<112x512xf32, #tpu.memory_space<hbm>>
    tpu.enqueue_dma source(%dma_start3A_25 : memref<112x512xf32, #tpu.memory_space<hbm>>) target(%dma_start3A_23 : memref<112x512xf32, #tpu.memory_space<vmem>>) target_semaphore(%arg7 : memref<!tpu.dma_semaphore, #tpu.memory_space<semaphore_mem>>)
    %dma_wait3A = arith.constant 0 : i32
    %dma_wait3A_26 = arith.constant 0 : i32
    %dma_wait3A_27 = tpu.memref_slice %arg4[%dma_wait3A, %dma_wait3A_26] : memref<112x512xf32, #tpu.memory_space<vmem>> -> memref<112x512xf32, #tpu.memory_space<vmem>>
    %dma_wait3A_28 = arith.constant 0 : i32
    %dma_wait3A_29 = tpu.memref_slice %arg2[%add3A_4, %dma_wait3A_28] : memref<100000x512xf32, #tpu.memory_space<hbm>> -> memref<112x512xf32, #tpu.memory_space<hbm>>
    %dma_wait3A_30 = arith.constant 0 : i32
    %dma_wait3A_31 = arith.constant 0 : i32
    %dma_wait3A_32 = tpu.memref_slice %arg4[%dma_wait3A_30, %dma_wait3A_31] : memref<112x512xf32, #tpu.memory_space<vmem>> -> memref<112x512xf32, #tpu.memory_space<vmem>>
    %dma_wait3A_33 = arith.constant 0 : i32
    %dma_wait3A_34 = tpu.memref_slice %arg2[%add3A_4, %dma_wait3A_33] : memref<100000x512xf32, #tpu.memory_space<hbm>> -> memref<112x512xf32, #tpu.memory_space<hbm>>
    tpu.wait_dma2 semaphore(%arg6 : memref<!tpu.dma_semaphore, #tpu.memory_space<semaphore_mem>>) src(%dma_wait3A_34 : memref<112x512xf32, #tpu.memory_space<hbm>>) dst(%dma_wait3A_32 : memref<112x512xf32, #tpu.memory_space<vmem>>)
    %add3A_35 = arith.constant 0 : i32
    %add3A_36 = arith.addi %mul3A_2, %add3A_35 : i32
    %dma_start3A_37 = arith.constant 0 : i32
    %dma_start3A_38 = arith.constant 0 : i32
    %dma_start3A_39 = tpu.memref_slice %arg4[%dma_start3A_37, %dma_start3A_38] : memref<112x512xf32, #tpu.memory_space<vmem>> -> memref<112x512xf32, #tpu.memory_space<vmem>>
    %dma_start3A_40 = arith.constant 0 : i32
    %dma_start3A_41 = tpu.memref_slice %arg3[%add3A_36, %dma_start3A_40] : memref<100000x512xf32, #tpu.memory_space<hbm>> -> memref<112x512xf32, #tpu.memory_space<hbm>>
    %dma_start3A_42 = arith.constant 0 : i32
    %dma_start3A_43 = tpu.memref_slice %arg3[%add3A_36, %dma_start3A_42] : memref<100000x512xf32, #tpu.memory_space<hbm>> -> memref<112x512xf32, #tpu.memory_space<hbm>>
    %dma_start3A_44 = arith.constant 0 : i32
    %dma_start3A_45 = arith.constant 0 : i32
    %dma_start3A_46 = tpu.memref_slice %arg4[%dma_start3A_44, %dma_start3A_45] : memref<112x512xf32, #tpu.memory_space<vmem>> -> memref<112x512xf32, #tpu.memory_space<vmem>>
    tpu.enqueue_dma source(%dma_start3A_46 : memref<112x512xf32, #tpu.memory_space<vmem>>) target(%dma_start3A_43 : memref<112x512xf32, #tpu.memory_space<hbm>>) target_semaphore(%arg8 : memref<!tpu.dma_semaphore, #tpu.memory_space<semaphore_mem>>)
    %dma_wait3A_47 = arith.constant 0 : i32
    %dma_wait3A_48 = arith.constant 0 : i32
    %dma_wait3A_49 = tpu.memref_slice %arg4[%dma_wait3A_47, %dma_wait3A_48] : memref<112x512xf32, #tpu.memory_space<vmem>> -> memref<112x512xf32, #tpu.memory_space<vmem>>
    %dma_wait3A_50 = arith.constant 0 : i32
    %dma_wait3A_51 = tpu.memref_slice %arg3[%add3A_36, %dma_wait3A_50] : memref<100000x512xf32, #tpu.memory_space<hbm>> -> memref<112x512xf32, #tpu.memory_space<hbm>>
    %dma_wait3A_52 = arith.constant 0 : i32
    %dma_wait3A_53 = tpu.memref_slice %arg3[%add3A_36, %dma_wait3A_52] : memref<100000x512xf32, #tpu.memory_space<hbm>> -> memref<112x512xf32, #tpu.memory_space<hbm>>
    %dma_wait3A_54 = arith.constant 0 : i32
    %dma_wait3A_55 = arith.constant 0 : i32
    %dma_wait3A_56 = tpu.memref_slice %arg4[%dma_wait3A_54, %dma_wait3A_55] : memref<112x512xf32, #tpu.memory_space<vmem>> -> memref<112x512xf32, #tpu.memory_space<vmem>>
    tpu.wait_dma2 semaphore(%arg8 : memref<!tpu.dma_semaphore, #tpu.memory_space<semaphore_mem>>) src(%dma_wait3A_56 : memref<112x512xf32, #tpu.memory_space<vmem>>) dst(%dma_wait3A_53 : memref<112x512xf32, #tpu.memory_space<hbm>>)
    %add3A_57 = arith.constant 224 : i32
    %add3A_58 = arith.addi %mul3A_2, %add3A_57 : i32
    %dma_start3A_59 = arith.constant 0 : i32
    %dma_start3A_60 = arith.constant 0 : i32
    %dma_start3A_61 = tpu.memref_slice %arg4[%dma_start3A_59, %dma_start3A_60] : memref<112x512xf32, #tpu.memory_space<vmem>> -> memref<112x512xf32, #tpu.memory_space<vmem>>
    %dma_start3A_62 = arith.constant 0 : i32
    %dma_start3A_63 = tpu.memref_slice %arg2[%add3A_58, %dma_start3A_62] : memref<100000x512xf32, #tpu.memory_space<hbm>> -> memref<112x512xf32, #tpu.memory_space<hbm>>
    %dma_start3A_64 = arith.constant 0 : i32
    %dma_start3A_65 = arith.constant 0 : i32
    %dma_start3A_66 = tpu.memref_slice %arg4[%dma_start3A_64, %dma_start3A_65] : memref<112x512xf32, #tpu.memory_space<vmem>> -> memref<112x512xf32, #tpu.memory_space<vmem>>
    %dma_start3A_67 = arith.constant 0 : i32
    %dma_start3A_68 = tpu.memref_slice %arg2[%add3A_58, %dma_start3A_67] : memref<100000x512xf32, #tpu.memory_space<hbm>> -> memref<112x512xf32, #tpu.memory_space<hbm>>
    tpu.enqueue_dma source(%dma_start3A_68 : memref<112x512xf32, #tpu.memory_space<hbm>>) target(%dma_start3A_66 : memref<112x512xf32, #tpu.memory_space<vmem>>) target_semaphore(%arg6 : memref<!tpu.dma_semaphore, #tpu.memory_space<semaphore_mem>>)
    %dma_wait3A_69 = arith.constant 0 : i32
    %dma_wait3A_70 = arith.constant 0 : i32
    %dma_wait3A_71 = tpu.memref_slice %arg5[%dma_wait3A_69, %dma_wait3A_70] : memref<112x512xf32, #tpu.memory_space<vmem>> -> memref<112x512xf32, #tpu.memory_space<vmem>>
    %dma_wait3A_72 = arith.constant 0 : i32
    %dma_wait3A_73 = tpu.memref_slice %arg2[%add3A_15, %dma_wait3A_72] : memref<100000x512xf32, #tpu.memory_space<hbm>> -> memref<112x512xf32, #tpu.memory_space<hbm>>
    %dma_wait3A_74 = arith.constant 0 : i32
    %dma_wait3A_75 = arith.constant 0 : i32
    %dma_wait3A_76 = tpu.memref_slice %arg5[%dma_wait3A_74, %dma_wait3A_75] : memref<112x512xf32, #tpu.memory_space<vmem>> -> memref<112x512xf32, #tpu.memory_space<vmem>>
    %dma_wait3A_77 = arith.constant 0 : i32
    %dma_wait3A_78 = tpu.memref_slice %arg2[%add3A_15, %dma_wait3A_77] : memref<100000x512xf32, #tpu.memory_space<hbm>> -> memref<112x512xf32, #tpu.memory_space<hbm>>
    tpu.wait_dma2 semaphore(%arg7 : memref<!tpu.dma_semaphore, #tpu.memory_space<semaphore_mem>>) src(%dma_wait3A_78 : memref<112x512xf32, #tpu.memory_space<hbm>>) dst(%dma_wait3A_76 : memref<112x512xf32, #tpu.memory_space<vmem>>)
    %add3A_79 = arith.constant 112 : i32
    %add3A_80 = arith.addi %mul3A_2, %add3A_79 : i32
    %dma_start3A_81 = arith.constant 0 : i32
    %dma_start3A_82 = arith.constant 0 : i32
    %dma_start3A_83 = tpu.memref_slice %arg5[%dma_start3A_81, %dma_start3A_82] : memref<112x512xf32, #tpu.memory_space<vmem>> -> memref<112x512xf32, #tpu.memory_space<vmem>>
    %dma_start3A_84 = arith.constant 0 : i32
    %dma_start3A_85 = tpu.memref_slice %arg3[%add3A_80, %dma_start3A_84] : memref<100000x512xf32, #tpu.memory_space<hbm>> -> memref<112x512xf32, #tpu.memory_space<hbm>>
    %dma_start3A_86 = arith.constant 0 : i32
    %dma_start3A_87 = tpu.memref_slice %arg3[%add3A_80, %dma_start3A_86] : memref<100000x512xf32, #tpu.memory_space<hbm>> -> memref<112x512xf32, #tpu.memory_space<hbm>>
    %dma_start3A_88 = arith.constant 0 : i32
    %dma_start3A_89 = arith.constant 0 : i32
    %dma_start3A_90 = tpu.memref_slice %arg5[%dma_start3A_88, %dma_start3A_89] : memref<112x512xf32, #tpu.memory_space<vmem>> -> memref<112x512xf32, #tpu.memory_space<vmem>>
    tpu.enqueue_dma source(%dma_start3A_90 : memref<112x512xf32, #tpu.memory_space<vmem>>) target(%dma_start3A_87 : memref<112x512xf32, #tpu.memory_space<hbm>>) target_semaphore(%arg9 : memref<!tpu.dma_semaphore, #tpu.memory_space<semaphore_mem>>)
    %dma_wait3A_91 = arith.constant 0 : i32
    %dma_wait3A_92 = arith.constant 0 : i32
    %dma_wait3A_93 = tpu.memref_slice %arg5[%dma_wait3A_91, %dma_wait3A_92] : memref<112x512xf32, #tpu.memory_space<vmem>> -> memref<112x512xf32, #tpu.memory_space<vmem>>
    %dma_wait3A_94 = arith.constant 0 : i32
    %dma_wait3A_95 = tpu.memref_slice %arg3[%add3A_80, %dma_wait3A_94] : memref<100000x512xf32, #tpu.memory_space<hbm>> -> memref<112x512xf32, #tpu.memory_space<hbm>>
    %dma_wait3A_96 = arith.constant 0 : i32
    %dma_wait3A_97 = tpu.memref_slice %arg3[%add3A_80, %dma_wait3A_96] : memref<100000x512xf32, #tpu.memory_space<hbm>> -> memref<112x512xf32, #tpu.memory_space<hbm>>
    %dma_wait3A_98 = arith.constant 0 : i32
    %dma_wait3A_99 = arith.constant 0 : i32
    %dma_wait3A_100 = tpu.memref_slice %arg5[%dma_wait3A_98, %dma_wait3A_99] : memref<112x512xf32, #tpu.memory_space<vmem>> -> memref<112x512xf32, #tpu.memory_space<vmem>>
    tpu.wait_dma2 semaphore(%arg9 : memref<!tpu.dma_semaphore, #tpu.memory_space<semaphore_mem>>) src(%dma_wait3A_100 : memref<112x512xf32, #tpu.memory_space<vmem>>) dst(%dma_wait3A_97 : memref<112x512xf32, #tpu.memory_space<hbm>>)
    %add3A_101 = arith.constant 336 : i32
    %add3A_102 = arith.addi %mul3A_2, %add3A_101 : i32
    %dma_start3A_103 = arith.constant 0 : i32
    %dma_start3A_104 = arith.constant 0 : i32
    %dma_start3A_105 = tpu.memref_slice %arg5[%dma_start3A_103, %dma_start3A_104] : memref<112x512xf32, #tpu.memory_space<vmem>> -> memref<112x512xf32, #tpu.memory_space<vmem>>
    %dma_start3A_106 = arith.constant 0 : i32
    %dma_start3A_107 = tpu.memref_slice %arg2[%add3A_102, %dma_start3A_106] : memref<100000x512xf32, #tpu.memory_space<hbm>> -> memref<112x512xf32, #tpu.memory_space<hbm>>
    %dma_start3A_108 = arith.constant 0 : i32
    %dma_start3A_109 = arith.constant 0 : i32
    %dma_start3A_110 = tpu.memref_slice %arg5[%dma_start3A_108, %dma_start3A_109] : memref<112x512xf32, #tpu.memory_space<vmem>> -> memref<112x512xf32, #tpu.memory_space<vmem>>
    %dma_start3A_111 = arith.constant 0 : i32
    %dma_start3A_112 = tpu.memref_slice %arg2[%add3A_102, %dma_start3A_111] : memref<100000x512xf32, #tpu.memory_space<hbm>> -> memref<112x512xf32, #tpu.memory_space<hbm>>
    tpu.enqueue_dma source(%dma_start3A_112 : memref<112x512xf32, #tpu.memory_space<hbm>>) target(%dma_start3A_110 : memref<112x512xf32, #tpu.memory_space<vmem>>) target_semaphore(%arg7 : memref<!tpu.dma_semaphore, #tpu.memory_space<semaphore_mem>>)
    %dma_wait3A_113 = arith.constant 0 : i32
    %dma_wait3A_114 = arith.constant 0 : i32
    %dma_wait3A_115 = tpu.memref_slice %arg4[%dma_wait3A_113, %dma_wait3A_114] : memref<112x512xf32, #tpu.memory_space<vmem>> -> memref<112x512xf32, #tpu.memory_space<vmem>>
    %dma_wait3A_116 = arith.constant 0 : i32
    %dma_wait3A_117 = tpu.memref_slice %arg2[%add3A_58, %dma_wait3A_116] : memref<100000x512xf32, #tpu.memory_space<hbm>> -> memref<112x512xf32, #tpu.memory_space<hbm>>
    %dma_wait3A_118 = arith.constant 0 : i32
    %dma_wait3A_119 = arith.constant 0 : i32
    %dma_wait3A_120 = tpu.memref_slice %arg4[%dma_wait3A_118, %dma_wait3A_119] : memref<112x512xf32, #tpu.memory_space<vmem>> -> memref<112x512xf32, #tpu.memory_space<vmem>>
    %dma_wait3A_121 = arith.constant 0 : i32
    %dma_wait3A_122 = tpu.memref_slice %arg2[%add3A_58, %dma_wait3A_121] : memref<100000x512xf32, #tpu.memory_space<hbm>> -> memref<112x512xf32, #tpu.memory_space<hbm>>
    tpu.wait_dma2 semaphore(%arg6 : memref<!tpu.dma_semaphore, #tpu.memory_space<semaphore_mem>>) src(%dma_wait3A_122 : memref<112x512xf32, #tpu.memory_space<hbm>>) dst(%dma_wait3A_120 : memref<112x512xf32, #tpu.memory_space<vmem>>)
    %add3A_123 = arith.constant 224 : i32
    %add3A_124 = arith.addi %mul3A_2, %add3A_123 : i32
    %dma_start3A_125 = arith.constant 0 : i32
    %dma_start3A_126 = arith.constant 0 : i32
    %dma_start3A_127 = tpu.memref_slice %arg4[%dma_start3A_125, %dma_start3A_126] : memref<112x512xf32, #tpu.memory_space<vmem>> -> memref<112x512xf32, #tpu.memory_space<vmem>>
    %dma_start3A_128 = arith.constant 0 : i32
    %dma_start3A_129 = tpu.memref_slice %arg3[%add3A_124, %dma_start3A_128] : memref<100000x512xf32, #tpu.memory_space<hbm>> -> memref<112x512xf32, #tpu.memory_space<hbm>>
    %dma_start3A_130 = arith.constant 0 : i32
    %dma_start3A_131 = tpu.memref_slice %arg3[%add3A_124, %dma_start3A_130] : memref<100000x512xf32, #tpu.memory_space<hbm>> -> memref<112x512xf32, #tpu.memory_space<hbm>>
    %dma_start3A_132 = arith.constant 0 : i32
    %dma_start3A_133 = arith.constant 0 : i32
    %dma_start3A_134 = tpu.memref_slice %arg4[%dma_start3A_132, %dma_start3A_133] : memref<112x512xf32, #tpu.memory_space<vmem>> -> memref<112x512xf32, #tpu.memory_space<vmem>>
    tpu.enqueue_dma source(%dma_start3A_134 : memref<112x512xf32, #tpu.memory_space<vmem>>) target(%dma_start3A_131 : memref<112x512xf32, #tpu.memory_space<hbm>>) target_semaphore(%arg8 : memref<!tpu.dma_semaphore, #tpu.memory_space<semaphore_mem>>)
    %dma_wait3A_135 = arith.constant 0 : i32
    %dma_wait3A_136 = arith.constant 0 : i32
    %dma_wait3A_137 = tpu.memref_slice %arg4[%dma_wait3A_135, %dma_wait3A_136] : memref<112x512xf32, #tpu.memory_space<vmem>> -> memref<112x512xf32, #tpu.memory_space<vmem>>
    %dma_wait3A_138 = arith.constant 0 : i32
    %dma_wait3A_139 = tpu.memref_slice %arg3[%add3A_124, %dma_wait3A_138] : memref<100000x512xf32, #tpu.memory_space<hbm>> -> memref<112x512xf32, #tpu.memory_space<hbm>>
    %dma_wait3A_140 = arith.constant 0 : i32
    %dma_wait3A_141 = tpu.memref_slice %arg3[%add3A_124, %dma_wait3A_140] : memref<100000x512xf32, #tpu.memory_space<hbm>> -> memref<112x512xf32, #tpu.memory_space<hbm>>
    %dma_wait3A_142 = arith.constant 0 : i32
    %dma_wait3A_143 = arith.constant 0 : i32
    %dma_wait3A_144 = tpu.memref_slice %arg4[%dma_wait3A_142, %dma_wait3A_143] : memref<112x512xf32, #tpu.memory_space<vmem>> -> memref<112x512xf32, #tpu.memory_space<vmem>>
    tpu.wait_dma2 semaphore(%arg8 : memref<!tpu.dma_semaphore, #tpu.memory_space<semaphore_mem>>) src(%dma_wait3A_144 : memref<112x512xf32, #tpu.memory_space<vmem>>) dst(%dma_wait3A_141 : memref<112x512xf32, #tpu.memory_space<hbm>>)
    %add3A_145 = arith.constant 448 : i32
    %add3A_146 = arith.addi %mul3A_2, %add3A_145 : i32
    %dma_start3A_147 = arith.constant 0 : i32
    %dma_start3A_148 = arith.constant 0 : i32
    %dma_start3A_149 = tpu.memref_slice %arg4[%dma_start3A_147, %dma_start3A_148] : memref<112x512xf32, #tpu.memory_space<vmem>> -> memref<112x512xf32, #tpu.memory_space<vmem>>
    %dma_start3A_150 = arith.constant 0 : i32
    %dma_start3A_151 = tpu.memref_slice %arg2[%add3A_146, %dma_start3A_150] : memref<100000x512xf32, #tpu.memory_space<hbm>> -> memref<112x512xf32, #tpu.memory_space<hbm>>
    %dma_start3A_152 = arith.constant 0 : i32
    %dma_start3A_153 = arith.constant 0 : i32
    %dma_start3A_154 = tpu.memref_slice %arg4[%dma_start3A_152, %dma_start3A_153] : memref<112x512xf32, #tpu.memory_space<vmem>> -> memref<112x512xf32, #tpu.memory_space<vmem>>
    %dma_start3A_155 = arith.constant 0 : i32
    %dma_start3A_156 = tpu.memref_slice %arg2[%add3A_146, %dma_start3A_155] : memref<100000x512xf32, #tpu.memory_space<hbm>> -> memref<112x512xf32, #tpu.memory_space<hbm>>
    tpu.enqueue_dma source(%dma_start3A_156 : memref<112x512xf32, #tpu.memory_space<hbm>>) target(%dma_start3A_154 : memref<112x512xf32, #tpu.memory_space<vmem>>) target_semaphore(%arg6 : memref<!tpu.dma_semaphore, #tpu.memory_space<semaphore_mem>>)
    %dma_wait3A_157 = arith.constant 0 : i32
    %dma_wait3A_158 = arith.constant 0 : i32
    %dma_wait3A_159 = tpu.memref_slice %arg5[%dma_wait3A_157, %dma_wait3A_158] : memref<112x512xf32, #tpu.memory_space<vmem>> -> memref<112x512xf32, #tpu.memory_space<vmem>>
    %dma_wait3A_160 = arith.constant 0 : i32
    %dma_wait3A_161 = tpu.memref_slice %arg2[%add3A_102, %dma_wait3A_160] : memref<100000x512xf32, #tpu.memory_space<hbm>> -> memref<112x512xf32, #tpu.memory_space<hbm>>
    %dma_wait3A_162 = arith.constant 0 : i32
    %dma_wait3A_163 = arith.constant 0 : i32
    %dma_wait3A_164 = tpu.memref_slice %arg5[%dma_wait3A_162, %dma_wait3A_163] : memref<112x512xf32, #tpu.memory_space<vmem>> -> memref<112x512xf32, #tpu.memory_space<vmem>>
    %dma_wait3A_165 = arith.constant 0 : i32
    %dma_wait3A_166 = tpu.memref_slice %arg2[%add3A_102, %dma_wait3A_165] : memref<100000x512xf32, #tpu.memory_space<hbm>> -> memref<112x512xf32, #tpu.memory_space<hbm>>
    tpu.wait_dma2 semaphore(%arg7 : memref<!tpu.dma_semaphore, #tpu.memory_space<semaphore_mem>>) src(%dma_wait3A_166 : memref<112x512xf32, #tpu.memory_space<hbm>>) dst(%dma_wait3A_164 : memref<112x512xf32, #tpu.memory_space<vmem>>)
    %add3A_167 = arith.constant 336 : i32
    %add3A_168 = arith.addi %mul3A_2, %add3A_167 : i32
    %dma_start3A_169 = arith.constant 0 : i32
    %dma_start3A_170 = arith.constant 0 : i32
    %dma_start3A_171 = tpu.memref_slice %arg5[%dma_start3A_169, %dma_start3A_170] : memref<112x512xf32, #tpu.memory_space<vmem>> -> memref<112x512xf32, #tpu.memory_space<vmem>>
    %dma_start3A_172 = arith.constant 0 : i32
    %dma_start3A_173 = tpu.memref_slice %arg3[%add3A_168, %dma_start3A_172] : memref<100000x512xf32, #tpu.memory_space<hbm>> -> memref<112x512xf32, #tpu.memory_space<hbm>>
    %dma_start3A_174 = arith.constant 0 : i32
    %dma_start3A_175 = tpu.memref_slice %arg3[%add3A_168, %dma_start3A_174] : memref<100000x512xf32, #tpu.memory_space<hbm>> -> memref<112x512xf32, #tpu.memory_space<hbm>>
    %dma_start3A_176 = arith.constant 0 : i32
    %dma_start3A_177 = arith.constant 0 : i32
    %dma_start3A_178 = tpu.memref_slice %arg5[%dma_start3A_176, %dma_start3A_177] : memref<112x512xf32, #tpu.memory_space<vmem>> -> memref<112x512xf32, #tpu.memory_space<vmem>>
    tpu.enqueue_dma source(%dma_start3A_178 : memref<112x512xf32, #tpu.memory_space<vmem>>) target(%dma_start3A_175 : memref<112x512xf32, #tpu.memory_space<hbm>>) target_semaphore(%arg9 : memref<!tpu.dma_semaphore, #tpu.memory_space<semaphore_mem>>)
    %dma_wait3A_179 = arith.constant 0 : i32
    %dma_wait3A_180 = arith.constant 0 : i32
    %dma_wait3A_181 = tpu.memref_slice %arg5[%dma_wait3A_179, %dma_wait3A_180] : memref<112x512xf32, #tpu.memory_space<vmem>> -> memref<112x512xf32, #tpu.memory_space<vmem>>
    %dma_wait3A_182 = arith.constant 0 : i32
    %dma_wait3A_183 = tpu.memref_slice %arg3[%add3A_168, %dma_wait3A_182] : memref<100000x512xf32, #tpu.memory_space<hbm>> -> memref<112x512xf32, #tpu.memory_space<hbm>>
    %dma_wait3A_184 = arith.constant 0 : i32
    %dma_wait3A_185 = tpu.memref_slice %arg3[%add3A_168, %dma_wait3A_184] : memref<100000x512xf32, #tpu.memory_space<hbm>> -> memref<112x512xf32, #tpu.memory_space<hbm>>
    %dma_wait3A_186 = arith.constant 0 : i32
    %dma_wait3A_187 = arith.constant 0 : i32
    %dma_wait3A_188 = tpu.memref_slice %arg5[%dma_wait3A_186, %dma_wait3A_187] : memref<112x512xf32, #tpu.memory_space<vmem>> -> memref<112x512xf32, #tpu.memory_space<vmem>>
    tpu.wait_dma2 semaphore(%arg9 : memref<!tpu.dma_semaphore, #tpu.memory_space<semaphore_mem>>) src(%dma_wait3A_188 : memref<112x512xf32, #tpu.memory_space<vmem>>) dst(%dma_wait3A_185 : memref<112x512xf32, #tpu.memory_space<hbm>>)
    %add3A_189 = arith.constant 560 : i32
    %add3A_190 = arith.addi %mul3A_2, %add3A_189 : i32
    %dma_start3A_191 = arith.constant 0 : i32
    %dma_start3A_192 = arith.constant 0 : i32
    %dma_start3A_193 = tpu.memref_slice %arg5[%dma_start3A_191, %dma_start3A_192] : memref<112x512xf32, #tpu.memory_space<vmem>> -> memref<112x512xf32, #tpu.memory_space<vmem>>
    %dma_start3A_194 = arith.constant 0 : i32
    %dma_start3A_195 = tpu.memref_slice %arg2[%add3A_190, %dma_start3A_194] : memref<100000x512xf32, #tpu.memory_space<hbm>> -> memref<112x512xf32, #tpu.memory_space<hbm>>
    %dma_start3A_196 = arith.constant 0 : i32
    %dma_start3A_197 = arith.constant 0 : i32
    %dma_start3A_198 = tpu.memref_slice %arg5[%dma_start3A_196, %dma_start3A_197] : memref<112x512xf32, #tpu.memory_space<vmem>> -> memref<112x512xf32, #tpu.memory_space<vmem>>
    %dma_start3A_199 = arith.constant 0 : i32
    %dma_start3A_200 = tpu.memref_slice %arg2[%add3A_190, %dma_start3A_199] : memref<100000x512xf32, #tpu.memory_space<hbm>> -> memref<112x512xf32, #tpu.memory_space<hbm>>
    tpu.enqueue_dma source(%dma_start3A_200 : memref<112x512xf32, #tpu.memory_space<hbm>>) target(%dma_start3A_198 : memref<112x512xf32, #tpu.memory_space<vmem>>) target_semaphore(%arg7 : memref<!tpu.dma_semaphore, #tpu.memory_space<semaphore_mem>>)
    %dma_wait3A_201 = arith.constant 0 : i32
    %dma_wait3A_202 = arith.constant 0 : i32
    %dma_wait3A_203 = tpu.memref_slice %arg4[%dma_wait3A_201, %dma_wait3A_202] : memref<112x512xf32, #tpu.memory_space<vmem>> -> memref<112x512xf32, #tpu.memory_space<vmem>>
    %dma_wait3A_204 = arith.constant 0 : i32
    %dma_wait3A_205 = tpu.memref_slice %arg2[%add3A_146, %dma_wait3A_204] : memref<100000x512xf32, #tpu.memory_space<hbm>> -> memref<112x512xf32, #tpu.memory_space<hbm>>
    %dma_wait3A_206 = arith.constant 0 : i32
    %dma_wait3A_207 = arith.constant 0 : i32
    %dma_wait3A_208 = tpu.memref_slice %arg4[%dma_wait3A_206, %dma_wait3A_207] : memref<112x512xf32, #tpu.memory_space<vmem>> -> memref<112x512xf32, #tpu.memory_space<vmem>>
    %dma_wait3A_209 = arith.constant 0 : i32
    %dma_wait3A_210 = tpu.memref_slice %arg2[%add3A_146, %dma_wait3A_209] : memref<100000x512xf32, #tpu.memory_space<hbm>> -> memref<112x512xf32, #tpu.memory_space<hbm>>
    tpu.wait_dma2 semaphore(%arg6 : memref<!tpu.dma_semaphore, #tpu.memory_space<semaphore_mem>>) src(%dma_wait3A_210 : memref<112x512xf32, #tpu.memory_space<hbm>>) dst(%dma_wait3A_208 : memref<112x512xf32, #tpu.memory_space<vmem>>)
    %add3A_211 = arith.constant 448 : i32
    %add3A_212 = arith.addi %mul3A_2, %add3A_211 : i32
    %dma_start3A_213 = arith.constant 0 : i32
    %dma_start3A_214 = arith.constant 0 : i32
    %dma_start3A_215 = tpu.memref_slice %arg4[%dma_start3A_213, %dma_start3A_214] : memref<112x512xf32, #tpu.memory_space<vmem>> -> memref<112x512xf32, #tpu.memory_space<vmem>>
    %dma_start3A_216 = arith.constant 0 : i32
    %dma_start3A_217 = tpu.memref_slice %arg3[%add3A_212, %dma_start3A_216] : memref<100000x512xf32, #tpu.memory_space<hbm>> -> memref<112x512xf32, #tpu.memory_space<hbm>>
    %dma_start3A_218 = arith.constant 0 : i32
    %dma_start3A_219 = tpu.memref_slice %arg3[%add3A_212, %dma_start3A_218] : memref<100000x512xf32, #tpu.memory_space<hbm>> -> memref<112x512xf32, #tpu.memory_space<hbm>>
    %dma_start3A_220 = arith.constant 0 : i32
    %dma_start3A_221 = arith.constant 0 : i32
    %dma_start3A_222 = tpu.memref_slice %arg4[%dma_start3A_220, %dma_start3A_221] : memref<112x512xf32, #tpu.memory_space<vmem>> -> memref<112x512xf32, #tpu.memory_space<vmem>>
    tpu.enqueue_dma source(%dma_start3A_222 : memref<112x512xf32, #tpu.memory_space<vmem>>) target(%dma_start3A_219 : memref<112x512xf32, #tpu.memory_space<hbm>>) target_semaphore(%arg8 : memref<!tpu.dma_semaphore, #tpu.memory_space<semaphore_mem>>)
    %dma_wait3A_223 = arith.constant 0 : i32
    %dma_wait3A_224 = arith.constant 0 : i32
    %dma_wait3A_225 = tpu.memref_slice %arg4[%dma_wait3A_223, %dma_wait3A_224] : memref<112x512xf32, #tpu.memory_space<vmem>> -> memref<112x512xf32, #tpu.memory_space<vmem>>
    %dma_wait3A_226 = arith.constant 0 : i32
    %dma_wait3A_227 = tpu.memref_slice %arg3[%add3A_212, %dma_wait3A_226] : memref<100000x512xf32, #tpu.memory_space<hbm>> -> memref<112x512xf32, #tpu.memory_space<hbm>>
    %dma_wait3A_228 = arith.constant 0 : i32
    %dma_wait3A_229 = tpu.memref_slice %arg3[%add3A_212, %dma_wait3A_228] : memref<100000x512xf32, #tpu.memory_space<hbm>> -> memref<112x512xf32, #tpu.memory_space<hbm>>
    %dma_wait3A_230 = arith.constant 0 : i32
    %dma_wait3A_231 = arith.constant 0 : i32
    %dma_wait3A_232 = tpu.memref_slice %arg4[%dma_wait3A_230, %dma_wait3A_231] : memref<112x512xf32, #tpu.memory_space<vmem>> -> memref<112x512xf32, #tpu.memory_space<vmem>>
    tpu.wait_dma2 semaphore(%arg8 : memref<!tpu.dma_semaphore, #tpu.memory_space<semaphore_mem>>) src(%dma_wait3A_232 : memref<112x512xf32, #tpu.memory_space<vmem>>) dst(%dma_wait3A_229 : memref<112x512xf32, #tpu.memory_space<hbm>>)
    %add3A_233 = arith.constant 672 : i32
    %add3A_234 = arith.addi %mul3A_2, %add3A_233 : i32
    %dma_start3A_235 = arith.constant 0 : i32
    %dma_start3A_236 = arith.constant 0 : i32
    %dma_start3A_237 = tpu.memref_slice %arg4[%dma_start3A_235, %dma_start3A_236] : memref<112x512xf32, #tpu.memory_space<vmem>> -> memref<112x512xf32, #tpu.memory_space<vmem>>
    %dma_start3A_238 = arith.constant 0 : i32
    %dma_start3A_239 = tpu.memref_slice %arg2[%add3A_234, %dma_start3A_238] : memref<100000x512xf32, #tpu.memory_space<hbm>> -> memref<112x512xf32, #tpu.memory_space<hbm>>
    %dma_start3A_240 = arith.constant 0 : i32
    %dma_start3A_241 = arith.constant 0 : i32
    %dma_start3A_242 = tpu.memref_slice %arg4[%dma_start3A_240, %dma_start3A_241] : memref<112x512xf32, #tpu.memory_space<vmem>> -> memref<112x512xf32, #tpu.memory_space<vmem>>
    %dma_start3A_243 = arith.constant 0 : i32
    %dma_start3A_244 = tpu.memref_slice %arg2[%add3A_234, %dma_start3A_243] : memref<100000x512xf32, #tpu.memory_space<hbm>> -> memref<112x512xf32, #tpu.memory_space<hbm>>
    tpu.enqueue_dma source(%dma_start3A_244 : memref<112x512xf32, #tpu.memory_space<hbm>>) target(%dma_start3A_242 : memref<112x512xf32, #tpu.memory_space<vmem>>) target_semaphore(%arg6 : memref<!tpu.dma_semaphore, #tpu.memory_space<semaphore_mem>>)
    %dma_wait3A_245 = arith.constant 0 : i32
    %dma_wait3A_246 = arith.constant 0 : i32
    %dma_wait3A_247 = tpu.memref_slice %arg5[%dma_wait3A_245, %dma_wait3A_246] : memref<112x512xf32, #tpu.memory_space<vmem>> -> memref<112x512xf32, #tpu.memory_space<vmem>>
    %dma_wait3A_248 = arith.constant 0 : i32
    %dma_wait3A_249 = tpu.memref_slice %arg2[%add3A_190, %dma_wait3A_248] : memref<100000x512xf32, #tpu.memory_space<hbm>> -> memref<112x512xf32, #tpu.memory_space<hbm>>
    %dma_wait3A_250 = arith.constant 0 : i32
    %dma_wait3A_251 = arith.constant 0 : i32
    %dma_wait3A_252 = tpu.memref_slice %arg5[%dma_wait3A_250, %dma_wait3A_251] : memref<112x512xf32, #tpu.memory_space<vmem>> -> memref<112x512xf32, #tpu.memory_space<vmem>>
    %dma_wait3A_253 = arith.constant 0 : i32
    %dma_wait3A_254 = tpu.memref_slice %arg2[%add3A_190, %dma_wait3A_253] : memref<100000x512xf32, #tpu.memory_space<hbm>> -> memref<112x512xf32, #tpu.memory_space<hbm>>
    tpu.wait_dma2 semaphore(%arg7 : memref<!tpu.dma_semaphore, #tpu.memory_space<semaphore_mem>>) src(%dma_wait3A_254 : memref<112x512xf32, #tpu.memory_space<hbm>>) dst(%dma_wait3A_252 : memref<112x512xf32, #tpu.memory_space<vmem>>)
    %add3A_255 = arith.constant 560 : i32
    %add3A_256 = arith.addi %mul3A_2, %add3A_255 : i32
    %dma_start3A_257 = arith.constant 0 : i32
    %dma_start3A_258 = arith.constant 0 : i32
    %dma_start3A_259 = tpu.memref_slice %arg5[%dma_start3A_257, %dma_start3A_258] : memref<112x512xf32, #tpu.memory_space<vmem>> -> memref<112x512xf32, #tpu.memory_space<vmem>>
    %dma_start3A_260 = arith.constant 0 : i32
    %dma_start3A_261 = tpu.memref_slice %arg3[%add3A_256, %dma_start3A_260] : memref<100000x512xf32, #tpu.memory_space<hbm>> -> memref<112x512xf32, #tpu.memory_space<hbm>>
    %dma_start3A_262 = arith.constant 0 : i32
    %dma_start3A_263 = tpu.memref_slice %arg3[%add3A_256, %dma_start3A_262] : memref<100000x512xf32, #tpu.memory_space<hbm>> -> memref<112x512xf32, #tpu.memory_space<hbm>>
    %dma_start3A_264 = arith.constant 0 : i32
    %dma_start3A_265 = arith.constant 0 : i32
    %dma_start3A_266 = tpu.memref_slice %arg5[%dma_start3A_264, %dma_start3A_265] : memref<112x512xf32, #tpu.memory_space<vmem>> -> memref<112x512xf32, #tpu.memory_space<vmem>>
    tpu.enqueue_dma source(%dma_start3A_266 : memref<112x512xf32, #tpu.memory_space<vmem>>) target(%dma_start3A_263 : memref<112x512xf32, #tpu.memory_space<hbm>>) target_semaphore(%arg9 : memref<!tpu.dma_semaphore, #tpu.memory_space<semaphore_mem>>)
    %dma_wait3A_267 = arith.constant 0 : i32
    %dma_wait3A_268 = arith.constant 0 : i32
    %dma_wait3A_269 = tpu.memref_slice %arg5[%dma_wait3A_267, %dma_wait3A_268] : memref<112x512xf32, #tpu.memory_space<vmem>> -> memref<112x512xf32, #tpu.memory_space<vmem>>
    %dma_wait3A_270 = arith.constant 0 : i32
    %dma_wait3A_271 = tpu.memref_slice %arg3[%add3A_256, %dma_wait3A_270] : memref<100000x512xf32, #tpu.memory_space<hbm>> -> memref<112x512xf32, #tpu.memory_space<hbm>>
    %dma_wait3A_272 = arith.constant 0 : i32
    %dma_wait3A_273 = tpu.memref_slice %arg3[%add3A_256, %dma_wait3A_272] : memref<100000x512xf32, #tpu.memory_space<hbm>> -> memref<112x512xf32, #tpu.memory_space<hbm>>
    %dma_wait3A_274 = arith.constant 0 : i32
    %dma_wait3A_275 = arith.constant 0 : i32
    %dma_wait3A_276 = tpu.memref_slice %arg5[%dma_wait3A_274, %dma_wait3A_275] : memref<112x512xf32, #tpu.memory_space<vmem>> -> memref<112x512xf32, #tpu.memory_space<vmem>>
    tpu.wait_dma2 semaphore(%arg9 : memref<!tpu.dma_semaphore, #tpu.memory_space<semaphore_mem>>) src(%dma_wait3A_276 : memref<112x512xf32, #tpu.memory_space<vmem>>) dst(%dma_wait3A_273 : memref<112x512xf32, #tpu.memory_space<hbm>>)
    %add3A_277 = arith.constant 784 : i32
    %add3A_278 = arith.addi %mul3A_2, %add3A_277 : i32
    %dma_start3A_279 = arith.constant 0 : i32
    %dma_start3A_280 = arith.constant 0 : i32
    %dma_start3A_281 = tpu.memref_slice %arg5[%dma_start3A_279, %dma_start3A_280] : memref<112x512xf32, #tpu.memory_space<vmem>> -> memref<112x512xf32, #tpu.memory_space<vmem>>
    %dma_start3A_282 = arith.constant 0 : i32
    %dma_start3A_283 = tpu.memref_slice %arg2[%add3A_278, %dma_start3A_282] : memref<100000x512xf32, #tpu.memory_space<hbm>> -> memref<112x512xf32, #tpu.memory_space<hbm>>
    %dma_start3A_284 = arith.constant 0 : i32
    %dma_start3A_285 = arith.constant 0 : i32
    %dma_start3A_286 = tpu.memref_slice %arg5[%dma_start3A_284, %dma_start3A_285] : memref<112x512xf32, #tpu.memory_space<vmem>> -> memref<112x512xf32, #tpu.memory_space<vmem>>
    %dma_start3A_287 = arith.constant 0 : i32
    %dma_start3A_288 = tpu.memref_slice %arg2[%add3A_278, %dma_start3A_287] : memref<100000x512xf32, #tpu.memory_space<hbm>> -> memref<112x512xf32, #tpu.memory_space<hbm>>
    tpu.enqueue_dma source(%dma_start3A_288 : memref<112x512xf32, #tpu.memory_space<hbm>>) target(%dma_start3A_286 : memref<112x512xf32, #tpu.memory_space<vmem>>) target_semaphore(%arg7 : memref<!tpu.dma_semaphore, #tpu.memory_space<semaphore_mem>>)
    %dma_wait3A_289 = arith.constant 0 : i32
    %dma_wait3A_290 = arith.constant 0 : i32
    %dma_wait3A_291 = tpu.memref_slice %arg4[%dma_wait3A_289, %dma_wait3A_290] : memref<112x512xf32, #tpu.memory_space<vmem>> -> memref<112x512xf32, #tpu.memory_space<vmem>>
    %dma_wait3A_292 = arith.constant 0 : i32
    %dma_wait3A_293 = tpu.memref_slice %arg2[%add3A_234, %dma_wait3A_292] : memref<100000x512xf32, #tpu.memory_space<hbm>> -> memref<112x512xf32, #tpu.memory_space<hbm>>
    %dma_wait3A_294 = arith.constant 0 : i32
    %dma_wait3A_295 = arith.constant 0 : i32
    %dma_wait3A_296 = tpu.memref_slice %arg4[%dma_wait3A_294, %dma_wait3A_295] : memref<112x512xf32, #tpu.memory_space<vmem>> -> memref<112x512xf32, #tpu.memory_space<vmem>>
    %dma_wait3A_297 = arith.constant 0 : i32
    %dma_wait3A_298 = tpu.memref_slice %arg2[%add3A_234, %dma_wait3A_297] : memref<100000x512xf32, #tpu.memory_space<hbm>> -> memref<112x512xf32, #tpu.memory_space<hbm>>
    tpu.wait_dma2 semaphore(%arg6 : memref<!tpu.dma_semaphore, #tpu.memory_space<semaphore_mem>>) src(%dma_wait3A_298 : memref<112x512xf32, #tpu.memory_space<hbm>>) dst(%dma_wait3A_296 : memref<112x512xf32, #tpu.memory_space<vmem>>)
    %add3A_299 = arith.constant 672 : i32
    %add3A_300 = arith.addi %mul3A_2, %add3A_299 : i32
    %dma_start3A_301 = arith.constant 0 : i32
    %dma_start3A_302 = arith.constant 0 : i32
    %dma_start3A_303 = tpu.memref_slice %arg4[%dma_start3A_301, %dma_start3A_302] : memref<112x512xf32, #tpu.memory_space<vmem>> -> memref<112x512xf32, #tpu.memory_space<vmem>>
    %dma_start3A_304 = arith.constant 0 : i32
    %dma_start3A_305 = tpu.memref_slice %arg3[%add3A_300, %dma_start3A_304] : memref<100000x512xf32, #tpu.memory_space<hbm>> -> memref<112x512xf32, #tpu.memory_space<hbm>>
    %dma_start3A_306 = arith.constant 0 : i32
    %dma_start3A_307 = tpu.memref_slice %arg3[%add3A_300, %dma_start3A_306] : memref<100000x512xf32, #tpu.memory_space<hbm>> -> memref<112x512xf32, #tpu.memory_space<hbm>>
    %dma_start3A_308 = arith.constant 0 : i32
    %dma_start3A_309 = arith.constant 0 : i32
    %dma_start3A_310 = tpu.memref_slice %arg4[%dma_start3A_308, %dma_start3A_309] : memref<112x512xf32, #tpu.memory_space<vmem>> -> memref<112x512xf32, #tpu.memory_space<vmem>>
    tpu.enqueue_dma source(%dma_start3A_310 : memref<112x512xf32, #tpu.memory_space<vmem>>) target(%dma_start3A_307 : memref<112x512xf32, #tpu.memory_space<hbm>>) target_semaphore(%arg8 : memref<!tpu.dma_semaphore, #tpu.memory_space<semaphore_mem>>)
    %dma_wait3A_311 = arith.constant 0 : i32
    %dma_wait3A_312 = arith.constant 0 : i32
    %dma_wait3A_313 = tpu.memref_slice %arg4[%dma_wait3A_311, %dma_wait3A_312] : memref<112x512xf32, #tpu.memory_space<vmem>> -> memref<112x512xf32, #tpu.memory_space<vmem>>
    %dma_wait3A_314 = arith.constant 0 : i32
    %dma_wait3A_315 = tpu.memref_slice %arg3[%add3A_300, %dma_wait3A_314] : memref<100000x512xf32, #tpu.memory_space<hbm>> -> memref<112x512xf32, #tpu.memory_space<hbm>>
    %dma_wait3A_316 = arith.constant 0 : i32
    %dma_wait3A_317 = tpu.memref_slice %arg3[%add3A_300, %dma_wait3A_316] : memref<100000x512xf32, #tpu.memory_space<hbm>> -> memref<112x512xf32, #tpu.memory_space<hbm>>
    %dma_wait3A_318 = arith.constant 0 : i32
    %dma_wait3A_319 = arith.constant 0 : i32
    %dma_wait3A_320 = tpu.memref_slice %arg4[%dma_wait3A_318, %dma_wait3A_319] : memref<112x512xf32, #tpu.memory_space<vmem>> -> memref<112x512xf32, #tpu.memory_space<vmem>>
    tpu.wait_dma2 semaphore(%arg8 : memref<!tpu.dma_semaphore, #tpu.memory_space<semaphore_mem>>) src(%dma_wait3A_320 : memref<112x512xf32, #tpu.memory_space<vmem>>) dst(%dma_wait3A_317 : memref<112x512xf32, #tpu.memory_space<hbm>>)
    %add3A_321 = arith.constant 896 : i32
    %add3A_322 = arith.addi %mul3A_2, %add3A_321 : i32
    %dma_start3A_323 = arith.constant 0 : i32
    %dma_start3A_324 = arith.constant 0 : i32
    %dma_start3A_325 = tpu.memref_slice %arg4[%dma_start3A_323, %dma_start3A_324] : memref<112x512xf32, #tpu.memory_space<vmem>> -> memref<112x512xf32, #tpu.memory_space<vmem>>
    %dma_start3A_326 = arith.constant 0 : i32
    %dma_start3A_327 = tpu.memref_slice %arg2[%add3A_322, %dma_start3A_326] : memref<100000x512xf32, #tpu.memory_space<hbm>> -> memref<112x512xf32, #tpu.memory_space<hbm>>
    %dma_start3A_328 = arith.constant 0 : i32
    %dma_start3A_329 = arith.constant 0 : i32
    %dma_start3A_330 = tpu.memref_slice %arg4[%dma_start3A_328, %dma_start3A_329] : memref<112x512xf32, #tpu.memory_space<vmem>> -> memref<112x512xf32, #tpu.memory_space<vmem>>
    %dma_start3A_331 = arith.constant 0 : i32
    %dma_start3A_332 = tpu.memref_slice %arg2[%add3A_322, %dma_start3A_331] : memref<100000x512xf32, #tpu.memory_space<hbm>> -> memref<112x512xf32, #tpu.memory_space<hbm>>
    tpu.enqueue_dma source(%dma_start3A_332 : memref<112x512xf32, #tpu.memory_space<hbm>>) target(%dma_start3A_330 : memref<112x512xf32, #tpu.memory_space<vmem>>) target_semaphore(%arg6 : memref<!tpu.dma_semaphore, #tpu.memory_space<semaphore_mem>>)
    %dma_wait3A_333 = arith.constant 0 : i32
    %dma_wait3A_334 = arith.constant 0 : i32
    %dma_wait3A_335 = tpu.memref_slice %arg5[%dma_wait3A_333, %dma_wait3A_334] : memref<112x512xf32, #tpu.memory_space<vmem>> -> memref<112x512xf32, #tpu.memory_space<vmem>>
    %dma_wait3A_336 = arith.constant 0 : i32
    %dma_wait3A_337 = tpu.memref_slice %arg2[%add3A_278, %dma_wait3A_336] : memref<100000x512xf32, #tpu.memory_space<hbm>> -> memref<112x512xf32, #tpu.memory_space<hbm>>
    %dma_wait3A_338 = arith.constant 0 : i32
    %dma_wait3A_339 = arith.constant 0 : i32
    %dma_wait3A_340 = tpu.memref_slice %arg5[%dma_wait3A_338, %dma_wait3A_339] : memref<112x512xf32, #tpu.memory_space<vmem>> -> memref<112x512xf32, #tpu.memory_space<vmem>>
    %dma_wait3A_341 = arith.constant 0 : i32
    %dma_wait3A_342 = tpu.memref_slice %arg2[%add3A_278, %dma_wait3A_341] : memref<100000x512xf32, #tpu.memory_space<hbm>> -> memref<112x512xf32, #tpu.memory_space<hbm>>
    tpu.wait_dma2 semaphore(%arg7 : memref<!tpu.dma_semaphore, #tpu.memory_space<semaphore_mem>>) src(%dma_wait3A_342 : memref<112x512xf32, #tpu.memory_space<hbm>>) dst(%dma_wait3A_340 : memref<112x512xf32, #tpu.memory_space<vmem>>)
    %add3A_343 = arith.constant 784 : i32
    %add3A_344 = arith.addi %mul3A_2, %add3A_343 : i32
    %dma_start3A_345 = arith.constant 0 : i32
    %dma_start3A_346 = arith.constant 0 : i32
    %dma_start3A_347 = tpu.memref_slice %arg5[%dma_start3A_345, %dma_start3A_346] : memref<112x512xf32, #tpu.memory_space<vmem>> -> memref<112x512xf32, #tpu.memory_space<vmem>>
    %dma_start3A_348 = arith.constant 0 : i32
    %dma_start3A_349 = tpu.memref_slice %arg3[%add3A_344, %dma_start3A_348] : memref<100000x512xf32, #tpu.memory_space<hbm>> -> memref<112x512xf32, #tpu.memory_space<hbm>>
    %dma_start3A_350 = arith.constant 0 : i32
    %dma_start3A_351 = tpu.memref_slice %arg3[%add3A_344, %dma_start3A_350] : memref<100000x512xf32, #tpu.memory_space<hbm>> -> memref<112x512xf32, #tpu.memory_space<hbm>>
    %dma_start3A_352 = arith.constant 0 : i32
    %dma_start3A_353 = arith.constant 0 : i32
    %dma_start3A_354 = tpu.memref_slice %arg5[%dma_start3A_352, %dma_start3A_353] : memref<112x512xf32, #tpu.memory_space<vmem>> -> memref<112x512xf32, #tpu.memory_space<vmem>>
    tpu.enqueue_dma source(%dma_start3A_354 : memref<112x512xf32, #tpu.memory_space<vmem>>) target(%dma_start3A_351 : memref<112x512xf32, #tpu.memory_space<hbm>>) target_semaphore(%arg9 : memref<!tpu.dma_semaphore, #tpu.memory_space<semaphore_mem>>)
    %dma_wait3A_355 = arith.constant 0 : i32
    %dma_wait3A_356 = arith.constant 0 : i32
    %dma_wait3A_357 = tpu.memref_slice %arg5[%dma_wait3A_355, %dma_wait3A_356] : memref<112x512xf32, #tpu.memory_space<vmem>> -> memref<112x512xf32, #tpu.memory_space<vmem>>
    %dma_wait3A_358 = arith.constant 0 : i32
    %dma_wait3A_359 = tpu.memref_slice %arg3[%add3A_344, %dma_wait3A_358] : memref<100000x512xf32, #tpu.memory_space<hbm>> -> memref<112x512xf32, #tpu.memory_space<hbm>>
    %dma_wait3A_360 = arith.constant 0 : i32
    %dma_wait3A_361 = tpu.memref_slice %arg3[%add3A_344, %dma_wait3A_360] : memref<100000x512xf32, #tpu.memory_space<hbm>> -> memref<112x512xf32, #tpu.memory_space<hbm>>
    %dma_wait3A_362 = arith.constant 0 : i32
    %dma_wait3A_363 = arith.constant 0 : i32
    %dma_wait3A_364 = tpu.memref_slice %arg5[%dma_wait3A_362, %dma_wait3A_363] : memref<112x512xf32, #tpu.memory_space<vmem>> -> memref<112x512xf32, #tpu.memory_space<vmem>>
    tpu.wait_dma2 semaphore(%arg9 : memref<!tpu.dma_semaphore, #tpu.memory_space<semaphore_mem>>) src(%dma_wait3A_364 : memref<112x512xf32, #tpu.memory_space<vmem>>) dst(%dma_wait3A_361 : memref<112x512xf32, #tpu.memory_space<hbm>>)
    %add3A_365 = arith.constant 1008 : i32
    %add3A_366 = arith.addi %mul3A_2, %add3A_365 : i32
    %dma_start3A_367 = arith.constant 0 : i32
    %dma_start3A_368 = arith.constant 0 : i32
    %dma_start3A_369 = tpu.memref_slice %arg5[%dma_start3A_367, %dma_start3A_368] : memref<112x512xf32, #tpu.memory_space<vmem>> -> memref<112x512xf32, #tpu.memory_space<vmem>>
    %dma_start3A_370 = arith.constant 0 : i32
    %dma_start3A_371 = tpu.memref_slice %arg2[%add3A_366, %dma_start3A_370] : memref<100000x512xf32, #tpu.memory_space<hbm>> -> memref<112x512xf32, #tpu.memory_space<hbm>>
    %dma_start3A_372 = arith.constant 0 : i32
    %dma_start3A_373 = arith.constant 0 : i32
    %dma_start3A_374 = tpu.memref_slice %arg5[%dma_start3A_372, %dma_start3A_373] : memref<112x512xf32, #tpu.memory_space<vmem>> -> memref<112x512xf32, #tpu.memory_space<vmem>>
    %dma_start3A_375 = arith.constant 0 : i32
    %dma_start3A_376 = tpu.memref_slice %arg2[%add3A_366, %dma_start3A_375] : memref<100000x512xf32, #tpu.memory_space<hbm>> -> memref<112x512xf32, #tpu.memory_space<hbm>>
    tpu.enqueue_dma source(%dma_start3A_376 : memref<112x512xf32, #tpu.memory_space<hbm>>) target(%dma_start3A_374 : memref<112x512xf32, #tpu.memory_space<vmem>>) target_semaphore(%arg7 : memref<!tpu.dma_semaphore, #tpu.memory_space<semaphore_mem>>)
    %dma_wait3A_377 = arith.constant 0 : i32
    %dma_wait3A_378 = arith.constant 0 : i32
    %dma_wait3A_379 = tpu.memref_slice %arg4[%dma_wait3A_377, %dma_wait3A_378] : memref<112x512xf32, #tpu.memory_space<vmem>> -> memref<112x512xf32, #tpu.memory_space<vmem>>
    %dma_wait3A_380 = arith.constant 0 : i32
    %dma_wait3A_381 = tpu.memref_slice %arg2[%add3A_322, %dma_wait3A_380] : memref<100000x512xf32, #tpu.memory_space<hbm>> -> memref<112x512xf32, #tpu.memory_space<hbm>>
    %dma_wait3A_382 = arith.constant 0 : i32
    %dma_wait3A_383 = arith.constant 0 : i32
    %dma_wait3A_384 = tpu.memref_slice %arg4[%dma_wait3A_382, %dma_wait3A_383] : memref<112x512xf32, #tpu.memory_space<vmem>> -> memref<112x512xf32, #tpu.memory_space<vmem>>
    %dma_wait3A_385 = arith.constant 0 : i32
    %dma_wait3A_386 = tpu.memref_slice %arg2[%add3A_322, %dma_wait3A_385] : memref<100000x512xf32, #tpu.memory_space<hbm>> -> memref<112x512xf32, #tpu.memory_space<hbm>>
    tpu.wait_dma2 semaphore(%arg6 : memref<!tpu.dma_semaphore, #tpu.memory_space<semaphore_mem>>) src(%dma_wait3A_386 : memref<112x512xf32, #tpu.memory_space<hbm>>) dst(%dma_wait3A_384 : memref<112x512xf32, #tpu.memory_space<vmem>>)
    %add3A_387 = arith.constant 896 : i32
    %add3A_388 = arith.addi %mul3A_2, %add3A_387 : i32
    %dma_start3A_389 = arith.constant 0 : i32
    %dma_start3A_390 = arith.constant 0 : i32
    %dma_start3A_391 = tpu.memref_slice %arg4[%dma_start3A_389, %dma_start3A_390] : memref<112x512xf32, #tpu.memory_space<vmem>> -> memref<112x512xf32, #tpu.memory_space<vmem>>
    %dma_start3A_392 = arith.constant 0 : i32
    %dma_start3A_393 = tpu.memref_slice %arg3[%add3A_388, %dma_start3A_392] : memref<100000x512xf32, #tpu.memory_space<hbm>> -> memref<112x512xf32, #tpu.memory_space<hbm>>
    %dma_start3A_394 = arith.constant 0 : i32
    %dma_start3A_395 = tpu.memref_slice %arg3[%add3A_388, %dma_start3A_394] : memref<100000x512xf32, #tpu.memory_space<hbm>> -> memref<112x512xf32, #tpu.memory_space<hbm>>
    %dma_start3A_396 = arith.constant 0 : i32
    %dma_start3A_397 = arith.constant 0 : i32
    %dma_start3A_398 = tpu.memref_slice %arg4[%dma_start3A_396, %dma_start3A_397] : memref<112x512xf32, #tpu.memory_space<vmem>> -> memref<112x512xf32, #tpu.memory_space<vmem>>
    tpu.enqueue_dma source(%dma_start3A_398 : memref<112x512xf32, #tpu.memory_space<vmem>>) target(%dma_start3A_395 : memref<112x512xf32, #tpu.memory_space<hbm>>) target_semaphore(%arg8 : memref<!tpu.dma_semaphore, #tpu.memory_space<semaphore_mem>>)
    %dma_wait3A_399 = arith.constant 0 : i32
    %dma_wait3A_400 = arith.constant 0 : i32
    %dma_wait3A_401 = tpu.memref_slice %arg4[%dma_wait3A_399, %dma_wait3A_400] : memref<112x512xf32, #tpu.memory_space<vmem>> -> memref<112x512xf32, #tpu.memory_space<vmem>>
    %dma_wait3A_402 = arith.constant 0 : i32
    %dma_wait3A_403 = tpu.memref_slice %arg3[%add3A_388, %dma_wait3A_402] : memref<100000x512xf32, #tpu.memory_space<hbm>> -> memref<112x512xf32, #tpu.memory_space<hbm>>
    %dma_wait3A_404 = arith.constant 0 : i32
    %dma_wait3A_405 = tpu.memref_slice %arg3[%add3A_388, %dma_wait3A_404] : memref<100000x512xf32, #tpu.memory_space<hbm>> -> memref<112x512xf32, #tpu.memory_space<hbm>>
    %dma_wait3A_406 = arith.constant 0 : i32
    %dma_wait3A_407 = arith.constant 0 : i32
    %dma_wait3A_408 = tpu.memref_slice %arg4[%dma_wait3A_406, %dma_wait3A_407] : memref<112x512xf32, #tpu.memory_space<vmem>> -> memref<112x512xf32, #tpu.memory_space<vmem>>
    tpu.wait_dma2 semaphore(%arg8 : memref<!tpu.dma_semaphore, #tpu.memory_space<semaphore_mem>>) src(%dma_wait3A_408 : memref<112x512xf32, #tpu.memory_space<vmem>>) dst(%dma_wait3A_405 : memref<112x512xf32, #tpu.memory_space<hbm>>)
    %add3A_409 = arith.constant 1120 : i32
    %add3A_410 = arith.addi %mul3A_2, %add3A_409 : i32
    %dma_start3A_411 = arith.constant 0 : i32
    %dma_start3A_412 = arith.constant 0 : i32
    %dma_start3A_413 = tpu.memref_slice %arg4[%dma_start3A_411, %dma_start3A_412] : memref<112x512xf32, #tpu.memory_space<vmem>> -> memref<112x512xf32, #tpu.memory_space<vmem>>
    %dma_start3A_414 = arith.constant 0 : i32
    %dma_start3A_415 = tpu.memref_slice %arg2[%add3A_410, %dma_start3A_414] : memref<100000x512xf32, #tpu.memory_space<hbm>> -> memref<112x512xf32, #tpu.memory_space<hbm>>
    %dma_start3A_416 = arith.constant 0 : i32
    %dma_start3A_417 = arith.constant 0 : i32
    %dma_start3A_418 = tpu.memref_slice %arg4[%dma_start3A_416, %dma_start3A_417] : memref<112x512xf32, #tpu.memory_space<vmem>> -> memref<112x512xf32, #tpu.memory_space<vmem>>
    %dma_start3A_419 = arith.constant 0 : i32
    %dma_start3A_420 = tpu.memref_slice %arg2[%add3A_410, %dma_start3A_419] : memref<100000x512xf32, #tpu.memory_space<hbm>> -> memref<112x512xf32, #tpu.memory_space<hbm>>
    tpu.enqueue_dma source(%dma_start3A_420 : memref<112x512xf32, #tpu.memory_space<hbm>>) target(%dma_start3A_418 : memref<112x512xf32, #tpu.memory_space<vmem>>) target_semaphore(%arg6 : memref<!tpu.dma_semaphore, #tpu.memory_space<semaphore_mem>>)
    %dma_wait3A_421 = arith.constant 0 : i32
    %dma_wait3A_422 = arith.constant 0 : i32
    %dma_wait3A_423 = tpu.memref_slice %arg5[%dma_wait3A_421, %dma_wait3A_422] : memref<112x512xf32, #tpu.memory_space<vmem>> -> memref<112x512xf32, #tpu.memory_space<vmem>>
    %dma_wait3A_424 = arith.constant 0 : i32
    %dma_wait3A_425 = tpu.memref_slice %arg2[%add3A_366, %dma_wait3A_424] : memref<100000x512xf32, #tpu.memory_space<hbm>> -> memref<112x512xf32, #tpu.memory_space<hbm>>
    %dma_wait3A_426 = arith.constant 0 : i32
    %dma_wait3A_427 = arith.constant 0 : i32
    %dma_wait3A_428 = tpu.memref_slice %arg5[%dma_wait3A_426, %dma_wait3A_427] : memref<112x512xf32, #tpu.memory_space<vmem>> -> memref<112x512xf32, #tpu.memory_space<vmem>>
    %dma_wait3A_429 = arith.constant 0 : i32
    %dma_wait3A_430 = tpu.memref_slice %arg2[%add3A_366, %dma_wait3A_429] : memref<100000x512xf32, #tpu.memory_space<hbm>> -> memref<112x512xf32, #tpu.memory_space<hbm>>
    tpu.wait_dma2 semaphore(%arg7 : memref<!tpu.dma_semaphore, #tpu.memory_space<semaphore_mem>>) src(%dma_wait3A_430 : memref<112x512xf32, #tpu.memory_space<hbm>>) dst(%dma_wait3A_428 : memref<112x512xf32, #tpu.memory_space<vmem>>)
    %add3A_431 = arith.constant 1008 : i32
    %add3A_432 = arith.addi %mul3A_2, %add3A_431 : i32
    %dma_start3A_433 = arith.constant 0 : i32
    %dma_start3A_434 = arith.constant 0 : i32
    %dma_start3A_435 = tpu.memref_slice %arg5[%dma_start3A_433, %dma_start3A_434] : memref<112x512xf32, #tpu.memory_space<vmem>> -> memref<112x512xf32, #tpu.memory_space<vmem>>
    %dma_start3A_436 = arith.constant 0 : i32
    %dma_start3A_437 = tpu.memref_slice %arg3[%add3A_432, %dma_start3A_436] : memref<100000x512xf32, #tpu.memory_space<hbm>> -> memref<112x512xf32, #tpu.memory_space<hbm>>
    %dma_start3A_438 = arith.constant 0 : i32
    %dma_start3A_439 = tpu.memref_slice %arg3[%add3A_432, %dma_start3A_438] : memref<100000x512xf32, #tpu.memory_space<hbm>> -> memref<112x512xf32, #tpu.memory_space<hbm>>
    %dma_start3A_440 = arith.constant 0 : i32
    %dma_start3A_441 = arith.constant 0 : i32
    %dma_start3A_442 = tpu.memref_slice %arg5[%dma_start3A_440, %dma_start3A_441] : memref<112x512xf32, #tpu.memory_space<vmem>> -> memref<112x512xf32, #tpu.memory_space<vmem>>
    tpu.enqueue_dma source(%dma_start3A_442 : memref<112x512xf32, #tpu.memory_space<vmem>>) target(%dma_start3A_439 : memref<112x512xf32, #tpu.memory_space<hbm>>) target_semaphore(%arg9 : memref<!tpu.dma_semaphore, #tpu.memory_space<semaphore_mem>>)
    %dma_wait3A_443 = arith.constant 0 : i32
    %dma_wait3A_444 = arith.constant 0 : i32
    %dma_wait3A_445 = tpu.memref_slice %arg5[%dma_wait3A_443, %dma_wait3A_444] : memref<112x512xf32, #tpu.memory_space<vmem>> -> memref<112x512xf32, #tpu.memory_space<vmem>>
    %dma_wait3A_446 = arith.constant 0 : i32
    %dma_wait3A_447 = tpu.memref_slice %arg3[%add3A_432, %dma_wait3A_446] : memref<100000x512xf32, #tpu.memory_space<hbm>> -> memref<112x512xf32, #tpu.memory_space<hbm>>
    %dma_wait3A_448 = arith.constant 0 : i32
    %dma_wait3A_449 = tpu.memref_slice %arg3[%add3A_432, %dma_wait3A_448] : memref<100000x512xf32, #tpu.memory_space<hbm>> -> memref<112x512xf32, #tpu.memory_space<hbm>>
    %dma_wait3A_450 = arith.constant 0 : i32
    %dma_wait3A_451 = arith.constant 0 : i32
    %dma_wait3A_452 = tpu.memref_slice %arg5[%dma_wait3A_450, %dma_wait3A_451] : memref<112x512xf32, #tpu.memory_space<vmem>> -> memref<112x512xf32, #tpu.memory_space<vmem>>
    tpu.wait_dma2 semaphore(%arg9 : memref<!tpu.dma_semaphore, #tpu.memory_space<semaphore_mem>>) src(%dma_wait3A_452 : memref<112x512xf32, #tpu.memory_space<vmem>>) dst(%dma_wait3A_449 : memref<112x512xf32, #tpu.memory_space<hbm>>)
    %add3A_453 = arith.constant 1232 : i32
    %add3A_454 = arith.addi %mul3A_2, %add3A_453 : i32
    %dma_start3A_455 = arith.constant 0 : i32
    %dma_start3A_456 = arith.constant 0 : i32
    %dma_start3A_457 = tpu.memref_slice %arg5[%dma_start3A_455, %dma_start3A_456] : memref<112x512xf32, #tpu.memory_space<vmem>> -> memref<112x512xf32, #tpu.memory_space<vmem>>
    %dma_start3A_458 = arith.constant 0 : i32
    %dma_start3A_459 = tpu.memref_slice %arg2[%add3A_454, %dma_start3A_458] : memref<100000x512xf32, #tpu.memory_space<hbm>> -> memref<112x512xf32, #tpu.memory_space<hbm>>
    %dma_start3A_460 = arith.constant 0 : i32
    %dma_start3A_461 = arith.constant 0 : i32
    %dma_start3A_462 = tpu.memref_slice %arg5[%dma_start3A_460, %dma_start3A_461] : memref<112x512xf32, #tpu.memory_space<vmem>> -> memref<112x512xf32, #tpu.memory_space<vmem>>
    %dma_start3A_463 = arith.constant 0 : i32
    %dma_start3A_464 = tpu.memref_slice %arg2[%add3A_454, %dma_start3A_463] : memref<100000x512xf32, #tpu.memory_space<hbm>> -> memref<112x512xf32, #tpu.memory_space<hbm>>
    tpu.enqueue_dma source(%dma_start3A_464 : memref<112x512xf32, #tpu.memory_space<hbm>>) target(%dma_start3A_462 : memref<112x512xf32, #tpu.memory_space<vmem>>) target_semaphore(%arg7 : memref<!tpu.dma_semaphore, #tpu.memory_space<semaphore_mem>>)
    %dma_wait3A_465 = arith.constant 0 : i32
    %dma_wait3A_466 = arith.constant 0 : i32
    %dma_wait3A_467 = tpu.memref_slice %arg4[%dma_wait3A_465, %dma_wait3A_466] : memref<112x512xf32, #tpu.memory_space<vmem>> -> memref<112x512xf32, #tpu.memory_space<vmem>>
    %dma_wait3A_468 = arith.constant 0 : i32
    %dma_wait3A_469 = tpu.memref_slice %arg2[%add3A_410, %dma_wait3A_468] : memref<100000x512xf32, #tpu.memory_space<hbm>> -> memref<112x512xf32, #tpu.memory_space<hbm>>
    %dma_wait3A_470 = arith.constant 0 : i32
    %dma_wait3A_471 = arith.constant 0 : i32
    %dma_wait3A_472 = tpu.memref_slice %arg4[%dma_wait3A_470, %dma_wait3A_471] : memref<112x512xf32, #tpu.memory_space<vmem>> -> memref<112x512xf32, #tpu.memory_space<vmem>>
    %dma_wait3A_473 = arith.constant 0 : i32
    %dma_wait3A_474 = tpu.memref_slice %arg2[%add3A_410, %dma_wait3A_473] : memref<100000x512xf32, #tpu.memory_space<hbm>> -> memref<112x512xf32, #tpu.memory_space<hbm>>
    tpu.wait_dma2 semaphore(%arg6 : memref<!tpu.dma_semaphore, #tpu.memory_space<semaphore_mem>>) src(%dma_wait3A_474 : memref<112x512xf32, #tpu.memory_space<hbm>>) dst(%dma_wait3A_472 : memref<112x512xf32, #tpu.memory_space<vmem>>)
    %add3A_475 = arith.constant 1120 : i32
    %add3A_476 = arith.addi %mul3A_2, %add3A_475 : i32
    %dma_start3A_477 = arith.constant 0 : i32
    %dma_start3A_478 = arith.constant 0 : i32
    %dma_start3A_479 = tpu.memref_slice %arg4[%dma_start3A_477, %dma_start3A_478] : memref<112x512xf32, #tpu.memory_space<vmem>> -> memref<112x512xf32, #tpu.memory_space<vmem>>
    %dma_start3A_480 = arith.constant 0 : i32
    %dma_start3A_481 = tpu.memref_slice %arg3[%add3A_476, %dma_start3A_480] : memref<100000x512xf32, #tpu.memory_space<hbm>> -> memref<112x512xf32, #tpu.memory_space<hbm>>
    %dma_start3A_482 = arith.constant 0 : i32
    %dma_start3A_483 = tpu.memref_slice %arg3[%add3A_476, %dma_start3A_482] : memref<100000x512xf32, #tpu.memory_space<hbm>> -> memref<112x512xf32, #tpu.memory_space<hbm>>
    %dma_start3A_484 = arith.constant 0 : i32
    %dma_start3A_485 = arith.constant 0 : i32
    %dma_start3A_486 = tpu.memref_slice %arg4[%dma_start3A_484, %dma_start3A_485] : memref<112x512xf32, #tpu.memory_space<vmem>> -> memref<112x512xf32, #tpu.memory_space<vmem>>
    tpu.enqueue_dma source(%dma_start3A_486 : memref<112x512xf32, #tpu.memory_space<vmem>>) target(%dma_start3A_483 : memref<112x512xf32, #tpu.memory_space<hbm>>) target_semaphore(%arg8 : memref<!tpu.dma_semaphore, #tpu.memory_space<semaphore_mem>>)
    %dma_wait3A_487 = arith.constant 0 : i32
    %dma_wait3A_488 = arith.constant 0 : i32
    %dma_wait3A_489 = tpu.memref_slice %arg4[%dma_wait3A_487, %dma_wait3A_488] : memref<112x512xf32, #tpu.memory_space<vmem>> -> memref<112x512xf32, #tpu.memory_space<vmem>>
    %dma_wait3A_490 = arith.constant 0 : i32
    %dma_wait3A_491 = tpu.memref_slice %arg3[%add3A_476, %dma_wait3A_490] : memref<100000x512xf32, #tpu.memory_space<hbm>> -> memref<112x512xf32, #tpu.memory_space<hbm>>
    %dma_wait3A_492 = arith.constant 0 : i32
    %dma_wait3A_493 = tpu.memref_slice %arg3[%add3A_476, %dma_wait3A_492] : memref<100000x512xf32, #tpu.memory_space<hbm>> -> memref<112x512xf32, #tpu.memory_space<hbm>>
    %dma_wait3A_494 = arith.constant 0 : i32
    %dma_wait3A_495 = arith.constant 0 : i32
    %dma_wait3A_496 = tpu.memref_slice %arg4[%dma_wait3A_494, %dma_wait3A_495] : memref<112x512xf32, #tpu.memory_space<vmem>> -> memref<112x512xf32, #tpu.memory_space<vmem>>
    tpu.wait_dma2 semaphore(%arg8 : memref<!tpu.dma_semaphore, #tpu.memory_space<semaphore_mem>>) src(%dma_wait3A_496 : memref<112x512xf32, #tpu.memory_space<vmem>>) dst(%dma_wait3A_493 : memref<112x512xf32, #tpu.memory_space<hbm>>)
    %add3A_497 = arith.constant 1344 : i32
    %add3A_498 = arith.addi %mul3A_2, %add3A_497 : i32
    %dma_start3A_499 = arith.constant 0 : i32
    %dma_start3A_500 = arith.constant 0 : i32
    %dma_start3A_501 = tpu.memref_slice %arg4[%dma_start3A_499, %dma_start3A_500] : memref<112x512xf32, #tpu.memory_space<vmem>> -> memref<112x512xf32, #tpu.memory_space<vmem>>
    %dma_start3A_502 = arith.constant 0 : i32
    %dma_start3A_503 = tpu.memref_slice %arg2[%add3A_498, %dma_start3A_502] : memref<100000x512xf32, #tpu.memory_space<hbm>> -> memref<112x512xf32, #tpu.memory_space<hbm>>
    %dma_start3A_504 = arith.constant 0 : i32
    %dma_start3A_505 = arith.constant 0 : i32
    %dma_start3A_506 = tpu.memref_slice %arg4[%dma_start3A_504, %dma_start3A_505] : memref<112x512xf32, #tpu.memory_space<vmem>> -> memref<112x512xf32, #tpu.memory_space<vmem>>
    %dma_start3A_507 = arith.constant 0 : i32
    %dma_start3A_508 = tpu.memref_slice %arg2[%add3A_498, %dma_start3A_507] : memref<100000x512xf32, #tpu.memory_space<hbm>> -> memref<112x512xf32, #tpu.memory_space<hbm>>
    tpu.enqueue_dma source(%dma_start3A_508 : memref<112x512xf32, #tpu.memory_space<hbm>>) target(%dma_start3A_506 : memref<112x512xf32, #tpu.memory_space<vmem>>) target_semaphore(%arg6 : memref<!tpu.dma_semaphore, #tpu.memory_space<semaphore_mem>>)
    %dma_wait3A_509 = arith.constant 0 : i32
    %dma_wait3A_510 = arith.constant 0 : i32
    %dma_wait3A_511 = tpu.memref_slice %arg5[%dma_wait3A_509, %dma_wait3A_510] : memref<112x512xf32, #tpu.memory_space<vmem>> -> memref<112x512xf32, #tpu.memory_space<vmem>>
    %dma_wait3A_512 = arith.constant 0 : i32
    %dma_wait3A_513 = tpu.memref_slice %arg2[%add3A_454, %dma_wait3A_512] : memref<100000x512xf32, #tpu.memory_space<hbm>> -> memref<112x512xf32, #tpu.memory_space<hbm>>
    %dma_wait3A_514 = arith.constant 0 : i32
    %dma_wait3A_515 = arith.constant 0 : i32
    %dma_wait3A_516 = tpu.memref_slice %arg5[%dma_wait3A_514, %dma_wait3A_515] : memref<112x512xf32, #tpu.memory_space<vmem>> -> memref<112x512xf32, #tpu.memory_space<vmem>>
    %dma_wait3A_517 = arith.constant 0 : i32
    %dma_wait3A_518 = tpu.memref_slice %arg2[%add3A_454, %dma_wait3A_517] : memref<100000x512xf32, #tpu.memory_space<hbm>> -> memref<112x512xf32, #tpu.memory_space<hbm>>
    tpu.wait_dma2 semaphore(%arg7 : memref<!tpu.dma_semaphore, #tpu.memory_space<semaphore_mem>>) src(%dma_wait3A_518 : memref<112x512xf32, #tpu.memory_space<hbm>>) dst(%dma_wait3A_516 : memref<112x512xf32, #tpu.memory_space<vmem>>)
    %add3A_519 = arith.constant 1232 : i32
    %add3A_520 = arith.addi %mul3A_2, %add3A_519 : i32
    %dma_start3A_521 = arith.constant 0 : i32
    %dma_start3A_522 = arith.constant 0 : i32
    %dma_start3A_523 = tpu.memref_slice %arg5[%dma_start3A_521, %dma_start3A_522] : memref<112x512xf32, #tpu.memory_space<vmem>> -> memref<112x512xf32, #tpu.memory_space<vmem>>
    %dma_start3A_524 = arith.constant 0 : i32
    %dma_start3A_525 = tpu.memref_slice %arg3[%add3A_520, %dma_start3A_524] : memref<100000x512xf32, #tpu.memory_space<hbm>> -> memref<112x512xf32, #tpu.memory_space<hbm>>
    %dma_start3A_526 = arith.constant 0 : i32
    %dma_start3A_527 = tpu.memref_slice %arg3[%add3A_520, %dma_start3A_526] : memref<100000x512xf32, #tpu.memory_space<hbm>> -> memref<112x512xf32, #tpu.memory_space<hbm>>
    %dma_start3A_528 = arith.constant 0 : i32
    %dma_start3A_529 = arith.constant 0 : i32
    %dma_start3A_530 = tpu.memref_slice %arg5[%dma_start3A_528, %dma_start3A_529] : memref<112x512xf32, #tpu.memory_space<vmem>> -> memref<112x512xf32, #tpu.memory_space<vmem>>
    tpu.enqueue_dma source(%dma_start3A_530 : memref<112x512xf32, #tpu.memory_space<vmem>>) target(%dma_start3A_527 : memref<112x512xf32, #tpu.memory_space<hbm>>) target_semaphore(%arg9 : memref<!tpu.dma_semaphore, #tpu.memory_space<semaphore_mem>>)
    %dma_wait3A_531 = arith.constant 0 : i32
    %dma_wait3A_532 = arith.constant 0 : i32
    %dma_wait3A_533 = tpu.memref_slice %arg5[%dma_wait3A_531, %dma_wait3A_532] : memref<112x512xf32, #tpu.memory_space<vmem>> -> memref<112x512xf32, #tpu.memory_space<vmem>>
    %dma_wait3A_534 = arith.constant 0 : i32
    %dma_wait3A_535 = tpu.memref_slice %arg3[%add3A_520, %dma_wait3A_534] : memref<100000x512xf32, #tpu.memory_space<hbm>> -> memref<112x512xf32, #tpu.memory_space<hbm>>
    %dma_wait3A_536 = arith.constant 0 : i32
    %dma_wait3A_537 = tpu.memref_slice %arg3[%add3A_520, %dma_wait3A_536] : memref<100000x512xf32, #tpu.memory_space<hbm>> -> memref<112x512xf32, #tpu.memory_space<hbm>>
    %dma_wait3A_538 = arith.constant 0 : i32
    %dma_wait3A_539 = arith.constant 0 : i32
    %dma_wait3A_540 = tpu.memref_slice %arg5[%dma_wait3A_538, %dma_wait3A_539] : memref<112x512xf32, #tpu.memory_space<vmem>> -> memref<112x512xf32, #tpu.memory_space<vmem>>
    tpu.wait_dma2 semaphore(%arg9 : memref<!tpu.dma_semaphore, #tpu.memory_space<semaphore_mem>>) src(%dma_wait3A_540 : memref<112x512xf32, #tpu.memory_space<vmem>>) dst(%dma_wait3A_537 : memref<112x512xf32, #tpu.memory_space<hbm>>)
    %add3A_541 = arith.constant 1456 : i32
    %add3A_542 = arith.addi %mul3A_2, %add3A_541 : i32
    %dma_start3A_543 = arith.constant 0 : i32
    %dma_start3A_544 = arith.constant 0 : i32
    %dma_start3A_545 = tpu.memref_slice %arg5[%dma_start3A_543, %dma_start3A_544] : memref<112x512xf32, #tpu.memory_space<vmem>> -> memref<112x512xf32, #tpu.memory_space<vmem>>
    %dma_start3A_546 = arith.constant 0 : i32
    %dma_start3A_547 = tpu.memref_slice %arg2[%add3A_542, %dma_start3A_546] : memref<100000x512xf32, #tpu.memory_space<hbm>> -> memref<112x512xf32, #tpu.memory_space<hbm>>
    %dma_start3A_548 = arith.constant 0 : i32
    %dma_start3A_549 = arith.constant 0 : i32
    %dma_start3A_550 = tpu.memref_slice %arg5[%dma_start3A_548, %dma_start3A_549] : memref<112x512xf32, #tpu.memory_space<vmem>> -> memref<112x512xf32, #tpu.memory_space<vmem>>
    %dma_start3A_551 = arith.constant 0 : i32
    %dma_start3A_552 = tpu.memref_slice %arg2[%add3A_542, %dma_start3A_551] : memref<100000x512xf32, #tpu.memory_space<hbm>> -> memref<112x512xf32, #tpu.memory_space<hbm>>
    tpu.enqueue_dma source(%dma_start3A_552 : memref<112x512xf32, #tpu.memory_space<hbm>>) target(%dma_start3A_550 : memref<112x512xf32, #tpu.memory_space<vmem>>) target_semaphore(%arg7 : memref<!tpu.dma_semaphore, #tpu.memory_space<semaphore_mem>>)
    %dma_wait3A_553 = arith.constant 0 : i32
    %dma_wait3A_554 = arith.constant 0 : i32
    %dma_wait3A_555 = tpu.memref_slice %arg4[%dma_wait3A_553, %dma_wait3A_554] : memref<112x512xf32, #tpu.memory_space<vmem>> -> memref<112x512xf32, #tpu.memory_space<vmem>>
    %dma_wait3A_556 = arith.constant 0 : i32
    %dma_wait3A_557 = tpu.memref_slice %arg2[%add3A_498, %dma_wait3A_556] : memref<100000x512xf32, #tpu.memory_space<hbm>> -> memref<112x512xf32, #tpu.memory_space<hbm>>
    %dma_wait3A_558 = arith.constant 0 : i32
    %dma_wait3A_559 = arith.constant 0 : i32
    %dma_wait3A_560 = tpu.memref_slice %arg4[%dma_wait3A_558, %dma_wait3A_559] : memref<112x512xf32, #tpu.memory_space<vmem>> -> memref<112x512xf32, #tpu.memory_space<vmem>>
    %dma_wait3A_561 = arith.constant 0 : i32
    %dma_wait3A_562 = tpu.memref_slice %arg2[%add3A_498, %dma_wait3A_561] : memref<100000x512xf32, #tpu.memory_space<hbm>> -> memref<112x512xf32, #tpu.memory_space<hbm>>
    tpu.wait_dma2 semaphore(%arg6 : memref<!tpu.dma_semaphore, #tpu.memory_space<semaphore_mem>>) src(%dma_wait3A_562 : memref<112x512xf32, #tpu.memory_space<hbm>>) dst(%dma_wait3A_560 : memref<112x512xf32, #tpu.memory_space<vmem>>)
    %add3A_563 = arith.constant 1344 : i32
    %add3A_564 = arith.addi %mul3A_2, %add3A_563 : i32
    %dma_start3A_565 = arith.constant 0 : i32
    %dma_start3A_566 = arith.constant 0 : i32
    %dma_start3A_567 = tpu.memref_slice %arg4[%dma_start3A_565, %dma_start3A_566] : memref<112x512xf32, #tpu.memory_space<vmem>> -> memref<112x512xf32, #tpu.memory_space<vmem>>
    %dma_start3A_568 = arith.constant 0 : i32
    %dma_start3A_569 = tpu.memref_slice %arg3[%add3A_564, %dma_start3A_568] : memref<100000x512xf32, #tpu.memory_space<hbm>> -> memref<112x512xf32, #tpu.memory_space<hbm>>
    %dma_start3A_570 = arith.constant 0 : i32
    %dma_start3A_571 = tpu.memref_slice %arg3[%add3A_564, %dma_start3A_570] : memref<100000x512xf32, #tpu.memory_space<hbm>> -> memref<112x512xf32, #tpu.memory_space<hbm>>
    %dma_start3A_572 = arith.constant 0 : i32
    %dma_start3A_573 = arith.constant 0 : i32
    %dma_start3A_574 = tpu.memref_slice %arg4[%dma_start3A_572, %dma_start3A_573] : memref<112x512xf32, #tpu.memory_space<vmem>> -> memref<112x512xf32, #tpu.memory_space<vmem>>
    tpu.enqueue_dma source(%dma_start3A_574 : memref<112x512xf32, #tpu.memory_space<vmem>>) target(%dma_start3A_571 : memref<112x512xf32, #tpu.memory_space<hbm>>) target_semaphore(%arg8 : memref<!tpu.dma_semaphore, #tpu.memory_space<semaphore_mem>>)
    %dma_wait3A_575 = arith.constant 0 : i32
    %dma_wait3A_576 = arith.constant 0 : i32
    %dma_wait3A_577 = tpu.memref_slice %arg4[%dma_wait3A_575, %dma_wait3A_576] : memref<112x512xf32, #tpu.memory_space<vmem>> -> memref<112x512xf32, #tpu.memory_space<vmem>>
    %dma_wait3A_578 = arith.constant 0 : i32
    %dma_wait3A_579 = tpu.memref_slice %arg3[%add3A_564, %dma_wait3A_578] : memref<100000x512xf32, #tpu.memory_space<hbm>> -> memref<112x512xf32, #tpu.memory_space<hbm>>
    %dma_wait3A_580 = arith.constant 0 : i32
    %dma_wait3A_581 = tpu.memref_slice %arg3[%add3A_564, %dma_wait3A_580] : memref<100000x512xf32, #tpu.memory_space<hbm>> -> memref<112x512xf32, #tpu.memory_space<hbm>>
    %dma_wait3A_582 = arith.constant 0 : i32
    %dma_wait3A_583 = arith.constant 0 : i32
    %dma_wait3A_584 = tpu.memref_slice %arg4[%dma_wait3A_582, %dma_wait3A_583] : memref<112x512xf32, #tpu.memory_space<vmem>> -> memref<112x512xf32, #tpu.memory_space<vmem>>
    tpu.wait_dma2 semaphore(%arg8 : memref<!tpu.dma_semaphore, #tpu.memory_space<semaphore_mem>>) src(%dma_wait3A_584 : memref<112x512xf32, #tpu.memory_space<vmem>>) dst(%dma_wait3A_581 : memref<112x512xf32, #tpu.memory_space<hbm>>)
    %add3A_585 = arith.constant 1568 : i32
    %add3A_586 = arith.addi %mul3A_2, %add3A_585 : i32
    %dma_start3A_587 = arith.constant 0 : i32
    %dma_start3A_588 = arith.constant 0 : i32
    %dma_start3A_589 = tpu.memref_slice %arg4[%dma_start3A_587, %dma_start3A_588] : memref<112x512xf32, #tpu.memory_space<vmem>> -> memref<112x512xf32, #tpu.memory_space<vmem>>
    %dma_start3A_590 = arith.constant 0 : i32
    %dma_start3A_591 = tpu.memref_slice %arg2[%add3A_586, %dma_start3A_590] : memref<100000x512xf32, #tpu.memory_space<hbm>> -> memref<112x512xf32, #tpu.memory_space<hbm>>
    %dma_start3A_592 = arith.constant 0 : i32
    %dma_start3A_593 = arith.constant 0 : i32
    %dma_start3A_594 = tpu.memref_slice %arg4[%dma_start3A_592, %dma_start3A_593] : memref<112x512xf32, #tpu.memory_space<vmem>> -> memref<112x512xf32, #tpu.memory_space<vmem>>
    %dma_start3A_595 = arith.constant 0 : i32
    %dma_start3A_596 = tpu.memref_slice %arg2[%add3A_586, %dma_start3A_595] : memref<100000x512xf32, #tpu.memory_space<hbm>> -> memref<112x512xf32, #tpu.memory_space<hbm>>
    tpu.enqueue_dma source(%dma_start3A_596 : memref<112x512xf32, #tpu.memory_space<hbm>>) target(%dma_start3A_594 : memref<112x512xf32, #tpu.memory_space<vmem>>) target_semaphore(%arg6 : memref<!tpu.dma_semaphore, #tpu.memory_space<semaphore_mem>>)
    %dma_wait3A_597 = arith.constant 0 : i32
    %dma_wait3A_598 = arith.constant 0 : i32
    %dma_wait3A_599 = tpu.memref_slice %arg5[%dma_wait3A_597, %dma_wait3A_598] : memref<112x512xf32, #tpu.memory_space<vmem>> -> memref<112x512xf32, #tpu.memory_space<vmem>>
    %dma_wait3A_600 = arith.constant 0 : i32
    %dma_wait3A_601 = tpu.memref_slice %arg2[%add3A_542, %dma_wait3A_600] : memref<100000x512xf32, #tpu.memory_space<hbm>> -> memref<112x512xf32, #tpu.memory_space<hbm>>
    %dma_wait3A_602 = arith.constant 0 : i32
    %dma_wait3A_603 = arith.constant 0 : i32
    %dma_wait3A_604 = tpu.memref_slice %arg5[%dma_wait3A_602, %dma_wait3A_603] : memref<112x512xf32, #tpu.memory_space<vmem>> -> memref<112x512xf32, #tpu.memory_space<vmem>>
    %dma_wait3A_605 = arith.constant 0 : i32
    %dma_wait3A_606 = tpu.memref_slice %arg2[%add3A_542, %dma_wait3A_605] : memref<100000x512xf32, #tpu.memory_space<hbm>> -> memref<112x512xf32, #tpu.memory_space<hbm>>
    tpu.wait_dma2 semaphore(%arg7 : memref<!tpu.dma_semaphore, #tpu.memory_space<semaphore_mem>>) src(%dma_wait3A_606 : memref<112x512xf32, #tpu.memory_space<hbm>>) dst(%dma_wait3A_604 : memref<112x512xf32, #tpu.memory_space<vmem>>)
    %add3A_607 = arith.constant 1456 : i32
    %add3A_608 = arith.addi %mul3A_2, %add3A_607 : i32
    %dma_start3A_609 = arith.constant 0 : i32
    %dma_start3A_610 = arith.constant 0 : i32
    %dma_start3A_611 = tpu.memref_slice %arg5[%dma_start3A_609, %dma_start3A_610] : memref<112x512xf32, #tpu.memory_space<vmem>> -> memref<112x512xf32, #tpu.memory_space<vmem>>
    %dma_start3A_612 = arith.constant 0 : i32
    %dma_start3A_613 = tpu.memref_slice %arg3[%add3A_608, %dma_start3A_612] : memref<100000x512xf32, #tpu.memory_space<hbm>> -> memref<112x512xf32, #tpu.memory_space<hbm>>
    %dma_start3A_614 = arith.constant 0 : i32
    %dma_start3A_615 = tpu.memref_slice %arg3[%add3A_608, %dma_start3A_614] : memref<100000x512xf32, #tpu.memory_space<hbm>> -> memref<112x512xf32, #tpu.memory_space<hbm>>
    %dma_start3A_616 = arith.constant 0 : i32
    %dma_start3A_617 = arith.constant 0 : i32
    %dma_start3A_618 = tpu.memref_slice %arg5[%dma_start3A_616, %dma_start3A_617] : memref<112x512xf32, #tpu.memory_space<vmem>> -> memref<112x512xf32, #tpu.memory_space<vmem>>
    tpu.enqueue_dma source(%dma_start3A_618 : memref<112x512xf32, #tpu.memory_space<vmem>>) target(%dma_start3A_615 : memref<112x512xf32, #tpu.memory_space<hbm>>) target_semaphore(%arg9 : memref<!tpu.dma_semaphore, #tpu.memory_space<semaphore_mem>>)
    %dma_wait3A_619 = arith.constant 0 : i32
    %dma_wait3A_620 = arith.constant 0 : i32
    %dma_wait3A_621 = tpu.memref_slice %arg5[%dma_wait3A_619, %dma_wait3A_620] : memref<112x512xf32, #tpu.memory_space<vmem>> -> memref<112x512xf32, #tpu.memory_space<vmem>>
    %dma_wait3A_622 = arith.constant 0 : i32
    %dma_wait3A_623 = tpu.memref_slice %arg3[%add3A_608, %dma_wait3A_622] : memref<100000x512xf32, #tpu.memory_space<hbm>> -> memref<112x512xf32, #tpu.memory_space<hbm>>
    %dma_wait3A_624 = arith.constant 0 : i32
    %dma_wait3A_625 = tpu.memref_slice %arg3[%add3A_608, %dma_wait3A_624] : memref<100000x512xf32, #tpu.memory_space<hbm>> -> memref<112x512xf32, #tpu.memory_space<hbm>>
    %dma_wait3A_626 = arith.constant 0 : i32
    %dma_wait3A_627 = arith.constant 0 : i32
    %dma_wait3A_628 = tpu.memref_slice %arg5[%dma_wait3A_626, %dma_wait3A_627] : memref<112x512xf32, #tpu.memory_space<vmem>> -> memref<112x512xf32, #tpu.memory_space<vmem>>
    tpu.wait_dma2 semaphore(%arg9 : memref<!tpu.dma_semaphore, #tpu.memory_space<semaphore_mem>>) src(%dma_wait3A_628 : memref<112x512xf32, #tpu.memory_space<vmem>>) dst(%dma_wait3A_625 : memref<112x512xf32, #tpu.memory_space<hbm>>)
    %add3A_629 = arith.constant 1680 : i32
    %add3A_630 = arith.addi %mul3A_2, %add3A_629 : i32
    %dma_start3A_631 = arith.constant 0 : i32
    %dma_start3A_632 = arith.constant 0 : i32
    %dma_start3A_633 = tpu.memref_slice %arg5[%dma_start3A_631, %dma_start3A_632] : memref<112x512xf32, #tpu.memory_space<vmem>> -> memref<112x512xf32, #tpu.memory_space<vmem>>
    %dma_start3A_634 = arith.constant 0 : i32
    %dma_start3A_635 = tpu.memref_slice %arg2[%add3A_630, %dma_start3A_634] : memref<100000x512xf32, #tpu.memory_space<hbm>> -> memref<112x512xf32, #tpu.memory_space<hbm>>
    %dma_start3A_636 = arith.constant 0 : i32
    %dma_start3A_637 = arith.constant 0 : i32
    %dma_start3A_638 = tpu.memref_slice %arg5[%dma_start3A_636, %dma_start3A_637] : memref<112x512xf32, #tpu.memory_space<vmem>> -> memref<112x512xf32, #tpu.memory_space<vmem>>
    %dma_start3A_639 = arith.constant 0 : i32
    %dma_start3A_640 = tpu.memref_slice %arg2[%add3A_630, %dma_start3A_639] : memref<100000x512xf32, #tpu.memory_space<hbm>> -> memref<112x512xf32, #tpu.memory_space<hbm>>
    tpu.enqueue_dma source(%dma_start3A_640 : memref<112x512xf32, #tpu.memory_space<hbm>>) target(%dma_start3A_638 : memref<112x512xf32, #tpu.memory_space<vmem>>) target_semaphore(%arg7 : memref<!tpu.dma_semaphore, #tpu.memory_space<semaphore_mem>>)
    %dma_wait3A_641 = arith.constant 0 : i32
    %dma_wait3A_642 = arith.constant 0 : i32
    %dma_wait3A_643 = tpu.memref_slice %arg4[%dma_wait3A_641, %dma_wait3A_642] : memref<112x512xf32, #tpu.memory_space<vmem>> -> memref<112x512xf32, #tpu.memory_space<vmem>>
    %dma_wait3A_644 = arith.constant 0 : i32
    %dma_wait3A_645 = tpu.memref_slice %arg2[%add3A_586, %dma_wait3A_644] : memref<100000x512xf32, #tpu.memory_space<hbm>> -> memref<112x512xf32, #tpu.memory_space<hbm>>
    %dma_wait3A_646 = arith.constant 0 : i32
    %dma_wait3A_647 = arith.constant 0 : i32
    %dma_wait3A_648 = tpu.memref_slice %arg4[%dma_wait3A_646, %dma_wait3A_647] : memref<112x512xf32, #tpu.memory_space<vmem>> -> memref<112x512xf32, #tpu.memory_space<vmem>>
    %dma_wait3A_649 = arith.constant 0 : i32
    %dma_wait3A_650 = tpu.memref_slice %arg2[%add3A_586, %dma_wait3A_649] : memref<100000x512xf32, #tpu.memory_space<hbm>> -> memref<112x512xf32, #tpu.memory_space<hbm>>
    tpu.wait_dma2 semaphore(%arg6 : memref<!tpu.dma_semaphore, #tpu.memory_space<semaphore_mem>>) src(%dma_wait3A_650 : memref<112x512xf32, #tpu.memory_space<hbm>>) dst(%dma_wait3A_648 : memref<112x512xf32, #tpu.memory_space<vmem>>)
    %add3A_651 = arith.constant 1568 : i32
    %add3A_652 = arith.addi %mul3A_2, %add3A_651 : i32
    %dma_start3A_653 = arith.constant 0 : i32
    %dma_start3A_654 = arith.constant 0 : i32
    %dma_start3A_655 = tpu.memref_slice %arg4[%dma_start3A_653, %dma_start3A_654] : memref<112x512xf32, #tpu.memory_space<vmem>> -> memref<112x512xf32, #tpu.memory_space<vmem>>
    %dma_start3A_656 = arith.constant 0 : i32
    %dma_start3A_657 = tpu.memref_slice %arg3[%add3A_652, %dma_start3A_656] : memref<100000x512xf32, #tpu.memory_space<hbm>> -> memref<112x512xf32, #tpu.memory_space<hbm>>
    %dma_start3A_658 = arith.constant 0 : i32
    %dma_start3A_659 = tpu.memref_slice %arg3[%add3A_652, %dma_start3A_658] : memref<100000x512xf32, #tpu.memory_space<hbm>> -> memref<112x512xf32, #tpu.memory_space<hbm>>
    %dma_start3A_660 = arith.constant 0 : i32
    %dma_start3A_661 = arith.constant 0 : i32
    %dma_start3A_662 = tpu.memref_slice %arg4[%dma_start3A_660, %dma_start3A_661] : memref<112x512xf32, #tpu.memory_space<vmem>> -> memref<112x512xf32, #tpu.memory_space<vmem>>
    tpu.enqueue_dma source(%dma_start3A_662 : memref<112x512xf32, #tpu.memory_space<vmem>>) target(%dma_start3A_659 : memref<112x512xf32, #tpu.memory_space<hbm>>) target_semaphore(%arg8 : memref<!tpu.dma_semaphore, #tpu.memory_space<semaphore_mem>>)
    %dma_wait3A_663 = arith.constant 0 : i32
    %dma_wait3A_664 = arith.constant 0 : i32
    %dma_wait3A_665 = tpu.memref_slice %arg4[%dma_wait3A_663, %dma_wait3A_664] : memref<112x512xf32, #tpu.memory_space<vmem>> -> memref<112x512xf32, #tpu.memory_space<vmem>>
    %dma_wait3A_666 = arith.constant 0 : i32
    %dma_wait3A_667 = tpu.memref_slice %arg3[%add3A_652, %dma_wait3A_666] : memref<100000x512xf32, #tpu.memory_space<hbm>> -> memref<112x512xf32, #tpu.memory_space<hbm>>
    %dma_wait3A_668 = arith.constant 0 : i32
    %dma_wait3A_669 = tpu.memref_slice %arg3[%add3A_652, %dma_wait3A_668] : memref<100000x512xf32, #tpu.memory_space<hbm>> -> memref<112x512xf32, #tpu.memory_space<hbm>>
    %dma_wait3A_670 = arith.constant 0 : i32
    %dma_wait3A_671 = arith.constant 0 : i32
    %dma_wait3A_672 = tpu.memref_slice %arg4[%dma_wait3A_670, %dma_wait3A_671] : memref<112x512xf32, #tpu.memory_space<vmem>> -> memref<112x512xf32, #tpu.memory_space<vmem>>
    tpu.wait_dma2 semaphore(%arg8 : memref<!tpu.dma_semaphore, #tpu.memory_space<semaphore_mem>>) src(%dma_wait3A_672 : memref<112x512xf32, #tpu.memory_space<vmem>>) dst(%dma_wait3A_669 : memref<112x512xf32, #tpu.memory_space<hbm>>)
    %add3A_673 = arith.constant 1792 : i32
    %add3A_674 = arith.addi %mul3A_2, %add3A_673 : i32
    %dma_start3A_675 = arith.constant 0 : i32
    %dma_start3A_676 = arith.constant 0 : i32
    %dma_start3A_677 = tpu.memref_slice %arg4[%dma_start3A_675, %dma_start3A_676] : memref<112x512xf32, #tpu.memory_space<vmem>> -> memref<112x512xf32, #tpu.memory_space<vmem>>
    %dma_start3A_678 = arith.constant 0 : i32
    %dma_start3A_679 = tpu.memref_slice %arg2[%add3A_674, %dma_start3A_678] : memref<100000x512xf32, #tpu.memory_space<hbm>> -> memref<112x512xf32, #tpu.memory_space<hbm>>
    %dma_start3A_680 = arith.constant 0 : i32
    %dma_start3A_681 = arith.constant 0 : i32
    %dma_start3A_682 = tpu.memref_slice %arg4[%dma_start3A_680, %dma_start3A_681] : memref<112x512xf32, #tpu.memory_space<vmem>> -> memref<112x512xf32, #tpu.memory_space<vmem>>
    %dma_start3A_683 = arith.constant 0 : i32
    %dma_start3A_684 = tpu.memref_slice %arg2[%add3A_674, %dma_start3A_683] : memref<100000x512xf32, #tpu.memory_space<hbm>> -> memref<112x512xf32, #tpu.memory_space<hbm>>
    tpu.enqueue_dma source(%dma_start3A_684 : memref<112x512xf32, #tpu.memory_space<hbm>>) target(%dma_start3A_682 : memref<112x512xf32, #tpu.memory_space<vmem>>) target_semaphore(%arg6 : memref<!tpu.dma_semaphore, #tpu.memory_space<semaphore_mem>>)
    %dma_wait3A_685 = arith.constant 0 : i32
    %dma_wait3A_686 = arith.constant 0 : i32
    %dma_wait3A_687 = tpu.memref_slice %arg5[%dma_wait3A_685, %dma_wait3A_686] : memref<112x512xf32, #tpu.memory_space<vmem>> -> memref<112x512xf32, #tpu.memory_space<vmem>>
    %dma_wait3A_688 = arith.constant 0 : i32
    %dma_wait3A_689 = tpu.memref_slice %arg2[%add3A_630, %dma_wait3A_688] : memref<100000x512xf32, #tpu.memory_space<hbm>> -> memref<112x512xf32, #tpu.memory_space<hbm>>
    %dma_wait3A_690 = arith.constant 0 : i32
    %dma_wait3A_691 = arith.constant 0 : i32
    %dma_wait3A_692 = tpu.memref_slice %arg5[%dma_wait3A_690, %dma_wait3A_691] : memref<112x512xf32, #tpu.memory_space<vmem>> -> memref<112x512xf32, #tpu.memory_space<vmem>>
    %dma_wait3A_693 = arith.constant 0 : i32
    %dma_wait3A_694 = tpu.memref_slice %arg2[%add3A_630, %dma_wait3A_693] : memref<100000x512xf32, #tpu.memory_space<hbm>> -> memref<112x512xf32, #tpu.memory_space<hbm>>
    tpu.wait_dma2 semaphore(%arg7 : memref<!tpu.dma_semaphore, #tpu.memory_space<semaphore_mem>>) src(%dma_wait3A_694 : memref<112x512xf32, #tpu.memory_space<hbm>>) dst(%dma_wait3A_692 : memref<112x512xf32, #tpu.memory_space<vmem>>)
    %add3A_695 = arith.constant 1680 : i32
    %add3A_696 = arith.addi %mul3A_2, %add3A_695 : i32
    %dma_start3A_697 = arith.constant 0 : i32
    %dma_start3A_698 = arith.constant 0 : i32
    %dma_start3A_699 = tpu.memref_slice %arg5[%dma_start3A_697, %dma_start3A_698] : memref<112x512xf32, #tpu.memory_space<vmem>> -> memref<112x512xf32, #tpu.memory_space<vmem>>
    %dma_start3A_700 = arith.constant 0 : i32
    %dma_start3A_701 = tpu.memref_slice %arg3[%add3A_696, %dma_start3A_700] : memref<100000x512xf32, #tpu.memory_space<hbm>> -> memref<112x512xf32, #tpu.memory_space<hbm>>
    %dma_start3A_702 = arith.constant 0 : i32
    %dma_start3A_703 = tpu.memref_slice %arg3[%add3A_696, %dma_start3A_702] : memref<100000x512xf32, #tpu.memory_space<hbm>> -> memref<112x512xf32, #tpu.memory_space<hbm>>
    %dma_start3A_704 = arith.constant 0 : i32
    %dma_start3A_705 = arith.constant 0 : i32
    %dma_start3A_706 = tpu.memref_slice %arg5[%dma_start3A_704, %dma_start3A_705] : memref<112x512xf32, #tpu.memory_space<vmem>> -> memref<112x512xf32, #tpu.memory_space<vmem>>
    tpu.enqueue_dma source(%dma_start3A_706 : memref<112x512xf32, #tpu.memory_space<vmem>>) target(%dma_start3A_703 : memref<112x512xf32, #tpu.memory_space<hbm>>) target_semaphore(%arg9 : memref<!tpu.dma_semaphore, #tpu.memory_space<semaphore_mem>>)
    %dma_wait3A_707 = arith.constant 0 : i32
    %dma_wait3A_708 = arith.constant 0 : i32
    %dma_wait3A_709 = tpu.memref_slice %arg5[%dma_wait3A_707, %dma_wait3A_708] : memref<112x512xf32, #tpu.memory_space<vmem>> -> memref<112x512xf32, #tpu.memory_space<vmem>>
    %dma_wait3A_710 = arith.constant 0 : i32
    %dma_wait3A_711 = tpu.memref_slice %arg3[%add3A_696, %dma_wait3A_710] : memref<100000x512xf32, #tpu.memory_space<hbm>> -> memref<112x512xf32, #tpu.memory_space<hbm>>
    %dma_wait3A_712 = arith.constant 0 : i32
    %dma_wait3A_713 = tpu.memref_slice %arg3[%add3A_696, %dma_wait3A_712] : memref<100000x512xf32, #tpu.memory_space<hbm>> -> memref<112x512xf32, #tpu.memory_space<hbm>>
    %dma_wait3A_714 = arith.constant 0 : i32
    %dma_wait3A_715 = arith.constant 0 : i32
    %dma_wait3A_716 = tpu.memref_slice %arg5[%dma_wait3A_714, %dma_wait3A_715] : memref<112x512xf32, #tpu.memory_space<vmem>> -> memref<112x512xf32, #tpu.memory_space<vmem>>
    tpu.wait_dma2 semaphore(%arg9 : memref<!tpu.dma_semaphore, #tpu.memory_space<semaphore_mem>>) src(%dma_wait3A_716 : memref<112x512xf32, #tpu.memory_space<vmem>>) dst(%dma_wait3A_713 : memref<112x512xf32, #tpu.memory_space<hbm>>)
    %add3A_717 = arith.constant 1904 : i32
    %add3A_718 = arith.addi %mul3A_2, %add3A_717 : i32
    %dma_start3A_719 = arith.constant 0 : i32
    %dma_start3A_720 = arith.constant 0 : i32
    %dma_start3A_721 = tpu.memref_slice %arg5[%dma_start3A_719, %dma_start3A_720] : memref<112x512xf32, #tpu.memory_space<vmem>> -> memref<112x512xf32, #tpu.memory_space<vmem>>
    %dma_start3A_722 = arith.constant 0 : i32
    %dma_start3A_723 = tpu.memref_slice %arg2[%add3A_718, %dma_start3A_722] : memref<100000x512xf32, #tpu.memory_space<hbm>> -> memref<112x512xf32, #tpu.memory_space<hbm>>
    %dma_start3A_724 = arith.constant 0 : i32
    %dma_start3A_725 = arith.constant 0 : i32
    %dma_start3A_726 = tpu.memref_slice %arg5[%dma_start3A_724, %dma_start3A_725] : memref<112x512xf32, #tpu.memory_space<vmem>> -> memref<112x512xf32, #tpu.memory_space<vmem>>
    %dma_start3A_727 = arith.constant 0 : i32
    %dma_start3A_728 = tpu.memref_slice %arg2[%add3A_718, %dma_start3A_727] : memref<100000x512xf32, #tpu.memory_space<hbm>> -> memref<112x512xf32, #tpu.memory_space<hbm>>
    tpu.enqueue_dma source(%dma_start3A_728 : memref<112x512xf32, #tpu.memory_space<hbm>>) target(%dma_start3A_726 : memref<112x512xf32, #tpu.memory_space<vmem>>) target_semaphore(%arg7 : memref<!tpu.dma_semaphore, #tpu.memory_space<semaphore_mem>>)
    %dma_wait3A_729 = arith.constant 0 : i32
    %dma_wait3A_730 = arith.constant 0 : i32
    %dma_wait3A_731 = tpu.memref_slice %arg4[%dma_wait3A_729, %dma_wait3A_730] : memref<112x512xf32, #tpu.memory_space<vmem>> -> memref<112x512xf32, #tpu.memory_space<vmem>>
    %dma_wait3A_732 = arith.constant 0 : i32
    %dma_wait3A_733 = tpu.memref_slice %arg2[%add3A_674, %dma_wait3A_732] : memref<100000x512xf32, #tpu.memory_space<hbm>> -> memref<112x512xf32, #tpu.memory_space<hbm>>
    %dma_wait3A_734 = arith.constant 0 : i32
    %dma_wait3A_735 = arith.constant 0 : i32
    %dma_wait3A_736 = tpu.memref_slice %arg4[%dma_wait3A_734, %dma_wait3A_735] : memref<112x512xf32, #tpu.memory_space<vmem>> -> memref<112x512xf32, #tpu.memory_space<vmem>>
    %dma_wait3A_737 = arith.constant 0 : i32
    %dma_wait3A_738 = tpu.memref_slice %arg2[%add3A_674, %dma_wait3A_737] : memref<100000x512xf32, #tpu.memory_space<hbm>> -> memref<112x512xf32, #tpu.memory_space<hbm>>
    tpu.wait_dma2 semaphore(%arg6 : memref<!tpu.dma_semaphore, #tpu.memory_space<semaphore_mem>>) src(%dma_wait3A_738 : memref<112x512xf32, #tpu.memory_space<hbm>>) dst(%dma_wait3A_736 : memref<112x512xf32, #tpu.memory_space<vmem>>)
    %add3A_739 = arith.constant 1792 : i32
    %add3A_740 = arith.addi %mul3A_2, %add3A_739 : i32
    %dma_start3A_741 = arith.constant 0 : i32
    %dma_start3A_742 = arith.constant 0 : i32
    %dma_start3A_743 = tpu.memref_slice %arg4[%dma_start3A_741, %dma_start3A_742] : memref<112x512xf32, #tpu.memory_space<vmem>> -> memref<112x512xf32, #tpu.memory_space<vmem>>
    %dma_start3A_744 = arith.constant 0 : i32
    %dma_start3A_745 = tpu.memref_slice %arg3[%add3A_740, %dma_start3A_744] : memref<100000x512xf32, #tpu.memory_space<hbm>> -> memref<112x512xf32, #tpu.memory_space<hbm>>
    %dma_start3A_746 = arith.constant 0 : i32
    %dma_start3A_747 = tpu.memref_slice %arg3[%add3A_740, %dma_start3A_746] : memref<100000x512xf32, #tpu.memory_space<hbm>> -> memref<112x512xf32, #tpu.memory_space<hbm>>
    %dma_start3A_748 = arith.constant 0 : i32
    %dma_start3A_749 = arith.constant 0 : i32
    %dma_start3A_750 = tpu.memref_slice %arg4[%dma_start3A_748, %dma_start3A_749] : memref<112x512xf32, #tpu.memory_space<vmem>> -> memref<112x512xf32, #tpu.memory_space<vmem>>
    tpu.enqueue_dma source(%dma_start3A_750 : memref<112x512xf32, #tpu.memory_space<vmem>>) target(%dma_start3A_747 : memref<112x512xf32, #tpu.memory_space<hbm>>) target_semaphore(%arg8 : memref<!tpu.dma_semaphore, #tpu.memory_space<semaphore_mem>>)
    %dma_wait3A_751 = arith.constant 0 : i32
    %dma_wait3A_752 = arith.constant 0 : i32
    %dma_wait3A_753 = tpu.memref_slice %arg4[%dma_wait3A_751, %dma_wait3A_752] : memref<112x512xf32, #tpu.memory_space<vmem>> -> memref<112x512xf32, #tpu.memory_space<vmem>>
    %dma_wait3A_754 = arith.constant 0 : i32
    %dma_wait3A_755 = tpu.memref_slice %arg3[%add3A_740, %dma_wait3A_754] : memref<100000x512xf32, #tpu.memory_space<hbm>> -> memref<112x512xf32, #tpu.memory_space<hbm>>
    %dma_wait3A_756 = arith.constant 0 : i32
    %dma_wait3A_757 = tpu.memref_slice %arg3[%add3A_740, %dma_wait3A_756] : memref<100000x512xf32, #tpu.memory_space<hbm>> -> memref<112x512xf32, #tpu.memory_space<hbm>>
    %dma_wait3A_758 = arith.constant 0 : i32
    %dma_wait3A_759 = arith.constant 0 : i32
    %dma_wait3A_760 = tpu.memref_slice %arg4[%dma_wait3A_758, %dma_wait3A_759] : memref<112x512xf32, #tpu.memory_space<vmem>> -> memref<112x512xf32, #tpu.memory_space<vmem>>
    tpu.wait_dma2 semaphore(%arg8 : memref<!tpu.dma_semaphore, #tpu.memory_space<semaphore_mem>>) src(%dma_wait3A_760 : memref<112x512xf32, #tpu.memory_space<vmem>>) dst(%dma_wait3A_757 : memref<112x512xf32, #tpu.memory_space<hbm>>)
    %add3A_761 = arith.constant 2016 : i32
    %add3A_762 = arith.addi %mul3A_2, %add3A_761 : i32
    %dma_start3A_763 = arith.constant 0 : i32
    %dma_start3A_764 = arith.constant 0 : i32
    %dma_start3A_765 = tpu.memref_slice %arg4[%dma_start3A_763, %dma_start3A_764] : memref<112x512xf32, #tpu.memory_space<vmem>> -> memref<112x512xf32, #tpu.memory_space<vmem>>
    %dma_start3A_766 = arith.constant 0 : i32
    %dma_start3A_767 = tpu.memref_slice %arg2[%add3A_762, %dma_start3A_766] : memref<100000x512xf32, #tpu.memory_space<hbm>> -> memref<112x512xf32, #tpu.memory_space<hbm>>
    %dma_start3A_768 = arith.constant 0 : i32
    %dma_start3A_769 = arith.constant 0 : i32
    %dma_start3A_770 = tpu.memref_slice %arg4[%dma_start3A_768, %dma_start3A_769] : memref<112x512xf32, #tpu.memory_space<vmem>> -> memref<112x512xf32, #tpu.memory_space<vmem>>
    %dma_start3A_771 = arith.constant 0 : i32
    %dma_start3A_772 = tpu.memref_slice %arg2[%add3A_762, %dma_start3A_771] : memref<100000x512xf32, #tpu.memory_space<hbm>> -> memref<112x512xf32, #tpu.memory_space<hbm>>
    tpu.enqueue_dma source(%dma_start3A_772 : memref<112x512xf32, #tpu.memory_space<hbm>>) target(%dma_start3A_770 : memref<112x512xf32, #tpu.memory_space<vmem>>) target_semaphore(%arg6 : memref<!tpu.dma_semaphore, #tpu.memory_space<semaphore_mem>>)
    %dma_wait3A_773 = arith.constant 0 : i32
    %dma_wait3A_774 = arith.constant 0 : i32
    %dma_wait3A_775 = tpu.memref_slice %arg5[%dma_wait3A_773, %dma_wait3A_774] : memref<112x512xf32, #tpu.memory_space<vmem>> -> memref<112x512xf32, #tpu.memory_space<vmem>>
    %dma_wait3A_776 = arith.constant 0 : i32
    %dma_wait3A_777 = tpu.memref_slice %arg2[%add3A_718, %dma_wait3A_776] : memref<100000x512xf32, #tpu.memory_space<hbm>> -> memref<112x512xf32, #tpu.memory_space<hbm>>
    %dma_wait3A_778 = arith.constant 0 : i32
    %dma_wait3A_779 = arith.constant 0 : i32
    %dma_wait3A_780 = tpu.memref_slice %arg5[%dma_wait3A_778, %dma_wait3A_779] : memref<112x512xf32, #tpu.memory_space<vmem>> -> memref<112x512xf32, #tpu.memory_space<vmem>>
    %dma_wait3A_781 = arith.constant 0 : i32
    %dma_wait3A_782 = tpu.memref_slice %arg2[%add3A_718, %dma_wait3A_781] : memref<100000x512xf32, #tpu.memory_space<hbm>> -> memref<112x512xf32, #tpu.memory_space<hbm>>
    tpu.wait_dma2 semaphore(%arg7 : memref<!tpu.dma_semaphore, #tpu.memory_space<semaphore_mem>>) src(%dma_wait3A_782 : memref<112x512xf32, #tpu.memory_space<hbm>>) dst(%dma_wait3A_780 : memref<112x512xf32, #tpu.memory_space<vmem>>)
    %add3A_783 = arith.constant 1904 : i32
    %add3A_784 = arith.addi %mul3A_2, %add3A_783 : i32
    %dma_start3A_785 = arith.constant 0 : i32
    %dma_start3A_786 = arith.constant 0 : i32
    %dma_start3A_787 = tpu.memref_slice %arg5[%dma_start3A_785, %dma_start3A_786] : memref<112x512xf32, #tpu.memory_space<vmem>> -> memref<112x512xf32, #tpu.memory_space<vmem>>
    %dma_start3A_788 = arith.constant 0 : i32
    %dma_start3A_789 = tpu.memref_slice %arg3[%add3A_784, %dma_start3A_788] : memref<100000x512xf32, #tpu.memory_space<hbm>> -> memref<112x512xf32, #tpu.memory_space<hbm>>
    %dma_start3A_790 = arith.constant 0 : i32
    %dma_start3A_791 = tpu.memref_slice %arg3[%add3A_784, %dma_start3A_790] : memref<100000x512xf32, #tpu.memory_space<hbm>> -> memref<112x512xf32, #tpu.memory_space<hbm>>
    %dma_start3A_792 = arith.constant 0 : i32
    %dma_start3A_793 = arith.constant 0 : i32
    %dma_start3A_794 = tpu.memref_slice %arg5[%dma_start3A_792, %dma_start3A_793] : memref<112x512xf32, #tpu.memory_space<vmem>> -> memref<112x512xf32, #tpu.memory_space<vmem>>
    tpu.enqueue_dma source(%dma_start3A_794 : memref<112x512xf32, #tpu.memory_space<vmem>>) target(%dma_start3A_791 : memref<112x512xf32, #tpu.memory_space<hbm>>) target_semaphore(%arg9 : memref<!tpu.dma_semaphore, #tpu.memory_space<semaphore_mem>>)
    %dma_wait3A_795 = arith.constant 0 : i32
    %dma_wait3A_796 = arith.constant 0 : i32
    %dma_wait3A_797 = tpu.memref_slice %arg5[%dma_wait3A_795, %dma_wait3A_796] : memref<112x512xf32, #tpu.memory_space<vmem>> -> memref<112x512xf32, #tpu.memory_space<vmem>>
    %dma_wait3A_798 = arith.constant 0 : i32
    %dma_wait3A_799 = tpu.memref_slice %arg3[%add3A_784, %dma_wait3A_798] : memref<100000x512xf32, #tpu.memory_space<hbm>> -> memref<112x512xf32, #tpu.memory_space<hbm>>
    %dma_wait3A_800 = arith.constant 0 : i32
    %dma_wait3A_801 = tpu.memref_slice %arg3[%add3A_784, %dma_wait3A_800] : memref<100000x512xf32, #tpu.memory_space<hbm>> -> memref<112x512xf32, #tpu.memory_space<hbm>>
    %dma_wait3A_802 = arith.constant 0 : i32
    %dma_wait3A_803 = arith.constant 0 : i32
    %dma_wait3A_804 = tpu.memref_slice %arg5[%dma_wait3A_802, %dma_wait3A_803] : memref<112x512xf32, #tpu.memory_space<vmem>> -> memref<112x512xf32, #tpu.memory_space<vmem>>
    tpu.wait_dma2 semaphore(%arg9 : memref<!tpu.dma_semaphore, #tpu.memory_space<semaphore_mem>>) src(%dma_wait3A_804 : memref<112x512xf32, #tpu.memory_space<vmem>>) dst(%dma_wait3A_801 : memref<112x512xf32, #tpu.memory_space<hbm>>)
    %add3A_805 = arith.constant 2128 : i32
    %add3A_806 = arith.addi %mul3A_2, %add3A_805 : i32
    %dma_start3A_807 = arith.constant 0 : i32
    %dma_start3A_808 = arith.constant 0 : i32
    %dma_start3A_809 = tpu.memref_slice %arg5[%dma_start3A_807, %dma_start3A_808] : memref<112x512xf32, #tpu.memory_space<vmem>> -> memref<112x512xf32, #tpu.memory_space<vmem>>
    %dma_start3A_810 = arith.constant 0 : i32
    %dma_start3A_811 = tpu.memref_slice %arg2[%add3A_806, %dma_start3A_810] : memref<100000x512xf32, #tpu.memory_space<hbm>> -> memref<112x512xf32, #tpu.memory_space<hbm>>
    %dma_start3A_812 = arith.constant 0 : i32
    %dma_start3A_813 = arith.constant 0 : i32
    %dma_start3A_814 = tpu.memref_slice %arg5[%dma_start3A_812, %dma_start3A_813] : memref<112x512xf32, #tpu.memory_space<vmem>> -> memref<112x512xf32, #tpu.memory_space<vmem>>
    %dma_start3A_815 = arith.constant 0 : i32
    %dma_start3A_816 = tpu.memref_slice %arg2[%add3A_806, %dma_start3A_815] : memref<100000x512xf32, #tpu.memory_space<hbm>> -> memref<112x512xf32, #tpu.memory_space<hbm>>
    tpu.enqueue_dma source(%dma_start3A_816 : memref<112x512xf32, #tpu.memory_space<hbm>>) target(%dma_start3A_814 : memref<112x512xf32, #tpu.memory_space<vmem>>) target_semaphore(%arg7 : memref<!tpu.dma_semaphore, #tpu.memory_space<semaphore_mem>>)
    %dma_wait3A_817 = arith.constant 0 : i32
    %dma_wait3A_818 = arith.constant 0 : i32
    %dma_wait3A_819 = tpu.memref_slice %arg4[%dma_wait3A_817, %dma_wait3A_818] : memref<112x512xf32, #tpu.memory_space<vmem>> -> memref<112x512xf32, #tpu.memory_space<vmem>>
    %dma_wait3A_820 = arith.constant 0 : i32
    %dma_wait3A_821 = tpu.memref_slice %arg2[%add3A_762, %dma_wait3A_820] : memref<100000x512xf32, #tpu.memory_space<hbm>> -> memref<112x512xf32, #tpu.memory_space<hbm>>
    %dma_wait3A_822 = arith.constant 0 : i32
    %dma_wait3A_823 = arith.constant 0 : i32
    %dma_wait3A_824 = tpu.memref_slice %arg4[%dma_wait3A_822, %dma_wait3A_823] : memref<112x512xf32, #tpu.memory_space<vmem>> -> memref<112x512xf32, #tpu.memory_space<vmem>>
    %dma_wait3A_825 = arith.constant 0 : i32
    %dma_wait3A_826 = tpu.memref_slice %arg2[%add3A_762, %dma_wait3A_825] : memref<100000x512xf32, #tpu.memory_space<hbm>> -> memref<112x512xf32, #tpu.memory_space<hbm>>
    tpu.wait_dma2 semaphore(%arg6 : memref<!tpu.dma_semaphore, #tpu.memory_space<semaphore_mem>>) src(%dma_wait3A_826 : memref<112x512xf32, #tpu.memory_space<hbm>>) dst(%dma_wait3A_824 : memref<112x512xf32, #tpu.memory_space<vmem>>)
    %add3A_827 = arith.constant 2016 : i32
    %add3A_828 = arith.addi %mul3A_2, %add3A_827 : i32
    %dma_start3A_829 = arith.constant 0 : i32
    %dma_start3A_830 = arith.constant 0 : i32
    %dma_start3A_831 = tpu.memref_slice %arg4[%dma_start3A_829, %dma_start3A_830] : memref<112x512xf32, #tpu.memory_space<vmem>> -> memref<112x512xf32, #tpu.memory_space<vmem>>
    %dma_start3A_832 = arith.constant 0 : i32
    %dma_start3A_833 = tpu.memref_slice %arg3[%add3A_828, %dma_start3A_832] : memref<100000x512xf32, #tpu.memory_space<hbm>> -> memref<112x512xf32, #tpu.memory_space<hbm>>
    %dma_start3A_834 = arith.constant 0 : i32
    %dma_start3A_835 = tpu.memref_slice %arg3[%add3A_828, %dma_start3A_834] : memref<100000x512xf32, #tpu.memory_space<hbm>> -> memref<112x512xf32, #tpu.memory_space<hbm>>
    %dma_start3A_836 = arith.constant 0 : i32
    %dma_start3A_837 = arith.constant 0 : i32
    %dma_start3A_838 = tpu.memref_slice %arg4[%dma_start3A_836, %dma_start3A_837] : memref<112x512xf32, #tpu.memory_space<vmem>> -> memref<112x512xf32, #tpu.memory_space<vmem>>
    tpu.enqueue_dma source(%dma_start3A_838 : memref<112x512xf32, #tpu.memory_space<vmem>>) target(%dma_start3A_835 : memref<112x512xf32, #tpu.memory_space<hbm>>) target_semaphore(%arg8 : memref<!tpu.dma_semaphore, #tpu.memory_space<semaphore_mem>>)
    %dma_wait3A_839 = arith.constant 0 : i32
    %dma_wait3A_840 = arith.constant 0 : i32
    %dma_wait3A_841 = tpu.memref_slice %arg4[%dma_wait3A_839, %dma_wait3A_840] : memref<112x512xf32, #tpu.memory_space<vmem>> -> memref<112x512xf32, #tpu.memory_space<vmem>>
    %dma_wait3A_842 = arith.constant 0 : i32
    %dma_wait3A_843 = tpu.memref_slice %arg3[%add3A_828, %dma_wait3A_842] : memref<100000x512xf32, #tpu.memory_space<hbm>> -> memref<112x512xf32, #tpu.memory_space<hbm>>
    %dma_wait3A_844 = arith.constant 0 : i32
    %dma_wait3A_845 = tpu.memref_slice %arg3[%add3A_828, %dma_wait3A_844] : memref<100000x512xf32, #tpu.memory_space<hbm>> -> memref<112x512xf32, #tpu.memory_space<hbm>>
    %dma_wait3A_846 = arith.constant 0 : i32
    %dma_wait3A_847 = arith.constant 0 : i32
    %dma_wait3A_848 = tpu.memref_slice %arg4[%dma_wait3A_846, %dma_wait3A_847] : memref<112x512xf32, #tpu.memory_space<vmem>> -> memref<112x512xf32, #tpu.memory_space<vmem>>
    tpu.wait_dma2 semaphore(%arg8 : memref<!tpu.dma_semaphore, #tpu.memory_space<semaphore_mem>>) src(%dma_wait3A_848 : memref<112x512xf32, #tpu.memory_space<vmem>>) dst(%dma_wait3A_845 : memref<112x512xf32, #tpu.memory_space<hbm>>)
    %add3A_849 = arith.constant 2240 : i32
    %add3A_850 = arith.addi %mul3A_2, %add3A_849 : i32
    %dma_start3A_851 = arith.constant 0 : i32
    %dma_start3A_852 = arith.constant 0 : i32
    %dma_start3A_853 = tpu.memref_slice %arg4[%dma_start3A_851, %dma_start3A_852] : memref<112x512xf32, #tpu.memory_space<vmem>> -> memref<112x512xf32, #tpu.memory_space<vmem>>
    %dma_start3A_854 = arith.constant 0 : i32
    %dma_start3A_855 = tpu.memref_slice %arg2[%add3A_850, %dma_start3A_854] : memref<100000x512xf32, #tpu.memory_space<hbm>> -> memref<112x512xf32, #tpu.memory_space<hbm>>
    %dma_start3A_856 = arith.constant 0 : i32
    %dma_start3A_857 = arith.constant 0 : i32
    %dma_start3A_858 = tpu.memref_slice %arg4[%dma_start3A_856, %dma_start3A_857] : memref<112x512xf32, #tpu.memory_space<vmem>> -> memref<112x512xf32, #tpu.memory_space<vmem>>
    %dma_start3A_859 = arith.constant 0 : i32
    %dma_start3A_860 = tpu.memref_slice %arg2[%add3A_850, %dma_start3A_859] : memref<100000x512xf32, #tpu.memory_space<hbm>> -> memref<112x512xf32, #tpu.memory_space<hbm>>
    tpu.enqueue_dma source(%dma_start3A_860 : memref<112x512xf32, #tpu.memory_space<hbm>>) target(%dma_start3A_858 : memref<112x512xf32, #tpu.memory_space<vmem>>) target_semaphore(%arg6 : memref<!tpu.dma_semaphore, #tpu.memory_space<semaphore_mem>>)
    %dma_wait3A_861 = arith.constant 0 : i32
    %dma_wait3A_862 = arith.constant 0 : i32
    %dma_wait3A_863 = tpu.memref_slice %arg5[%dma_wait3A_861, %dma_wait3A_862] : memref<112x512xf32, #tpu.memory_space<vmem>> -> memref<112x512xf32, #tpu.memory_space<vmem>>
    %dma_wait3A_864 = arith.constant 0 : i32
    %dma_wait3A_865 = tpu.memref_slice %arg2[%add3A_806, %dma_wait3A_864] : memref<100000x512xf32, #tpu.memory_space<hbm>> -> memref<112x512xf32, #tpu.memory_space<hbm>>
    %dma_wait3A_866 = arith.constant 0 : i32
    %dma_wait3A_867 = arith.constant 0 : i32
    %dma_wait3A_868 = tpu.memref_slice %arg5[%dma_wait3A_866, %dma_wait3A_867] : memref<112x512xf32, #tpu.memory_space<vmem>> -> memref<112x512xf32, #tpu.memory_space<vmem>>
    %dma_wait3A_869 = arith.constant 0 : i32
    %dma_wait3A_870 = tpu.memref_slice %arg2[%add3A_806, %dma_wait3A_869] : memref<100000x512xf32, #tpu.memory_space<hbm>> -> memref<112x512xf32, #tpu.memory_space<hbm>>
    tpu.wait_dma2 semaphore(%arg7 : memref<!tpu.dma_semaphore, #tpu.memory_space<semaphore_mem>>) src(%dma_wait3A_870 : memref<112x512xf32, #tpu.memory_space<hbm>>) dst(%dma_wait3A_868 : memref<112x512xf32, #tpu.memory_space<vmem>>)
    %add3A_871 = arith.constant 2128 : i32
    %add3A_872 = arith.addi %mul3A_2, %add3A_871 : i32
    %dma_start3A_873 = arith.constant 0 : i32
    %dma_start3A_874 = arith.constant 0 : i32
    %dma_start3A_875 = tpu.memref_slice %arg5[%dma_start3A_873, %dma_start3A_874] : memref<112x512xf32, #tpu.memory_space<vmem>> -> memref<112x512xf32, #tpu.memory_space<vmem>>
    %dma_start3A_876 = arith.constant 0 : i32
    %dma_start3A_877 = tpu.memref_slice %arg3[%add3A_872, %dma_start3A_876] : memref<100000x512xf32, #tpu.memory_space<hbm>> -> memref<112x512xf32, #tpu.memory_space<hbm>>
    %dma_start3A_878 = arith.constant 0 : i32
    %dma_start3A_879 = tpu.memref_slice %arg3[%add3A_872, %dma_start3A_878] : memref<100000x512xf32, #tpu.memory_space<hbm>> -> memref<112x512xf32, #tpu.memory_space<hbm>>
    %dma_start3A_880 = arith.constant 0 : i32
    %dma_start3A_881 = arith.constant 0 : i32
    %dma_start3A_882 = tpu.memref_slice %arg5[%dma_start3A_880, %dma_start3A_881] : memref<112x512xf32, #tpu.memory_space<vmem>> -> memref<112x512xf32, #tpu.memory_space<vmem>>
    tpu.enqueue_dma source(%dma_start3A_882 : memref<112x512xf32, #tpu.memory_space<vmem>>) target(%dma_start3A_879 : memref<112x512xf32, #tpu.memory_space<hbm>>) target_semaphore(%arg9 : memref<!tpu.dma_semaphore, #tpu.memory_space<semaphore_mem>>)
    %dma_wait3A_883 = arith.constant 0 : i32
    %dma_wait3A_884 = arith.constant 0 : i32
    %dma_wait3A_885 = tpu.memref_slice %arg5[%dma_wait3A_883, %dma_wait3A_884] : memref<112x512xf32, #tpu.memory_space<vmem>> -> memref<112x512xf32, #tpu.memory_space<vmem>>
    %dma_wait3A_886 = arith.constant 0 : i32
    %dma_wait3A_887 = tpu.memref_slice %arg3[%add3A_872, %dma_wait3A_886] : memref<100000x512xf32, #tpu.memory_space<hbm>> -> memref<112x512xf32, #tpu.memory_space<hbm>>
    %dma_wait3A_888 = arith.constant 0 : i32
    %dma_wait3A_889 = tpu.memref_slice %arg3[%add3A_872, %dma_wait3A_888] : memref<100000x512xf32, #tpu.memory_space<hbm>> -> memref<112x512xf32, #tpu.memory_space<hbm>>
    %dma_wait3A_890 = arith.constant 0 : i32
    %dma_wait3A_891 = arith.constant 0 : i32
    %dma_wait3A_892 = tpu.memref_slice %arg5[%dma_wait3A_890, %dma_wait3A_891] : memref<112x512xf32, #tpu.memory_space<vmem>> -> memref<112x512xf32, #tpu.memory_space<vmem>>
    tpu.wait_dma2 semaphore(%arg9 : memref<!tpu.dma_semaphore, #tpu.memory_space<semaphore_mem>>) src(%dma_wait3A_892 : memref<112x512xf32, #tpu.memory_space<vmem>>) dst(%dma_wait3A_889 : memref<112x512xf32, #tpu.memory_space<hbm>>)
    %add3A_893 = arith.constant 2352 : i32
    %add3A_894 = arith.addi %mul3A_2, %add3A_893 : i32
    %dma_start3A_895 = arith.constant 0 : i32
    %dma_start3A_896 = arith.constant 0 : i32
    %dma_start3A_897 = tpu.memref_slice %arg5[%dma_start3A_895, %dma_start3A_896] : memref<112x512xf32, #tpu.memory_space<vmem>> -> memref<112x512xf32, #tpu.memory_space<vmem>>
    %dma_start3A_898 = arith.constant 0 : i32
    %dma_start3A_899 = tpu.memref_slice %arg2[%add3A_894, %dma_start3A_898] : memref<100000x512xf32, #tpu.memory_space<hbm>> -> memref<112x512xf32, #tpu.memory_space<hbm>>
    %dma_start3A_900 = arith.constant 0 : i32
    %dma_start3A_901 = arith.constant 0 : i32
    %dma_start3A_902 = tpu.memref_slice %arg5[%dma_start3A_900, %dma_start3A_901] : memref<112x512xf32, #tpu.memory_space<vmem>> -> memref<112x512xf32, #tpu.memory_space<vmem>>
    %dma_start3A_903 = arith.constant 0 : i32
    %dma_start3A_904 = tpu.memref_slice %arg2[%add3A_894, %dma_start3A_903] : memref<100000x512xf32, #tpu.memory_space<hbm>> -> memref<112x512xf32, #tpu.memory_space<hbm>>
    tpu.enqueue_dma source(%dma_start3A_904 : memref<112x512xf32, #tpu.memory_space<hbm>>) target(%dma_start3A_902 : memref<112x512xf32, #tpu.memory_space<vmem>>) target_semaphore(%arg7 : memref<!tpu.dma_semaphore, #tpu.memory_space<semaphore_mem>>)
    %dma_wait3A_905 = arith.constant 0 : i32
    %dma_wait3A_906 = arith.constant 0 : i32
    %dma_wait3A_907 = tpu.memref_slice %arg4[%dma_wait3A_905, %dma_wait3A_906] : memref<112x512xf32, #tpu.memory_space<vmem>> -> memref<112x512xf32, #tpu.memory_space<vmem>>
    %dma_wait3A_908 = arith.constant 0 : i32
    %dma_wait3A_909 = tpu.memref_slice %arg2[%add3A_850, %dma_wait3A_908] : memref<100000x512xf32, #tpu.memory_space<hbm>> -> memref<112x512xf32, #tpu.memory_space<hbm>>
    %dma_wait3A_910 = arith.constant 0 : i32
    %dma_wait3A_911 = arith.constant 0 : i32
    %dma_wait3A_912 = tpu.memref_slice %arg4[%dma_wait3A_910, %dma_wait3A_911] : memref<112x512xf32, #tpu.memory_space<vmem>> -> memref<112x512xf32, #tpu.memory_space<vmem>>
    %dma_wait3A_913 = arith.constant 0 : i32
    %dma_wait3A_914 = tpu.memref_slice %arg2[%add3A_850, %dma_wait3A_913] : memref<100000x512xf32, #tpu.memory_space<hbm>> -> memref<112x512xf32, #tpu.memory_space<hbm>>
    tpu.wait_dma2 semaphore(%arg6 : memref<!tpu.dma_semaphore, #tpu.memory_space<semaphore_mem>>) src(%dma_wait3A_914 : memref<112x512xf32, #tpu.memory_space<hbm>>) dst(%dma_wait3A_912 : memref<112x512xf32, #tpu.memory_space<vmem>>)
    %add3A_915 = arith.constant 2240 : i32
    %add3A_916 = arith.addi %mul3A_2, %add3A_915 : i32
    %dma_start3A_917 = arith.constant 0 : i32
    %dma_start3A_918 = arith.constant 0 : i32
    %dma_start3A_919 = tpu.memref_slice %arg4[%dma_start3A_917, %dma_start3A_918] : memref<112x512xf32, #tpu.memory_space<vmem>> -> memref<112x512xf32, #tpu.memory_space<vmem>>
    %dma_start3A_920 = arith.constant 0 : i32
    %dma_start3A_921 = tpu.memref_slice %arg3[%add3A_916, %dma_start3A_920] : memref<100000x512xf32, #tpu.memory_space<hbm>> -> memref<112x512xf32, #tpu.memory_space<hbm>>
    %dma_start3A_922 = arith.constant 0 : i32
    %dma_start3A_923 = tpu.memref_slice %arg3[%add3A_916, %dma_start3A_922] : memref<100000x512xf32, #tpu.memory_space<hbm>> -> memref<112x512xf32, #tpu.memory_space<hbm>>
    %dma_start3A_924 = arith.constant 0 : i32
    %dma_start3A_925 = arith.constant 0 : i32
    %dma_start3A_926 = tpu.memref_slice %arg4[%dma_start3A_924, %dma_start3A_925] : memref<112x512xf32, #tpu.memory_space<vmem>> -> memref<112x512xf32, #tpu.memory_space<vmem>>
    tpu.enqueue_dma source(%dma_start3A_926 : memref<112x512xf32, #tpu.memory_space<vmem>>) target(%dma_start3A_923 : memref<112x512xf32, #tpu.memory_space<hbm>>) target_semaphore(%arg8 : memref<!tpu.dma_semaphore, #tpu.memory_space<semaphore_mem>>)
    %dma_wait3A_927 = arith.constant 0 : i32
    %dma_wait3A_928 = arith.constant 0 : i32
    %dma_wait3A_929 = tpu.memref_slice %arg4[%dma_wait3A_927, %dma_wait3A_928] : memref<112x512xf32, #tpu.memory_space<vmem>> -> memref<112x512xf32, #tpu.memory_space<vmem>>
    %dma_wait3A_930 = arith.constant 0 : i32
    %dma_wait3A_931 = tpu.memref_slice %arg3[%add3A_916, %dma_wait3A_930] : memref<100000x512xf32, #tpu.memory_space<hbm>> -> memref<112x512xf32, #tpu.memory_space<hbm>>
    %dma_wait3A_932 = arith.constant 0 : i32
    %dma_wait3A_933 = tpu.memref_slice %arg3[%add3A_916, %dma_wait3A_932] : memref<100000x512xf32, #tpu.memory_space<hbm>> -> memref<112x512xf32, #tpu.memory_space<hbm>>
    %dma_wait3A_934 = arith.constant 0 : i32
    %dma_wait3A_935 = arith.constant 0 : i32
    %dma_wait3A_936 = tpu.memref_slice %arg4[%dma_wait3A_934, %dma_wait3A_935] : memref<112x512xf32, #tpu.memory_space<vmem>> -> memref<112x512xf32, #tpu.memory_space<vmem>>
    tpu.wait_dma2 semaphore(%arg8 : memref<!tpu.dma_semaphore, #tpu.memory_space<semaphore_mem>>) src(%dma_wait3A_936 : memref<112x512xf32, #tpu.memory_space<vmem>>) dst(%dma_wait3A_933 : memref<112x512xf32, #tpu.memory_space<hbm>>)
    %add3A_937 = arith.constant 2464 : i32
    %add3A_938 = arith.addi %mul3A_2, %add3A_937 : i32
    %dma_start3A_939 = arith.constant 0 : i32
    %dma_start3A_940 = arith.constant 0 : i32
    %dma_start3A_941 = tpu.memref_slice %arg4[%dma_start3A_939, %dma_start3A_940] : memref<112x512xf32, #tpu.memory_space<vmem>> -> memref<112x512xf32, #tpu.memory_space<vmem>>
    %dma_start3A_942 = arith.constant 0 : i32
    %dma_start3A_943 = tpu.memref_slice %arg2[%add3A_938, %dma_start3A_942] : memref<100000x512xf32, #tpu.memory_space<hbm>> -> memref<112x512xf32, #tpu.memory_space<hbm>>
    %dma_start3A_944 = arith.constant 0 : i32
    %dma_start3A_945 = arith.constant 0 : i32
    %dma_start3A_946 = tpu.memref_slice %arg4[%dma_start3A_944, %dma_start3A_945] : memref<112x512xf32, #tpu.memory_space<vmem>> -> memref<112x512xf32, #tpu.memory_space<vmem>>
    %dma_start3A_947 = arith.constant 0 : i32
    %dma_start3A_948 = tpu.memref_slice %arg2[%add3A_938, %dma_start3A_947] : memref<100000x512xf32, #tpu.memory_space<hbm>> -> memref<112x512xf32, #tpu.memory_space<hbm>>
    tpu.enqueue_dma source(%dma_start3A_948 : memref<112x512xf32, #tpu.memory_space<hbm>>) target(%dma_start3A_946 : memref<112x512xf32, #tpu.memory_space<vmem>>) target_semaphore(%arg6 : memref<!tpu.dma_semaphore, #tpu.memory_space<semaphore_mem>>)
    %dma_wait3A_949 = arith.constant 0 : i32
    %dma_wait3A_950 = arith.constant 0 : i32
    %dma_wait3A_951 = tpu.memref_slice %arg5[%dma_wait3A_949, %dma_wait3A_950] : memref<112x512xf32, #tpu.memory_space<vmem>> -> memref<112x512xf32, #tpu.memory_space<vmem>>
    %dma_wait3A_952 = arith.constant 0 : i32
    %dma_wait3A_953 = tpu.memref_slice %arg2[%add3A_894, %dma_wait3A_952] : memref<100000x512xf32, #tpu.memory_space<hbm>> -> memref<112x512xf32, #tpu.memory_space<hbm>>
    %dma_wait3A_954 = arith.constant 0 : i32
    %dma_wait3A_955 = arith.constant 0 : i32
    %dma_wait3A_956 = tpu.memref_slice %arg5[%dma_wait3A_954, %dma_wait3A_955] : memref<112x512xf32, #tpu.memory_space<vmem>> -> memref<112x512xf32, #tpu.memory_space<vmem>>
    %dma_wait3A_957 = arith.constant 0 : i32
    %dma_wait3A_958 = tpu.memref_slice %arg2[%add3A_894, %dma_wait3A_957] : memref<100000x512xf32, #tpu.memory_space<hbm>> -> memref<112x512xf32, #tpu.memory_space<hbm>>
    tpu.wait_dma2 semaphore(%arg7 : memref<!tpu.dma_semaphore, #tpu.memory_space<semaphore_mem>>) src(%dma_wait3A_958 : memref<112x512xf32, #tpu.memory_space<hbm>>) dst(%dma_wait3A_956 : memref<112x512xf32, #tpu.memory_space<vmem>>)
    %add3A_959 = arith.constant 2352 : i32
    %add3A_960 = arith.addi %mul3A_2, %add3A_959 : i32
    %dma_start3A_961 = arith.constant 0 : i32
    %dma_start3A_962 = arith.constant 0 : i32
    %dma_start3A_963 = tpu.memref_slice %arg5[%dma_start3A_961, %dma_start3A_962] : memref<112x512xf32, #tpu.memory_space<vmem>> -> memref<112x512xf32, #tpu.memory_space<vmem>>
    %dma_start3A_964 = arith.constant 0 : i32
    %dma_start3A_965 = tpu.memref_slice %arg3[%add3A_960, %dma_start3A_964] : memref<100000x512xf32, #tpu.memory_space<hbm>> -> memref<112x512xf32, #tpu.memory_space<hbm>>
    %dma_start3A_966 = arith.constant 0 : i32
    %dma_start3A_967 = tpu.memref_slice %arg3[%add3A_960, %dma_start3A_966] : memref<100000x512xf32, #tpu.memory_space<hbm>> -> memref<112x512xf32, #tpu.memory_space<hbm>>
    %dma_start3A_968 = arith.constant 0 : i32
    %dma_start3A_969 = arith.constant 0 : i32
    %dma_start3A_970 = tpu.memref_slice %arg5[%dma_start3A_968, %dma_start3A_969] : memref<112x512xf32, #tpu.memory_space<vmem>> -> memref<112x512xf32, #tpu.memory_space<vmem>>
    tpu.enqueue_dma source(%dma_start3A_970 : memref<112x512xf32, #tpu.memory_space<vmem>>) target(%dma_start3A_967 : memref<112x512xf32, #tpu.memory_space<hbm>>) target_semaphore(%arg9 : memref<!tpu.dma_semaphore, #tpu.memory_space<semaphore_mem>>)
    %dma_wait3A_971 = arith.constant 0 : i32
    %dma_wait3A_972 = arith.constant 0 : i32
    %dma_wait3A_973 = tpu.memref_slice %arg5[%dma_wait3A_971, %dma_wait3A_972] : memref<112x512xf32, #tpu.memory_space<vmem>> -> memref<112x512xf32, #tpu.memory_space<vmem>>
    %dma_wait3A_974 = arith.constant 0 : i32
    %dma_wait3A_975 = tpu.memref_slice %arg3[%add3A_960, %dma_wait3A_974] : memref<100000x512xf32, #tpu.memory_space<hbm>> -> memref<112x512xf32, #tpu.memory_space<hbm>>
    %dma_wait3A_976 = arith.constant 0 : i32
    %dma_wait3A_977 = tpu.memref_slice %arg3[%add3A_960, %dma_wait3A_976] : memref<100000x512xf32, #tpu.memory_space<hbm>> -> memref<112x512xf32, #tpu.memory_space<hbm>>
    %dma_wait3A_978 = arith.constant 0 : i32
    %dma_wait3A_979 = arith.constant 0 : i32
    %dma_wait3A_980 = tpu.memref_slice %arg5[%dma_wait3A_978, %dma_wait3A_979] : memref<112x512xf32, #tpu.memory_space<vmem>> -> memref<112x512xf32, #tpu.memory_space<vmem>>
    tpu.wait_dma2 semaphore(%arg9 : memref<!tpu.dma_semaphore, #tpu.memory_space<semaphore_mem>>) src(%dma_wait3A_980 : memref<112x512xf32, #tpu.memory_space<vmem>>) dst(%dma_wait3A_977 : memref<112x512xf32, #tpu.memory_space<hbm>>)
    %add3A_981 = arith.constant 2576 : i32
    %add3A_982 = arith.addi %mul3A_2, %add3A_981 : i32
    %dma_start3A_983 = arith.constant 0 : i32
    %dma_start3A_984 = arith.constant 0 : i32
    %dma_start3A_985 = tpu.memref_slice %arg5[%dma_start3A_983, %dma_start3A_984] : memref<112x512xf32, #tpu.memory_space<vmem>> -> memref<112x512xf32, #tpu.memory_space<vmem>>
    %dma_start3A_986 = arith.constant 0 : i32
    %dma_start3A_987 = tpu.memref_slice %arg2[%add3A_982, %dma_start3A_986] : memref<100000x512xf32, #tpu.memory_space<hbm>> -> memref<112x512xf32, #tpu.memory_space<hbm>>
    %dma_start3A_988 = arith.constant 0 : i32
    %dma_start3A_989 = arith.constant 0 : i32
    %dma_start3A_990 = tpu.memref_slice %arg5[%dma_start3A_988, %dma_start3A_989] : memref<112x512xf32, #tpu.memory_space<vmem>> -> memref<112x512xf32, #tpu.memory_space<vmem>>
    %dma_start3A_991 = arith.constant 0 : i32
    %dma_start3A_992 = tpu.memref_slice %arg2[%add3A_982, %dma_start3A_991] : memref<100000x512xf32, #tpu.memory_space<hbm>> -> memref<112x512xf32, #tpu.memory_space<hbm>>
    tpu.enqueue_dma source(%dma_start3A_992 : memref<112x512xf32, #tpu.memory_space<hbm>>) target(%dma_start3A_990 : memref<112x512xf32, #tpu.memory_space<vmem>>) target_semaphore(%arg7 : memref<!tpu.dma_semaphore, #tpu.memory_space<semaphore_mem>>)
    %dma_wait3A_993 = arith.constant 0 : i32
    %dma_wait3A_994 = arith.constant 0 : i32
    %dma_wait3A_995 = tpu.memref_slice %arg4[%dma_wait3A_993, %dma_wait3A_994] : memref<112x512xf32, #tpu.memory_space<vmem>> -> memref<112x512xf32, #tpu.memory_space<vmem>>
    %dma_wait3A_996 = arith.constant 0 : i32
    %dma_wait3A_997 = tpu.memref_slice %arg2[%add3A_938, %dma_wait3A_996] : memref<100000x512xf32, #tpu.memory_space<hbm>> -> memref<112x512xf32, #tpu.memory_space<hbm>>
    %dma_wait3A_998 = arith.constant 0 : i32
    %dma_wait3A_999 = arith.constant 0 : i32
    %dma_wait3A_1000 = tpu.memref_slice %arg4[%dma_wait3A_998, %dma_wait3A_999] : memref<112x512xf32, #tpu.memory_space<vmem>> -> memref<112x512xf32, #tpu.memory_space<vmem>>
    %dma_wait3A_1001 = arith.constant 0 : i32
    %dma_wait3A_1002 = tpu.memref_slice %arg2[%add3A_938, %dma_wait3A_1001] : memref<100000x512xf32, #tpu.memory_space<hbm>> -> memref<112x512xf32, #tpu.memory_space<hbm>>
    tpu.wait_dma2 semaphore(%arg6 : memref<!tpu.dma_semaphore, #tpu.memory_space<semaphore_mem>>) src(%dma_wait3A_1002 : memref<112x512xf32, #tpu.memory_space<hbm>>) dst(%dma_wait3A_1000 : memref<112x512xf32, #tpu.memory_space<vmem>>)
    %add3A_1003 = arith.constant 2464 : i32
    %add3A_1004 = arith.addi %mul3A_2, %add3A_1003 : i32
    %dma_start3A_1005 = arith.constant 0 : i32
    %dma_start3A_1006 = arith.constant 0 : i32
    %dma_start3A_1007 = tpu.memref_slice %arg4[%dma_start3A_1005, %dma_start3A_1006] : memref<112x512xf32, #tpu.memory_space<vmem>> -> memref<112x512xf32, #tpu.memory_space<vmem>>
    %dma_start3A_1008 = arith.constant 0 : i32
    %dma_start3A_1009 = tpu.memref_slice %arg3[%add3A_1004, %dma_start3A_1008] : memref<100000x512xf32, #tpu.memory_space<hbm>> -> memref<112x512xf32, #tpu.memory_space<hbm>>
    %dma_start3A_1010 = arith.constant 0 : i32
    %dma_start3A_1011 = tpu.memref_slice %arg3[%add3A_1004, %dma_start3A_1010] : memref<100000x512xf32, #tpu.memory_space<hbm>> -> memref<112x512xf32, #tpu.memory_space<hbm>>
    %dma_start3A_1012 = arith.constant 0 : i32
    %dma_start3A_1013 = arith.constant 0 : i32
    %dma_start3A_1014 = tpu.memref_slice %arg4[%dma_start3A_1012, %dma_start3A_1013] : memref<112x512xf32, #tpu.memory_space<vmem>> -> memref<112x512xf32, #tpu.memory_space<vmem>>
    tpu.enqueue_dma source(%dma_start3A_1014 : memref<112x512xf32, #tpu.memory_space<vmem>>) target(%dma_start3A_1011 : memref<112x512xf32, #tpu.memory_space<hbm>>) target_semaphore(%arg8 : memref<!tpu.dma_semaphore, #tpu.memory_space<semaphore_mem>>)
    %dma_wait3A_1015 = arith.constant 0 : i32
    %dma_wait3A_1016 = arith.constant 0 : i32
    %dma_wait3A_1017 = tpu.memref_slice %arg4[%dma_wait3A_1015, %dma_wait3A_1016] : memref<112x512xf32, #tpu.memory_space<vmem>> -> memref<112x512xf32, #tpu.memory_space<vmem>>
    %dma_wait3A_1018 = arith.constant 0 : i32
    %dma_wait3A_1019 = tpu.memref_slice %arg3[%add3A_1004, %dma_wait3A_1018] : memref<100000x512xf32, #tpu.memory_space<hbm>> -> memref<112x512xf32, #tpu.memory_space<hbm>>
    %dma_wait3A_1020 = arith.constant 0 : i32
    %dma_wait3A_1021 = tpu.memref_slice %arg3[%add3A_1004, %dma_wait3A_1020] : memref<100000x512xf32, #tpu.memory_space<hbm>> -> memref<112x512xf32, #tpu.memory_space<hbm>>
    %dma_wait3A_1022 = arith.constant 0 : i32
    %dma_wait3A_1023 = arith.constant 0 : i32
    %dma_wait3A_1024 = tpu.memref_slice %arg4[%dma_wait3A_1022, %dma_wait3A_1023] : memref<112x512xf32, #tpu.memory_space<vmem>> -> memref<112x512xf32, #tpu.memory_space<vmem>>
    tpu.wait_dma2 semaphore(%arg8 : memref<!tpu.dma_semaphore, #tpu.memory_space<semaphore_mem>>) src(%dma_wait3A_1024 : memref<112x512xf32, #tpu.memory_space<vmem>>) dst(%dma_wait3A_1021 : memref<112x512xf32, #tpu.memory_space<hbm>>)
    %add3A_1025 = arith.constant 2688 : i32
    %add3A_1026 = arith.addi %mul3A_2, %add3A_1025 : i32
    %dma_start3A_1027 = arith.constant 0 : i32
    %dma_start3A_1028 = arith.constant 0 : i32
    %dma_start3A_1029 = tpu.memref_slice %arg4[%dma_start3A_1027, %dma_start3A_1028] : memref<112x512xf32, #tpu.memory_space<vmem>> -> memref<112x512xf32, #tpu.memory_space<vmem>>
    %dma_start3A_1030 = arith.constant 0 : i32
    %dma_start3A_1031 = tpu.memref_slice %arg2[%add3A_1026, %dma_start3A_1030] : memref<100000x512xf32, #tpu.memory_space<hbm>> -> memref<112x512xf32, #tpu.memory_space<hbm>>
    %dma_start3A_1032 = arith.constant 0 : i32
    %dma_start3A_1033 = arith.constant 0 : i32
    %dma_start3A_1034 = tpu.memref_slice %arg4[%dma_start3A_1032, %dma_start3A_1033] : memref<112x512xf32, #tpu.memory_space<vmem>> -> memref<112x512xf32, #tpu.memory_space<vmem>>
    %dma_start3A_1035 = arith.constant 0 : i32
    %dma_start3A_1036 = tpu.memref_slice %arg2[%add3A_1026, %dma_start3A_1035] : memref<100000x512xf32, #tpu.memory_space<hbm>> -> memref<112x512xf32, #tpu.memory_space<hbm>>
    tpu.enqueue_dma source(%dma_start3A_1036 : memref<112x512xf32, #tpu.memory_space<hbm>>) target(%dma_start3A_1034 : memref<112x512xf32, #tpu.memory_space<vmem>>) target_semaphore(%arg6 : memref<!tpu.dma_semaphore, #tpu.memory_space<semaphore_mem>>)
    %dma_wait3A_1037 = arith.constant 0 : i32
    %dma_wait3A_1038 = arith.constant 0 : i32
    %dma_wait3A_1039 = tpu.memref_slice %arg5[%dma_wait3A_1037, %dma_wait3A_1038] : memref<112x512xf32, #tpu.memory_space<vmem>> -> memref<112x512xf32, #tpu.memory_space<vmem>>
    %dma_wait3A_1040 = arith.constant 0 : i32
    %dma_wait3A_1041 = tpu.memref_slice %arg2[%add3A_982, %dma_wait3A_1040] : memref<100000x512xf32, #tpu.memory_space<hbm>> -> memref<112x512xf32, #tpu.memory_space<hbm>>
    %dma_wait3A_1042 = arith.constant 0 : i32
    %dma_wait3A_1043 = arith.constant 0 : i32
    %dma_wait3A_1044 = tpu.memref_slice %arg5[%dma_wait3A_1042, %dma_wait3A_1043] : memref<112x512xf32, #tpu.memory_space<vmem>> -> memref<112x512xf32, #tpu.memory_space<vmem>>
    %dma_wait3A_1045 = arith.constant 0 : i32
    %dma_wait3A_1046 = tpu.memref_slice %arg2[%add3A_982, %dma_wait3A_1045] : memref<100000x512xf32, #tpu.memory_space<hbm>> -> memref<112x512xf32, #tpu.memory_space<hbm>>
    tpu.wait_dma2 semaphore(%arg7 : memref<!tpu.dma_semaphore, #tpu.memory_space<semaphore_mem>>) src(%dma_wait3A_1046 : memref<112x512xf32, #tpu.memory_space<hbm>>) dst(%dma_wait3A_1044 : memref<112x512xf32, #tpu.memory_space<vmem>>)
    %add3A_1047 = arith.constant 2576 : i32
    %add3A_1048 = arith.addi %mul3A_2, %add3A_1047 : i32
    %dma_start3A_1049 = arith.constant 0 : i32
    %dma_start3A_1050 = arith.constant 0 : i32
    %dma_start3A_1051 = tpu.memref_slice %arg5[%dma_start3A_1049, %dma_start3A_1050] : memref<112x512xf32, #tpu.memory_space<vmem>> -> memref<112x512xf32, #tpu.memory_space<vmem>>
    %dma_start3A_1052 = arith.constant 0 : i32
    %dma_start3A_1053 = tpu.memref_slice %arg3[%add3A_1048, %dma_start3A_1052] : memref<100000x512xf32, #tpu.memory_space<hbm>> -> memref<112x512xf32, #tpu.memory_space<hbm>>
    %dma_start3A_1054 = arith.constant 0 : i32
    %dma_start3A_1055 = tpu.memref_slice %arg3[%add3A_1048, %dma_start3A_1054] : memref<100000x512xf32, #tpu.memory_space<hbm>> -> memref<112x512xf32, #tpu.memory_space<hbm>>
    %dma_start3A_1056 = arith.constant 0 : i32
    %dma_start3A_1057 = arith.constant 0 : i32
    %dma_start3A_1058 = tpu.memref_slice %arg5[%dma_start3A_1056, %dma_start3A_1057] : memref<112x512xf32, #tpu.memory_space<vmem>> -> memref<112x512xf32, #tpu.memory_space<vmem>>
    tpu.enqueue_dma source(%dma_start3A_1058 : memref<112x512xf32, #tpu.memory_space<vmem>>) target(%dma_start3A_1055 : memref<112x512xf32, #tpu.memory_space<hbm>>) target_semaphore(%arg9 : memref<!tpu.dma_semaphore, #tpu.memory_space<semaphore_mem>>)
    %dma_wait3A_1059 = arith.constant 0 : i32
    %dma_wait3A_1060 = arith.constant 0 : i32
    %dma_wait3A_1061 = tpu.memref_slice %arg5[%dma_wait3A_1059, %dma_wait3A_1060] : memref<112x512xf32, #tpu.memory_space<vmem>> -> memref<112x512xf32, #tpu.memory_space<vmem>>
    %dma_wait3A_1062 = arith.constant 0 : i32
    %dma_wait3A_1063 = tpu.memref_slice %arg3[%add3A_1048, %dma_wait3A_1062] : memref<100000x512xf32, #tpu.memory_space<hbm>> -> memref<112x512xf32, #tpu.memory_space<hbm>>
    %dma_wait3A_1064 = arith.constant 0 : i32
    %dma_wait3A_1065 = tpu.memref_slice %arg3[%add3A_1048, %dma_wait3A_1064] : memref<100000x512xf32, #tpu.memory_space<hbm>> -> memref<112x512xf32, #tpu.memory_space<hbm>>
    %dma_wait3A_1066 = arith.constant 0 : i32
    %dma_wait3A_1067 = arith.constant 0 : i32
    %dma_wait3A_1068 = tpu.memref_slice %arg5[%dma_wait3A_1066, %dma_wait3A_1067] : memref<112x512xf32, #tpu.memory_space<vmem>> -> memref<112x512xf32, #tpu.memory_space<vmem>>
    tpu.wait_dma2 semaphore(%arg9 : memref<!tpu.dma_semaphore, #tpu.memory_space<semaphore_mem>>) src(%dma_wait3A_1068 : memref<112x512xf32, #tpu.memory_space<vmem>>) dst(%dma_wait3A_1065 : memref<112x512xf32, #tpu.memory_space<hbm>>)
    %add3A_1069 = arith.constant 2800 : i32
    %add3A_1070 = arith.addi %mul3A_2, %add3A_1069 : i32
    %dma_start3A_1071 = arith.constant 0 : i32
    %dma_start3A_1072 = arith.constant 0 : i32
    %dma_start3A_1073 = tpu.memref_slice %arg5[%dma_start3A_1071, %dma_start3A_1072] : memref<112x512xf32, #tpu.memory_space<vmem>> -> memref<112x512xf32, #tpu.memory_space<vmem>>
    %dma_start3A_1074 = arith.constant 0 : i32
    %dma_start3A_1075 = tpu.memref_slice %arg2[%add3A_1070, %dma_start3A_1074] : memref<100000x512xf32, #tpu.memory_space<hbm>> -> memref<112x512xf32, #tpu.memory_space<hbm>>
    %dma_start3A_1076 = arith.constant 0 : i32
    %dma_start3A_1077 = arith.constant 0 : i32
    %dma_start3A_1078 = tpu.memref_slice %arg5[%dma_start3A_1076, %dma_start3A_1077] : memref<112x512xf32, #tpu.memory_space<vmem>> -> memref<112x512xf32, #tpu.memory_space<vmem>>
    %dma_start3A_1079 = arith.constant 0 : i32
    %dma_start3A_1080 = tpu.memref_slice %arg2[%add3A_1070, %dma_start3A_1079] : memref<100000x512xf32, #tpu.memory_space<hbm>> -> memref<112x512xf32, #tpu.memory_space<hbm>>
    tpu.enqueue_dma source(%dma_start3A_1080 : memref<112x512xf32, #tpu.memory_space<hbm>>) target(%dma_start3A_1078 : memref<112x512xf32, #tpu.memory_space<vmem>>) target_semaphore(%arg7 : memref<!tpu.dma_semaphore, #tpu.memory_space<semaphore_mem>>)
    %dma_wait3A_1081 = arith.constant 0 : i32
    %dma_wait3A_1082 = arith.constant 0 : i32
    %dma_wait3A_1083 = tpu.memref_slice %arg4[%dma_wait3A_1081, %dma_wait3A_1082] : memref<112x512xf32, #tpu.memory_space<vmem>> -> memref<112x512xf32, #tpu.memory_space<vmem>>
    %dma_wait3A_1084 = arith.constant 0 : i32
    %dma_wait3A_1085 = tpu.memref_slice %arg2[%add3A_1026, %dma_wait3A_1084] : memref<100000x512xf32, #tpu.memory_space<hbm>> -> memref<112x512xf32, #tpu.memory_space<hbm>>
    %dma_wait3A_1086 = arith.constant 0 : i32
    %dma_wait3A_1087 = arith.constant 0 : i32
    %dma_wait3A_1088 = tpu.memref_slice %arg4[%dma_wait3A_1086, %dma_wait3A_1087] : memref<112x512xf32, #tpu.memory_space<vmem>> -> memref<112x512xf32, #tpu.memory_space<vmem>>
    %dma_wait3A_1089 = arith.constant 0 : i32
    %dma_wait3A_1090 = tpu.memref_slice %arg2[%add3A_1026, %dma_wait3A_1089] : memref<100000x512xf32, #tpu.memory_space<hbm>> -> memref<112x512xf32, #tpu.memory_space<hbm>>
    tpu.wait_dma2 semaphore(%arg6 : memref<!tpu.dma_semaphore, #tpu.memory_space<semaphore_mem>>) src(%dma_wait3A_1090 : memref<112x512xf32, #tpu.memory_space<hbm>>) dst(%dma_wait3A_1088 : memref<112x512xf32, #tpu.memory_space<vmem>>)
    %add3A_1091 = arith.constant 2688 : i32
    %add3A_1092 = arith.addi %mul3A_2, %add3A_1091 : i32
    %dma_start3A_1093 = arith.constant 0 : i32
    %dma_start3A_1094 = arith.constant 0 : i32
    %dma_start3A_1095 = tpu.memref_slice %arg4[%dma_start3A_1093, %dma_start3A_1094] : memref<112x512xf32, #tpu.memory_space<vmem>> -> memref<112x512xf32, #tpu.memory_space<vmem>>
    %dma_start3A_1096 = arith.constant 0 : i32
    %dma_start3A_1097 = tpu.memref_slice %arg3[%add3A_1092, %dma_start3A_1096] : memref<100000x512xf32, #tpu.memory_space<hbm>> -> memref<112x512xf32, #tpu.memory_space<hbm>>
    %dma_start3A_1098 = arith.constant 0 : i32
    %dma_start3A_1099 = tpu.memref_slice %arg3[%add3A_1092, %dma_start3A_1098] : memref<100000x512xf32, #tpu.memory_space<hbm>> -> memref<112x512xf32, #tpu.memory_space<hbm>>
    %dma_start3A_1100 = arith.constant 0 : i32
    %dma_start3A_1101 = arith.constant 0 : i32
    %dma_start3A_1102 = tpu.memref_slice %arg4[%dma_start3A_1100, %dma_start3A_1101] : memref<112x512xf32, #tpu.memory_space<vmem>> -> memref<112x512xf32, #tpu.memory_space<vmem>>
    tpu.enqueue_dma source(%dma_start3A_1102 : memref<112x512xf32, #tpu.memory_space<vmem>>) target(%dma_start3A_1099 : memref<112x512xf32, #tpu.memory_space<hbm>>) target_semaphore(%arg8 : memref<!tpu.dma_semaphore, #tpu.memory_space<semaphore_mem>>)
    %dma_wait3A_1103 = arith.constant 0 : i32
    %dma_wait3A_1104 = arith.constant 0 : i32
    %dma_wait3A_1105 = tpu.memref_slice %arg4[%dma_wait3A_1103, %dma_wait3A_1104] : memref<112x512xf32, #tpu.memory_space<vmem>> -> memref<112x512xf32, #tpu.memory_space<vmem>>
    %dma_wait3A_1106 = arith.constant 0 : i32
    %dma_wait3A_1107 = tpu.memref_slice %arg3[%add3A_1092, %dma_wait3A_1106] : memref<100000x512xf32, #tpu.memory_space<hbm>> -> memref<112x512xf32, #tpu.memory_space<hbm>>
    %dma_wait3A_1108 = arith.constant 0 : i32
    %dma_wait3A_1109 = tpu.memref_slice %arg3[%add3A_1092, %dma_wait3A_1108] : memref<100000x512xf32, #tpu.memory_space<hbm>> -> memref<112x512xf32, #tpu.memory_space<hbm>>
    %dma_wait3A_1110 = arith.constant 0 : i32
    %dma_wait3A_1111 = arith.constant 0 : i32
    %dma_wait3A_1112 = tpu.memref_slice %arg4[%dma_wait3A_1110, %dma_wait3A_1111] : memref<112x512xf32, #tpu.memory_space<vmem>> -> memref<112x512xf32, #tpu.memory_space<vmem>>
    tpu.wait_dma2 semaphore(%arg8 : memref<!tpu.dma_semaphore, #tpu.memory_space<semaphore_mem>>) src(%dma_wait3A_1112 : memref<112x512xf32, #tpu.memory_space<vmem>>) dst(%dma_wait3A_1109 : memref<112x512xf32, #tpu.memory_space<hbm>>)
    %add3A_1113 = arith.constant 2912 : i32
    %add3A_1114 = arith.addi %mul3A_2, %add3A_1113 : i32
    %dma_start3A_1115 = arith.constant 0 : i32
    %dma_start3A_1116 = arith.constant 0 : i32
    %dma_start3A_1117 = tpu.memref_slice %arg4[%dma_start3A_1115, %dma_start3A_1116] : memref<112x512xf32, #tpu.memory_space<vmem>> -> memref<112x512xf32, #tpu.memory_space<vmem>>
    %dma_start3A_1118 = arith.constant 0 : i32
    %dma_start3A_1119 = tpu.memref_slice %arg2[%add3A_1114, %dma_start3A_1118] : memref<100000x512xf32, #tpu.memory_space<hbm>> -> memref<112x512xf32, #tpu.memory_space<hbm>>
    %dma_start3A_1120 = arith.constant 0 : i32
    %dma_start3A_1121 = arith.constant 0 : i32
    %dma_start3A_1122 = tpu.memref_slice %arg4[%dma_start3A_1120, %dma_start3A_1121] : memref<112x512xf32, #tpu.memory_space<vmem>> -> memref<112x512xf32, #tpu.memory_space<vmem>>
    %dma_start3A_1123 = arith.constant 0 : i32
    %dma_start3A_1124 = tpu.memref_slice %arg2[%add3A_1114, %dma_start3A_1123] : memref<100000x512xf32, #tpu.memory_space<hbm>> -> memref<112x512xf32, #tpu.memory_space<hbm>>
    tpu.enqueue_dma source(%dma_start3A_1124 : memref<112x512xf32, #tpu.memory_space<hbm>>) target(%dma_start3A_1122 : memref<112x512xf32, #tpu.memory_space<vmem>>) target_semaphore(%arg6 : memref<!tpu.dma_semaphore, #tpu.memory_space<semaphore_mem>>)
    %dma_wait3A_1125 = arith.constant 0 : i32
    %dma_wait3A_1126 = arith.constant 0 : i32
    %dma_wait3A_1127 = tpu.memref_slice %arg5[%dma_wait3A_1125, %dma_wait3A_1126] : memref<112x512xf32, #tpu.memory_space<vmem>> -> memref<112x512xf32, #tpu.memory_space<vmem>>
    %dma_wait3A_1128 = arith.constant 0 : i32
    %dma_wait3A_1129 = tpu.memref_slice %arg2[%add3A_1070, %dma_wait3A_1128] : memref<100000x512xf32, #tpu.memory_space<hbm>> -> memref<112x512xf32, #tpu.memory_space<hbm>>
    %dma_wait3A_1130 = arith.constant 0 : i32
    %dma_wait3A_1131 = arith.constant 0 : i32
    %dma_wait3A_1132 = tpu.memref_slice %arg5[%dma_wait3A_1130, %dma_wait3A_1131] : memref<112x512xf32, #tpu.memory_space<vmem>> -> memref<112x512xf32, #tpu.memory_space<vmem>>
    %dma_wait3A_1133 = arith.constant 0 : i32
    %dma_wait3A_1134 = tpu.memref_slice %arg2[%add3A_1070, %dma_wait3A_1133] : memref<100000x512xf32, #tpu.memory_space<hbm>> -> memref<112x512xf32, #tpu.memory_space<hbm>>
    tpu.wait_dma2 semaphore(%arg7 : memref<!tpu.dma_semaphore, #tpu.memory_space<semaphore_mem>>) src(%dma_wait3A_1134 : memref<112x512xf32, #tpu.memory_space<hbm>>) dst(%dma_wait3A_1132 : memref<112x512xf32, #tpu.memory_space<vmem>>)
    %add3A_1135 = arith.constant 2800 : i32
    %add3A_1136 = arith.addi %mul3A_2, %add3A_1135 : i32
    %dma_start3A_1137 = arith.constant 0 : i32
    %dma_start3A_1138 = arith.constant 0 : i32
    %dma_start3A_1139 = tpu.memref_slice %arg5[%dma_start3A_1137, %dma_start3A_1138] : memref<112x512xf32, #tpu.memory_space<vmem>> -> memref<112x512xf32, #tpu.memory_space<vmem>>
    %dma_start3A_1140 = arith.constant 0 : i32
    %dma_start3A_1141 = tpu.memref_slice %arg3[%add3A_1136, %dma_start3A_1140] : memref<100000x512xf32, #tpu.memory_space<hbm>> -> memref<112x512xf32, #tpu.memory_space<hbm>>
    %dma_start3A_1142 = arith.constant 0 : i32
    %dma_start3A_1143 = tpu.memref_slice %arg3[%add3A_1136, %dma_start3A_1142] : memref<100000x512xf32, #tpu.memory_space<hbm>> -> memref<112x512xf32, #tpu.memory_space<hbm>>
    %dma_start3A_1144 = arith.constant 0 : i32
    %dma_start3A_1145 = arith.constant 0 : i32
    %dma_start3A_1146 = tpu.memref_slice %arg5[%dma_start3A_1144, %dma_start3A_1145] : memref<112x512xf32, #tpu.memory_space<vmem>> -> memref<112x512xf32, #tpu.memory_space<vmem>>
    tpu.enqueue_dma source(%dma_start3A_1146 : memref<112x512xf32, #tpu.memory_space<vmem>>) target(%dma_start3A_1143 : memref<112x512xf32, #tpu.memory_space<hbm>>) target_semaphore(%arg9 : memref<!tpu.dma_semaphore, #tpu.memory_space<semaphore_mem>>)
    %dma_wait3A_1147 = arith.constant 0 : i32
    %dma_wait3A_1148 = arith.constant 0 : i32
    %dma_wait3A_1149 = tpu.memref_slice %arg4[%dma_wait3A_1147, %dma_wait3A_1148] : memref<112x512xf32, #tpu.memory_space<vmem>> -> memref<112x512xf32, #tpu.memory_space<vmem>>
    %dma_wait3A_1150 = arith.constant 0 : i32
    %dma_wait3A_1151 = tpu.memref_slice %arg2[%add3A_1114, %dma_wait3A_1150] : memref<100000x512xf32, #tpu.memory_space<hbm>> -> memref<112x512xf32, #tpu.memory_space<hbm>>
    %dma_wait3A_1152 = arith.constant 0 : i32
    %dma_wait3A_1153 = arith.constant 0 : i32
    %dma_wait3A_1154 = tpu.memref_slice %arg4[%dma_wait3A_1152, %dma_wait3A_1153] : memref<112x512xf32, #tpu.memory_space<vmem>> -> memref<112x512xf32, #tpu.memory_space<vmem>>
    %dma_wait3A_1155 = arith.constant 0 : i32
    %dma_wait3A_1156 = tpu.memref_slice %arg2[%add3A_1114, %dma_wait3A_1155] : memref<100000x512xf32, #tpu.memory_space<hbm>> -> memref<112x512xf32, #tpu.memory_space<hbm>>
    tpu.wait_dma2 semaphore(%arg6 : memref<!tpu.dma_semaphore, #tpu.memory_space<semaphore_mem>>) src(%dma_wait3A_1156 : memref<112x512xf32, #tpu.memory_space<hbm>>) dst(%dma_wait3A_1154 : memref<112x512xf32, #tpu.memory_space<vmem>>)
    %add3A_1157 = arith.constant 2912 : i32
    %add3A_1158 = arith.addi %mul3A_2, %add3A_1157 : i32
    %dma_start3A_1159 = arith.constant 0 : i32
    %dma_start3A_1160 = arith.constant 0 : i32
    %dma_start3A_1161 = tpu.memref_slice %arg4[%dma_start3A_1159, %dma_start3A_1160] : memref<112x512xf32, #tpu.memory_space<vmem>> -> memref<112x512xf32, #tpu.memory_space<vmem>>
    %dma_start3A_1162 = arith.constant 0 : i32
    %dma_start3A_1163 = tpu.memref_slice %arg3[%add3A_1158, %dma_start3A_1162] : memref<100000x512xf32, #tpu.memory_space<hbm>> -> memref<112x512xf32, #tpu.memory_space<hbm>>
    %dma_start3A_1164 = arith.constant 0 : i32
    %dma_start3A_1165 = tpu.memref_slice %arg3[%add3A_1158, %dma_start3A_1164] : memref<100000x512xf32, #tpu.memory_space<hbm>> -> memref<112x512xf32, #tpu.memory_space<hbm>>
    %dma_start3A_1166 = arith.constant 0 : i32
    %dma_start3A_1167 = arith.constant 0 : i32
    %dma_start3A_1168 = tpu.memref_slice %arg4[%dma_start3A_1166, %dma_start3A_1167] : memref<112x512xf32, #tpu.memory_space<vmem>> -> memref<112x512xf32, #tpu.memory_space<vmem>>
    tpu.enqueue_dma source(%dma_start3A_1168 : memref<112x512xf32, #tpu.memory_space<vmem>>) target(%dma_start3A_1165 : memref<112x512xf32, #tpu.memory_space<hbm>>) target_semaphore(%arg8 : memref<!tpu.dma_semaphore, #tpu.memory_space<semaphore_mem>>)
    %dma_wait3A_1169 = arith.constant 0 : i32
    %dma_wait3A_1170 = arith.constant 0 : i32
    %dma_wait3A_1171 = tpu.memref_slice %arg5[%dma_wait3A_1169, %dma_wait3A_1170] : memref<112x512xf32, #tpu.memory_space<vmem>> -> memref<112x512xf32, #tpu.memory_space<vmem>>
    %dma_wait3A_1172 = arith.constant 0 : i32
    %dma_wait3A_1173 = tpu.memref_slice %arg3[%add3A_1136, %dma_wait3A_1172] : memref<100000x512xf32, #tpu.memory_space<hbm>> -> memref<112x512xf32, #tpu.memory_space<hbm>>
    %dma_wait3A_1174 = arith.constant 0 : i32
    %dma_wait3A_1175 = tpu.memref_slice %arg3[%add3A_1136, %dma_wait3A_1174] : memref<100000x512xf32, #tpu.memory_space<hbm>> -> memref<112x512xf32, #tpu.memory_space<hbm>>
    %dma_wait3A_1176 = arith.constant 0 : i32
    %dma_wait3A_1177 = arith.constant 0 : i32
    %dma_wait3A_1178 = tpu.memref_slice %arg5[%dma_wait3A_1176, %dma_wait3A_1177] : memref<112x512xf32, #tpu.memory_space<vmem>> -> memref<112x512xf32, #tpu.memory_space<vmem>>
    tpu.wait_dma2 semaphore(%arg9 : memref<!tpu.dma_semaphore, #tpu.memory_space<semaphore_mem>>) src(%dma_wait3A_1178 : memref<112x512xf32, #tpu.memory_space<vmem>>) dst(%dma_wait3A_1175 : memref<112x512xf32, #tpu.memory_space<hbm>>)
    %dma_wait3A_1179 = arith.constant 0 : i32
    %dma_wait3A_1180 = arith.constant 0 : i32
    %dma_wait3A_1181 = tpu.memref_slice %arg4[%dma_wait3A_1179, %dma_wait3A_1180] : memref<112x512xf32, #tpu.memory_space<vmem>> -> memref<112x512xf32, #tpu.memory_space<vmem>>
    %dma_wait3A_1182 = arith.constant 0 : i32
    %dma_wait3A_1183 = tpu.memref_slice %arg3[%add3A_1158, %dma_wait3A_1182] : memref<100000x512xf32, #tpu.memory_space<hbm>> -> memref<112x512xf32, #tpu.memory_space<hbm>>
    %dma_wait3A_1184 = arith.constant 0 : i32
    %dma_wait3A_1185 = tpu.memref_slice %arg3[%add3A_1158, %dma_wait3A_1184] : memref<100000x512xf32, #tpu.memory_space<hbm>> -> memref<112x512xf32, #tpu.memory_space<hbm>>
    %dma_wait3A_1186 = arith.constant 0 : i32
    %dma_wait3A_1187 = arith.constant 0 : i32
    %dma_wait3A_1188 = tpu.memref_slice %arg4[%dma_wait3A_1186, %dma_wait3A_1187] : memref<112x512xf32, #tpu.memory_space<vmem>> -> memref<112x512xf32, #tpu.memory_space<vmem>>
    tpu.wait_dma2 semaphore(%arg8 : memref<!tpu.dma_semaphore, #tpu.memory_space<semaphore_mem>>) src(%dma_wait3A_1188 : memref<112x512xf32, #tpu.memory_space<vmem>>) dst(%dma_wait3A_1185 : memref<112x512xf32, #tpu.memory_space<hbm>>)
    %add3A_1189 = arith.constant 3024 : i32
    %add3A_1190 = arith.addi %mul3A_2, %add3A_1189 : i32
    "tpu.region"() ({
      %run_scoped3A = tpu.sem_alloc : memref<!tpu.dma_semaphore, #tpu.memory_space<semaphore_mem>>
      %dma_start3A_1193 = arith.constant 0 : i32
      %dma_start3A_1194 = arith.constant 0 : i32
      %dma_start3A_1195 = tpu.memref_slice %arg4[%dma_start3A_1193, %dma_start3A_1194] : memref<112x512xf32, #tpu.memory_space<vmem>> -> memref<8x512xf32, #tpu.memory_space<vmem>>
      %dma_start3A_1196 = arith.constant 0 : i32
      %dma_start3A_1197 = tpu.memref_slice %arg2[%add3A_1190, %dma_start3A_1196] : memref<100000x512xf32, #tpu.memory_space<hbm>> -> memref<8x512xf32, #tpu.memory_space<hbm>>
      %dma_start3A_1198 = arith.constant 0 : i32
      %dma_start3A_1199 = arith.constant 0 : i32
      %dma_start3A_1200 = tpu.memref_slice %arg4[%dma_start3A_1198, %dma_start3A_1199] : memref<112x512xf32, #tpu.memory_space<vmem>> -> memref<8x512xf32, #tpu.memory_space<vmem>>
      %dma_start3A_1201 = arith.constant 0 : i32
      %dma_start3A_1202 = tpu.memref_slice %arg2[%add3A_1190, %dma_start3A_1201] : memref<100000x512xf32, #tpu.memory_space<hbm>> -> memref<8x512xf32, #tpu.memory_space<hbm>>
      tpu.enqueue_dma source(%dma_start3A_1202 : memref<8x512xf32, #tpu.memory_space<hbm>>) target(%dma_start3A_1200 : memref<8x512xf32, #tpu.memory_space<vmem>>) target_semaphore(%run_scoped3A : memref<!tpu.dma_semaphore, #tpu.memory_space<semaphore_mem>>)
      %dma_wait3A_1203 = arith.constant 0 : i32
      %dma_wait3A_1204 = arith.constant 0 : i32
      %dma_wait3A_1205 = tpu.memref_slice %arg4[%dma_wait3A_1203, %dma_wait3A_1204] : memref<112x512xf32, #tpu.memory_space<vmem>> -> memref<8x512xf32, #tpu.memory_space<vmem>>
      %dma_wait3A_1206 = arith.constant 0 : i32
      %dma_wait3A_1207 = tpu.memref_slice %arg2[%add3A_1190, %dma_wait3A_1206] : memref<100000x512xf32, #tpu.memory_space<hbm>> -> memref<8x512xf32, #tpu.memory_space<hbm>>
      %dma_wait3A_1208 = arith.constant 0 : i32
      %dma_wait3A_1209 = arith.constant 0 : i32
      %dma_wait3A_1210 = tpu.memref_slice %arg4[%dma_wait3A_1208, %dma_wait3A_1209] : memref<112x512xf32, #tpu.memory_space<vmem>> -> memref<8x512xf32, #tpu.memory_space<vmem>>
      %dma_wait3A_1211 = arith.constant 0 : i32
      %dma_wait3A_1212 = tpu.memref_slice %arg2[%add3A_1190, %dma_wait3A_1211] : memref<100000x512xf32, #tpu.memory_space<hbm>> -> memref<8x512xf32, #tpu.memory_space<hbm>>
      tpu.wait_dma2 semaphore(%run_scoped3A : memref<!tpu.dma_semaphore, #tpu.memory_space<semaphore_mem>>) src(%dma_wait3A_1212 : memref<8x512xf32, #tpu.memory_space<hbm>>) dst(%dma_wait3A_1210 : memref<8x512xf32, #tpu.memory_space<vmem>>)
      tpu.yield
    }) : () -> ()
    "tpu.region"() ({
      %run_scoped3A = tpu.sem_alloc : memref<!tpu.dma_semaphore, #tpu.memory_space<semaphore_mem>>
      %dma_start3A_1193 = arith.constant 0 : i32
      %dma_start3A_1194 = arith.constant 0 : i32
      %dma_start3A_1195 = tpu.memref_slice %arg4[%dma_start3A_1193, %dma_start3A_1194] : memref<112x512xf32, #tpu.memory_space<vmem>> -> memref<8x512xf32, #tpu.memory_space<vmem>>
      %dma_start3A_1196 = arith.constant 0 : i32
      %dma_start3A_1197 = tpu.memref_slice %arg3[%add3A_1190, %dma_start3A_1196] : memref<100000x512xf32, #tpu.memory_space<hbm>> -> memref<8x512xf32, #tpu.memory_space<hbm>>
      %dma_start3A_1198 = arith.constant 0 : i32
      %dma_start3A_1199 = tpu.memref_slice %arg3[%add3A_1190, %dma_start3A_1198] : memref<100000x512xf32, #tpu.memory_space<hbm>> -> memref<8x512xf32, #tpu.memory_space<hbm>>
      %dma_start3A_1200 = arith.constant 0 : i32
      %dma_start3A_1201 = arith.constant 0 : i32
      %dma_start3A_1202 = tpu.memref_slice %arg4[%dma_start3A_1200, %dma_start3A_1201] : memref<112x512xf32, #tpu.memory_space<vmem>> -> memref<8x512xf32, #tpu.memory_space<vmem>>
      tpu.enqueue_dma source(%dma_start3A_1202 : memref<8x512xf32, #tpu.memory_space<vmem>>) target(%dma_start3A_1199 : memref<8x512xf32, #tpu.memory_space<hbm>>) target_semaphore(%run_scoped3A : memref<!tpu.dma_semaphore, #tpu.memory_space<semaphore_mem>>)
      %dma_wait3A_1203 = arith.constant 0 : i32
      %dma_wait3A_1204 = arith.constant 0 : i32
      %dma_wait3A_1205 = tpu.memref_slice %arg4[%dma_wait3A_1203, %dma_wait3A_1204] : memref<112x512xf32, #tpu.memory_space<vmem>> -> memref<8x512xf32, #tpu.memory_space<vmem>>
      %dma_wait3A_1206 = arith.constant 0 : i32
      %dma_wait3A_1207 = tpu.memref_slice %arg3[%add3A_1190, %dma_wait3A_1206] : memref<100000x512xf32, #tpu.memory_space<hbm>> -> memref<8x512xf32, #tpu.memory_space<hbm>>
      %dma_wait3A_1208 = arith.constant 0 : i32
      %dma_wait3A_1209 = tpu.memref_slice %arg3[%add3A_1190, %dma_wait3A_1208] : memref<100000x512xf32, #tpu.memory_space<hbm>> -> memref<8x512xf32, #tpu.memory_space<hbm>>
      %dma_wait3A_1210 = arith.constant 0 : i32
      %dma_wait3A_1211 = arith.constant 0 : i32
      %dma_wait3A_1212 = tpu.memref_slice %arg4[%dma_wait3A_1210, %dma_wait3A_1211] : memref<112x512xf32, #tpu.memory_space<vmem>> -> memref<8x512xf32, #tpu.memory_space<vmem>>
      tpu.wait_dma2 semaphore(%run_scoped3A : memref<!tpu.dma_semaphore, #tpu.memory_space<semaphore_mem>>) src(%dma_wait3A_1212 : memref<8x512xf32, #tpu.memory_space<vmem>>) dst(%dma_wait3A_1209 : memref<8x512xf32, #tpu.memory_space<hbm>>)
      tpu.yield
    }) : () -> ()
    %lt3A = arith.constant 31 : i32
    %lt3A_1191 = arith.cmpi slt, %add3A, %lt3A : i32
    %convert_element_type3A = arith.extui %lt3A_1191 : i1 to i32
    %cond3A = arith.constant 0 : i32
    %cond3A_1192 = arith.cmpi ne, %convert_element_type3A, %cond3A : i32
    scf.if %cond3A_1192 {
      %add3A_1193 = arith.constant 8 : i32
      %add3A_1194 = arith.addi %add3A_1190, %add3A_1193 : i32
      "tpu.region"() ({
        %run_scoped3A = tpu.sem_alloc : memref<!tpu.dma_semaphore, #tpu.memory_space<semaphore_mem>>
        %dma_start3A_1197 = arith.constant 0 : i32
        %dma_start3A_1198 = arith.constant 0 : i32
        %dma_start3A_1199 = tpu.memref_slice %arg5[%dma_start3A_1197, %dma_start3A_1198] : memref<112x512xf32, #tpu.memory_space<vmem>> -> memref<96x512xf32, #tpu.memory_space<vmem>>
        %dma_start3A_1200 = arith.constant 0 : i32
        %dma_start3A_1201 = tpu.memref_slice %arg2[%add3A_1194, %dma_start3A_1200] : memref<100000x512xf32, #tpu.memory_space<hbm>> -> memref<96x512xf32, #tpu.memory_space<hbm>>
        %dma_start3A_1202 = arith.constant 0 : i32
        %dma_start3A_1203 = arith.constant 0 : i32
        %dma_start3A_1204 = tpu.memref_slice %arg5[%dma_start3A_1202, %dma_start3A_1203] : memref<112x512xf32, #tpu.memory_space<vmem>> -> memref<96x512xf32, #tpu.memory_space<vmem>>
        %dma_start3A_1205 = arith.constant 0 : i32
        %dma_start3A_1206 = tpu.memref_slice %arg2[%add3A_1194, %dma_start3A_1205] : memref<100000x512xf32, #tpu.memory_space<hbm>> -> memref<96x512xf32, #tpu.memory_space<hbm>>
        tpu.enqueue_dma source(%dma_start3A_1206 : memref<96x512xf32, #tpu.memory_space<hbm>>) target(%dma_start3A_1204 : memref<96x512xf32, #tpu.memory_space<vmem>>) target_semaphore(%run_scoped3A : memref<!tpu.dma_semaphore, #tpu.memory_space<semaphore_mem>>)
        %dma_wait3A_1207 = arith.constant 0 : i32
        %dma_wait3A_1208 = arith.constant 0 : i32
        %dma_wait3A_1209 = tpu.memref_slice %arg5[%dma_wait3A_1207, %dma_wait3A_1208] : memref<112x512xf32, #tpu.memory_space<vmem>> -> memref<96x512xf32, #tpu.memory_space<vmem>>
        %dma_wait3A_1210 = arith.constant 0 : i32
        %dma_wait3A_1211 = tpu.memref_slice %arg2[%add3A_1194, %dma_wait3A_1210] : memref<100000x512xf32, #tpu.memory_space<hbm>> -> memref<96x512xf32, #tpu.memory_space<hbm>>
        %dma_wait3A_1212 = arith.constant 0 : i32
        %dma_wait3A_1213 = arith.constant 0 : i32
        %dma_wait3A_1214 = tpu.memref_slice %arg5[%dma_wait3A_1212, %dma_wait3A_1213] : memref<112x512xf32, #tpu.memory_space<vmem>> -> memref<96x512xf32, #tpu.memory_space<vmem>>
        %dma_wait3A_1215 = arith.constant 0 : i32
        %dma_wait3A_1216 = tpu.memref_slice %arg2[%add3A_1194, %dma_wait3A_1215] : memref<100000x512xf32, #tpu.memory_space<hbm>> -> memref<96x512xf32, #tpu.memory_space<hbm>>
        tpu.wait_dma2 semaphore(%run_scoped3A : memref<!tpu.dma_semaphore, #tpu.memory_space<semaphore_mem>>) src(%dma_wait3A_1216 : memref<96x512xf32, #tpu.memory_space<hbm>>) dst(%dma_wait3A_1214 : memref<96x512xf32, #tpu.memory_space<vmem>>)
        tpu.yield
      }) : () -> ()
      %add3A_1195 = arith.constant 8 : i32
      %add3A_1196 = arith.addi %add3A_1190, %add3A_1195 : i32
      "tpu.region"() ({
        %run_scoped3A = tpu.sem_alloc : memref<!tpu.dma_semaphore, #tpu.memory_space<semaphore_mem>>
        %dma_start3A_1197 = arith.constant 0 : i32
        %dma_start3A_1198 = arith.constant 0 : i32
        %dma_start3A_1199 = tpu.memref_slice %arg5[%dma_start3A_1197, %dma_start3A_1198] : memref<112x512xf32, #tpu.memory_space<vmem>> -> memref<96x512xf32, #tpu.memory_space<vmem>>
        %dma_start3A_1200 = arith.constant 0 : i32
        %dma_start3A_1201 = tpu.memref_slice %arg3[%add3A_1196, %dma_start3A_1200] : memref<100000x512xf32, #tpu.memory_space<hbm>> -> memref<96x512xf32, #tpu.memory_space<hbm>>
        %dma_start3A_1202 = arith.constant 0 : i32
        %dma_start3A_1203 = tpu.memref_slice %arg3[%add3A_1196, %dma_start3A_1202] : memref<100000x512xf32, #tpu.memory_space<hbm>> -> memref<96x512xf32, #tpu.memory_space<hbm>>
        %dma_start3A_1204 = arith.constant 0 : i32
        %dma_start3A_1205 = arith.constant 0 : i32
        %dma_start3A_1206 = tpu.memref_slice %arg5[%dma_start3A_1204, %dma_start3A_1205] : memref<112x512xf32, #tpu.memory_space<vmem>> -> memref<96x512xf32, #tpu.memory_space<vmem>>
        tpu.enqueue_dma source(%dma_start3A_1206 : memref<96x512xf32, #tpu.memory_space<vmem>>) target(%dma_start3A_1203 : memref<96x512xf32, #tpu.memory_space<hbm>>) target_semaphore(%run_scoped3A : memref<!tpu.dma_semaphore, #tpu.memory_space<semaphore_mem>>)
        %dma_wait3A_1207 = arith.constant 0 : i32
        %dma_wait3A_1208 = arith.constant 0 : i32
        %dma_wait3A_1209 = tpu.memref_slice %arg5[%dma_wait3A_1207, %dma_wait3A_1208] : memref<112x512xf32, #tpu.memory_space<vmem>> -> memref<96x512xf32, #tpu.memory_space<vmem>>
        %dma_wait3A_1210 = arith.constant 0 : i32
        %dma_wait3A_1211 = tpu.memref_slice %arg3[%add3A_1196, %dma_wait3A_1210] : memref<100000x512xf32, #tpu.memory_space<hbm>> -> memref<96x512xf32, #tpu.memory_space<hbm>>
        %dma_wait3A_1212 = arith.constant 0 : i32
        %dma_wait3A_1213 = tpu.memref_slice %arg3[%add3A_1196, %dma_wait3A_1212] : memref<100000x512xf32, #tpu.memory_space<hbm>> -> memref<96x512xf32, #tpu.memory_space<hbm>>
        %dma_wait3A_1214 = arith.constant 0 : i32
        %dma_wait3A_1215 = arith.constant 0 : i32
        %dma_wait3A_1216 = tpu.memref_slice %arg5[%dma_wait3A_1214, %dma_wait3A_1215] : memref<112x512xf32, #tpu.memory_space<vmem>> -> memref<96x512xf32, #tpu.memory_space<vmem>>
        tpu.wait_dma2 semaphore(%run_scoped3A : memref<!tpu.dma_semaphore, #tpu.memory_space<semaphore_mem>>) src(%dma_wait3A_1216 : memref<96x512xf32, #tpu.memory_space<vmem>>) dst(%dma_wait3A_1213 : memref<96x512xf32, #tpu.memory_space<hbm>>)
        tpu.yield
      }) : () -> ()
    } else {
    }
    return
  }
}

#map = affine_map<(d0, d1) -> (0, 0)>
#map1 = affine_map<(d0, d1) -> (0)>
module attributes {stable_mosaic.version = 14 : i64} {
  func.func @mgn_sc_gather_wide(%arg0: i32, %arg1: i32, %arg2: memref<100000x512xf32, #tpu.memory_space<hbm>>, %arg3: memref<4096xi32, #tpu.memory_space<hbm>>, %arg4: memref<4096x512xf32, #tpu.memory_space<hbm>>, %arg5: memref<128xi32, #tpu.memory_space<vmem>>, %arg6: memref<128x512xf32, #tpu.memory_space<vmem>>, %arg7: memref<!tpu.dma_semaphore, #tpu.memory_space<semaphore_mem>>) attributes {dimension_semantics = [#tpu.dimension_semantics<core_parallel>, #tpu.dimension_semantics<subcore_parallel>], iteration_bounds = array<i64: 2, 16>, scalar_prefetch = 0 : i64, scratch_operands = 3 : i64, tpu.core_type = #tpu.core_type<sc_vector_subcore>, window_params = [{transform_indices = #map}, {transform_indices = #map1}, {transform_indices = #map}]} {
    %mul3A = arith.constant 2 : i32
    %mul3A_0 = arith.muli %arg1, %mul3A : i32
    %add3A = arith.addi %mul3A_0, %arg0 : i32
    %mul3A_1 = arith.constant 128 : i32
    %mul3A_2 = arith.muli %add3A, %mul3A_1 : i32
    "tpu.region"() ({
      %run_scoped3A = tpu.sem_alloc : memref<!tpu.dma_semaphore, #tpu.memory_space<semaphore_mem>>
      %dma_start3A_7 = tpu.memref_slice %arg3[%mul3A_2] : memref<4096xi32, #tpu.memory_space<hbm>> -> memref<128xi32, #tpu.memory_space<hbm>>
      %dma_start3A_8 = tpu.memref_slice %arg3[%mul3A_2] : memref<4096xi32, #tpu.memory_space<hbm>> -> memref<128xi32, #tpu.memory_space<hbm>>
      tpu.enqueue_dma source(%dma_start3A_8 : memref<128xi32, #tpu.memory_space<hbm>>) target(%arg5 : memref<128xi32, #tpu.memory_space<vmem>>) target_semaphore(%run_scoped3A : memref<!tpu.dma_semaphore, #tpu.memory_space<semaphore_mem>>)
      %dma_wait3A_9 = tpu.memref_slice %arg3[%mul3A_2] : memref<4096xi32, #tpu.memory_space<hbm>> -> memref<128xi32, #tpu.memory_space<hbm>>
      %dma_wait3A_10 = tpu.memref_slice %arg3[%mul3A_2] : memref<4096xi32, #tpu.memory_space<hbm>> -> memref<128xi32, #tpu.memory_space<hbm>>
      tpu.wait_dma2 semaphore(%run_scoped3A : memref<!tpu.dma_semaphore, #tpu.memory_space<semaphore_mem>>) src(%dma_wait3A_10 : memref<128xi32, #tpu.memory_space<hbm>>) dst(%arg5 : memref<128xi32, #tpu.memory_space<vmem>>)
      tpu.yield
    }) : () -> ()
    %dma_start3A = arith.constant 0 : i32
    %dma_start3A_3 = arith.constant 0 : i32
    %dma_start3A_4 = tpu.memref_slice %arg2[%dma_start3A, %dma_start3A_3] : memref<100000x512xf32, #tpu.memory_space<hbm>> -> memref<100000x512xf32, #tpu.memory_space<hbm>>
    tpu.enqueue_indirect_dma source(%dma_start3A_4 : memref<100000x512xf32, #tpu.memory_space<hbm>>) target(%arg6 : memref<128x512xf32, #tpu.memory_space<vmem>>) offsets(%arg5 : memref<128xi32, #tpu.memory_space<vmem>>) semaphore(%arg7 : memref<!tpu.dma_semaphore, #tpu.memory_space<semaphore_mem>>)
    %dma_wait3A = arith.constant 0 : i32
    %dma_wait3A_5 = arith.constant 0 : i32
    %dma_wait3A_6 = tpu.memref_slice %arg2[%dma_wait3A, %dma_wait3A_5] : memref<100000x512xf32, #tpu.memory_space<hbm>> -> memref<100000x512xf32, #tpu.memory_space<hbm>>
    tpu.wait_indirect_dma semaphore(%arg7 : memref<!tpu.dma_semaphore, #tpu.memory_space<semaphore_mem>>) src(%dma_wait3A_6 : memref<100000x512xf32, #tpu.memory_space<hbm>>) dst(%arg6 : memref<128x512xf32, #tpu.memory_space<vmem>>)
    "tpu.region"() ({
      %run_scoped3A = tpu.sem_alloc : memref<!tpu.dma_semaphore, #tpu.memory_space<semaphore_mem>>
      %dma_start3A_7 = arith.constant 0 : i32
      %dma_start3A_8 = tpu.memref_slice %arg4[%mul3A_2, %dma_start3A_7] : memref<4096x512xf32, #tpu.memory_space<hbm>> -> memref<128x512xf32, #tpu.memory_space<hbm>>
      %dma_start3A_9 = arith.constant 0 : i32
      %dma_start3A_10 = tpu.memref_slice %arg4[%mul3A_2, %dma_start3A_9] : memref<4096x512xf32, #tpu.memory_space<hbm>> -> memref<128x512xf32, #tpu.memory_space<hbm>>
      tpu.enqueue_dma source(%arg6 : memref<128x512xf32, #tpu.memory_space<vmem>>) target(%dma_start3A_10 : memref<128x512xf32, #tpu.memory_space<hbm>>) target_semaphore(%run_scoped3A : memref<!tpu.dma_semaphore, #tpu.memory_space<semaphore_mem>>)
      %dma_wait3A_11 = arith.constant 0 : i32
      %dma_wait3A_12 = tpu.memref_slice %arg4[%mul3A_2, %dma_wait3A_11] : memref<4096x512xf32, #tpu.memory_space<hbm>> -> memref<128x512xf32, #tpu.memory_space<hbm>>
      %dma_wait3A_13 = arith.constant 0 : i32
      %dma_wait3A_14 = tpu.memref_slice %arg4[%mul3A_2, %dma_wait3A_13] : memref<4096x512xf32, #tpu.memory_space<hbm>> -> memref<128x512xf32, #tpu.memory_space<hbm>>
      tpu.wait_dma2 semaphore(%run_scoped3A : memref<!tpu.dma_semaphore, #tpu.memory_space<semaphore_mem>>) src(%arg6 : memref<128x512xf32, #tpu.memory_space<vmem>>) dst(%dma_wait3A_14 : memref<128x512xf32, #tpu.memory_space<hbm>>)
      tpu.yield
    }) : () -> ()
    return
  }
}

#map = affine_map<(d0, d1) -> (0, 0)>
#map1 = affine_map<(d0, d1) -> (0)>
module attributes {stable_mosaic.version = 14 : i64} {
  func.func @new_body(%arg0: i32, %arg1: i32, %arg2: memref<4096x512xf32, #tpu.memory_space<hbm>>, %arg3: memref<4096xi32, #tpu.memory_space<hbm>>, %arg4: memref<100000xi32, #tpu.memory_space<hbm>>, %arg5: memref<100000x512xf32, #tpu.memory_space<hbm>>, %arg6: memref<100000x512xf32, #tpu.memory_space<hbm>>, %arg7: memref<128xi32, #tpu.memory_space<vmem>>, %arg8: memref<128xi32, #tpu.memory_space<vmem>>, %arg9: memref<128x512xf32, #tpu.memory_space<vmem>>, %arg10: memref<!tpu.dma_semaphore, #tpu.memory_space<semaphore_mem>>) attributes {dimension_semantics = [#tpu.dimension_semantics<core_parallel>, #tpu.dimension_semantics<subcore_parallel>], iteration_bounds = array<i64: 2, 16>, scalar_prefetch = 0 : i64, scratch_operands = 4 : i64, tpu.core_type = #tpu.core_type<sc_vector_subcore>, window_params = [{transform_indices = #map}, {transform_indices = #map1}, {transform_indices = #map1}, {transform_indices = #map}, {transform_indices = #map}]} {
    %mul3A = arith.constant 2 : i32
    %mul3A_0 = arith.muli %arg1, %mul3A : i32
    %add3A = arith.addi %mul3A_0, %arg0 : i32
    %mul3A_1 = arith.constant 128 : i32
    %mul3A_2 = arith.muli %add3A, %mul3A_1 : i32
    "tpu.region"() ({
      %run_scoped3A = tpu.sem_alloc : memref<!tpu.dma_semaphore, #tpu.memory_space<semaphore_mem>>
      %dma_start3A_17 = tpu.memref_slice %arg3[%mul3A_2] : memref<4096xi32, #tpu.memory_space<hbm>> -> memref<128xi32, #tpu.memory_space<hbm>>
      %dma_start3A_18 = tpu.memref_slice %arg3[%mul3A_2] : memref<4096xi32, #tpu.memory_space<hbm>> -> memref<128xi32, #tpu.memory_space<hbm>>
      tpu.enqueue_dma source(%dma_start3A_18 : memref<128xi32, #tpu.memory_space<hbm>>) target(%arg7 : memref<128xi32, #tpu.memory_space<vmem>>) target_semaphore(%run_scoped3A : memref<!tpu.dma_semaphore, #tpu.memory_space<semaphore_mem>>)
      %dma_wait3A_19 = tpu.memref_slice %arg3[%mul3A_2] : memref<4096xi32, #tpu.memory_space<hbm>> -> memref<128xi32, #tpu.memory_space<hbm>>
      %dma_wait3A_20 = tpu.memref_slice %arg3[%mul3A_2] : memref<4096xi32, #tpu.memory_space<hbm>> -> memref<128xi32, #tpu.memory_space<hbm>>
      tpu.wait_dma2 semaphore(%run_scoped3A : memref<!tpu.dma_semaphore, #tpu.memory_space<semaphore_mem>>) src(%dma_wait3A_20 : memref<128xi32, #tpu.memory_space<hbm>>) dst(%arg7 : memref<128xi32, #tpu.memory_space<vmem>>)
      tpu.yield
    }) : () -> ()
    %dma_start3A = arith.constant 0 : i32
    %dma_start3A_3 = tpu.memref_slice %arg4[%dma_start3A] : memref<100000xi32, #tpu.memory_space<hbm>> -> memref<100000xi32, #tpu.memory_space<hbm>>
    tpu.enqueue_indirect_dma source(%dma_start3A_3 : memref<100000xi32, #tpu.memory_space<hbm>>) target(%arg8 : memref<128xi32, #tpu.memory_space<vmem>>) offsets(%arg7 : memref<128xi32, #tpu.memory_space<vmem>>) semaphore(%arg10 : memref<!tpu.dma_semaphore, #tpu.memory_space<semaphore_mem>>)
    %dma_wait3A = arith.constant 0 : i32
    %dma_wait3A_4 = tpu.memref_slice %arg4[%dma_wait3A] : memref<100000xi32, #tpu.memory_space<hbm>> -> memref<100000xi32, #tpu.memory_space<hbm>>
    tpu.wait_indirect_dma semaphore(%arg10 : memref<!tpu.dma_semaphore, #tpu.memory_space<semaphore_mem>>) src(%dma_wait3A_4 : memref<100000xi32, #tpu.memory_space<hbm>>) dst(%arg8 : memref<128xi32, #tpu.memory_space<vmem>>)
    %dma_start3A_5 = arith.constant 0 : i32
    %dma_start3A_6 = arith.constant 0 : i32
    %dma_start3A_7 = tpu.memref_slice %arg2[%dma_start3A_5, %dma_start3A_6] : memref<4096x512xf32, #tpu.memory_space<hbm>> -> memref<4096x512xf32, #tpu.memory_space<hbm>>
    tpu.enqueue_indirect_dma source(%dma_start3A_7 : memref<4096x512xf32, #tpu.memory_space<hbm>>) target(%arg9 : memref<128x512xf32, #tpu.memory_space<vmem>>) offsets(%arg8 : memref<128xi32, #tpu.memory_space<vmem>>) semaphore(%arg10 : memref<!tpu.dma_semaphore, #tpu.memory_space<semaphore_mem>>)
    %dma_wait3A_8 = arith.constant 0 : i32
    %dma_wait3A_9 = arith.constant 0 : i32
    %dma_wait3A_10 = tpu.memref_slice %arg2[%dma_wait3A_8, %dma_wait3A_9] : memref<4096x512xf32, #tpu.memory_space<hbm>> -> memref<4096x512xf32, #tpu.memory_space<hbm>>
    tpu.wait_indirect_dma semaphore(%arg10 : memref<!tpu.dma_semaphore, #tpu.memory_space<semaphore_mem>>) src(%dma_wait3A_10 : memref<4096x512xf32, #tpu.memory_space<hbm>>) dst(%arg9 : memref<128x512xf32, #tpu.memory_space<vmem>>)
    %dma_start3A_11 = arith.constant 0 : i32
    %dma_start3A_12 = arith.constant 0 : i32
    %dma_start3A_13 = tpu.memref_slice %arg5[%dma_start3A_11, %dma_start3A_12] : memref<100000x512xf32, #tpu.memory_space<hbm>> -> memref<100000x512xf32, #tpu.memory_space<hbm>>
    tpu.enqueue_indirect_dma source(%arg9 : memref<128x512xf32, #tpu.memory_space<vmem>>) target(%dma_start3A_13 : memref<100000x512xf32, #tpu.memory_space<hbm>>) offsets(%arg7 : memref<128xi32, #tpu.memory_space<vmem>>) semaphore(%arg10 : memref<!tpu.dma_semaphore, #tpu.memory_space<semaphore_mem>>)
    %dma_wait3A_14 = arith.constant 0 : i32
    %dma_wait3A_15 = arith.constant 0 : i32
    %dma_wait3A_16 = tpu.memref_slice %arg5[%dma_wait3A_14, %dma_wait3A_15] : memref<100000x512xf32, #tpu.memory_space<hbm>> -> memref<100000x512xf32, #tpu.memory_space<hbm>>
    tpu.wait_indirect_dma semaphore(%arg10 : memref<!tpu.dma_semaphore, #tpu.memory_space<semaphore_mem>>) src(%arg9 : memref<128x512xf32, #tpu.memory_space<vmem>>) dst(%dma_wait3A_16 : memref<100000x512xf32, #tpu.memory_space<hbm>>)
    return
  }
}

module attributes {stable_mosaic.version = 14 : i64} {
  func.func @mgn_tc_cell(%arg0: i32, %arg1: memref<1x1xf32, #tpu.memory_space<vmem>>, %arg2: memref<4096x32xf32, #tpu.memory_space<vmem>>, %arg3: memref<4096x32xf32, #tpu.memory_space<vmem>>, %arg4: memref<512x512xf32, #tpu.memory_space<vmem>>, %arg5: memref<512x32xf32, #tpu.memory_space<vmem>>, %arg6: memref<512x32xf32, #tpu.memory_space<vmem>>, %arg7: memref<512x32xf32, #tpu.memory_space<vmem>>, %arg8: memref<512x32xf32, #tpu.memory_space<vmem>>, %arg9: memref<1x32xf32, #tpu.memory_space<vmem>>, %arg10: memref<1x512xf32, #tpu.memory_space<vmem>>, %arg11: memref<1x512xf32, #tpu.memory_space<vmem>>, %arg12: memref<1x512xf32, #tpu.memory_space<vmem>>, %arg13: memref<1x512xf32, #tpu.memory_space<vmem>>, %arg14: memref<1x512xf32, #tpu.memory_space<vmem>>, %arg15: memref<1x512xf32, #tpu.memory_space<vmem>>, %arg16: memref<1x512xf32, #tpu.memory_space<vmem>>, %arg17: memref<1x512xf32, #tpu.memory_space<vmem>>, %arg18: memref<1x512xf32, #tpu.memory_space<vmem>>, %arg19: memref<1x512xf32, #tpu.memory_space<vmem>>, %arg20: memref<512x16xf32, #tpu.memory_space<vmem>>, %arg21: memref<512x16xf32, #tpu.memory_space<vmem>>, %arg22: memref<512x16xf32, #tpu.memory_space<vmem>>, %arg23: memref<512x512xf32, #tpu.memory_space<vmem>>, %arg24: memref<512x32xf32, #tpu.memory_space<vmem>>, %arg25: memref<512x32xf32, #tpu.memory_space<vmem>>) attributes {dimension_semantics = [#tpu.dimension_semantics<arbitrary>], iteration_bounds = array<i64: 8>, scalar_prefetch = 0 : i64, scratch_operands = 0 : i64, tpu.core_type = #tpu.core_type<tc>, window_params = [{pipeline_mode = #tpu.pipeline_mode<synchronous>, transform_indices = @transform_0, window_bounds = array<i64: 1, 1>}, {pipeline_mode = #tpu.pipeline_mode<synchronous>, transform_indices = @transform_1, window_bounds = array<i64: 4096, 32>}, {pipeline_mode = #tpu.pipeline_mode<synchronous>, transform_indices = @transform_2, window_bounds = array<i64: 4096, 32>}, {transform_indices = @transform_3, window_bounds = array<i64: 512, 512>}, {transform_indices = @transform_4, window_bounds = array<i64: 512, 32>}, {transform_indices = @transform_5, window_bounds = array<i64: 512, 32>}, {transform_indices = @transform_6, window_bounds = array<i64: 512, 32>}, {transform_indices = @transform_7, window_bounds = array<i64: 512, 32>}, {pipeline_mode = #tpu.pipeline_mode<synchronous>, transform_indices = @transform_8, window_bounds = array<i64: 1, 32>}, {pipeline_mode = #tpu.pipeline_mode<synchronous>, transform_indices = @transform_9, window_bounds = array<i64: 1, 512>}, {pipeline_mode = #tpu.pipeline_mode<synchronous>, transform_indices = @transform_10, window_bounds = array<i64: 1, 512>}, {pipeline_mode = #tpu.pipeline_mode<synchronous>, transform_indices = @transform_11, window_bounds = array<i64: 1, 512>}, {pipeline_mode = #tpu.pipeline_mode<synchronous>, transform_indices = @transform_12, window_bounds = array<i64: 1, 512>}, {pipeline_mode = #tpu.pipeline_mode<synchronous>, transform_indices = @transform_13, window_bounds = array<i64: 1, 512>}, {pipeline_mode = #tpu.pipeline_mode<synchronous>, transform_indices = @transform_14, window_bounds = array<i64: 1, 512>}, {pipeline_mode = #tpu.pipeline_mode<synchronous>, transform_indices = @transform_15, window_bounds = array<i64: 1, 512>}, {pipeline_mode = #tpu.pipeline_mode<synchronous>, transform_indices = @transform_16, window_bounds = array<i64: 1, 512>}, {pipeline_mode = #tpu.pipeline_mode<synchronous>, transform_indices = @transform_17, window_bounds = array<i64: 1, 512>}, {pipeline_mode = #tpu.pipeline_mode<synchronous>, transform_indices = @transform_18, window_bounds = array<i64: 1, 512>}, {pipeline_mode = #tpu.pipeline_mode<synchronous>, transform_indices = @transform_19, window_bounds = array<i64: 512, 16>}, {pipeline_mode = #tpu.pipeline_mode<synchronous>, transform_indices = @transform_20, window_bounds = array<i64: 512, 16>}, {pipeline_mode = #tpu.pipeline_mode<synchronous>, transform_indices = @transform_21, window_bounds = array<i64: 512, 16>}, {transform_indices = @transform_22, window_bounds = array<i64: 512, 512>}, {transform_indices = @transform_23, window_bounds = array<i64: 512, 32>}, {transform_indices = @transform_24, window_bounds = array<i64: 512, 32>}]} {
    %get3A = arith.constant 0 : index
    %get3A_0 = arith.constant 0 : index
    %get3A_1 = vector.load %arg1[%get3A, %get3A_0] : memref<1x1xf32, #tpu.memory_space<vmem>>, vector<1x1xf32>
    %get3A_2 = vector.extract %get3A_1[0, 0] : f32 from vector<1x1xf32>
    %get3A_3 = arith.constant 0 : index
    %get3A_4 = arith.constant 0 : index
    %get3A_5 = vector.load %arg2[%get3A_3, %get3A_4] : memref<4096x32xf32, #tpu.memory_space<vmem>>, vector<4096x32xf32>
    %get3A_6 = arith.constant 0 : index
    %get3A_7 = arith.constant 0 : index
    %get3A_8 = vector.load %arg3[%get3A_6, %get3A_7] : memref<4096x32xf32, #tpu.memory_space<vmem>>, vector<4096x32xf32>
    %reduce_sum3A = arith.constant dense<0.000000e+00> : vector<32xf32>
    %reduce_sum3A_9 = vector.multi_reduction <add>, %get3A_5, %reduce_sum3A [0] : vector<4096x32xf32> to vector<32xf32>
    %broadcast_in_dim3A = vector.shape_cast %reduce_sum3A_9 : vector<32xf32> to vector<1x32xf32>
    %add3A = arith.constant 9.99999997E-7 : f32
    %add3A_10 = vector.broadcast %add3A : f32 to vector<4096x32xf32>
    %add3A_11 = arith.addf %get3A_8, %add3A_10 : vector<4096x32xf32>
    %reduce_sum3A_12 = arith.constant dense<0.000000e+00> : vector<32xf32>
    %reduce_sum3A_13 = vector.multi_reduction <add>, %add3A_11, %reduce_sum3A_12 [0] : vector<4096x32xf32> to vector<32xf32>
    %broadcast_in_dim3A_14 = vector.shape_cast %reduce_sum3A_13 : vector<32xf32> to vector<1x32xf32>
    %div3A = arith.divf %broadcast_in_dim3A, %broadcast_in_dim3A_14 : vector<1x32xf32>
    %mul3A = arith.constant 512 : i32
    %mul3A_15 = arith.muli %arg0, %mul3A : i32
    %get3A_16 = arith.index_cast %mul3A_15 : i32 to index
    %get3A_17 = arith.constant 0 : index
    %get3A_18 = vector.load %arg2[%get3A_16, %get3A_17] : memref<4096x32xf32, #tpu.memory_space<vmem>>, vector<512x32xf32>
    %get3A_19 = arith.index_cast %mul3A_15 : i32 to index
    %get3A_20 = arith.constant 0 : index
    %get3A_21 = vector.load %arg3[%get3A_19, %get3A_20] : memref<4096x32xf32, #tpu.memory_space<vmem>>, vector<512x32xf32>
    %get3A_22 = arith.constant 0 : index
    %get3A_23 = arith.constant 0 : index
    %get3A_24 = vector.load %arg5[%get3A_22, %get3A_23] : memref<512x32xf32, #tpu.memory_space<vmem>>, vector<512x32xf32>
    %get3A_25 = arith.constant 0 : index
    %get3A_26 = arith.constant 0 : index
    %get3A_27 = vector.load %arg6[%get3A_25, %get3A_26] : memref<512x32xf32, #tpu.memory_space<vmem>>, vector<512x32xf32>
    %get3A_28 = arith.constant 0 : index
    %get3A_29 = arith.constant 0 : index
    %get3A_30 = vector.load %arg7[%get3A_28, %get3A_29] : memref<512x32xf32, #tpu.memory_space<vmem>>, vector<512x32xf32>
    %get3A_31 = arith.constant 0 : index
    %get3A_32 = arith.constant 0 : index
    %get3A_33 = vector.load %arg8[%get3A_31, %get3A_32] : memref<512x32xf32, #tpu.memory_space<vmem>>, vector<512x32xf32>
    %sub3A = vector.broadcast %get3A_2 : f32 to vector<512x32xf32>
    %sub3A_34 = arith.subf %sub3A, %get3A_27 : vector<512x32xf32>
    %get3A_35 = arith.constant 0 : index
    %get3A_36 = arith.constant 0 : index
    %get3A_37 = vector.load %arg9[%get3A_35, %get3A_36] : memref<1x32xf32, #tpu.memory_space<vmem>>, vector<1x32xf32>
    %mul3A_38 = vector.broadcast %get3A_37 : vector<1x32xf32> to vector<512x32xf32>
    %mul3A_39 = arith.mulf %sub3A_34, %mul3A_38 : vector<512x32xf32>
    %max3A = arith.constant 0.000000e+00 : f32
    %max3A_40 = vector.broadcast %max3A : f32 to vector<512x32xf32>
    %max3A_41 = arith.maximumf %mul3A_39, %max3A_40 : vector<512x32xf32>
    %neg3A = arith.constant 0.000000e+00 : f32
    %neg3A_42 = vector.broadcast %neg3A : f32 to vector<512x32xf32>
    %neg3A_43 = arith.subf %neg3A_42, %max3A_41 : vector<512x32xf32>
    %exp3A = math.exp %neg3A_43 : vector<512x32xf32>
    %sub3A_44 = arith.constant 1.000000e+00 : f32
    %sub3A_45 = vector.broadcast %sub3A_44 : f32 to vector<512x32xf32>
    %sub3A_46 = arith.subf %sub3A_45, %get3A_33 : vector<512x32xf32>
    %mul3A_47 = arith.mulf %get3A_24, %sub3A_46 : vector<512x32xf32>
    %mul3A_48 = arith.mulf %get3A_30, %get3A_33 : vector<512x32xf32>
    %add3A_49 = arith.addf %mul3A_47, %mul3A_48 : vector<512x32xf32>
    %sub3A_50 = arith.constant 1.000000e+00 : f32
    %sub3A_51 = vector.broadcast %sub3A_50 : f32 to vector<512x32xf32>
    %sub3A_52 = arith.subf %sub3A_51, %get3A_33 : vector<512x32xf32>
    %mul3A_53 = arith.mulf %get3A_27, %sub3A_52 : vector<512x32xf32>
    %mul3A_54 = vector.broadcast %get3A_2 : f32 to vector<512x32xf32>
    %mul3A_55 = arith.mulf %mul3A_54, %get3A_33 : vector<512x32xf32>
    %add3A_56 = arith.addf %mul3A_53, %mul3A_55 : vector<512x32xf32>
    %sub3A_57 = arith.constant 1.000000e+00 : f32
    %sub3A_58 = vector.broadcast %sub3A_57 : f32 to vector<512x32xf32>
    %sub3A_59 = arith.subf %sub3A_58, %get3A_21 : vector<512x32xf32>
    %mul3A_60 = arith.mulf %get3A_21, %get3A_18 : vector<512x32xf32>
    %mul3A_61 = arith.mulf %sub3A_59, %exp3A : vector<512x32xf32>
    %mul3A_62 = arith.mulf %mul3A_61, %add3A_49 : vector<512x32xf32>
    %add3A_63 = arith.addf %mul3A_60, %mul3A_62 : vector<512x32xf32>
    %sub3A_64 = arith.constant 1.000000e+00 : f32
    %sub3A_65 = vector.broadcast %sub3A_64 : f32 to vector<512x32xf32>
    %sub3A_66 = arith.subf %sub3A_65, %exp3A : vector<512x32xf32>
    %mul3A_67 = arith.mulf %sub3A_59, %sub3A_66 : vector<512x32xf32>
    %mul3A_68 = vector.broadcast %div3A : vector<1x32xf32> to vector<512x32xf32>
    %mul3A_69 = arith.mulf %mul3A_67, %mul3A_68 : vector<512x32xf32>
    %add3A_70 = arith.addf %add3A_63, %mul3A_69 : vector<512x32xf32>
    %iota3A = tpu.iota {dimensions = array<i32: 1>} : vector<32x512xi32>
    %jit3A = arith.constant 16 : i32
    %div3A_71 = vector.broadcast %jit3A : i32 to vector<32x512xi32>
    %div3A_72 = arith.divsi %iota3A, %div3A_71 : vector<32x512xi32>
    %sign3A = arith.constant 0 : i32
    %sign3A_73 = vector.broadcast %sign3A : i32 to vector<32x512xi32>
    %sign3A_74 = arith.cmpi sgt, %iota3A, %sign3A_73 : vector<32x512xi32>
    %sign3A_75 = arith.extui %sign3A_74 : vector<32x512xi1> to vector<32x512xi32>
    %sign3A_76 = arith.constant 0 : i32
    %sign3A_77 = vector.broadcast %sign3A_76 : i32 to vector<32x512xi32>
    %sign3A_78 = arith.cmpi slt, %iota3A, %sign3A_77 : vector<32x512xi32>
    %sign3A_79 = arith.extui %sign3A_78 : vector<32x512xi1> to vector<32x512xi32>
    %sign3A_80 = arith.subi %sign3A_75, %sign3A_79 : vector<32x512xi32>
    %sign3A_81 = arith.constant 0 : i32
    %sign3A_82 = arith.cmpi sgt, %jit3A, %sign3A_81 : i32
    %sign3A_83 = arith.extui %sign3A_82 : i1 to i32
    %sign3A_84 = arith.constant 0 : i32
    %sign3A_85 = arith.cmpi slt, %jit3A, %sign3A_84 : i32
    %sign3A_86 = arith.extui %sign3A_85 : i1 to i32
    %sign3A_87 = arith.subi %sign3A_83, %sign3A_86 : i32
    %ne3A = vector.broadcast %sign3A_87 : i32 to vector<32x512xi32>
    %ne3A_88 = arith.cmpi ne, %sign3A_80, %ne3A : vector<32x512xi32>
    %rem3A = vector.broadcast %jit3A : i32 to vector<32x512xi32>
    %rem3A_89 = arith.remsi %iota3A, %rem3A : vector<32x512xi32>
    %ne3A_90 = arith.constant 0 : i32
    %ne3A_91 = vector.broadcast %ne3A_90 : i32 to vector<32x512xi32>
    %ne3A_92 = arith.cmpi ne, %rem3A_89, %ne3A_91 : vector<32x512xi32>
    %and3A = arith.andi %ne3A_88, %ne3A_92 : vector<32x512xi1>
    %sub3A_93 = arith.constant 1 : i32
    %sub3A_94 = vector.broadcast %sub3A_93 : i32 to vector<32x512xi32>
    %sub3A_95 = arith.subi %div3A_72, %sub3A_94 : vector<32x512xi32>
    %select_n3A = arith.select %and3A, %sub3A_95, %div3A_72 : vector<32x512xi1>, vector<32x512xi32>
    %iota3A_96 = tpu.iota {dimensions = array<i32: 0>} : vector<32x512xi32>
    %eq3A = arith.cmpi eq, %select_n3A, %iota3A_96 : vector<32x512xi32>
    %convert_element_type3A = arith.extui %eq3A : vector<32x512xi1> to vector<32x512xi32>
    %convert_element_type3A_97 = arith.sitofp %convert_element_type3A : vector<32x512xi32> to vector<32x512xf32>
    %dot_general3A = arith.constant dense<0.000000e+00> : vector<512x512xf32>
    %dot_general3A_98 = tpu.matmul %add3A_70, %convert_element_type3A_97, %dot_general3A {dimension_numbers = #tpu.dot_dimension_numbers<[1], [0], [0], [1], [0, 0, 1, 1], [], []>, transpose_lhs_hint = false} : vector<512x32xf32>, vector<32x512xf32>, vector<512x512xf32> -> vector<512x512xf32>
    %dot_general3A_99 = arith.constant dense<0.000000e+00> : vector<512x512xf32>
    %dot_general3A_100 = tpu.matmul %get3A_21, %convert_element_type3A_97, %dot_general3A_99 {dimension_numbers = #tpu.dot_dimension_numbers<[1], [0], [0], [1], [0, 0, 1, 1], [], []>, transpose_lhs_hint = false} : vector<512x32xf32>, vector<32x512xf32>, vector<512x512xf32> -> vector<512x512xf32>
    %dot_general3A_101 = arith.constant dense<0.000000e+00> : vector<512x512xf32>
    %dot_general3A_102 = tpu.matmul %sub3A_34, %convert_element_type3A_97, %dot_general3A_101 {dimension_numbers = #tpu.dot_dimension_numbers<[1], [0], [0], [1], [0, 0, 1, 1], [], []>, transpose_lhs_hint = false} : vector<512x32xf32>, vector<32x512xf32>, vector<512x512xf32> -> vector<512x512xf32>
    %get3A_103 = arith.constant 0 : index
    %get3A_104 = arith.constant 0 : index
    %get3A_105 = vector.load %arg10[%get3A_103, %get3A_104] : memref<1x512xf32, #tpu.memory_space<vmem>>, vector<1x512xf32>
    %mul3A_106 = vector.broadcast %get3A_105 : vector<1x512xf32> to vector<512x512xf32>
    %mul3A_107 = arith.mulf %dot_general3A_102, %mul3A_106 : vector<512x512xf32>
    %max3A_108 = arith.constant 0.000000e+00 : f32
    %max3A_109 = vector.broadcast %max3A_108 : f32 to vector<512x512xf32>
    %max3A_110 = arith.maximumf %mul3A_107, %max3A_109 : vector<512x512xf32>
    %neg3A_111 = arith.constant 0.000000e+00 : f32
    %neg3A_112 = vector.broadcast %neg3A_111 : f32 to vector<512x512xf32>
    %neg3A_113 = arith.subf %neg3A_112, %max3A_110 : vector<512x512xf32>
    %exp3A_114 = math.exp %neg3A_113 : vector<512x512xf32>
    %get3A_115 = arith.constant 0 : index
    %get3A_116 = arith.constant 0 : index
    %get3A_117 = vector.load %arg4[%get3A_115, %get3A_116] : memref<512x512xf32, #tpu.memory_space<vmem>>, vector<512x512xf32>
    %mul3A_118 = arith.mulf %exp3A_114, %get3A_117 : vector<512x512xf32>
    %iota3A_119 = tpu.iota {dimensions = array<i32: 0>} : vector<16x512xi32>
    %iota3A_120 = tpu.iota {dimensions = array<i32: 1>} : vector<16x512xi32>
    %jit3A_121 = arith.constant 16 : i32
    %eq3A_122 = arith.constant 0 : i32
    %eq3A_123 = arith.cmpi eq, %jit3A_121, %eq3A_122 : i32
    %jit3A_124 = arith.constant 1 : i32
    %select_n3A_125 = arith.select %eq3A_123, %jit3A_124, %jit3A_121 : i32
    %rem3A_126 = vector.broadcast %select_n3A_125 : i32 to vector<16x512xi32>
    %rem3A_127 = arith.remsi %iota3A_120, %rem3A_126 : vector<16x512xi32>
    %ne3A_128 = arith.constant 0 : i32
    %ne3A_129 = vector.broadcast %ne3A_128 : i32 to vector<16x512xi32>
    %ne3A_130 = arith.cmpi ne, %rem3A_127, %ne3A_129 : vector<16x512xi32>
    %lt3A = arith.constant 0 : i32
    %lt3A_131 = vector.broadcast %lt3A : i32 to vector<16x512xi32>
    %lt3A_132 = arith.cmpi slt, %rem3A_127, %lt3A_131 : vector<16x512xi32>
    %lt3A_133 = arith.constant 0 : i32
    %lt3A_134 = arith.cmpi slt, %select_n3A_125, %lt3A_133 : i32
    %ne3A_135 = vector.broadcast %lt3A_134 : i1 to vector<16x512xi1>
    %ne3A_136 = vector.broadcast %ne3A_135 : vector<16x512xi1> to vector<16x512xi1>
    %ne3A_137 = arith.xori %lt3A_132, %ne3A_136 : vector<16x512xi1>
    %and3A_138 = arith.andi %ne3A_137, %ne3A_130 : vector<16x512xi1>
    %add3A_139 = vector.broadcast %select_n3A_125 : i32 to vector<16x512xi32>
    %add3A_140 = arith.addi %rem3A_127, %add3A_139 : vector<16x512xi32>
    %select_n3A_141 = arith.select %and3A_138, %add3A_140, %rem3A_127 : vector<16x512xi1>, vector<16x512xi32>
    %eq3A_142 = arith.cmpi eq, %iota3A_119, %select_n3A_141 : vector<16x512xi32>
    %convert_element_type3A_143 = arith.extui %eq3A_142 : vector<16x512xi1> to vector<16x512xi32>
    %convert_element_type3A_144 = arith.sitofp %convert_element_type3A_143 : vector<16x512xi32> to vector<16x512xf32>
    %iota3A_145 = tpu.iota {dimensions = array<i32: 0>} : vector<512x512xi32>
    %jit3A_146 = arith.constant 16 : i32
    %div3A_147 = vector.broadcast %jit3A_146 : i32 to vector<512x512xi32>
    %div3A_148 = arith.divsi %iota3A_145, %div3A_147 : vector<512x512xi32>
    %sign3A_149 = arith.constant 0 : i32
    %sign3A_150 = vector.broadcast %sign3A_149 : i32 to vector<512x512xi32>
    %sign3A_151 = arith.cmpi sgt, %iota3A_145, %sign3A_150 : vector<512x512xi32>
    %sign3A_152 = arith.extui %sign3A_151 : vector<512x512xi1> to vector<512x512xi32>
    %sign3A_153 = arith.constant 0 : i32
    %sign3A_154 = vector.broadcast %sign3A_153 : i32 to vector<512x512xi32>
    %sign3A_155 = arith.cmpi slt, %iota3A_145, %sign3A_154 : vector<512x512xi32>
    %sign3A_156 = arith.extui %sign3A_155 : vector<512x512xi1> to vector<512x512xi32>
    %sign3A_157 = arith.subi %sign3A_152, %sign3A_156 : vector<512x512xi32>
    %sign3A_158 = arith.constant 0 : i32
    %sign3A_159 = arith.cmpi sgt, %jit3A_146, %sign3A_158 : i32
    %sign3A_160 = arith.extui %sign3A_159 : i1 to i32
    %sign3A_161 = arith.constant 0 : i32
    %sign3A_162 = arith.cmpi slt, %jit3A_146, %sign3A_161 : i32
    %sign3A_163 = arith.extui %sign3A_162 : i1 to i32
    %sign3A_164 = arith.subi %sign3A_160, %sign3A_163 : i32
    %ne3A_165 = vector.broadcast %sign3A_164 : i32 to vector<512x512xi32>
    %ne3A_166 = arith.cmpi ne, %sign3A_157, %ne3A_165 : vector<512x512xi32>
    %rem3A_167 = vector.broadcast %jit3A_146 : i32 to vector<512x512xi32>
    %rem3A_168 = arith.remsi %iota3A_145, %rem3A_167 : vector<512x512xi32>
    %ne3A_169 = arith.constant 0 : i32
    %ne3A_170 = vector.broadcast %ne3A_169 : i32 to vector<512x512xi32>
    %ne3A_171 = arith.cmpi ne, %rem3A_168, %ne3A_170 : vector<512x512xi32>
    %and3A_172 = arith.andi %ne3A_166, %ne3A_171 : vector<512x512xi1>
    %sub3A_173 = arith.constant 1 : i32
    %sub3A_174 = vector.broadcast %sub3A_173 : i32 to vector<512x512xi32>
    %sub3A_175 = arith.subi %div3A_148, %sub3A_174 : vector<512x512xi32>
    %select_n3A_176 = arith.select %and3A_172, %sub3A_175, %div3A_148 : vector<512x512xi1>, vector<512x512xi32>
    %iota3A_177 = tpu.iota {dimensions = array<i32: 1>} : vector<512x512xi32>
    %jit3A_178 = arith.constant 16 : i32
    %div3A_179 = vector.broadcast %jit3A_178 : i32 to vector<512x512xi32>
    %div3A_180 = arith.divsi %iota3A_177, %div3A_179 : vector<512x512xi32>
    %sign3A_181 = arith.constant 0 : i32
    %sign3A_182 = vector.broadcast %sign3A_181 : i32 to vector<512x512xi32>
    %sign3A_183 = arith.cmpi sgt, %iota3A_177, %sign3A_182 : vector<512x512xi32>
    %sign3A_184 = arith.extui %sign3A_183 : vector<512x512xi1> to vector<512x512xi32>
    %sign3A_185 = arith.constant 0 : i32
    %sign3A_186 = vector.broadcast %sign3A_185 : i32 to vector<512x512xi32>
    %sign3A_187 = arith.cmpi slt, %iota3A_177, %sign3A_186 : vector<512x512xi32>
    %sign3A_188 = arith.extui %sign3A_187 : vector<512x512xi1> to vector<512x512xi32>
    %sign3A_189 = arith.subi %sign3A_184, %sign3A_188 : vector<512x512xi32>
    %sign3A_190 = arith.constant 0 : i32
    %sign3A_191 = arith.cmpi sgt, %jit3A_178, %sign3A_190 : i32
    %sign3A_192 = arith.extui %sign3A_191 : i1 to i32
    %sign3A_193 = arith.constant 0 : i32
    %sign3A_194 = arith.cmpi slt, %jit3A_178, %sign3A_193 : i32
    %sign3A_195 = arith.extui %sign3A_194 : i1 to i32
    %sign3A_196 = arith.subi %sign3A_192, %sign3A_195 : i32
    %ne3A_197 = vector.broadcast %sign3A_196 : i32 to vector<512x512xi32>
    %ne3A_198 = arith.cmpi ne, %sign3A_189, %ne3A_197 : vector<512x512xi32>
    %rem3A_199 = vector.broadcast %jit3A_178 : i32 to vector<512x512xi32>
    %rem3A_200 = arith.remsi %iota3A_177, %rem3A_199 : vector<512x512xi32>
    %ne3A_201 = arith.constant 0 : i32
    %ne3A_202 = vector.broadcast %ne3A_201 : i32 to vector<512x512xi32>
    %ne3A_203 = arith.cmpi ne, %rem3A_200, %ne3A_202 : vector<512x512xi32>
    %and3A_204 = arith.andi %ne3A_198, %ne3A_203 : vector<512x512xi1>
    %sub3A_205 = arith.constant 1 : i32
    %sub3A_206 = vector.broadcast %sub3A_205 : i32 to vector<512x512xi32>
    %sub3A_207 = arith.subi %div3A_180, %sub3A_206 : vector<512x512xi32>
    %select_n3A_208 = arith.select %and3A_204, %sub3A_207, %div3A_180 : vector<512x512xi1>, vector<512x512xi32>
    %eq3A_209 = arith.cmpi eq, %select_n3A_176, %select_n3A_208 : vector<512x512xi32>
    %convert_element_type3A_210 = arith.extui %eq3A_209 : vector<512x512xi1> to vector<512x512xi32>
    %convert_element_type3A_211 = arith.sitofp %convert_element_type3A_210 : vector<512x512xi32> to vector<512x512xf32>
    %get3A_212 = arith.constant 0 : index
    %get3A_213 = arith.constant 0 : index
    %get3A_214 = vector.load %arg20[%get3A_212, %get3A_213] : memref<512x16xf32, #tpu.memory_space<vmem>>, vector<512x16xf32>
    %dot_general3A_215 = arith.constant dense<0.000000e+00> : vector<512x512xf32>
    %dot_general3A_216 = tpu.matmul %get3A_214, %convert_element_type3A_144, %dot_general3A_215 {dimension_numbers = #tpu.dot_dimension_numbers<[1], [0], [0], [1], [0, 0, 1, 1], [], []>, transpose_lhs_hint = false} : vector<512x16xf32>, vector<16x512xf32>, vector<512x512xf32> -> vector<512x512xf32>
    %mul3A_217 = arith.mulf %dot_general3A_216, %convert_element_type3A_211 : vector<512x512xf32>
    %get3A_218 = arith.constant 0 : index
    %get3A_219 = arith.constant 0 : index
    %get3A_220 = vector.load %arg21[%get3A_218, %get3A_219] : memref<512x16xf32, #tpu.memory_space<vmem>>, vector<512x16xf32>
    %dot_general3A_221 = arith.constant dense<0.000000e+00> : vector<512x512xf32>
    %dot_general3A_222 = tpu.matmul %get3A_220, %convert_element_type3A_144, %dot_general3A_221 {dimension_numbers = #tpu.dot_dimension_numbers<[1], [0], [0], [1], [0, 0, 1, 1], [], []>, transpose_lhs_hint = false} : vector<512x16xf32>, vector<16x512xf32>, vector<512x512xf32> -> vector<512x512xf32>
    %mul3A_223 = arith.mulf %dot_general3A_222, %convert_element_type3A_211 : vector<512x512xf32>
    %get3A_224 = arith.constant 0 : index
    %get3A_225 = arith.constant 0 : index
    %get3A_226 = vector.load %arg22[%get3A_224, %get3A_225] : memref<512x16xf32, #tpu.memory_space<vmem>>, vector<512x16xf32>
    %dot_general3A_227 = arith.constant dense<0.000000e+00> : vector<512x512xf32>
    %dot_general3A_228 = tpu.matmul %get3A_226, %convert_element_type3A_144, %dot_general3A_227 {dimension_numbers = #tpu.dot_dimension_numbers<[1], [0], [0], [1], [0, 0, 1, 1], [], []>, transpose_lhs_hint = false} : vector<512x16xf32>, vector<16x512xf32>, vector<512x512xf32> -> vector<512x512xf32>
    %mul3A_229 = arith.mulf %dot_general3A_228, %convert_element_type3A_211 : vector<512x512xf32>
    %get3A_230 = arith.constant 0 : index
    %get3A_231 = arith.constant 0 : index
    %get3A_232 = vector.load %arg11[%get3A_230, %get3A_231] : memref<1x512xf32, #tpu.memory_space<vmem>>, vector<1x512xf32>
    %mul3A_233 = vector.broadcast %get3A_232 : vector<1x512xf32> to vector<512x512xf32>
    %mul3A_234 = arith.mulf %dot_general3A_98, %mul3A_233 : vector<512x512xf32>
    %dot_general3A_235 = arith.constant dense<0.000000e+00> : vector<512x512xf32>
    %dot_general3A_236 = tpu.matmul %mul3A_118, %mul3A_217, %dot_general3A_235 {dimension_numbers = #tpu.dot_dimension_numbers<[1], [0], [0], [1], [0, 0, 1, 1], [], []>, transpose_lhs_hint = false} : vector<512x512xf32>, vector<512x512xf32>, vector<512x512xf32> -> vector<512x512xf32>
    %add3A_237 = arith.addf %mul3A_234, %dot_general3A_236 : vector<512x512xf32>
    %get3A_238 = arith.constant 0 : index
    %get3A_239 = arith.constant 0 : index
    %get3A_240 = vector.load %arg14[%get3A_238, %get3A_239] : memref<1x512xf32, #tpu.memory_space<vmem>>, vector<1x512xf32>
    %mul3A_241 = vector.broadcast %get3A_240 : vector<1x512xf32> to vector<512x512xf32>
    %mul3A_242 = arith.mulf %dot_general3A_100, %mul3A_241 : vector<512x512xf32>
    %add3A_243 = arith.addf %add3A_237, %mul3A_242 : vector<512x512xf32>
    %get3A_244 = arith.constant 0 : index
    %get3A_245 = arith.constant 0 : index
    %get3A_246 = vector.load %arg17[%get3A_244, %get3A_245] : memref<1x512xf32, #tpu.memory_space<vmem>>, vector<1x512xf32>
    %add3A_247 = vector.broadcast %get3A_246 : vector<1x512xf32> to vector<512x512xf32>
    %add3A_248 = arith.addf %add3A_243, %add3A_247 : vector<512x512xf32>
    %neg3A_249 = arith.constant 0.000000e+00 : f32
    %neg3A_250 = vector.broadcast %neg3A_249 : f32 to vector<512x512xf32>
    %neg3A_251 = arith.subf %neg3A_250, %add3A_248 : vector<512x512xf32>
    %exp3A_252 = math.exp %neg3A_251 : vector<512x512xf32>
    %add3A_253 = arith.constant 1.000000e+00 : f32
    %add3A_254 = vector.broadcast %add3A_253 : f32 to vector<512x512xf32>
    %add3A_255 = arith.addf %add3A_254, %exp3A_252 : vector<512x512xf32>
    %div3A_256 = arith.constant 1.000000e+00 : f32
    %div3A_257 = vector.broadcast %div3A_256 : f32 to vector<512x512xf32>
    %div3A_258 = arith.divf %div3A_257, %add3A_255 : vector<512x512xf32>
    %get3A_259 = arith.constant 0 : index
    %get3A_260 = arith.constant 0 : index
    %get3A_261 = vector.load %arg12[%get3A_259, %get3A_260] : memref<1x512xf32, #tpu.memory_space<vmem>>, vector<1x512xf32>
    %mul3A_262 = vector.broadcast %get3A_261 : vector<1x512xf32> to vector<512x512xf32>
    %mul3A_263 = arith.mulf %dot_general3A_98, %mul3A_262 : vector<512x512xf32>
    %dot_general3A_264 = arith.constant dense<0.000000e+00> : vector<512x512xf32>
    %dot_general3A_265 = tpu.matmul %mul3A_118, %mul3A_223, %dot_general3A_264 {dimension_numbers = #tpu.dot_dimension_numbers<[1], [0], [0], [1], [0, 0, 1, 1], [], []>, transpose_lhs_hint = false} : vector<512x512xf32>, vector<512x512xf32>, vector<512x512xf32> -> vector<512x512xf32>
    %add3A_266 = arith.addf %mul3A_263, %dot_general3A_265 : vector<512x512xf32>
    %get3A_267 = arith.constant 0 : index
    %get3A_268 = arith.constant 0 : index
    %get3A_269 = vector.load %arg15[%get3A_267, %get3A_268] : memref<1x512xf32, #tpu.memory_space<vmem>>, vector<1x512xf32>
    %mul3A_270 = vector.broadcast %get3A_269 : vector<1x512xf32> to vector<512x512xf32>
    %mul3A_271 = arith.mulf %dot_general3A_100, %mul3A_270 : vector<512x512xf32>
    %add3A_272 = arith.addf %add3A_266, %mul3A_271 : vector<512x512xf32>
    %get3A_273 = arith.constant 0 : index
    %get3A_274 = arith.constant 0 : index
    %get3A_275 = vector.load %arg18[%get3A_273, %get3A_274] : memref<1x512xf32, #tpu.memory_space<vmem>>, vector<1x512xf32>
    %add3A_276 = vector.broadcast %get3A_275 : vector<1x512xf32> to vector<512x512xf32>
    %add3A_277 = arith.addf %add3A_272, %add3A_276 : vector<512x512xf32>
    %neg3A_278 = arith.constant 0.000000e+00 : f32
    %neg3A_279 = vector.broadcast %neg3A_278 : f32 to vector<512x512xf32>
    %neg3A_280 = arith.subf %neg3A_279, %add3A_277 : vector<512x512xf32>
    %exp3A_281 = math.exp %neg3A_280 : vector<512x512xf32>
    %add3A_282 = arith.constant 1.000000e+00 : f32
    %add3A_283 = vector.broadcast %add3A_282 : f32 to vector<512x512xf32>
    %add3A_284 = arith.addf %add3A_283, %exp3A_281 : vector<512x512xf32>
    %div3A_285 = arith.constant 1.000000e+00 : f32
    %div3A_286 = vector.broadcast %div3A_285 : f32 to vector<512x512xf32>
    %div3A_287 = arith.divf %div3A_286, %add3A_284 : vector<512x512xf32>
    %get3A_288 = arith.constant 0 : index
    %get3A_289 = arith.constant 0 : index
    %get3A_290 = vector.load %arg13[%get3A_288, %get3A_289] : memref<1x512xf32, #tpu.memory_space<vmem>>, vector<1x512xf32>
    %mul3A_291 = vector.broadcast %get3A_290 : vector<1x512xf32> to vector<512x512xf32>
    %mul3A_292 = arith.mulf %dot_general3A_98, %mul3A_291 : vector<512x512xf32>
    %mul3A_293 = arith.mulf %div3A_258, %mul3A_118 : vector<512x512xf32>
    %dot_general3A_294 = arith.constant dense<0.000000e+00> : vector<512x512xf32>
    %dot_general3A_295 = tpu.matmul %mul3A_293, %mul3A_229, %dot_general3A_294 {dimension_numbers = #tpu.dot_dimension_numbers<[1], [0], [0], [1], [0, 0, 1, 1], [], []>, transpose_lhs_hint = false} : vector<512x512xf32>, vector<512x512xf32>, vector<512x512xf32> -> vector<512x512xf32>
    %add3A_296 = arith.addf %mul3A_292, %dot_general3A_295 : vector<512x512xf32>
    %get3A_297 = arith.constant 0 : index
    %get3A_298 = arith.constant 0 : index
    %get3A_299 = vector.load %arg16[%get3A_297, %get3A_298] : memref<1x512xf32, #tpu.memory_space<vmem>>, vector<1x512xf32>
    %mul3A_300 = vector.broadcast %get3A_299 : vector<1x512xf32> to vector<512x512xf32>
    %mul3A_301 = arith.mulf %dot_general3A_100, %mul3A_300 : vector<512x512xf32>
    %add3A_302 = arith.addf %add3A_296, %mul3A_301 : vector<512x512xf32>
    %get3A_303 = arith.constant 0 : index
    %get3A_304 = arith.constant 0 : index
    %get3A_305 = vector.load %arg19[%get3A_303, %get3A_304] : memref<1x512xf32, #tpu.memory_space<vmem>>, vector<1x512xf32>
    %add3A_306 = vector.broadcast %get3A_305 : vector<1x512xf32> to vector<512x512xf32>
    %add3A_307 = arith.addf %add3A_302, %add3A_306 : vector<512x512xf32>
    %tanh3A = math.tanh %add3A_307 : vector<512x512xf32>
    %mul3A_308 = arith.mulf %div3A_287, %mul3A_118 : vector<512x512xf32>
    %sub3A_309 = arith.constant 1.000000e+00 : f32
    %sub3A_310 = vector.broadcast %sub3A_309 : f32 to vector<512x512xf32>
    %sub3A_311 = arith.subf %sub3A_310, %div3A_287 : vector<512x512xf32>
    %mul3A_312 = arith.mulf %sub3A_311, %tanh3A : vector<512x512xf32>
    %add3A_313 = arith.addf %mul3A_308, %mul3A_312 : vector<512x512xf32>
    %swap3A = arith.constant 0 : index
    %swap3A_314 = arith.constant 0 : index
    %swap3A_315 = vector.load %arg23[%swap3A, %swap3A_314] : memref<512x512xf32, #tpu.memory_space<vmem>>, vector<512x512xf32>
    tpu.vector_store %arg23[%swap3A, %swap3A_314], %add3A_313 {strides = array<i32>} : memref<512x512xf32, #tpu.memory_space<vmem>>, vector<512x512xf32>,
    %swap3A_316 = arith.constant 0 : index
    %swap3A_317 = arith.constant 0 : index
    %swap3A_318 = vector.load %arg24[%swap3A_316, %swap3A_317] : memref<512x32xf32, #tpu.memory_space<vmem>>, vector<512x32xf32>
    tpu.vector_store %arg24[%swap3A_316, %swap3A_317], %add3A_49 {strides = array<i32>} : memref<512x32xf32, #tpu.memory_space<vmem>>, vector<512x32xf32>,
    %swap3A_319 = arith.constant 0 : index
    %swap3A_320 = arith.constant 0 : index
    %swap3A_321 = vector.load %arg25[%swap3A_319, %swap3A_320] : memref<512x32xf32, #tpu.memory_space<vmem>>, vector<512x32xf32>
    tpu.vector_store %arg25[%swap3A_319, %swap3A_320], %add3A_56 {strides = array<i32>} : memref<512x32xf32, #tpu.memory_space<vmem>>, vector<512x32xf32>,
    return
  }
  func.func @transform_0(%arg0: i32) -> (i32, i32) {
    %c0_i32 = arith.constant 0 : i32
    %c0_i32_0 = arith.constant 0 : i32
    %c0_i32_1 = arith.constant 0 : i32
    return %c0_i32, %c0_i32_0 : i32, i32
  }
  func.func @transform_1(%arg0: i32) -> (i32, i32) {
    %c0_i32 = arith.constant 0 : i32
    %c0_i32_0 = arith.constant 0 : i32
    %c0_i32_1 = arith.constant 0 : i32
    return %c0_i32, %c0_i32_0 : i32, i32
  }
  func.func @transform_2(%arg0: i32) -> (i32, i32) {
    %c0_i32 = arith.constant 0 : i32
    %c0_i32_0 = arith.constant 0 : i32
    %c0_i32_1 = arith.constant 0 : i32
    return %c0_i32, %c0_i32_0 : i32, i32
  }
  func.func @transform_3(%arg0: i32) -> (i32, i32) {
    %c0_i32 = arith.constant 0 : i32
    %c0_i32_0 = arith.constant 0 : i32
    return %arg0, %c0_i32 : i32, i32
  }
  func.func @transform_4(%arg0: i32) -> (i32, i32) {
    %c0_i32 = arith.constant 0 : i32
    %c0_i32_0 = arith.constant 0 : i32
    return %arg0, %c0_i32 : i32, i32
  }
  func.func @transform_5(%arg0: i32) -> (i32, i32) {
    %c0_i32 = arith.constant 0 : i32
    %c0_i32_0 = arith.constant 0 : i32
    return %arg0, %c0_i32 : i32, i32
  }
  func.func @transform_6(%arg0: i32) -> (i32, i32) {
    %c0_i32 = arith.constant 0 : i32
    %c0_i32_0 = arith.constant 0 : i32
    return %arg0, %c0_i32 : i32, i32
  }
  func.func @transform_7(%arg0: i32) -> (i32, i32) {
    %c0_i32 = arith.constant 0 : i32
    %c0_i32_0 = arith.constant 0 : i32
    return %arg0, %c0_i32 : i32, i32
  }
  func.func @transform_8(%arg0: i32) -> (i32, i32) {
    %c0_i32 = arith.constant 0 : i32
    %c0_i32_0 = arith.constant 0 : i32
    %c0_i32_1 = arith.constant 0 : i32
    return %c0_i32, %c0_i32_0 : i32, i32
  }
  func.func @transform_9(%arg0: i32) -> (i32, i32) {
    %c0_i32 = arith.constant 0 : i32
    %c0_i32_0 = arith.constant 0 : i32
    %c0_i32_1 = arith.constant 0 : i32
    return %c0_i32, %c0_i32_0 : i32, i32
  }
  func.func @transform_10(%arg0: i32) -> (i32, i32) {
    %c0_i32 = arith.constant 0 : i32
    %c0_i32_0 = arith.constant 0 : i32
    %c0_i32_1 = arith.constant 0 : i32
    return %c0_i32, %c0_i32_0 : i32, i32
  }
  func.func @transform_11(%arg0: i32) -> (i32, i32) {
    %c0_i32 = arith.constant 0 : i32
    %c0_i32_0 = arith.constant 0 : i32
    %c0_i32_1 = arith.constant 0 : i32
    return %c0_i32, %c0_i32_0 : i32, i32
  }
  func.func @transform_12(%arg0: i32) -> (i32, i32) {
    %c0_i32 = arith.constant 0 : i32
    %c0_i32_0 = arith.constant 0 : i32
    %c0_i32_1 = arith.constant 0 : i32
    return %c0_i32, %c0_i32_0 : i32, i32
  }
  func.func @transform_13(%arg0: i32) -> (i32, i32) {
    %c0_i32 = arith.constant 0 : i32
    %c0_i32_0 = arith.constant 0 : i32
    %c0_i32_1 = arith.constant 0 : i32
    return %c0_i32, %c0_i32_0 : i32, i32
  }
  func.func @transform_14(%arg0: i32) -> (i32, i32) {
    %c0_i32 = arith.constant 0 : i32
    %c0_i32_0 = arith.constant 0 : i32
    %c0_i32_1 = arith.constant 0 : i32
    return %c0_i32, %c0_i32_0 : i32, i32
  }
  func.func @transform_15(%arg0: i32) -> (i32, i32) {
    %c0_i32 = arith.constant 0 : i32
    %c0_i32_0 = arith.constant 0 : i32
    %c0_i32_1 = arith.constant 0 : i32
    return %c0_i32, %c0_i32_0 : i32, i32
  }
  func.func @transform_16(%arg0: i32) -> (i32, i32) {
    %c0_i32 = arith.constant 0 : i32
    %c0_i32_0 = arith.constant 0 : i32
    %c0_i32_1 = arith.constant 0 : i32
    return %c0_i32, %c0_i32_0 : i32, i32
  }
  func.func @transform_17(%arg0: i32) -> (i32, i32) {
    %c0_i32 = arith.constant 0 : i32
    %c0_i32_0 = arith.constant 0 : i32
    %c0_i32_1 = arith.constant 0 : i32
    return %c0_i32, %c0_i32_0 : i32, i32
  }
  func.func @transform_18(%arg0: i32) -> (i32, i32) {
    %c0_i32 = arith.constant 0 : i32
    %c0_i32_0 = arith.constant 0 : i32
    %c0_i32_1 = arith.constant 0 : i32
    return %c0_i32, %c0_i32_0 : i32, i32
  }
  func.func @transform_19(%arg0: i32) -> (i32, i32) {
    %c0_i32 = arith.constant 0 : i32
    %c0_i32_0 = arith.constant 0 : i32
    %c0_i32_1 = arith.constant 0 : i32
    return %c0_i32, %c0_i32_0 : i32, i32
  }
  func.func @transform_20(%arg0: i32) -> (i32, i32) {
    %c0_i32 = arith.constant 0 : i32
    %c0_i32_0 = arith.constant 0 : i32
    %c0_i32_1 = arith.constant 0 : i32
    return %c0_i32, %c0_i32_0 : i32, i32
  }
  func.func @transform_21(%arg0: i32) -> (i32, i32) {
    %c0_i32 = arith.constant 0 : i32
    %c0_i32_0 = arith.constant 0 : i32
    %c0_i32_1 = arith.constant 0 : i32
    return %c0_i32, %c0_i32_0 : i32, i32
  }
  func.func @transform_22(%arg0: i32) -> (i32, i32) {
    %c0_i32 = arith.constant 0 : i32
    %c0_i32_0 = arith.constant 0 : i32
    return %arg0, %c0_i32 : i32, i32
  }
  func.func @transform_23(%arg0: i32) -> (i32, i32) {
    %c0_i32 = arith.constant 0 : i32
    %c0_i32_0 = arith.constant 0 : i32
    return %arg0, %c0_i32 : i32, i32
  }
  func.func @transform_24(%arg0: i32) -> (i32, i32) {
    %c0_i32 = arith.constant 0 : i32
    %c0_i32_0 = arith.constant 0 : i32
    return %arg0, %c0_i32 : i32, i32
  }
}

</mosaic_0001>

<sc_bundles>
// kernel: mgn_sc_copy_all.3.cloned.1.call-start
scs
__scs_entry_jumppad:
0x0: {  	(pc) =	sbr.rel $0x88, $3  }
0x1: {  	(tag) =	ssettag $0x0;
	lr =	simm.s32 $0x1  }
0x2: {  	[smem:$0x3F8C] =	sst lr;
	_ =	strace $0xD0000000  }
0x3: {  	_ = 	snop  }
0x4: {  	_ = 	snop  }
0x5: {  	_ = 	snop  }
0x6: {  	_ = 	snop  }
0x7: {  	_ = 	snop  }
__scs_overlays_trampoline_lowered:
0x8: {  	[smem:$0x3F9B] =	sst s0  }
0x9: {  	[smem:$0x3F9C] =	sst s1  }
0xa: {  	[smem:$0x3F9D] =	sst s2  }
0xb: {  	[smem:$0x3F9E] =	sst s3  }
0xc: {  	[smem:$0x3F9F] =	sst s4  }
0xd: {  	[smem:$0x3FA0] =	sst s5  }
0xe: {  	[smem:$0x3FA1] =	sst s6  }
0xf: {  	[smem:$0x3FA2] =	sst s7  }
0x10: {  	[smem:$0x3FA3] =	sst s8  }
0x11: {  	[smem:$0x3FA4] =	sst s9;
	s0 =	simm.s32 @!p0 $0x0  }
0x12: {  	s1 =	sld [smem:$0x3F8A];
	s0 =	simm.s32 @p0 $0x1  }
0x13: {  	[smem:$0x3FA5] =	sst s0;
	s0 =	simm.s32 @!p1 $0x0  }
0x14: {  	s2 =	sld [smem:$0x3F89];
	s0 =	simm.s32 @p1 $0x1  }
0x15: {  	[smem:$0x3FA6] =	sst s0;
	s0 =	simm.s32 @!p2 $0x0  }
0x16: {  	s3 =	sld [smem:$0x3FDB];
	s0 =	simm.s32 @p2 $0x1  }
0x17: {  	s4 =	simm.s32 $0x1BF5;
	[smem:$0x3FA8] =	sst s0  }
0x18: {  	s0 =	sld [smem:$0x3F8B];
	_ =	swait.ge [sflag:s4], $0x0  }
0x19: {  	s7 =	sld [smem:$0x3F8C]  }
0x1a: {  	s8 =	sadd.s32 $0xFFFFE003, lr  }
0x1b: {  	s9 =	sadd.s32 $0xFFFFFEF7, lr;
	s5 =	simm.s32 $0xFFFFFFFF;
	p2 =	slt.u32 s8, $0xFFFFF086  }
0x1c: {  	p1 =	slt.u32 s9, $0xF7A;
	s5 =	simm.s32 @!p2 $0x0  }
0x1d: {  	s5 =	simm.s32 @p1 $0x1;
	p0 =	seq.s32 s7, s2  }
0x1e: {  	s7 =	smul.u32 @!p0 $0xF7A, s2;
	p2 =	seq.s32 @!p0 s5, $0x0  }
0x1f: {  	s9 =	smul.u32 $0xF7A, s1;
	s8 =	simm.s32 @!p0 $0x1BF5;
	p2 =	por !p2, p0  }
0x20: {  	[sflag:s8] =	ssyncset.s32 @!p0 $0xFFFFF086;
	s6 =	sadd.s32 @!p0 s3, s7;
	s7 =	simm.s32 @!p0 $0x108  }
0x21: {  	s3 =	sadd.s32 s3, s9;
	s6 =	sadd.s32 @!p0 $0x88, s6;
	s7 =	simm.s32 @p2 $0x1082  }
0x22: {  	[simem:s7], [sflag:s8] =	dma.local @!p0 [hbm:s6], $0xF7A  }
0x23: {  	s9 =	sor.u32 $0xD0000000, s2;
	s6 =	simm.s32 $0x108;
	_ =	swait.ge @!p0 [sflag:s8], $0x0  }
0x24: {  	s3 =	sadd.s32 $0x88, s3;
	s6 =	simm.s32 @!p1 $0x1082;
	[sflag:s4] =	ssyncset.s32 $0xFFFFF086  }
0x25: {  	[simem:s6], [sflag:s4] =	dma.local [hbm:s3], $0xF7A  }
0x26: {  	[smem:$0x3F8C] =	sst s1;
	(tag) =	ssettag s2;
	_ =	strace s9  }
0x27: {  	s1 =	sld [smem:$0x3F9C]  }
0x28: {  	s2 =	sld [smem:$0x3F9D]  }
0x29: {  	s4 =	sld [smem:$0x3F9F]  }
0x2a: {  	p0 =	seq.s32 s5, $0x0;
	s5 =	sld [smem:$0x3FA0]  }
0x2b: {  	s6 =	sld [smem:$0x3FA1]  }
0x2c: {  	s7 =	sld [smem:$0x3FA2]  }
0x2d: {  	s3 =	simm.s32 $0x108;
	s8 =	sld [smem:$0x3FA3]  }
0x2e: {  	s3 =	simm.s32 @!p0 $0x1082;
	s9 =	sld [smem:$0x3FA4]  }
0x2f: {  	lr =	sadd.s32 s0, s3;
	s0 =	sld [smem:$0x3F9B]  }
0x30: {  	s3 =	sld [smem:$0x3F9E]  }
0x31: {  	[smem:$0x3FA7] =	sst s10  }
0x32: {  	s10 =	sld [smem:$0x3FA5];
	_ =	sdelay $0x3  }
0x33: {  	p0 =	seq.s32 s10, $0x1;
	s10 =	sld [smem:$0x3FA7];
	_ =	sdelay $0x3  }
0x34: {  	[smem:$0x3FA7] =	sst s10  }
0x35: {  	s10 =	sld [smem:$0x3FA6];
	_ =	sdelay $0x3  }
0x36: {  	p1 =	seq.s32 s10, $0x1;
	s10 =	sld [smem:$0x3FA7];
	_ =	sdelay $0x3  }
0x37: {  	[smem:$0x3FA7] =	sst s10  }
0x38: {  	s10 =	sld [smem:$0x3FA8]  }
0x39: {  	_ = 	snop;
	(pc) =	sbr.ind lr, $3  }
0x3a: {  	_ = 	snop  }
0x3b: {  	_ = 	snop  }
0x3c: {  	p2 =	seq.s32 s10, $0x1;
	s10 =	sld [smem:$0x3FA7]  }
0x3d: {  	_ =	shalt  }
0x3e: {  	_ =	shalt  }
0x3f: {  	_ =	shalt  }
0x40: {  	_ =	shalt  }
0x41: {  	_ =	shalt  }
0x42: {  	_ =	shalt  }
0x43: {  	_ =	shalt  }
0x44: {  	_ =	shalt  }
0x45: {  	_ =	shalt  }
0x46: {  	_ =	shalt  }
0x47: {  	_ =	shalt  }
0x48: {  	_ =	shalt  }
0x49: {  	_ =	shalt  }
0x4a: {  	_ =	shalt  }
0x4b: {  	_ =	shalt  }
0x4c: {  	_ =	shalt  }
0x4d: {  	_ =	shalt  }
0x4e: {  	_ =	shalt  }
0x4f: {  	_ =	shalt  }
0x50: {  	_ =	shalt  }
0x51: {  	_ =	shalt  }
0x52: {  	_ =	shalt  }
0x53: {  	_ =	shalt  }
0x54: {  	_ =	shalt  }
0x55: {  	_ =	shalt  }
0x56: {  	_ =	shalt  }
0x57: {  	_ =	shalt  }
0x58: {  	_ =	shalt  }
0x59: {  	_ =	shalt  }
0x5a: {  	_ =	shalt  }
0x5b: {  	_ =	shalt  }
0x5c: {  	_ =	shalt  }
0x5d: {  	_ =	shalt  }
0x5e: {  	_ =	shalt  }
0x5f: {  	_ =	shalt  }
0x60: {  	_ =	shalt  }
0x61: {  	_ =	shalt  }
0x62: {  	_ =	shalt  }
0x63: {  	_ =	shalt  }
0x64: {  	_ =	shalt  }
0x65: {  	_ =	shalt  }
0x66: {  	_ =	shalt  }
0x67: {  	_ =	shalt  }
0x68: {  	_ =	shalt  }
0x69: {  	_ =	shalt  }
0x6a: {  	_ =	shalt  }
0x6b: {  	_ =	shalt  }
0x6c: {  	_ =	shalt  }
0x6d: {  	_ =	shalt  }
0x6e: {  	_ =	shalt  }
0x6f: {  	_ =	shalt  }
0x70: {  	_ =	shalt  }
0x71: {  	_ =	shalt  }
0x72: {  	_ =	shalt  }
0x73: {  	_ =	shalt  }
0x74: {  	_ =	shalt  }
0x75: {  	_ =	shalt  }
0x76: {  	_ =	shalt  }
0x77: {  	_ =	shalt  }
0x78: {  	_ =	shalt  }
0x79: {  	_ =	shalt  }
0x7a: {  	_ =	shalt  }
0x7b: {  	_ =	shalt  }
0x7c: {  	_ =	shalt  }
0x7d: {  	_ =	shalt  }
0x7e: {  	_ =	shalt  }
0x7f: {  	_ =	shalt  }
0x80: {  	_ =	shalt  }
0x81: {  	_ =	shalt  }
0x82: {  	_ =	shalt  }
0x83: {  	_ =	shalt  }
0x84: {  	_ =	shalt  }
0x85: {  	_ =	shalt  }
0x86: {  	_ =	shalt  }
0x87: {  	_ =	shalt  }
.Lfunc_end0:
.L_simem_size_0:
called_computation.2_lowered:
.L_overlay_start_0:
0x88: {  	s2 =	sld [smem:$0x3FD9]  }
0x89: {  	s3 =	sld [smem:$0x3FFE];
	_ =	sdelay $0x1  }
0x8a: {  	s1 =	srdreg.scid  }
0x8b: {  	s0 =	sand.u32 $0x1, s1  }
0x8c: {  	s16 =	sshll.u32 s0, $0xA;
	s2 =	sadd.s32 s3, s2  }
0x8d: {  	s2 =	sadd.s32 s2, s16  }
0x8e: {  	[smem:$0x3FB3] =	sst s2  }
0x8f: {  	_ = 	snop  }
0x90: {  	s17 =	sld [smem:$0x3FD0];
	_ =	sdelay $0x2  }
0x91: {  	s4 =	simm.s32 $0xC;
	s5 =	simm.s32 $0x10;
	s2 =	sld [smem:$0x3FC8]  }
0x92: {  	[smem:s5], [sflag:s4] =	dma.local [hbm:s17], $0x1  }
0x93: {  	_ =	swait.eq [sflag:s4], $0x1  }
0x94: {  	[sflag:s4] =	ssyncset.done $0x0  }
0x95: {  	[sflag:s4] =	ssyncadd.s32 $0xFFFFFFFF  }
0x96: {  	s18 =	sld [smem:$0x10];
	(tm) =	ssettm $0x1  }
0x97: {  	s19 =	sld [smem:$0x3FFB];
	_ =	sdelay $0x3  }
0x98: {  	_ =	strace s19  }
0x99: {  	s3 =	sld [smem:$0x3FFC];
	_ =	sdelay $0x3  }
0x9a: {  	_ =	strace s3  }
0x9b: {  	s3 =	sld [smem:$0x3FFD];
	_ =	sdelay $0x3  }
0x9c: {  	_ =	strace s3  }
0x9d: {  	_ =	strace $0x8FFFFFFF  }
0x9e: {  	s20 =	sld [smem:$0x3FDB];
	_ =	sdelay $0x1  }
0x9f: {  	s21 =	simm.s32 $_scs_section_size  }
0xa0: {  	s6 =	simm.s32 $_size__tile_overlayer_lowered;
	s7 =	simm.s32 $_tile_overlayer_lowered  }
0xa1: {  	s8 =	simm.s32 $0x1BFF;
	s22 =	sshll.u32 s7, $0x1;
	s5 =	sadd.s32 s21, s20  }
0xa2: {  	s23 =	simm.s32 $0x0;
	s6 =	sshll.u32 s6, $0x1;
	s7 =	sadd.s32 s22, s5  }
0xa3: {  	[timem:s23], [sflag:s8] =	dma.local [hbm:s7], s6  }
0xa4: {  	_ =	swait.ge [sflag:s8], s6  }
0xa5: {  	s6 =	ssub.s32 $0x0, s6;
	[sflag:s8] =	ssyncset.done $0x0  }
0xa6: {  	[sflag:s8] =	ssyncadd.s32 s6;
	_ =	sdelay $0x1  }
0xa7: {  	s24 =	simm.s32 $0x1B8B  }
0xa8: {  	_ =	swait.ge [sflag:s24], $0x1  }
0xa9: {  	[sflag:s24] =	ssyncset.done $0x0  }
0xaa: {  	[sflag:s24] =	ssyncadd.s32 $0xFFFFFFFF  }
0xab: {  	s6 =	sld [smem:$0x0]  }
0xac: {  	s7 =	sand.u32 $0xFFFFFFFE, s1  }
0xad: {  	p0 =	sne.s32 s1, s7  }
0xae: {  	s7 =	sshll.u32 @p0 s7, $0xE  }
0xaf: {  	s7 =	sadd.s32 @p0 $0x11B8D, s7;
	s8 =	sshll.u32 @p0 s6, $0x11  }
0xb0: {  	s7 =	sor.u32 @p0 s8, s7  }
0xb1: {  	[sflag:s7] =	ssyncadd.remote.s32 @p0 $0x1;
	_ =	sdelay $0x1  }
0xb2: {  	s7 =	simm.s32 @p0 $0x1B8D  }
0xb3: {  	_ =	swait.eq @p0 [sflag:s7], $0x1  }
0xb4: {  	[sflag:s7] =	ssyncadd.s32 @p0 $0xFFFFFFFF  }
0xb5: {  	s8 =	sshll.u32 @!p0 s1, $0xE  }
0xb6: {  	s8 =	sor.u32 @!p0 $0x4000, s8;
	s7 =	simm.s32 @!p0 $0x1B8D  }
0xb7: {  	s6 =	sshll.u32 @!p0 s6, $0x11;
	s8 =	sadd.s32 @!p0 $0x11B8D, s8;
	_ =	swait.eq @!p0 [sflag:s7], $0x1  }
0xb8: {  	s6 =	sor.u32 @!p0 s6, s8;
	[sflag:s7] =	ssyncadd.s32 @!p0 $0xFFFFFFFF  }
0xb9: {  	s25 =	simm.s32 $0x1B8E;
	[sflag:s6] =	ssyncadd.remote.s32 @!p0 $0x1  }
0xba: {  	s26 =	simm.s32 $execute0_lowered;
	[smem:$0x3FD2] =	sst s25  }
0xbb: {  	s6 =	sshll.u32 s26, $0x1;
	_ =	strace $0x8000004C;
	[dreg:$0x1] =	wrdreg $0xFFFFFFFF  }
0xbc: {  	s28 =	simm.s32 $_size_execute0_lowered;
	s5 =	sadd.s32 s5, s6;
	[dreg:$0x0] =	wrdreg $0x0  }
0xbd: {  	s6 =	sshll.u32 s28, $0x1;
	[dreg:$0x2] =	wrdreg s5  }
0xbe: {  	[dreg:$0x3] =	wrdreg s6  }
0xbf: {  	[dreg:$0x4] =	wrdreg $0xC0  }
0xc0: {  	_ =	task [dreg:s23], $0x5FFFF  }
0xc1: {  	[dreg:$0x1] =	wrdreg $0xFFFFFFFF  }
0xc2: {  	[dreg:$0x0] =	wrdreg $0x60  }
0xc3: {  	[dreg:$0x2] =	wrdreg s2  }
0xc4: {  	[dreg:$0x3] =	wrdreg s18  }
0xc5: {  	[dreg:$0x4] =	wrdreg $0x9  }
0xc6: {  	_ =	task.clear_ibuf [dreg:s23], $0x5FFFF;
	_ =	strace $0x9000004C  }
0xc7: {  	s29 =	simm.s32 $0x9;
	_ =	strace $0x8000004E  }
0xc8: {  	_ =	swait.ge [sflag:s29], $0x1  }
0xc9: {  	[sflag:s29] =	ssyncadd.s32 $0xFFFFFFFF  }
0xca: {  	_ =	strace $0x9000004E  }
0xcb: {  	_ =	sfence  }
0xcc: {  	s30 =	sld [smem:$0x0];
	_ =	sdelay $0x2  }
0xcd: {  	s31 =	sshll.u32 s1, $0xD;
	s1 =	sshrl.u32 s1, $0x2  }
0xce: {  	s4 =	sand.u32 $0x4000, s31;
	s1 =	sadd.s32 s1, s30  }
0xcf: {  	s0 =	sor.u32 s4, s0;
	s1 =	sshll.u32 s1, $0x11  }
0xd0: {  	s0 =	sor.u32 s1, s0  }
0xd1: {  	s0 =	sadd.s32 $0x8F2B, s0  }
0xd2: {  	[sflag:s0] =	ssyncadd.remote.s32 $0x1  }
0xd3: {  	_ =	sfence.sel $0xFFFF  }
0xd4: {  	[dreg:$0x0] =	wrdreg $0xFFFFFFFF;
	(pc) =	sbr.abs _section_cstart, $3  }
0xd5: {  	[dreg:$0x1] =	wrdreg $0xFFFFFFFF  }
0xd6: {  	_ =	task.clear_ibuf [dreg:s23], $0x2FFFF;
	_ =	strace $0x9FFFFFFF  }
0xd7: {  	(tm) =	ssettm $0x7FFFFFFF  }
tec
execute0_lowered:
.L_overlay_start_1:
0x0: {  	(tag) =	ssettag $0x1  }
0x1: {  	s0 =	srdreg.scid;
	s30 =	stileid.u32  }
0x2: {  	s5 =	sand.u32 $0x1, s0;
	s7 =	sshll.u32 s30, $0x1  }
0x3: {  	s3 =	rddreg [dreg:$0x0];
	s1 =	sor.u32 s5, s7  }
0x4: {  	s9 =	rddreg [dreg:$0x1];
	s2 =	simm.s32 $0x0;
	s6 =	smul.u32 $0x30E00, s1  }
0x5: {  	[smem:$0x7FF] =	sst s2;
	s0 =	smul.u32 $0x187000, s1  }
0x6: {  	s31 =	rddreg [dreg:$0x2];
	_ =	strace $0x8000004D;
	s8 =	sadd.s32 s3, s6  }
0x7: {  	s4 =	sshrl.u32 s0, $0x3;
	s11 =	sadd.s32 s9, s6;
	[dreg:$0x3] =	wrdreg s8  }
0x8: {  	s7 =	sadd.s32 $0x1C00, s4;
	[dreg:$0x5] =	wrdreg s11  }
0x9: {  	s12 =	sadd.s32 $0x3800, s4;
	s10 =	sadd.s32 s3, s7;
	s0 =	rddreg [dreg:$0x3]  }
0xa: {  	s13 =	sadd.s32 s3, s12;
	[dreg:$0x4] =	wrdreg s10  }
0xb: {  	s15 =	sadd.s32 $0x5400, s4;
	s14 =	sadd.s32 s9, s7;
	[dreg:$0x6] =	wrdreg s13  }
0xc: {  	s16 =	sadd.s32 s3, s15;
	[dreg:$0x7] =	wrdreg s14  }
0xd: {  	s18 =	sadd.s32 $0x7000, s4;
	s17 =	sadd.s32 s9, s12;
	[dreg:$0x8] =	wrdreg s16  }
0xe: {  	s19 =	sadd.s32 s3, s18;
	[dreg:$0x9] =	wrdreg s17  }
0xf: {  	s21 =	sadd.s32 $0x8C00, s4;
	s20 =	sadd.s32 s9, s15;
	[dreg:$0xa] =	wrdreg s19  }
0x10: {  	s22 =	sadd.s32 s3, s21;
	[dreg:$0xb] =	wrdreg s20  }
0x11: {  	s24 =	sadd.s32 $0xA800, s4;
	s23 =	sadd.s32 s9, s18;
	[dreg:$0xc] =	wrdreg s22  }
0x12: {  	s25 =	sadd.s32 s3, s24;
	[dreg:$0xd] =	wrdreg s23  }
0x13: {  	s29 =	sadd.s32 $0xC400, s4;
	s26 =	sadd.s32 s9, s21;
	[dreg:$0xe] =	wrdreg s25  }
0x14: {  	s11 =	sadd.s32 $0xE000, s4;
	s8 =	sadd.s32 s3, s29;
	[dreg:$0xf] =	wrdreg s26  }
0x15: {  	p1 =	por $0x0, $0x0;
	s12 =	sadd.s32 s3, s11;
	[dreg:$0x10] =	wrdreg s8  }
0x16: {  	s5 =	ssub.s32 $0x2, s5;
	s10 =	sadd.s32 s9, s24;
	[dreg:$0x12] =	wrdreg s12  }
0x17: {  	p0 =	seq.s32 s1, $0x1F;
	s13 =	sadd.s32 s9, s29;
	[dreg:$0x11] =	wrdreg s10  }
0x18: {  	s14 =	sadd.s32 $0xFC00, s4;
	s16 =	sadd.s32 s9, s11;
	[dreg:$0x13] =	wrdreg s13  }
0x19: {  	s17 =	sadd.s32 $0x11800, s4;
	s15 =	sadd.s32 s3, s14;
	[dreg:$0x15] =	wrdreg s16  }
0x1a: {  	s6 =	sadd.s32 $0x23000, s4;
	s18 =	sadd.s32 s3, s17;
	[dreg:$0x14] =	wrdreg s15  }
0x1b: {  	s20 =	sadd.s32 $0x13400, s4;
	s19 =	sadd.s32 s9, s14;
	[dreg:$0x16] =	wrdreg s18  }
0x1c: {  	s28 =	sadd.s32 s3, s6;
	s21 =	sadd.s32 s3, s20;
	[dreg:$0x17] =	wrdreg s19  }
0x1d: {  	s23 =	sadd.s32 $0x15000, s4;
	s22 =	sadd.s32 s9, s17;
	[dreg:$0x18] =	wrdreg s21  }
0x1e: {  	s7 =	sadd.s32 $0x24C00, s4;
	s24 =	sadd.s32 s3, s23;
	[dreg:$0x19] =	wrdreg s22  }
0x1f: {  	s26 =	sadd.s32 $0x16C00, s4;
	s25 =	sadd.s32 s9, s20;
	[dreg:$0x1a] =	wrdreg s24  }
0x20: {  	s29 =	sadd.s32 s3, s26;
	s8 =	sadd.s32 s9, s23;
	[dreg:$0x1b] =	wrdreg s25  }
0x21: {  	s10 =	sadd.s32 $0x18800, s4;
	s12 =	sadd.s32 s9, s26;
	[dreg:$0x1c] =	wrdreg s29  }
0x22: {  	s13 =	sadd.s32 $0x1A400, s4;
	s16 =	sadd.s32 $0x1C000, s4;
	[dreg:$0x1d] =	wrdreg s8  }
0x23: {  	s11 =	sadd.s32 s3, s10;
	[dreg:$0x1f] =	wrdreg s12;
	s14 =	sadd.s32 s3, s13  }
0x24: {  	s15 =	sadd.s32 s9, s10;
	s17 =	sadd.s32 s3, s16;
	[dreg:$0x1e] =	wrdreg s11  }
0x25: {  	s18 =	sadd.s32 s9, s13;
	s19 =	sadd.s32 $0x1DC00, s4;
	[smem:$0x7F4] =	sst s14  }
0x26: {  	s21 =	sadd.s32 s9, s16;
	s22 =	sadd.s32 $0x1F800, s4;
	[smem:$0x7F5] =	sst s15  }
0x27: {  	s25 =	sadd.s32 $0x21400, s4;
	s8 =	sshrl.u32 s5, $0x1;
	[smem:$0x7F6] =	sst s17  }
0x28: {  	s12 =	sadd.s32 $0x2A000, s4;
	s16 =	sadd.s32 $0x2D800, s4;
	[smem:$0x7F7] =	sst s18  }
0x29: {  	s20 =	sadd.s32 s3, s19;
	[smem:$0x7F9] =	sst s21;
	s23 =	sadd.s32 s3, s22  }
0x2a: {  	s24 =	sadd.s32 s9, s19;
	s26 =	sadd.s32 s3, s25;
	s29 =	sadd.s32 s9, s22  }
0x2b: {  	s10 =	ssub.s32 s5, s8;
	s8 =	sadd.s32 $0x26800, s4;
	[smem:$0x7F8] =	sst s20  }
0x2c: {  	s22 =	sadd.s32 s9, s7;
	s11 =	sadd.s32 $0x28400, s4;
	[smem:$0x7FA] =	sst s23  }
0x2d: {  	s18 =	sadd.s32 s3, s12;
	s14 =	sadd.s32 $0x2BC00, s4;
	[smem:$0x7FB] =	sst s24  }
0x2e: {  	s12 =	sadd.s32 s9, s12;
	s17 =	sadd.s32 $0x2F400, s4;
	[smem:$0x7FC] =	sst s26  }
0x2f: {  	[smem:$0x7FD] =	sst s29;
	s26 =	sadd.s32 s9, s25;
	s25 =	sadd.s32 s3, s7  }
0x30: {  	s24 =	sadd.s32 s9, s6;
	s23 =	sadd.s32 s3, s8;
	s29 =	smax.u32 s10, $0x1  }
0x31: {  	s21 =	sadd.s32 s3, s11;
	s19 =	sadd.s32 s9, s8;
	s1 =	sadd.s32 $0xFFFFFFFF, s29  }
0x32: {  	s15 =	sadd.s32 s9, s11;
	s13 =	sadd.s32 s3, s14;
	p2 =	sne.s32 s1, $0x0  }
.Ltmp0:
0x33: {  	s11 =	sadd.s32 s3, s16;
	s8 =	sadd.s32 s9, s14;
	(pc) =	sbr.rel @!p2 .LBB2_1-.Ltmp0, $4  }
0x34: {  	s7 =	sadd.s32 s9, s16;
	s6 =	sadd.s32 s3, s17;
	s20 =	sadd.s32 $0x2F600, s4  }
0x35: {  	s5 =	sadd.s32 s9, s17;
	s16 =	simm.s32 $0xE000;
	s14 =	simm.s32 $0x1  }
0x36: {  	s10 =	simm.s32 $0x3;
	s17 =	simm.s32 $0x4;
	s4 =	sadd.s32 s3, s20  }
0x37: {  	s3 =	sadd.s32 s9, s20;
	s20 =	simm.s32 $0x2;
	s9 =	simm.s32 $0x5  }
0x38: {  	[tilespmem:s2], [sflag:$0x1] =	stream.linear.gather [hbm4b:s0+s2], $0xE000, $0x38;
	[tilespmem:$0x1C000] =	vst v63  }
0x39: {  	s29 =	rddreg [dreg:$0x4]  }
0x3a: {  	[tilespmem:s16], [sflag:$0x2] =	stream.linear.gather [hbm4b:s29+s2], $0xE000, $0x38;
	[tilespmem:$0x1C000] =	vst v63  }
0x3b: {  	_ =	swait.ge [sflag:s14], $0xE000  }
0x3c: {  	[sflag:s14] =	ssyncset.done $0x0  }
0x3d: {  	s30 =	rddreg [dreg:$0x5];
	[sflag:s14] =	ssyncadd.s32 $0xFFFF2000  }
0x3e: {  	[hbm4b:s30+s2] =	stream.linear.scatter [tilespmem:s2], [sflag:$0x3], $0xE000, $0x38;
	[tilespmem:$0x1C000] =	vst v63  }
0x3f: {  	_ =	swait.ge [sflag:s10], $0xE000  }
0x40: {  	[sflag:s10] =	ssyncset.done $0x0  }
0x41: {  	s30 =	rddreg [dreg:$0x6];
	[sflag:s10] =	ssyncadd.s32 $0xFFFF2000  }
0x42: {  	[tilespmem:s2], [sflag:$0x1] =	stream.linear.gather [hbm4b:s30+s2], $0xE000, $0x38;
	[tilespmem:$0x1C000] =	vst v63  }
0x43: {  	_ =	swait.ge [sflag:s20], $0xE000  }
0x44: {  	[sflag:s20] =	ssyncset.done $0x0  }
0x45: {  	s30 =	rddreg [dreg:$0x7];
	[sflag:s20] =	ssyncadd.s32 $0xFFFF2000  }
0x46: {  	[hbm4b:s30+s2] =	stream.linear.scatter [tilespmem:s16], [sflag:$0x4], $0xE000, $0x38;
	[tilespmem:$0x1C000] =	vst v63  }
0x47: {  	_ =	swait.ge [sflag:s17], $0xE000  }
0x48: {  	[sflag:s17] =	ssyncset.done $0x0  }
0x49: {  	s30 =	rddreg [dreg:$0x8];
	[sflag:s17] =	ssyncadd.s32 $0xFFFF2000  }
0x4a: {  	[tilespmem:s16], [sflag:$0x2] =	stream.linear.gather [hbm4b:s30+s2], $0xE000, $0x38;
	[tilespmem:$0x1C000] =	vst v63  }
0x4b: {  	_ =	swait.ge [sflag:s14], $0xE000  }
0x4c: {  	[sflag:s14] =	ssyncset.done $0x0  }
0x4d: {  	s30 =	rddreg [dreg:$0x9];
	[sflag:s14] =	ssyncadd.s32 $0xFFFF2000  }
0x4e: {  	[hbm4b:s30+s2] =	stream.linear.scatter [tilespmem:s2], [sflag:$0x3], $0xE000, $0x38;
	[tilespmem:$0x1C000] =	vst v63  }
0x4f: {  	_ =	swait.ge [sflag:s10], $0xE000  }
0x50: {  	[sflag:s10] =	ssyncset.done $0x0  }
0x51: {  	s30 =	rddreg [dreg:$0xa];
	[sflag:s10] =	ssyncadd.s32 $0xFFFF2000  }
0x52: {  	[tilespmem:s2], [sflag:$0x1] =	stream.linear.gather [hbm4b:s30+s2], $0xE000, $0x38;
	[tilespmem:$0x1C000] =	vst v63  }
0x53: {  	_ =	swait.ge [sflag:s20], $0xE000  }
0x54: {  	[sflag:s20] =	ssyncset.done $0x0  }
0x55: {  	s30 =	rddreg [dreg:$0xb];
	[sflag:s20] =	ssyncadd.s32 $0xFFFF2000  }
0x56: {  	[hbm4b:s30+s2] =	stream.linear.scatter [tilespmem:s16], [sflag:$0x4], $0xE000, $0x38;
	[tilespmem:$0x1C000] =	vst v63  }
0x57: {  	_ =	swait.ge [sflag:s17], $0xE000  }
0x58: {  	[sflag:s17] =	ssyncset.done $0x0  }
0x59: {  	s30 =	rddreg [dreg:$0xc];
	[sflag:s17] =	ssyncadd.s32 $0xFFFF2000  }
0x5a: {  	[tilespmem:s16], [sflag:$0x2] =	stream.linear.gather [hbm4b:s30+s2], $0xE000, $0x38;
	[tilespmem:$0x1C000] =	vst v63  }
0x5b: {  	_ =	swait.ge [sflag:s14], $0xE000  }
0x5c: {  	[sflag:s14] =	ssyncset.done $0x0  }
0x5d: {  	s30 =	rddreg [dreg:$0xd];
	[sflag:s14] =	ssyncadd.s32 $0xFFFF2000  }
0x5e: {  	[hbm4b:s30+s2] =	stream.linear.scatter [tilespmem:s2], [sflag:$0x3], $0xE000, $0x38;
	[tilespmem:$0x1C000] =	vst v63  }
0x5f: {  	_ =	swait.ge [sflag:s10], $0xE000  }
0x60: {  	[sflag:s10] =	ssyncset.done $0x0  }
0x61: {  	s30 =	rddreg [dreg:$0xe];
	[sflag:s10] =	ssyncadd.s32 $0xFFFF2000  }
0x62: {  	[tilespmem:s2], [sflag:$0x1] =	stream.linear.gather [hbm4b:s30+s2], $0xE000, $0x38;
	[tilespmem:$0x1C000] =	vst v63  }
0x63: {  	_ =	swait.ge [sflag:s20], $0xE000  }
0x64: {  	[sflag:s20] =	ssyncset.done $0x0  }
0x65: {  	s30 =	rddreg [dreg:$0xf];
	[sflag:s20] =	ssyncadd.s32 $0xFFFF2000  }
0x66: {  	[hbm4b:s30+s2] =	stream.linear.scatter [tilespmem:s16], [sflag:$0x4], $0xE000, $0x38;
	[tilespmem:$0x1C000] =	vst v63  }
0x67: {  	_ =	swait.ge [sflag:s17], $0xE000  }
0x68: {  	[sflag:s17] =	ssyncset.done $0x0  }
0x69: {  	s30 =	rddreg [dreg:$0x10];
	[sflag:s17] =	ssyncadd.s32 $0xFFFF2000  }
0x6a: {  	[tilespmem:s16], [sflag:$0x2] =	stream.linear.gather [hbm4b:s30+s2], $0xE000, $0x38;
	[tilespmem:$0x1C000] =	vst v63  }
0x6b: {  	_ =	swait.ge [sflag:s14], $0xE000  }
0x6c: {  	[sflag:s14] =	ssyncset.done $0x0  }
0x6d: {  	s30 =	rddreg [dreg:$0x11];
	[sflag:s14] =	ssyncadd.s32 $0xFFFF2000  }
0x6e: {  	[hbm4b:s30+s2] =	stream.linear.scatter [tilespmem:s2], [sflag:$0x3], $0xE000, $0x38;
	[tilespmem:$0x1C000] =	vst v63  }
0x6f: {  	_ =	swait.ge [sflag:s10], $0xE000  }
0x70: {  	[sflag:s10] =	ssyncset.done $0x0  }
0x71: {  	s30 =	rddreg [dreg:$0x12];
	[sflag:s10] =	ssyncadd.s32 $0xFFFF2000  }
0x72: {  	[tilespmem:s2], [sflag:$0x1] =	stream.linear.gather [hbm4b:s30+s2], $0xE000, $0x38;
	[tilespmem:$0x1C000] =	vst v63  }
0x73: {  	_ =	swait.ge [sflag:s20], $0xE000  }
0x74: {  	[sflag:s20] =	ssyncset.done $0x0  }
0x75: {  	s30 =	rddreg [dreg:$0x13];
	[sflag:s20] =	ssyncadd.s32 $0xFFFF2000  }
0x76: {  	[hbm4b:s30+s2] =	stream.linear.scatter [tilespmem:s16], [sflag:$0x4], $0xE000, $0x38;
	[tilespmem:$0x1C000] =	vst v63  }
0x77: {  	_ =	swait.ge [sflag:s17], $0xE000  }
0x78: {  	[sflag:s17] =	ssyncset.done $0x0  }
0x79: {  	s30 =	rddreg [dreg:$0x14];
	[sflag:s17] =	ssyncadd.s32 $0xFFFF2000  }
0x7a: {  	[tilespmem:s16], [sflag:$0x2] =	stream.linear.gather [hbm4b:s30+s2], $0xE000, $0x38;
	[tilespmem:$0x1C000] =	vst v63  }
0x7b: {  	_ =	swait.ge [sflag:s14], $0xE000  }
0x7c: {  	[sflag:s14] =	ssyncset.done $0x0  }
0x7d: {  	s30 =	rddreg [dreg:$0x15];
	[sflag:s14] =	ssyncadd.s32 $0xFFFF2000  }
0x7e: {  	[hbm4b:s30+s2] =	stream.linear.scatter [tilespmem:s2], [sflag:$0x3], $0xE000, $0x38;
	[tilespmem:$0x1C000] =	vst v63  }
0x7f: {  	_ =	swait.ge [sflag:s10], $0xE000  }
0x80: {  	[sflag:s10] =	ssyncset.done $0x0  }
0x81: {  	s30 =	rddreg [dreg:$0x16];
	[sflag:s10] =	ssyncadd.s32 $0xFFFF2000  }
0x82: {  	[tilespmem:s2], [sflag:$0x1] =	stream.linear.gather [hbm4b:s30+s2], $0xE000, $0x38;
	[tilespmem:$0x1C000] =	vst v63  }
0x83: {  	_ =	swait.ge [sflag:s20], $0xE000  }
0x84: {  	[sflag:s20] =	ssyncset.done $0x0  }
0x85: {  	s30 =	rddreg [dreg:$0x17];
	[sflag:s20] =	ssyncadd.s32 $0xFFFF2000  }
0x86: {  	[hbm4b:s30+s2] =	stream.linear.scatter [tilespmem:s16], [sflag:$0x4], $0xE000, $0x38;
	[tilespmem:$0x1C000] =	vst v63  }
0x87: {  	_ =	swait.ge [sflag:s17], $0xE000  }
0x88: {  	[sflag:s17] =	ssyncset.done $0x0  }
0x89: {  	s30 =	rddreg [dreg:$0x18];
	[sflag:s17] =	ssyncadd.s32 $0xFFFF2000  }
0x8a: {  	[tilespmem:s16], [sflag:$0x2] =	stream.linear.gather [hbm4b:s30+s2], $0xE000, $0x38;
	[tilespmem:$0x1C000] =	vst v63  }
0x8b: {  	_ =	swait.ge [sflag:s14], $0xE000  }
0x8c: {  	[sflag:s14] =	ssyncset.done $0x0  }
0x8d: {  	s30 =	rddreg [dreg:$0x19];
	[sflag:s14] =	ssyncadd.s32 $0xFFFF2000  }
0x8e: {  	[hbm4b:s30+s2] =	stream.linear.scatter [tilespmem:s2], [sflag:$0x3], $0xE000, $0x38;
	[tilespmem:$0x1C000] =	vst v63  }
0x8f: {  	_ =	swait.ge [sflag:s10], $0xE000  }
0x90: {  	[sflag:s10] =	ssyncset.done $0x0  }
0x91: {  	s30 =	rddreg [dreg:$0x1a];
	[sflag:s10] =	ssyncadd.s32 $0xFFFF2000  }
0x92: {  	[tilespmem:s2], [sflag:$0x1] =	stream.linear.gather [hbm4b:s30+s2], $0xE000, $0x38;
	[tilespmem:$0x1C000] =	vst v63  }
0x93: {  	_ =	swait.ge [sflag:s20], $0xE000  }
0x94: {  	[sflag:s20] =	ssyncset.done $0x0  }
0x95: {  	s30 =	rddreg [dreg:$0x1b];
	[sflag:s20] =	ssyncadd.s32 $0xFFFF2000  }
0x96: {  	[hbm4b:s30+s2] =	stream.linear.scatter [tilespmem:s16], [sflag:$0x4], $0xE000, $0x38;
	[tilespmem:$0x1C000] =	vst v63  }
0x97: {  	_ =	swait.ge [sflag:s17], $0xE000  }
0x98: {  	[sflag:s17] =	ssyncset.done $0x0  }
0x99: {  	s30 =	rddreg [dreg:$0x1c];
	[sflag:s17] =	ssyncadd.s32 $0xFFFF2000  }
0x9a: {  	[tilespmem:s16], [sflag:$0x2] =	stream.linear.gather [hbm4b:s30+s2], $0xE000, $0x38;
	[tilespmem:$0x1C000] =	vst v63  }
0x9b: {  	_ =	swait.ge [sflag:s14], $0xE000  }
0x9c: {  	[sflag:s14] =	ssyncset.done $0x0  }
0x9d: {  	s30 =	rddreg [dreg:$0x1d];
	[sflag:s14] =	ssyncadd.s32 $0xFFFF2000  }
0x9e: {  	[hbm4b:s30+s2] =	stream.linear.scatter [tilespmem:s2], [sflag:$0x3], $0xE000, $0x38;
	[tilespmem:$0x1C000] =	vst v63  }
0x9f: {  	_ =	swait.ge [sflag:s10], $0xE000  }
0xa0: {  	[sflag:s10] =	ssyncset.done $0x0  }
0xa1: {  	s30 =	rddreg [dreg:$0x1e];
	[sflag:s10] =	ssyncadd.s32 $0xFFFF2000  }
0xa2: {  	[tilespmem:s2], [sflag:$0x1] =	stream.linear.gather [hbm4b:s30+s2], $0xE000, $0x38;
	[tilespmem:$0x1C000] =	vst v63  }
0xa3: {  	_ =	swait.ge [sflag:s20], $0xE000  }
0xa4: {  	[sflag:s20] =	ssyncset.done $0x0  }
0xa5: {  	s30 =	rddreg [dreg:$0x1f];
	[sflag:s20] =	ssyncadd.s32 $0xFFFF2000  }
0xa6: {  	[hbm4b:s30+s2] =	stream.linear.scatter [tilespmem:s16], [sflag:$0x4], $0xE000, $0x38;
	[tilespmem:$0x1C000] =	vst v63  }
0xa7: {  	_ =	swait.ge [sflag:s17], $0xE000  }
0xa8: {  	s30 =	sld [smem:$0x7F4]  }
0xa9: {  	[sflag:s17] =	ssyncset.done $0x0  }
0xaa: {  	[sflag:s17] =	ssyncadd.s32 $0xFFFF2000  }
0xab: {  	[tilespmem:s16], [sflag:$0x2] =	stream.linear.gather [hbm4b:s30+s2], $0xE000, $0x38;
	[tilespmem:$0x1C000] =	vst v63  }
0xac: {  	_ =	swait.ge [sflag:s14], $0xE000  }
0xad: {  	s30 =	sld [smem:$0x7F5]  }
0xae: {  	[sflag:s14] =	ssyncset.done $0x0  }
0xaf: {  	[sflag:s14] =	ssyncadd.s32 $0xFFFF2000  }
0xb0: {  	[hbm4b:s30+s2] =	stream.linear.scatter [tilespmem:s2], [sflag:$0x3], $0xE000, $0x38;
	[tilespmem:$0x1C000] =	vst v63  }
0xb1: {  	_ =	swait.ge [sflag:s10], $0xE000  }
0xb2: {  	s30 =	sld [smem:$0x7F6]  }
0xb3: {  	[sflag:s10] =	ssyncset.done $0x0  }
0xb4: {  	[sflag:s10] =	ssyncadd.s32 $0xFFFF2000  }
0xb5: {  	[tilespmem:s2], [sflag:$0x1] =	stream.linear.gather [hbm4b:s30+s2], $0xE000, $0x38;
	[tilespmem:$0x1C000] =	vst v63  }
0xb6: {  	_ =	swait.ge [sflag:s20], $0xE000  }
0xb7: {  	s30 =	sld [smem:$0x7F7]  }
0xb8: {  	[sflag:s20] =	ssyncset.done $0x0  }
0xb9: {  	[sflag:s20] =	ssyncadd.s32 $0xFFFF2000  }
0xba: {  	[hbm4b:s30+s2] =	stream.linear.scatter [tilespmem:s16], [sflag:$0x4], $0xE000, $0x38;
	[tilespmem:$0x1C000] =	vst v63  }
0xbb: {  	_ =	swait.ge [sflag:s17], $0xE000  }
0xbc: {  	s30 =	sld [smem:$0x7F8]  }
0xbd: {  	[sflag:s17] =	ssyncset.done $0x0  }
0xbe: {  	[sflag:s17] =	ssyncadd.s32 $0xFFFF2000  }
0xbf: {  	[tilespmem:s16], [sflag:$0x2] =	stream.linear.gather [hbm4b:s30+s2], $0xE000, $0x38;
	[tilespmem:$0x1C000] =	vst v63  }
0xc0: {  	_ =	swait.ge [sflag:s14], $0xE000  }
0xc1: {  	s30 =	sld [smem:$0x7F9]  }
0xc2: {  	[sflag:s14] =	ssyncset.done $0x0  }
0xc3: {  	[sflag:s14] =	ssyncadd.s32 $0xFFFF2000  }
0xc4: {  	[hbm4b:s30+s2] =	stream.linear.scatter [tilespmem:s2], [sflag:$0x3], $0xE000, $0x38;
	[tilespmem:$0x1C000] =	vst v63  }
0xc5: {  	_ =	swait.ge [sflag:s10], $0xE000  }
0xc6: {  	s30 =	sld [smem:$0x7FA]  }
0xc7: {  	[sflag:s10] =	ssyncset.done $0x0  }
0xc8: {  	[sflag:s10] =	ssyncadd.s32 $0xFFFF2000  }
0xc9: {  	[tilespmem:s2], [sflag:$0x1] =	stream.linear.gather [hbm4b:s30+s2], $0xE000, $0x38;
	[tilespmem:$0x1C000] =	vst v63  }
0xca: {  	_ =	swait.ge [sflag:s20], $0xE000  }
0xcb: {  	s30 =	sld [smem:$0x7FB]  }
0xcc: {  	[sflag:s20] =	ssyncset.done $0x0  }
0xcd: {  	[sflag:s20] =	ssyncadd.s32 $0xFFFF2000  }
0xce: {  	[hbm4b:s30+s2] =	stream.linear.scatter [tilespmem:s16], [sflag:$0x4], $0xE000, $0x38;
	[tilespmem:$0x1C000] =	vst v63  }
0xcf: {  	_ =	swait.ge [sflag:s17], $0xE000  }
0xd0: {  	s30 =	sld [smem:$0x7FC]  }
0xd1: {  	[sflag:s17] =	ssyncset.done $0x0  }
0xd2: {  	[sflag:s17] =	ssyncadd.s32 $0xFFFF2000  }
0xd3: {  	[tilespmem:s16], [sflag:$0x2] =	stream.linear.gather [hbm4b:s30+s2], $0xE000, $0x38;
	[tilespmem:$0x1C000] =	vst v63  }
0xd4: {  	_ =	swait.ge [sflag:s14], $0xE000  }
0xd5: {  	s30 =	sld [smem:$0x7FD]  }
0xd6: {  	[sflag:s14] =	ssyncset.done $0x0  }
0xd7: {  	[sflag:s14] =	ssyncadd.s32 $0xFFFF2000  }
0xd8: {  	[hbm4b:s30+s2] =	stream.linear.scatter [tilespmem:s2], [sflag:$0x3], $0xE000, $0x38;
	[tilespmem:$0x1C000] =	vst v63  }
0xd9: {  	_ =	swait.ge [sflag:s10], $0xE000  }
0xda: {  	[sflag:s10] =	ssyncset.done $0x0  }
0xdb: {  	[sflag:s10] =	ssyncadd.s32 $0xFFFF2000  }
0xdc: {  	[tilespmem:s2], [sflag:$0x1] =	stream.linear.gather [hbm4b:s28+s2], $0xE000, $0x38;
	[tilespmem:$0x1C000] =	vst v63  }
0xdd: {  	_ =	swait.ge [sflag:s20], $0xE000  }
0xde: {  	[sflag:s20] =	ssyncset.done $0x0  }
0xdf: {  	[sflag:s20] =	ssyncadd.s32 $0xFFFF2000  }
0xe0: {  	[hbm4b:s26+s2] =	stream.linear.scatter [tilespmem:s16], [sflag:$0x4], $0xE000, $0x38;
	[tilespmem:$0x1C000] =	vst v63  }
0xe1: {  	_ =	swait.ge [sflag:s17], $0xE000  }
0xe2: {  	[sflag:s17] =	ssyncset.done $0x0  }
0xe3: {  	[sflag:s17] =	ssyncadd.s32 $0xFFFF2000  }
0xe4: {  	[tilespmem:s16], [sflag:$0x2] =	stream.linear.gather [hbm4b:s25+s2], $0xE000, $0x38;
	[tilespmem:$0x1C000] =	vst v63  }
0xe5: {  	_ =	swait.ge [sflag:s14], $0xE000  }
0xe6: {  	[sflag:s14] =	ssyncset.done $0x0  }
0xe7: {  	[sflag:s14] =	ssyncadd.s32 $0xFFFF2000  }
0xe8: {  	[hbm4b:s24+s2] =	stream.linear.scatter [tilespmem:s2], [sflag:$0x3], $0xE000, $0x38;
	[tilespmem:$0x1C000] =	vst v63  }
0xe9: {  	_ =	swait.ge [sflag:s10], $0xE000  }
0xea: {  	[sflag:s10] =	ssyncset.done $0x0  }
0xeb: {  	[sflag:s10] =	ssyncadd.s32 $0xFFFF2000  }
0xec: {  	[tilespmem:s2], [sflag:$0x1] =	stream.linear.gather [hbm4b:s23+s2], $0xE000, $0x38;
	[tilespmem:$0x1C000] =	vst v63  }
0xed: {  	_ =	swait.ge [sflag:s20], $0xE000  }
0xee: {  	[sflag:s20] =	ssyncset.done $0x0  }
0xef: {  	[sflag:s20] =	ssyncadd.s32 $0xFFFF2000  }
0xf0: {  	[hbm4b:s22+s2] =	stream.linear.scatter [tilespmem:s16], [sflag:$0x4], $0xE000, $0x38;
	[tilespmem:$0x1C000] =	vst v63  }
0xf1: {  	_ =	swait.ge [sflag:s17], $0xE000  }
0xf2: {  	[sflag:s17] =	ssyncset.done $0x0  }
0xf3: {  	[sflag:s17] =	ssyncadd.s32 $0xFFFF2000  }
0xf4: {  	[tilespmem:s16], [sflag:$0x2] =	stream.linear.gather [hbm4b:s21+s2], $0xE000, $0x38;
	[tilespmem:$0x1C000] =	vst v63  }
0xf5: {  	_ =	swait.ge [sflag:s14], $0xE000  }
0xf6: {  	[sflag:s14] =	ssyncset.done $0x0  }
0xf7: {  	[sflag:s14] =	ssyncadd.s32 $0xFFFF2000  }
0xf8: {  	[hbm4b:s19+s2] =	stream.linear.scatter [tilespmem:s2], [sflag:$0x3], $0xE000, $0x38;
	[tilespmem:$0x1C000] =	vst v63  }
0xf9: {  	_ =	swait.ge [sflag:s10], $0xE000  }
0xfa: {  	[sflag:s10] =	ssyncset.done $0x0  }
0xfb: {  	[sflag:s10] =	ssyncadd.s32 $0xFFFF2000  }
0xfc: {  	[tilespmem:s2], [sflag:$0x1] =	stream.linear.gather [hbm4b:s18+s2], $0xE000, $0x38;
	[tilespmem:$0x1C000] =	vst v63  }
0xfd: {  	_ =	swait.ge [sflag:s20], $0xE000  }
0xfe: {  	[sflag:s20] =	ssyncset.done $0x0  }
0xff: {  	[sflag:s20] =	ssyncadd.s32 $0xFFFF2000  }
0x100: {  	[hbm4b:s15+s2] =	stream.linear.scatter [tilespmem:s16], [sflag:$0x4], $0xE000, $0x38;
	[tilespmem:$0x1C000] =	vst v63  }
0x101: {  	_ =	swait.ge [sflag:s17], $0xE000  }
0x102: {  	[sflag:s17] =	ssyncset.done $0x0  }
0x103: {  	[sflag:s17] =	ssyncadd.s32 $0xFFFF2000  }
0x104: {  	[tilespmem:s16], [sflag:$0x2] =	stream.linear.gather [hbm4b:s13+s2], $0xE000, $0x38;
	[tilespmem:$0x1C000] =	vst v63  }
0x105: {  	_ =	swait.ge [sflag:s14], $0xE000  }
0x106: {  	[sflag:s14] =	ssyncset.done $0x0  }
0x107: {  	[sflag:s14] =	ssyncadd.s32 $0xFFFF2000  }
0x108: {  	[hbm4b:s12+s2] =	stream.linear.scatter [tilespmem:s2], [sflag:$0x3], $0xE000, $0x38;
	[tilespmem:$0x1C000] =	vst v63  }
0x109: {  	_ =	swait.ge [sflag:s10], $0xE000  }
0x10a: {  	[sflag:s10] =	ssyncset.done $0x0  }
0x10b: {  	[sflag:s10] =	ssyncadd.s32 $0xFFFF2000  }
0x10c: {  	[tilespmem:s2], [sflag:$0x1] =	stream.linear.gather [hbm4b:s11+s2], $0xE000, $0x38;
	[tilespmem:$0x1C000] =	vst v63  }
0x10d: {  	_ =	swait.ge [sflag:s20], $0xE000  }
0x10e: {  	[sflag:s20] =	ssyncset.done $0x0  }
0x10f: {  	[sflag:s20] =	ssyncadd.s32 $0xFFFF2000  }
0x110: {  	[hbm4b:s8+s2] =	stream.linear.scatter [tilespmem:s16], [sflag:$0x4], $0xE000, $0x38;
	[tilespmem:$0x1C000] =	vst v63  }
0x111: {  	_ =	swait.ge [sflag:s14], $0xE000  }
0x112: {  	[sflag:s14] =	ssyncset.done $0x0  }
0x113: {  	[sflag:s14] =	ssyncadd.s32 $0xFFFF2000  }
0x114: {  	[hbm4b:s7+s2] =	stream.linear.scatter [tilespmem:s2], [sflag:$0x3], $0xE000, $0x38;
	[tilespmem:$0x1C000] =	vst v63  }
0x115: {  	_ =	swait.ge [sflag:s17], $0xE000  }
0x116: {  	[sflag:s17] =	ssyncset.done $0x0  }
0x117: {  	[sflag:s17] =	ssyncadd.s32 $0xFFFF2000  }
0x118: {  	_ =	swait.ge [sflag:s10], $0xE000  }
0x119: {  	[sflag:s10] =	ssyncset.done $0x0  }
0x11a: {  	[sflag:s10] =	ssyncadd.s32 $0xFFFF2000  }
0x11b: {  	[tilespmem:s2], [sflag:$0x5] =	stream.linear.gather [hbm4b:s6+s2], $0x1000, $0x38;
	[tilespmem:$0x1C000] =	vst v63  }
0x11c: {  	_ =	swait.ge [sflag:s9], $0x1000  }
0x11d: {  	[sflag:s9] =	ssyncset.done $0x0  }
0x11e: {  	[sflag:s9] =	ssyncadd.s32 $0xFFFFF000  }
0x11f: {  	[hbm4b:s5+s2] =	stream.linear.scatter [tilespmem:s2], [sflag:$0x5], $0x1000, $0x38;
	[tilespmem:$0x1C000] =	vst v63  }
0x120: {  	_ =	swait.ge [sflag:s9], $0x1000  }
0x121: {  	s0 =	simm.s32 @!p0 $0x0;
	s31 =	simm.s32 @!p0 $0xE000;
	[sflag:s9] =	ssyncset.done $0x0  }
0x122: {  	s1 =	sadd.s32 $0xFFFFFFFF, s1;
	s29 =	simm.s32 @!p0 $0x5;
	[sflag:s9] =	ssyncadd.s32 $0xFFFFF000  }
0x123: {  	[tilespmem:s31], [sflag:$0x5] =	stream.linear.gather @!p0 [hbm4b:s4+s0], $0xC000, $0x38;
	[tilespmem:$0x1C000] =	vst v63  }
0x124: {  	p2 =	sne.s32 s1, $0x0;
	_ =	swait.ge @!p0 [sflag:s29], $0xC000  }
.Ltmp1:
0x125: {  	[sflag:s29] =	ssyncset.done @!p0 $0x0;
	(pc) =	sbr.rel @!p2 .LBB2_3-.Ltmp1, $4  }
0x126: {  	[sflag:s29] =	ssyncadd.s32 @!p0 $0xFFFF4000  }
0x127: {  	[hbm4b:s3+s0] =	stream.linear.scatter @!p0 [tilespmem:s31], [sflag:$0x5], $0xC000, $0x38;
	[tilespmem:$0x1C000] =	vst v63  }
0x128: {  	_ =	swait.ge @!p0 [sflag:s29], $0xC000  }
0x129: {  	p1 =	por $0x1, $0x1;
	s0 =	rddreg [dreg:$0x3];
	[sflag:s29] =	ssyncset.done @!p0 $0x0  }
.LBB2_4:
0x12a: {  	[sflag:s29] =	ssyncadd.s32 @!p0 $0xFFFF4000;
	s30 =	smov.u32 s28;
	s28 =	smov.u32 s26  }
0x12b: {  	s26 =	smov.u32 s25;
	s25 =	smov.u32 s24;
	s24 =	smov.u32 s23  }
0x12c: {  	s23 =	smov.u32 s22;
	s22 =	smov.u32 s21;
	s21 =	smov.u32 s19  }
0x12d: {  	s19 =	smov.u32 s18;
	s18 =	smov.u32 s15;
	s15 =	smov.u32 s13  }
0x12e: {  	s13 =	smov.u32 s12;
	s12 =	smov.u32 s11;
	s11 =	smov.u32 s8  }
0x12f: {  	s8 =	smov.u32 s7;
	s7 =	smov.u32 s6;
	s6 =	smov.u32 s5  }
0x130: {  	[tilespmem:s2], [sflag:$0x1] =	stream.linear.gather [hbm4b:s0+s2], $0xE000, $0x38;
	[tilespmem:$0x1C000] =	vst v63  }
0x131: {  	s5 =	smov.u32 s4;
	s4 =	smov.u32 s3;
	s3 =	rddreg [dreg:$0x4]  }
0x132: {  	[tilespmem:s16], [sflag:$0x2] =	stream.linear.gather [hbm4b:s3+s2], $0xE000, $0x38;
	[tilespmem:$0x1C000] =	vst v63  }
0x133: {  	_ =	swait.ge [sflag:s14], $0xE000  }
0x134: {  	[sflag:s14] =	ssyncset.done $0x0  }
0x135: {  	s0 =	rddreg [dreg:$0x5];
	[sflag:s14] =	ssyncadd.s32 $0xFFFF2000  }
0x136: {  	[hbm4b:s0+s2] =	stream.linear.scatter [tilespmem:s2], [sflag:$0x3], $0xE000, $0x38;
	[tilespmem:$0x1C000] =	vst v63  }
0x137: {  	_ =	swait.ge [sflag:s10], $0xE000  }
0x138: {  	[sflag:s10] =	ssyncset.done $0x0  }
0x139: {  	s0 =	rddreg [dreg:$0x6];
	[sflag:s10] =	ssyncadd.s32 $0xFFFF2000  }
0x13a: {  	[tilespmem:s2], [sflag:$0x1] =	stream.linear.gather [hbm4b:s0+s2], $0xE000, $0x38;
	[tilespmem:$0x1C000] =	vst v63  }
0x13b: {  	_ =	swait.ge [sflag:s20], $0xE000  }
0x13c: {  	[sflag:s20] =	ssyncset.done $0x0  }
0x13d: {  	s0 =	rddreg [dreg:$0x7];
	[sflag:s20] =	ssyncadd.s32 $0xFFFF2000  }
0x13e: {  	[hbm4b:s0+s2] =	stream.linear.scatter [tilespmem:s16], [sflag:$0x4], $0xE000, $0x38;
	[tilespmem:$0x1C000] =	vst v63  }
0x13f: {  	_ =	swait.ge [sflag:s17], $0xE000  }
0x140: {  	[sflag:s17] =	ssyncset.done $0x0  }
0x141: {  	s0 =	rddreg [dreg:$0x8];
	[sflag:s17] =	ssyncadd.s32 $0xFFFF2000  }
0x142: {  	[tilespmem:s16], [sflag:$0x2] =	stream.linear.gather [hbm4b:s0+s2], $0xE000, $0x38;
	[tilespmem:$0x1C000] =	vst v63  }
0x143: {  	_ =	swait.ge [sflag:s14], $0xE000  }
0x144: {  	[sflag:s14] =	ssyncset.done $0x0  }
0x145: {  	s0 =	rddreg [dreg:$0x9];
	[sflag:s14] =	ssyncadd.s32 $0xFFFF2000  }
0x146: {  	[hbm4b:s0+s2] =	stream.linear.scatter [tilespmem:s2], [sflag:$0x3], $0xE000, $0x38;
	[tilespmem:$0x1C000] =	vst v63  }
0x147: {  	_ =	swait.ge [sflag:s10], $0xE000  }
0x148: {  	[sflag:s10] =	ssyncset.done $0x0  }
0x149: {  	s0 =	rddreg [dreg:$0xa];
	[sflag:s10] =	ssyncadd.s32 $0xFFFF2000  }
0x14a: {  	[tilespmem:s2], [sflag:$0x1] =	stream.linear.gather [hbm4b:s0+s2], $0xE000, $0x38;
	[tilespmem:$0x1C000] =	vst v63  }
0x14b: {  	_ =	swait.ge [sflag:s20], $0xE000  }
0x14c: {  	[sflag:s20] =	ssyncset.done $0x0  }
0x14d: {  	s0 =	rddreg [dreg:$0xb];
	[sflag:s20] =	ssyncadd.s32 $0xFFFF2000  }
0x14e: {  	[hbm4b:s0+s2] =	stream.linear.scatter [tilespmem:s16], [sflag:$0x4], $0xE000, $0x38;
	[tilespmem:$0x1C000] =	vst v63  }
0x14f: {  	_ =	swait.ge [sflag:s17], $0xE000  }
0x150: {  	[sflag:s17] =	ssyncset.done $0x0  }
0x151: {  	s0 =	rddreg [dreg:$0xc];
	[sflag:s17] =	ssyncadd.s32 $0xFFFF2000  }
0x152: {  	[tilespmem:s16], [sflag:$0x2] =	stream.linear.gather [hbm4b:s0+s2], $0xE000, $0x38;
	[tilespmem:$0x1C000] =	vst v63  }
0x153: {  	_ =	swait.ge [sflag:s14], $0xE000  }
0x154: {  	[sflag:s14] =	ssyncset.done $0x0  }
0x155: {  	s0 =	rddreg [dreg:$0xd];
	[sflag:s14] =	ssyncadd.s32 $0xFFFF2000  }
0x156: {  	[hbm4b:s0+s2] =	stream.linear.scatter [tilespmem:s2], [sflag:$0x3], $0xE000, $0x38;
	[tilespmem:$0x1C000] =	vst v63  }
0x157: {  	_ =	swait.ge [sflag:s10], $0xE000  }
0x158: {  	[sflag:s10] =	ssyncset.done $0x0  }
0x159: {  	s0 =	rddreg [dreg:$0xe];
	[sflag:s10] =	ssyncadd.s32 $0xFFFF2000  }
0x15a: {  	[tilespmem:s2], [sflag:$0x1] =	stream.linear.gather [hbm4b:s0+s2], $0xE000, $0x38;
	[tilespmem:$0x1C000] =	vst v63  }
0x15b: {  	_ =	swait.ge [sflag:s20], $0xE000  }
0x15c: {  	[sflag:s20] =	ssyncset.done $0x0  }
0x15d: {  	s0 =	rddreg [dreg:$0xf];
	[sflag:s20] =	ssyncadd.s32 $0xFFFF2000  }
0x15e: {  	[hbm4b:s0+s2] =	stream.linear.scatter [tilespmem:s16], [sflag:$0x4], $0xE000, $0x38;
	[tilespmem:$0x1C000] =	vst v63  }
0x15f: {  	_ =	swait.ge [sflag:s17], $0xE000  }
0x160: {  	[sflag:s17] =	ssyncset.done $0x0  }
0x161: {  	s0 =	rddreg [dreg:$0x10];
	[sflag:s17] =	ssyncadd.s32 $0xFFFF2000  }
0x162: {  	[tilespmem:s16], [sflag:$0x2] =	stream.linear.gather [hbm4b:s0+s2], $0xE000, $0x38;
	[tilespmem:$0x1C000] =	vst v63  }
0x163: {  	_ =	swait.ge [sflag:s14], $0xE000  }
0x164: {  	[sflag:s14] =	ssyncset.done $0x0  }
0x165: {  	s0 =	rddreg [dreg:$0x11];
	[sflag:s14] =	ssyncadd.s32 $0xFFFF2000  }
0x166: {  	[hbm4b:s0+s2] =	stream.linear.scatter [tilespmem:s2], [sflag:$0x3], $0xE000, $0x38;
	[tilespmem:$0x1C000] =	vst v63  }
0x167: {  	_ =	swait.ge [sflag:s10], $0xE000  }
0x168: {  	[sflag:s10] =	ssyncset.done $0x0  }
0x169: {  	s0 =	rddreg [dreg:$0x12];
	[sflag:s10] =	ssyncadd.s32 $0xFFFF2000  }
0x16a: {  	[tilespmem:s2], [sflag:$0x1] =	stream.linear.gather [hbm4b:s0+s2], $0xE000, $0x38;
	[tilespmem:$0x1C000] =	vst v63  }
0x16b: {  	_ =	swait.ge [sflag:s20], $0xE000  }
0x16c: {  	[sflag:s20] =	ssyncset.done $0x0  }
0x16d: {  	s0 =	rddreg [dreg:$0x13];
	[sflag:s20] =	ssyncadd.s32 $0xFFFF2000  }
0x16e: {  	[hbm4b:s0+s2] =	stream.linear.scatter [tilespmem:s16], [sflag:$0x4], $0xE000, $0x38;
	[tilespmem:$0x1C000] =	vst v63  }
0x16f: {  	_ =	swait.ge [sflag:s17], $0xE000  }
0x170: {  	[sflag:s17] =	ssyncset.done $0x0  }
0x171: {  	s0 =	rddreg [dreg:$0x14];
	[sflag:s17] =	ssyncadd.s32 $0xFFFF2000  }
0x172: {  	[tilespmem:s16], [sflag:$0x2] =	stream.linear.gather [hbm4b:s0+s2], $0xE000, $0x38;
	[tilespmem:$0x1C000] =	vst v63  }
0x173: {  	_ =	swait.ge [sflag:s14], $0xE000  }
0x174: {  	[sflag:s14] =	ssyncset.done $0x0  }
0x175: {  	s0 =	rddreg [dreg:$0x15];
	[sflag:s14] =	ssyncadd.s32 $0xFFFF2000  }
0x176: {  	[hbm4b:s0+s2] =	stream.linear.scatter [tilespmem:s2], [sflag:$0x3], $0xE000, $0x38;
	[tilespmem:$0x1C000] =	vst v63  }
0x177: {  	_ =	swait.ge [sflag:s10], $0xE000  }
0x178: {  	[sflag:s10] =	ssyncset.done $0x0  }
0x179: {  	s0 =	rddreg [dreg:$0x16];
	[sflag:s10] =	ssyncadd.s32 $0xFFFF2000  }
0x17a: {  	[tilespmem:s2], [sflag:$0x1] =	stream.linear.gather [hbm4b:s0+s2], $0xE000, $0x38;
	[tilespmem:$0x1C000] =	vst v63  }
0x17b: {  	_ =	swait.ge [sflag:s20], $0xE000  }
0x17c: {  	[sflag:s20] =	ssyncset.done $0x0  }
0x17d: {  	s0 =	rddreg [dreg:$0x17];
	[sflag:s20] =	ssyncadd.s32 $0xFFFF2000  }
0x17e: {  	[hbm4b:s0+s2] =	stream.linear.scatter [tilespmem:s16], [sflag:$0x4], $0xE000, $0x38;
	[tilespmem:$0x1C000] =	vst v63  }
0x17f: {  	_ =	swait.ge [sflag:s17], $0xE000  }
0x180: {  	[sflag:s17] =	ssyncset.done $0x0  }
0x181: {  	s0 =	rddreg [dreg:$0x18];
	[sflag:s17] =	ssyncadd.s32 $0xFFFF2000  }
0x182: {  	[tilespmem:s16], [sflag:$0x2] =	stream.linear.gather [hbm4b:s0+s2], $0xE000, $0x38;
	[tilespmem:$0x1C000] =	vst v63  }
0x183: {  	_ =	swait.ge [sflag:s14], $0xE000  }
0x184: {  	[sflag:s14] =	ssyncset.done $0x0  }
0x185: {  	s0 =	rddreg [dreg:$0x19];
	[sflag:s14] =	ssyncadd.s32 $0xFFFF2000  }
0x186: {  	[hbm4b:s0+s2] =	stream.linear.scatter [tilespmem:s2], [sflag:$0x3], $0xE000, $0x38;
	[tilespmem:$0x1C000] =	vst v63  }
0x187: {  	_ =	swait.ge [sflag:s10], $0xE000  }
0x188: {  	[sflag:s10] =	ssyncset.done $0x0  }
0x189: {  	s0 =	rddreg [dreg:$0x1a];
	[sflag:s10] =	ssyncadd.s32 $0xFFFF2000  }
0x18a: {  	[tilespmem:s2], [sflag:$0x1] =	stream.linear.gather [hbm4b:s0+s2], $0xE000, $0x38;
	[tilespmem:$0x1C000] =	vst v63  }
0x18b: {  	_ =	swait.ge [sflag:s20], $0xE000  }
0x18c: {  	[sflag:s20] =	ssyncset.done $0x0  }
0x18d: {  	s0 =	rddreg [dreg:$0x1b];
	[sflag:s20] =	ssyncadd.s32 $0xFFFF2000  }
0x18e: {  	[hbm4b:s0+s2] =	stream.linear.scatter [tilespmem:s16], [sflag:$0x4], $0xE000, $0x38;
	[tilespmem:$0x1C000] =	vst v63  }
0x18f: {  	_ =	swait.ge [sflag:s17], $0xE000  }
0x190: {  	[sflag:s17] =	ssyncset.done $0x0  }
0x191: {  	s0 =	rddreg [dreg:$0x1c];
	[sflag:s17] =	ssyncadd.s32 $0xFFFF2000  }
0x192: {  	[tilespmem:s16], [sflag:$0x2] =	stream.linear.gather [hbm4b:s0+s2], $0xE000, $0x38;
	[tilespmem:$0x1C000] =	vst v63  }
0x193: {  	_ =	swait.ge [sflag:s14], $0xE000  }
0x194: {  	[sflag:s14] =	ssyncset.done $0x0  }
0x195: {  	s0 =	rddreg [dreg:$0x1d];
	[sflag:s14] =	ssyncadd.s32 $0xFFFF2000  }
0x196: {  	[hbm4b:s0+s2] =	stream.linear.scatter [tilespmem:s2], [sflag:$0x3], $0xE000, $0x38;
	[tilespmem:$0x1C000] =	vst v63  }
0x197: {  	_ =	swait.ge [sflag:s10], $0xE000  }
0x198: {  	[sflag:s10] =	ssyncset.done $0x0  }
0x199: {  	s0 =	rddreg [dreg:$0x1e];
	[sflag:s10] =	ssyncadd.s32 $0xFFFF2000  }
0x19a: {  	[tilespmem:s2], [sflag:$0x1] =	stream.linear.gather [hbm4b:s0+s2], $0xE000, $0x38;
	[tilespmem:$0x1C000] =	vst v63  }
0x19b: {  	_ =	swait.ge [sflag:s20], $0xE000  }
0x19c: {  	[sflag:s20] =	ssyncset.done $0x0  }
0x19d: {  	s0 =	rddreg [dreg:$0x1f];
	[sflag:s20] =	ssyncadd.s32 $0xFFFF2000  }
0x19e: {  	[hbm4b:s0+s2] =	stream.linear.scatter [tilespmem:s16], [sflag:$0x4], $0xE000, $0x38;
	[tilespmem:$0x1C000] =	vst v63  }
0x19f: {  	_ =	swait.ge [sflag:s17], $0xE000  }
0x1a0: {  	s0 =	sld [smem:$0x7F4]  }
0x1a1: {  	[sflag:s17] =	ssyncset.done $0x0  }
0x1a2: {  	[sflag:s17] =	ssyncadd.s32 $0xFFFF2000  }
0x1a3: {  	[tilespmem:s16], [sflag:$0x2] =	stream.linear.gather [hbm4b:s0+s2], $0xE000, $0x38;
	[tilespmem:$0x1C000] =	vst v63  }
0x1a4: {  	_ =	swait.ge [sflag:s14], $0xE000  }
0x1a5: {  	s0 =	sld [smem:$0x7F5]  }
0x1a6: {  	[sflag:s14] =	ssyncset.done $0x0  }
0x1a7: {  	[sflag:s14] =	ssyncadd.s32 $0xFFFF2000  }
0x1a8: {  	[hbm4b:s0+s2] =	stream.linear.scatter [tilespmem:s2], [sflag:$0x3], $0xE000, $0x38;
	[tilespmem:$0x1C000] =	vst v63  }
0x1a9: {  	_ =	swait.ge [sflag:s10], $0xE000  }
0x1aa: {  	s0 =	sld [smem:$0x7F6]  }
0x1ab: {  	[sflag:s10] =	ssyncset.done $0x0  }
0x1ac: {  	[sflag:s10] =	ssyncadd.s32 $0xFFFF2000  }
0x1ad: {  	[tilespmem:s2], [sflag:$0x1] =	stream.linear.gather [hbm4b:s0+s2], $0xE000, $0x38;
	[tilespmem:$0x1C000] =	vst v63  }
0x1ae: {  	_ =	swait.ge [sflag:s20], $0xE000  }
0x1af: {  	s0 =	sld [smem:$0x7F7]  }
0x1b0: {  	[sflag:s20] =	ssyncset.done $0x0  }
0x1b1: {  	[sflag:s20] =	ssyncadd.s32 $0xFFFF2000  }
0x1b2: {  	[hbm4b:s0+s2] =	stream.linear.scatter [tilespmem:s16], [sflag:$0x4], $0xE000, $0x38;
	[tilespmem:$0x1C000] =	vst v63  }
0x1b3: {  	_ =	swait.ge [sflag:s17], $0xE000  }
0x1b4: {  	s0 =	sld [smem:$0x7F8]  }
0x1b5: {  	[sflag:s17] =	ssyncset.done $0x0  }
0x1b6: {  	[sflag:s17] =	ssyncadd.s32 $0xFFFF2000  }
0x1b7: {  	[tilespmem:s16], [sflag:$0x2] =	stream.linear.gather [hbm4b:s0+s2], $0xE000, $0x38;
	[tilespmem:$0x1C000] =	vst v63  }
0x1b8: {  	_ =	swait.ge [sflag:s14], $0xE000  }
0x1b9: {  	s0 =	sld [smem:$0x7F9]  }
0x1ba: {  	[sflag:s14] =	ssyncset.done $0x0  }
0x1bb: {  	[sflag:s14] =	ssyncadd.s32 $0xFFFF2000  }
0x1bc: {  	[hbm4b:s0+s2] =	stream.linear.scatter [tilespmem:s2], [sflag:$0x3], $0xE000, $0x38;
	[tilespmem:$0x1C000] =	vst v63  }
0x1bd: {  	_ =	swait.ge [sflag:s10], $0xE000  }
0x1be: {  	s0 =	sld [smem:$0x7FA]  }
0x1bf: {  	[sflag:s10] =	ssyncset.done $0x0  }
0x1c0: {  	[sflag:s10] =	ssyncadd.s32 $0xFFFF2000  }
0x1c1: {  	[tilespmem:s2], [sflag:$0x1] =	stream.linear.gather [hbm4b:s0+s2], $0xE000, $0x38;
	[tilespmem:$0x1C000] =	vst v63  }
0x1c2: {  	_ =	swait.ge [sflag:s20], $0xE000  }
0x1c3: {  	s0 =	sld [smem:$0x7FB]  }
0x1c4: {  	[sflag:s20] =	ssyncset.done $0x0  }
0x1c5: {  	[sflag:s20] =	ssyncadd.s32 $0xFFFF2000  }
0x1c6: {  	[hbm4b:s0+s2] =	stream.linear.scatter [tilespmem:s16], [sflag:$0x4], $0xE000, $0x38;
	[tilespmem:$0x1C000] =	vst v63  }
0x1c7: {  	_ =	swait.ge [sflag:s17], $0xE000  }
0x1c8: {  	s0 =	sld [smem:$0x7FC]  }
0x1c9: {  	[sflag:s17] =	ssyncset.done $0x0  }
0x1ca: {  	[sflag:s17] =	ssyncadd.s32 $0xFFFF2000  }
0x1cb: {  	[tilespmem:s16], [sflag:$0x2] =	stream.linear.gather [hbm4b:s0+s2], $0xE000, $0x38;
	[tilespmem:$0x1C000] =	vst v63  }
0x1cc: {  	_ =	swait.ge [sflag:s14], $0xE000  }
0x1cd: {  	s3 =	smov.u32 s4;
	s4 =	smov.u32 s5;
	s0 =	sld [smem:$0x7FD]  }
0x1ce: {  	s5 =	smov.u32 s6;
	s6 =	smov.u32 s7;
	[sflag:s14] =	ssyncset.done $0x0  }
0x1cf: {  	s7 =	smov.u32 s8;
	s8 =	smov.u32 s11;
	[sflag:s14] =	ssyncadd.s32 $0xFFFF2000  }
0x1d0: {  	[hbm4b:s0+s2] =	stream.linear.scatter [tilespmem:s2], [sflag:$0x3], $0xE000, $0x38;
	[tilespmem:$0x1C000] =	vst v63  }
0x1d1: {  	s11 =	smov.u32 s12;
	s12 =	smov.u32 s13;
	_ =	swait.ge [sflag:s10], $0xE000  }
0x1d2: {  	s13 =	smov.u32 s15;
	s15 =	smov.u32 s18;
	[sflag:s10] =	ssyncset.done $0x0  }
0x1d3: {  	s18 =	smov.u32 s19;
	s19 =	smov.u32 s21;
	[sflag:s10] =	ssyncadd.s32 $0xFFFF2000  }
0x1d4: {  	[tilespmem:s2], [sflag:$0x1] =	stream.linear.gather [hbm4b:s30+s2], $0xE000, $0x38;
	[tilespmem:$0x1C000] =	vst v63  }
0x1d5: {  	s21 =	smov.u32 s22;
	s22 =	smov.u32 s23;
	_ =	swait.ge [sflag:s20], $0xE000  }
0x1d6: {  	s23 =	smov.u32 s24;
	s24 =	smov.u32 s25;
	[sflag:s20] =	ssyncset.done $0x0  }
0x1d7: {  	s25 =	smov.u32 s26;
	s26 =	smov.u32 s28;
	[sflag:s20] =	ssyncadd.s32 $0xFFFF2000  }
0x1d8: {  	[hbm4b:s26+s2] =	stream.linear.scatter [tilespmem:s16], [sflag:$0x4], $0xE000, $0x38;
	[tilespmem:$0x1C000] =	vst v63  }
0x1d9: {  	_ =	swait.ge [sflag:s17], $0xE000  }
0x1da: {  	[sflag:s17] =	ssyncset.done $0x0  }
0x1db: {  	[sflag:s17] =	ssyncadd.s32 $0xFFFF2000  }
0x1dc: {  	[tilespmem:s16], [sflag:$0x2] =	stream.linear.gather [hbm4b:s25+s2], $0xE000, $0x38;
	[tilespmem:$0x1C000] =	vst v63  }
0x1dd: {  	_ =	swait.ge [sflag:s14], $0xE000  }
0x1de: {  	[sflag:s14] =	ssyncset.done $0x0  }
0x1df: {  	[sflag:s14] =	ssyncadd.s32 $0xFFFF2000  }
0x1e0: {  	[hbm4b:s24+s2] =	stream.linear.scatter [tilespmem:s2], [sflag:$0x3], $0xE000, $0x38;
	[tilespmem:$0x1C000] =	vst v63  }
0x1e1: {  	_ =	swait.ge [sflag:s10], $0xE000  }
0x1e2: {  	[sflag:s10] =	ssyncset.done $0x0  }
0x1e3: {  	[sflag:s10] =	ssyncadd.s32 $0xFFFF2000  }
0x1e4: {  	[tilespmem:s2], [sflag:$0x1] =	stream.linear.gather [hbm4b:s23+s2], $0xE000, $0x38;
	[tilespmem:$0x1C000] =	vst v63  }
0x1e5: {  	_ =	swait.ge [sflag:s20], $0xE000  }
0x1e6: {  	[sflag:s20] =	ssyncset.done $0x0  }
0x1e7: {  	[sflag:s20] =	ssyncadd.s32 $0xFFFF2000  }
0x1e8: {  	[hbm4b:s22+s2] =	stream.linear.scatter [tilespmem:s16], [sflag:$0x4], $0xE000, $0x38;
	[tilespmem:$0x1C000] =	vst v63  }
0x1e9: {  	_ =	swait.ge [sflag:s17], $0xE000  }
0x1ea: {  	[sflag:s17] =	ssyncset.done $0x0  }
0x1eb: {  	[sflag:s17] =	ssyncadd.s32 $0xFFFF2000  }
0x1ec: {  	[tilespmem:s16], [sflag:$0x2] =	stream.linear.gather [hbm4b:s21+s2], $0xE000, $0x38;
	[tilespmem:$0x1C000] =	vst v63  }
0x1ed: {  	_ =	swait.ge [sflag:s14], $0xE000  }
0x1ee: {  	[sflag:s14] =	ssyncset.done $0x0  }
0x1ef: {  	[sflag:s14] =	ssyncadd.s32 $0xFFFF2000  }
0x1f0: {  	[hbm4b:s19+s2] =	stream.linear.scatter [tilespmem:s2], [sflag:$0x3], $0xE000, $0x38;
	[tilespmem:$0x1C000] =	vst v63  }
0x1f1: {  	_ =	swait.ge [sflag:s10], $0xE000  }
0x1f2: {  	[sflag:s10] =	ssyncset.done $0x0  }
0x1f3: {  	[sflag:s10] =	ssyncadd.s32 $0xFFFF2000  }
0x1f4: {  	[tilespmem:s2], [sflag:$0x1] =	stream.linear.gather [hbm4b:s18+s2], $0xE000, $0x38;
	[tilespmem:$0x1C000] =	vst v63  }
0x1f5: {  	_ =	swait.ge [sflag:s20], $0xE000  }
0x1f6: {  	[sflag:s20] =	ssyncset.done $0x0  }
0x1f7: {  	[sflag:s20] =	ssyncadd.s32 $0xFFFF2000  }
0x1f8: {  	[hbm4b:s15+s2] =	stream.linear.scatter [tilespmem:s16], [sflag:$0x4], $0xE000, $0x38;
	[tilespmem:$0x1C000] =	vst v63  }
0x1f9: {  	_ =	swait.ge [sflag:s17], $0xE000  }
0x1fa: {  	[sflag:s17] =	ssyncset.done $0x0  }
0x1fb: {  	[sflag:s17] =	ssyncadd.s32 $0xFFFF2000  }
0x1fc: {  	[tilespmem:s16], [sflag:$0x2] =	stream.linear.gather [hbm4b:s13+s2], $0xE000, $0x38;
	[tilespmem:$0x1C000] =	vst v63  }
0x1fd: {  	_ =	swait.ge [sflag:s14], $0xE000  }
0x1fe: {  	[sflag:s14] =	ssyncset.done $0x0  }
0x1ff: {  	[sflag:s14] =	ssyncadd.s32 $0xFFFF2000  }
0x200: {  	[hbm4b:s12+s2] =	stream.linear.scatter [tilespmem:s2], [sflag:$0x3], $0xE000, $0x38;
	[tilespmem:$0x1C000] =	vst v63  }
0x201: {  	_ =	swait.ge [sflag:s10], $0xE000  }
0x202: {  	[sflag:s10] =	ssyncset.done $0x0  }
0x203: {  	[sflag:s10] =	ssyncadd.s32 $0xFFFF2000  }
0x204: {  	[tilespmem:s2], [sflag:$0x1] =	stream.linear.gather [hbm4b:s11+s2], $0xE000, $0x38;
	[tilespmem:$0x1C000] =	vst v63  }
0x205: {  	_ =	swait.ge [sflag:s20], $0xE000  }
0x206: {  	[sflag:s20] =	ssyncset.done $0x0  }
0x207: {  	[sflag:s20] =	ssyncadd.s32 $0xFFFF2000  }
0x208: {  	[hbm4b:s8+s2] =	stream.linear.scatter [tilespmem:s16], [sflag:$0x4], $0xE000, $0x38;
	[tilespmem:$0x1C000] =	vst v63  }
0x209: {  	_ =	swait.ge [sflag:s14], $0xE000  }
0x20a: {  	[sflag:s14] =	ssyncset.done $0x0  }
0x20b: {  	[sflag:s14] =	ssyncadd.s32 $0xFFFF2000  }
0x20c: {  	[hbm4b:s7+s2] =	stream.linear.scatter [tilespmem:s2], [sflag:$0x3], $0xE000, $0x38;
	[tilespmem:$0x1C000] =	vst v63  }
0x20d: {  	_ =	swait.ge [sflag:s17], $0xE000  }
0x20e: {  	[sflag:s17] =	ssyncset.done $0x0  }
0x20f: {  	[sflag:s17] =	ssyncadd.s32 $0xFFFF2000  }
0x210: {  	_ =	swait.ge [sflag:s10], $0xE000  }
0x211: {  	[sflag:s10] =	ssyncset.done $0x0  }
0x212: {  	[sflag:s10] =	ssyncadd.s32 $0xFFFF2000  }
0x213: {  	[tilespmem:s2], [sflag:$0x5] =	stream.linear.gather [hbm4b:s6+s2], $0x1000, $0x38;
	[tilespmem:$0x1C000] =	vst v63  }
0x214: {  	_ =	swait.ge [sflag:s9], $0x1000  }
0x215: {  	[sflag:s9] =	ssyncset.done $0x0  }
0x216: {  	[sflag:s9] =	ssyncadd.s32 $0xFFFFF000  }
0x217: {  	[hbm4b:s5+s2] =	stream.linear.scatter [tilespmem:s2], [sflag:$0x5], $0x1000, $0x38;
	[tilespmem:$0x1C000] =	vst v63  }
0x218: {  	_ =	swait.ge [sflag:s9], $0x1000  }
0x219: {  	[sflag:s9] =	ssyncset.done $0x0  }
0x21a: {  	s1 =	sadd.s32 $0xFFFFFFFF, s1;
	s0 =	simm.s32 @!p0 $0x0;
	[sflag:s9] =	ssyncadd.s32 $0xFFFFF000  }
0x21b: {  	[tilespmem:s31], [sflag:$0x5] =	stream.linear.gather @!p0 [hbm4b:s4+s0], $0xC000, $0x38;
	[tilespmem:$0x1C000] =	vst v63  }
0x21c: {  	p2 =	sne.s32 s1, $0x0;
	_ =	swait.ge @!p0 [sflag:s29], $0xC000  }
.Ltmp2:
0x21d: {  	[sflag:s29] =	ssyncset.done @!p0 $0x0;
	(pc) =	sbr.rel @p2 .LBB2_4-.Ltmp2, $4  }
0x21e: {  	[sflag:s29] =	ssyncadd.s32 @!p0 $0xFFFF4000  }
0x21f: {  	[hbm4b:s3+s0] =	stream.linear.scatter @!p0 [tilespmem:s31], [sflag:$0x5], $0xC000, $0x38;
	[tilespmem:$0x1C000] =	vst v63  }
0x220: {  	_ =	swait.ge @!p0 [sflag:s29], $0xC000  }
0x221: {  	s28 =	smov.u32 s30;
	s0 =	rddreg [dreg:$0x3];
	[sflag:s29] =	ssyncset.done @!p0 $0x0  }
0x222: {  	s30 =	stileid.u32;
	s31 =	rddreg [dreg:$0x2]  }
.LBB2_6:
0x223: {  	p1 =	por p0, !p1  }
0x224: {  	[sflag:s29] =	ssyncadd.s32 @!p1 $0xFFFF4000  }
0x225: {  	[tilespmem:s2], [sflag:$0x1] =	stream.linear.gather [hbm4b:s0+s2], $0xE000, $0x38;
	[tilespmem:$0x1C000] =	vst v63  }
0x226: {  	s1 =	rddreg [dreg:$0x4]  }
0x227: {  	[tilespmem:s16], [sflag:$0x2] =	stream.linear.gather [hbm4b:s1+s2], $0xE000, $0x38;
	[tilespmem:$0x1C000] =	vst v63  }
0x228: {  	_ =	swait.ge [sflag:s14], $0xE000  }
0x229: {  	[sflag:s14] =	ssyncset.done $0x0  }
0x22a: {  	s29 =	rddreg [dreg:$0x5];
	[sflag:s14] =	ssyncadd.s32 $0xFFFF2000  }
0x22b: {  	[hbm4b:s29+s2] =	stream.linear.scatter [tilespmem:s2], [sflag:$0x3], $0xE000, $0x38;
	[tilespmem:$0x1C000] =	vst v63  }
0x22c: {  	_ =	swait.ge [sflag:s10], $0xE000  }
0x22d: {  	[sflag:s10] =	ssyncset.done $0x0  }
0x22e: {  	s1 =	rddreg [dreg:$0x6];
	[sflag:s10] =	ssyncadd.s32 $0xFFFF2000  }
0x22f: {  	[tilespmem:s2], [sflag:$0x1] =	stream.linear.gather [hbm4b:s1+s2], $0xE000, $0x38;
	[tilespmem:$0x1C000] =	vst v63  }
0x230: {  	_ =	swait.ge [sflag:s20], $0xE000  }
0x231: {  	[sflag:s20] =	ssyncset.done $0x0  }
0x232: {  	s29 =	rddreg [dreg:$0x7];
	[sflag:s20] =	ssyncadd.s32 $0xFFFF2000  }
0x233: {  	[hbm4b:s29+s2] =	stream.linear.scatter [tilespmem:s16], [sflag:$0x4], $0xE000, $0x38;
	[tilespmem:$0x1C000] =	vst v63  }
0x234: {  	_ =	swait.ge [sflag:s17], $0xE000  }
0x235: {  	[sflag:s17] =	ssyncset.done $0x0  }
0x236: {  	s1 =	rddreg [dreg:$0x8];
	[sflag:s17] =	ssyncadd.s32 $0xFFFF2000  }
0x237: {  	[tilespmem:s16], [sflag:$0x2] =	stream.linear.gather [hbm4b:s1+s2], $0xE000, $0x38;
	[tilespmem:$0x1C000] =	vst v63  }
0x238: {  	_ =	swait.ge [sflag:s14], $0xE000  }
0x239: {  	[sflag:s14] =	ssyncset.done $0x0  }
0x23a: {  	s29 =	rddreg [dreg:$0x9];
	[sflag:s14] =	ssyncadd.s32 $0xFFFF2000  }
0x23b: {  	[hbm4b:s29+s2] =	stream.linear.scatter [tilespmem:s2], [sflag:$0x3], $0xE000, $0x38;
	[tilespmem:$0x1C000] =	vst v63  }
0x23c: {  	_ =	swait.ge [sflag:s10], $0xE000  }
0x23d: {  	[sflag:s10] =	ssyncset.done $0x0  }
0x23e: {  	s1 =	rddreg [dreg:$0xa];
	[sflag:s10] =	ssyncadd.s32 $0xFFFF2000  }
0x23f: {  	[tilespmem:s2], [sflag:$0x1] =	stream.linear.gather [hbm4b:s1+s2], $0xE000, $0x38;
	[tilespmem:$0x1C000] =	vst v63  }
0x240: {  	_ =	swait.ge [sflag:s20], $0xE000  }
0x241: {  	[sflag:s20] =	ssyncset.done $0x0  }
0x242: {  	s29 =	rddreg [dreg:$0xb];
	[sflag:s20] =	ssyncadd.s32 $0xFFFF2000  }
0x243: {  	[hbm4b:s29+s2] =	stream.linear.scatter [tilespmem:s16], [sflag:$0x4], $0xE000, $0x38;
	[tilespmem:$0x1C000] =	vst v63  }
0x244: {  	_ =	swait.ge [sflag:s17], $0xE000  }
0x245: {  	[sflag:s17] =	ssyncset.done $0x0  }
0x246: {  	s1 =	rddreg [dreg:$0xc];
	[sflag:s17] =	ssyncadd.s32 $0xFFFF2000  }
0x247: {  	[tilespmem:s16], [sflag:$0x2] =	stream.linear.gather [hbm4b:s1+s2], $0xE000, $0x38;
	[tilespmem:$0x1C000] =	vst v63  }
0x248: {  	_ =	swait.ge [sflag:s14], $0xE000  }
0x249: {  	[sflag:s14] =	ssyncset.done $0x0  }
0x24a: {  	s29 =	rddreg [dreg:$0xd];
	[sflag:s14] =	ssyncadd.s32 $0xFFFF2000  }
0x24b: {  	[hbm4b:s29+s2] =	stream.linear.scatter [tilespmem:s2], [sflag:$0x3], $0xE000, $0x38;
	[tilespmem:$0x1C000] =	vst v63  }
0x24c: {  	_ =	swait.ge [sflag:s10], $0xE000  }
0x24d: {  	[sflag:s10] =	ssyncset.done $0x0  }
0x24e: {  	s1 =	rddreg [dreg:$0xe];
	[sflag:s10] =	ssyncadd.s32 $0xFFFF2000  }
0x24f: {  	[tilespmem:s2], [sflag:$0x1] =	stream.linear.gather [hbm4b:s1+s2], $0xE000, $0x38;
	[tilespmem:$0x1C000] =	vst v63  }
0x250: {  	_ =	swait.ge [sflag:s20], $0xE000  }
0x251: {  	[sflag:s20] =	ssyncset.done $0x0  }
0x252: {  	s29 =	rddreg [dreg:$0xf];
	[sflag:s20] =	ssyncadd.s32 $0xFFFF2000  }
0x253: {  	[hbm4b:s29+s2] =	stream.linear.scatter [tilespmem:s16], [sflag:$0x4], $0xE000, $0x38;
	[tilespmem:$0x1C000] =	vst v63  }
0x254: {  	_ =	swait.ge [sflag:s17], $0xE000  }
0x255: {  	[sflag:s17] =	ssyncset.done $0x0  }
0x256: {  	s1 =	rddreg [dreg:$0x10];
	[sflag:s17] =	ssyncadd.s32 $0xFFFF2000  }
0x257: {  	[tilespmem:s16], [sflag:$0x2] =	stream.linear.gather [hbm4b:s1+s2], $0xE000, $0x38;
	[tilespmem:$0x1C000] =	vst v63  }
0x258: {  	_ =	swait.ge [sflag:s14], $0xE000  }
0x259: {  	[sflag:s14] =	ssyncset.done $0x0  }
0x25a: {  	s29 =	rddreg [dreg:$0x11];
	[sflag:s14] =	ssyncadd.s32 $0xFFFF2000  }
0x25b: {  	[hbm4b:s29+s2] =	stream.linear.scatter [tilespmem:s2], [sflag:$0x3], $0xE000, $0x38;
	[tilespmem:$0x1C000] =	vst v63  }
0x25c: {  	_ =	swait.ge [sflag:s10], $0xE000  }
0x25d: {  	[sflag:s10] =	ssyncset.done $0x0  }
0x25e: {  	s1 =	rddreg [dreg:$0x12];
	[sflag:s10] =	ssyncadd.s32 $0xFFFF2000  }
0x25f: {  	[tilespmem:s2], [sflag:$0x1] =	stream.linear.gather [hbm4b:s1+s2], $0xE000, $0x38;
	[tilespmem:$0x1C000] =	vst v63  }
0x260: {  	_ =	swait.ge [sflag:s20], $0xE000  }
0x261: {  	[sflag:s20] =	ssyncset.done $0x0  }
0x262: {  	s29 =	rddreg [dreg:$0x13];
	[sflag:s20] =	ssyncadd.s32 $0xFFFF2000  }
0x263: {  	[hbm4b:s29+s2] =	stream.linear.scatter [tilespmem:s16], [sflag:$0x4], $0xE000, $0x38;
	[tilespmem:$0x1C000] =	vst v63  }
0x264: {  	_ =	swait.ge [sflag:s17], $0xE000  }
0x265: {  	[sflag:s17] =	ssyncset.done $0x0  }
0x266: {  	s1 =	rddreg [dreg:$0x14];
	[sflag:s17] =	ssyncadd.s32 $0xFFFF2000  }
0x267: {  	[tilespmem:s16], [sflag:$0x2] =	stream.linear.gather [hbm4b:s1+s2], $0xE000, $0x38;
	[tilespmem:$0x1C000] =	vst v63  }
0x268: {  	_ =	swait.ge [sflag:s14], $0xE000  }
0x269: {  	[sflag:s14] =	ssyncset.done $0x0  }
0x26a: {  	s29 =	rddreg [dreg:$0x15];
	[sflag:s14] =	ssyncadd.s32 $0xFFFF2000  }
0x26b: {  	[hbm4b:s29+s2] =	stream.linear.scatter [tilespmem:s2], [sflag:$0x3], $0xE000, $0x38;
	[tilespmem:$0x1C000] =	vst v63  }
0x26c: {  	_ =	swait.ge [sflag:s10], $0xE000  }
0x26d: {  	[sflag:s10] =	ssyncset.done $0x0  }
0x26e: {  	s1 =	rddreg [dreg:$0x16];
	[sflag:s10] =	ssyncadd.s32 $0xFFFF2000  }
0x26f: {  	[tilespmem:s2], [sflag:$0x1] =	stream.linear.gather [hbm4b:s1+s2], $0xE000, $0x38;
	[tilespmem:$0x1C000] =	vst v63  }
0x270: {  	_ =	swait.ge [sflag:s20], $0xE000  }
0x271: {  	[sflag:s20] =	ssyncset.done $0x0  }
0x272: {  	s29 =	rddreg [dreg:$0x17];
	[sflag:s20] =	ssyncadd.s32 $0xFFFF2000  }
0x273: {  	[hbm4b:s29+s2] =	stream.linear.scatter [tilespmem:s16], [sflag:$0x4], $0xE000, $0x38;
	[tilespmem:$0x1C000] =	vst v63  }
0x274: {  	_ =	swait.ge [sflag:s17], $0xE000  }
0x275: {  	[sflag:s17] =	ssyncset.done $0x0  }
0x276: {  	s1 =	rddreg [dreg:$0x18];
	[sflag:s17] =	ssyncadd.s32 $0xFFFF2000  }
0x277: {  	[tilespmem:s16], [sflag:$0x2] =	stream.linear.gather [hbm4b:s1+s2], $0xE000, $0x38;
	[tilespmem:$0x1C000] =	vst v63  }
0x278: {  	_ =	swait.ge [sflag:s14], $0xE000  }
0x279: {  	[sflag:s14] =	ssyncset.done $0x0  }
0x27a: {  	s29 =	rddreg [dreg:$0x19];
	[sflag:s14] =	ssyncadd.s32 $0xFFFF2000  }
0x27b: {  	[hbm4b:s29+s2] =	stream.linear.scatter [tilespmem:s2], [sflag:$0x3], $0xE000, $0x38;
	[tilespmem:$0x1C000] =	vst v63  }
0x27c: {  	_ =	swait.ge [sflag:s10], $0xE000  }
0x27d: {  	[sflag:s10] =	ssyncset.done $0x0  }
0x27e: {  	s1 =	rddreg [dreg:$0x1a];
	[sflag:s10] =	ssyncadd.s32 $0xFFFF2000  }
0x27f: {  	[tilespmem:s2], [sflag:$0x1] =	stream.linear.gather [hbm4b:s1+s2], $0xE000, $0x38;
	[tilespmem:$0x1C000] =	vst v63  }
0x280: {  	_ =	swait.ge [sflag:s20], $0xE000  }
0x281: {  	[sflag:s20] =	ssyncset.done $0x0  }
0x282: {  	s29 =	rddreg [dreg:$0x1b];
	[sflag:s20] =	ssyncadd.s32 $0xFFFF2000  }
0x283: {  	[hbm4b:s29+s2] =	stream.linear.scatter [tilespmem:s16], [sflag:$0x4], $0xE000, $0x38;
	[tilespmem:$0x1C000] =	vst v63  }
0x284: {  	_ =	swait.ge [sflag:s17], $0xE000  }
0x285: {  	[sflag:s17] =	ssyncset.done $0x0  }
0x286: {  	s1 =	rddreg [dreg:$0x1c];
	[sflag:s17] =	ssyncadd.s32 $0xFFFF2000  }
0x287: {  	[tilespmem:s16], [sflag:$0x2] =	stream.linear.gather [hbm4b:s1+s2], $0xE000, $0x38;
	[tilespmem:$0x1C000] =	vst v63  }
0x288: {  	_ =	swait.ge [sflag:s14], $0xE000  }
0x289: {  	[sflag:s14] =	ssyncset.done $0x0  }
0x28a: {  	s29 =	rddreg [dreg:$0x1d];
	[sflag:s14] =	ssyncadd.s32 $0xFFFF2000  }
0x28b: {  	[hbm4b:s29+s2] =	stream.linear.scatter [tilespmem:s2], [sflag:$0x3], $0xE000, $0x38;
	[tilespmem:$0x1C000] =	vst v63  }
0x28c: {  	_ =	swait.ge [sflag:s10], $0xE000  }
0x28d: {  	[sflag:s10] =	ssyncset.done $0x0  }
0x28e: {  	s1 =	rddreg [dreg:$0x1e];
	[sflag:s10] =	ssyncadd.s32 $0xFFFF2000  }
0x28f: {  	[tilespmem:s2], [sflag:$0x1] =	stream.linear.gather [hbm4b:s1+s2], $0xE000, $0x38;
	[tilespmem:$0x1C000] =	vst v63  }
0x290: {  	_ =	swait.ge [sflag:s20], $0xE000  }
0x291: {  	[sflag:s20] =	ssyncset.done $0x0  }
0x292: {  	s29 =	rddreg [dreg:$0x1f];
	[sflag:s20] =	ssyncadd.s32 $0xFFFF2000  }
0x293: {  	[hbm4b:s29+s2] =	stream.linear.scatter [tilespmem:s16], [sflag:$0x4], $0xE000, $0x38;
	[tilespmem:$0x1C000] =	vst v63  }
0x294: {  	_ =	swait.ge [sflag:s17], $0xE000  }
0x295: {  	s1 =	sld [smem:$0x7F4]  }
0x296: {  	[sflag:s17] =	ssyncset.done $0x0  }
0x297: {  	[sflag:s17] =	ssyncadd.s32 $0xFFFF2000  }
0x298: {  	[tilespmem:s16], [sflag:$0x2] =	stream.linear.gather [hbm4b:s1+s2], $0xE000, $0x38;
	[tilespmem:$0x1C000] =	vst v63  }
0x299: {  	_ =	swait.ge [sflag:s14], $0xE000  }
0x29a: {  	s29 =	sld [smem:$0x7F5]  }
0x29b: {  	[sflag:s14] =	ssyncset.done $0x0  }
0x29c: {  	[sflag:s14] =	ssyncadd.s32 $0xFFFF2000  }
0x29d: {  	[hbm4b:s29+s2] =	stream.linear.scatter [tilespmem:s2], [sflag:$0x3], $0xE000, $0x38;
	[tilespmem:$0x1C000] =	vst v63  }
0x29e: {  	_ =	swait.ge [sflag:s10], $0xE000  }
0x29f: {  	s1 =	sld [smem:$0x7F6]  }
0x2a0: {  	[sflag:s10] =	ssyncset.done $0x0  }
0x2a1: {  	[sflag:s10] =	ssyncadd.s32 $0xFFFF2000  }
0x2a2: {  	[tilespmem:s2], [sflag:$0x1] =	stream.linear.gather [hbm4b:s1+s2], $0xE000, $0x38;
	[tilespmem:$0x1C000] =	vst v63  }
0x2a3: {  	_ =	swait.ge [sflag:s20], $0xE000  }
0x2a4: {  	s29 =	sld [smem:$0x7F7]  }
0x2a5: {  	[sflag:s20] =	ssyncset.done $0x0  }
0x2a6: {  	[sflag:s20] =	ssyncadd.s32 $0xFFFF2000  }
0x2a7: {  	[hbm4b:s29+s2] =	stream.linear.scatter [tilespmem:s16], [sflag:$0x4], $0xE000, $0x38;
	[tilespmem:$0x1C000] =	vst v63  }
0x2a8: {  	_ =	swait.ge [sflag:s17], $0xE000  }
0x2a9: {  	s1 =	sld [smem:$0x7F8]  }
0x2aa: {  	[sflag:s17] =	ssyncset.done $0x0  }
0x2ab: {  	[sflag:s17] =	ssyncadd.s32 $0xFFFF2000  }
0x2ac: {  	[tilespmem:s16], [sflag:$0x2] =	stream.linear.gather [hbm4b:s1+s2], $0xE000, $0x38;
	[tilespmem:$0x1C000] =	vst v63  }
0x2ad: {  	_ =	swait.ge [sflag:s14], $0xE000  }
0x2ae: {  	s29 =	sld [smem:$0x7F9]  }
0x2af: {  	[sflag:s14] =	ssyncset.done $0x0  }
0x2b0: {  	[sflag:s14] =	ssyncadd.s32 $0xFFFF2000  }
0x2b1: {  	[hbm4b:s29+s2] =	stream.linear.scatter [tilespmem:s2], [sflag:$0x3], $0xE000, $0x38;
	[tilespmem:$0x1C000] =	vst v63  }
0x2b2: {  	_ =	swait.ge [sflag:s10], $0xE000  }
0x2b3: {  	s1 =	sld [smem:$0x7FA]  }
0x2b4: {  	[sflag:s10] =	ssyncset.done $0x0  }
0x2b5: {  	[sflag:s10] =	ssyncadd.s32 $0xFFFF2000  }
0x2b6: {  	[tilespmem:s2], [sflag:$0x1] =	stream.linear.gather [hbm4b:s1+s2], $0xE000, $0x38;
	[tilespmem:$0x1C000] =	vst v63  }
0x2b7: {  	_ =	swait.ge [sflag:s20], $0xE000  }
0x2b8: {  	s29 =	sld [smem:$0x7FB]  }
0x2b9: {  	[sflag:s20] =	ssyncset.done $0x0  }
0x2ba: {  	[sflag:s20] =	ssyncadd.s32 $0xFFFF2000  }
0x2bb: {  	[hbm4b:s29+s2] =	stream.linear.scatter [tilespmem:s16], [sflag:$0x4], $0xE000, $0x38;
	[tilespmem:$0x1C000] =	vst v63  }
0x2bc: {  	_ =	swait.ge [sflag:s17], $0xE000  }
0x2bd: {  	s1 =	sld [smem:$0x7FC]  }
0x2be: {  	[sflag:s17] =	ssyncset.done $0x0  }
0x2bf: {  	[sflag:s17] =	ssyncadd.s32 $0xFFFF2000  }
0x2c0: {  	[tilespmem:s16], [sflag:$0x2] =	stream.linear.gather [hbm4b:s1+s2], $0xE000, $0x38;
	[tilespmem:$0x1C000] =	vst v63  }
0x2c1: {  	_ =	swait.ge [sflag:s14], $0xE000  }
0x2c2: {  	s29 =	sld [smem:$0x7FD]  }
0x2c3: {  	[sflag:s14] =	ssyncset.done $0x0  }
0x2c4: {  	[sflag:s14] =	ssyncadd.s32 $0xFFFF2000  }
0x2c5: {  	[hbm4b:s29+s2] =	stream.linear.scatter [tilespmem:s2], [sflag:$0x3], $0xE000, $0x38;
	[tilespmem:$0x1C000] =	vst v63  }
0x2c6: {  	_ =	swait.ge [sflag:s10], $0xE000  }
0x2c7: {  	[sflag:s10] =	ssyncset.done $0x0  }
0x2c8: {  	[sflag:s10] =	ssyncadd.s32 $0xFFFF2000  }
0x2c9: {  	[tilespmem:s2], [sflag:$0x1] =	stream.linear.gather [hbm4b:s28+s2], $0xE000, $0x38;
	[tilespmem:$0x1C000] =	vst v63  }
0x2ca: {  	_ =	swait.ge [sflag:s20], $0xE000  }
0x2cb: {  	[sflag:s20] =	ssyncset.done $0x0  }
0x2cc: {  	[sflag:s20] =	ssyncadd.s32 $0xFFFF2000  }
0x2cd: {  	[hbm4b:s26+s2] =	stream.linear.scatter [tilespmem:s16], [sflag:$0x4], $0xE000, $0x38;
	[tilespmem:$0x1C000] =	vst v63  }
0x2ce: {  	_ =	swait.ge [sflag:s17], $0xE000  }
0x2cf: {  	[sflag:s17] =	ssyncset.done $0x0  }
0x2d0: {  	[sflag:s17] =	ssyncadd.s32 $0xFFFF2000  }
0x2d1: {  	[tilespmem:s16], [sflag:$0x2] =	stream.linear.gather [hbm4b:s25+s2], $0xE000, $0x38;
	[tilespmem:$0x1C000] =	vst v63  }
0x2d2: {  	_ =	swait.ge [sflag:s14], $0xE000  }
0x2d3: {  	[sflag:s14] =	ssyncset.done $0x0  }
0x2d4: {  	[sflag:s14] =	ssyncadd.s32 $0xFFFF2000  }
0x2d5: {  	[hbm4b:s24+s2] =	stream.linear.scatter [tilespmem:s2], [sflag:$0x3], $0xE000, $0x38;
	[tilespmem:$0x1C000] =	vst v63  }
0x2d6: {  	_ =	swait.ge [sflag:s10], $0xE000  }
0x2d7: {  	[sflag:s10] =	ssyncset.done $0x0  }
0x2d8: {  	[sflag:s10] =	ssyncadd.s32 $0xFFFF2000  }
0x2d9: {  	[tilespmem:s2], [sflag:$0x1] =	stream.linear.gather [hbm4b:s23+s2], $0xE000, $0x38;
	[tilespmem:$0x1C000] =	vst v63  }
0x2da: {  	_ =	swait.ge [sflag:s20], $0xE000  }
0x2db: {  	[sflag:s20] =	ssyncset.done $0x0  }
0x2dc: {  	[sflag:s20] =	ssyncadd.s32 $0xFFFF2000  }
0x2dd: {  	[hbm4b:s22+s2] =	stream.linear.scatter [tilespmem:s16], [sflag:$0x4], $0xE000, $0x38;
	[tilespmem:$0x1C000] =	vst v63  }
0x2de: {  	_ =	swait.ge [sflag:s17], $0xE000  }
0x2df: {  	[sflag:s17] =	ssyncset.done $0x0  }
0x2e0: {  	[sflag:s17] =	ssyncadd.s32 $0xFFFF2000  }
0x2e1: {  	[tilespmem:s16], [sflag:$0x2] =	stream.linear.gather [hbm4b:s21+s2], $0xE000, $0x38;
	[tilespmem:$0x1C000] =	vst v63  }
0x2e2: {  	_ =	swait.ge [sflag:s14], $0xE000  }
0x2e3: {  	[sflag:s14] =	ssyncset.done $0x0  }
0x2e4: {  	[sflag:s14] =	ssyncadd.s32 $0xFFFF2000  }
0x2e5: {  	[hbm4b:s19+s2] =	stream.linear.scatter [tilespmem:s2], [sflag:$0x3], $0xE000, $0x38;
	[tilespmem:$0x1C000] =	vst v63  }
0x2e6: {  	_ =	swait.ge [sflag:s10], $0xE000  }
0x2e7: {  	[sflag:s10] =	ssyncset.done $0x0  }
0x2e8: {  	[sflag:s10] =	ssyncadd.s32 $0xFFFF2000  }
0x2e9: {  	[tilespmem:s2], [sflag:$0x1] =	stream.linear.gather [hbm4b:s18+s2], $0xE000, $0x38;
	[tilespmem:$0x1C000] =	vst v63  }
0x2ea: {  	_ =	swait.ge [sflag:s20], $0xE000  }
0x2eb: {  	[sflag:s20] =	ssyncset.done $0x0  }
0x2ec: {  	[sflag:s20] =	ssyncadd.s32 $0xFFFF2000  }
0x2ed: {  	[hbm4b:s15+s2] =	stream.linear.scatter [tilespmem:s16], [sflag:$0x4], $0xE000, $0x38;
	[tilespmem:$0x1C000] =	vst v63  }
0x2ee: {  	_ =	swait.ge [sflag:s17], $0xE000  }
0x2ef: {  	[sflag:s17] =	ssyncset.done $0x0  }
0x2f0: {  	[sflag:s17] =	ssyncadd.s32 $0xFFFF2000  }
0x2f1: {  	[tilespmem:s16], [sflag:$0x2] =	stream.linear.gather [hbm4b:s13+s2], $0xE000, $0x38;
	[tilespmem:$0x1C000] =	vst v63  }
0x2f2: {  	_ =	swait.ge [sflag:s14], $0xE000  }
0x2f3: {  	[sflag:s14] =	ssyncset.done $0x0  }
0x2f4: {  	[sflag:s14] =	ssyncadd.s32 $0xFFFF2000  }
0x2f5: {  	[hbm4b:s12+s2] =	stream.linear.scatter [tilespmem:s2], [sflag:$0x3], $0xE000, $0x38;
	[tilespmem:$0x1C000] =	vst v63  }
0x2f6: {  	_ =	swait.ge [sflag:s10], $0xE000  }
0x2f7: {  	[sflag:s10] =	ssyncset.done $0x0  }
0x2f8: {  	[sflag:s10] =	ssyncadd.s32 $0xFFFF2000  }
0x2f9: {  	[tilespmem:s2], [sflag:$0x1] =	stream.linear.gather [hbm4b:s11+s2], $0xE000, $0x38;
	[tilespmem:$0x1C000] =	vst v63  }
0x2fa: {  	_ =	swait.ge [sflag:s20], $0xE000  }
0x2fb: {  	[sflag:s20] =	ssyncset.done $0x0  }
0x2fc: {  	[sflag:s20] =	ssyncadd.s32 $0xFFFF2000  }
0x2fd: {  	[hbm4b:s8+s2] =	stream.linear.scatter [tilespmem:s16], [sflag:$0x4], $0xE000, $0x38;
	[tilespmem:$0x1C000] =	vst v63  }
0x2fe: {  	_ =	swait.ge [sflag:s14], $0xE000  }
0x2ff: {  	[sflag:s14] =	ssyncset.done $0x0  }
0x300: {  	[sflag:s14] =	ssyncadd.s32 $0xFFFF2000  }
0x301: {  	[hbm4b:s7+s2] =	stream.linear.scatter [tilespmem:s2], [sflag:$0x3], $0xE000, $0x38;
	[tilespmem:$0x1C000] =	vst v63  }
0x302: {  	_ =	swait.ge [sflag:s17], $0xE000  }
0x303: {  	[sflag:s17] =	ssyncset.done $0x0  }
0x304: {  	[sflag:s17] =	ssyncadd.s32 $0xFFFF2000  }
0x305: {  	_ =	swait.ge [sflag:s10], $0xE000  }
0x306: {  	[sflag:s10] =	ssyncset.done $0x0  }
0x307: {  	[sflag:s10] =	ssyncadd.s32 $0xFFFF2000  }
0x308: {  	[tilespmem:s2], [sflag:$0x5] =	stream.linear.gather [hbm4b:s6+s2], $0x1000, $0x38;
	[tilespmem:$0x1C000] =	vst v63  }
0x309: {  	_ =	swait.ge [sflag:s9], $0x1000  }
0x30a: {  	[sflag:s9] =	ssyncset.done $0x0  }
0x30b: {  	[sflag:s9] =	ssyncadd.s32 $0xFFFFF000  }
0x30c: {  	[hbm4b:s5+s2] =	stream.linear.scatter [tilespmem:s2], [sflag:$0x5], $0x1000, $0x38;
	[tilespmem:$0x1C000] =	vst v63  }
0x30d: {  	_ =	swait.ge [sflag:s9], $0x1000  }
0x30e: {  	s0 =	simm.s32 @!p0 $0x0;
	[sflag:s9] =	ssyncset.done $0x0  }
0x30f: {  	s1 =	simm.s32 @!p0 $0xE000;
	s2 =	simm.s32 @!p0 $0x5;
	[sflag:s9] =	ssyncadd.s32 $0xFFFFF000  }
0x310: {  	[tilespmem:s1], [sflag:$0x5] =	stream.linear.gather @!p0 [hbm4b:s4+s0], $0xC000, $0x38;
	[tilespmem:$0x1C000] =	vst v63  }
0x311: {  	_ =	swait.ge @!p0 [sflag:s2], $0xC000  }
0x312: {  	[sflag:s2] =	ssyncset.done @!p0 $0x0  }
0x313: {  	[sflag:s2] =	ssyncadd.s32 @!p0 $0xFFFF4000  }
0x314: {  	[hbm4b:s3+s0] =	stream.linear.scatter @!p0 [tilespmem:s1], [sflag:$0x5], $0xC000, $0x38;
	[tilespmem:$0x1C000] =	vst v63  }
0x315: {  	_ =	swait.ge @!p0 [sflag:s2], $0xC000  }
0x316: {  	[sflag:s2] =	ssyncset.done @!p0 $0x0  }
0x317: {  	[sflag:s2] =	ssyncadd.s32 @!p0 $0xFFFF4000  }
0x318: {  	_ =	sfence.sel $0x180000  }
0x319: {  	[bflag:$0x0] =	sbarrier.arrive $0xFFFF  }
0x31a: {  	p0 =	sne.s32 s30, $0x0;
	_ =	strace $0x9000004D  }
0x31b: {  	s0 =	sadd.s32 @!p0 $0x100000, s31;
	[bflag:$0x2] =	sbarrier.arrive $0xFFFF  }
0x31c: {  	[sflag:s0] =	ssyncadd.tile.s32 @!p0 $0x1;
	_ =	shalt  }
.LBB2_1:
.Ltmp3:
0x31d: {  	(pc) =	sbr.rel .LBB2_6-.Ltmp3, $2  }
0x31e: {  	_ =	sdelay $0x2  }
0x31f: {  	_ = 	snop  }
.LBB2_3:
.Ltmp4:
0x320: {  	(pc) =	sbr.rel .LBB2_6-.Ltmp4, $2  }
0x321: {  	_ =	sdelay $0x2  }
0x322: {  	s30 =	stileid.u32;
	s31 =	rddreg [dreg:$0x2]  }
.Lfunc_end2:
_tile_overlayer_lowered:
.L_overlay_start_2:
0x323: {  	(tag) =	ssettag $0x2  }
0x324: {  	s0 =	rddreg [dreg:$0x0];
	s2 =	stileid.u32  }
0x325: {  	s1 =	rddreg [dreg:$0x1];
	p0 =	sne.s32 s2, $0x0  }
0x326: {  	s3 =	rddreg [dreg:$0x2];
	[bflag:$0x3] =	sbarrier.arrive $0xFFFF;
	s2 =	simm.s32 @!p0 $0x1C05  }
0x327: {  	[timem:s3], [sflag:s2] =	dma.local @!p0 [hbm:s0], s1  }
0x328: {  	s0 =	simm.s32 @!p0 $0x5  }
0x329: {  	_ =	swait.ge @!p0 [sflag:s0], s1  }
0x32a: {  	s1 =	ssub.s32 @!p0 $0x0, s1;
	[sflag:s0] =	ssyncset.done @!p0 $0x0  }
0x32b: {  	[sflag:s0] =	ssyncadd.s32 @!p0 s1  }
0x32c: {  	[bflag:$0x3] =	sbarrier.arrive $0xFFFF  }
0x32d: {  	_ =	shalt  }

// kernel: mgn_sc_gather_narrow.3.cloned.1.call-start
scs
__scs_entry_jumppad:
0x0: {  	(pc) =	sbr.rel $0x88, $3  }
0x1: {  	(tag) =	ssettag $0x0;
	lr =	simm.s32 $0x1  }
0x2: {  	[smem:$0x3F8C] =	sst lr;
	_ =	strace $0xD0000000  }
0x3: {  	_ = 	snop  }
0x4: {  	_ = 	snop  }
0x5: {  	_ = 	snop  }
0x6: {  	_ = 	snop  }
0x7: {  	_ = 	snop  }
__scs_overlays_trampoline_lowered:
0x8: {  	[smem:$0x3F9B] =	sst s0  }
0x9: {  	[smem:$0x3F9C] =	sst s1  }
0xa: {  	[smem:$0x3F9D] =	sst s2  }
0xb: {  	[smem:$0x3F9E] =	sst s3  }
0xc: {  	[smem:$0x3F9F] =	sst s4  }
0xd: {  	[smem:$0x3FA0] =	sst s5  }
0xe: {  	[smem:$0x3FA1] =	sst s6  }
0xf: {  	[smem:$0x3FA2] =	sst s7  }
0x10: {  	[smem:$0x3FA3] =	sst s8  }
0x11: {  	[smem:$0x3FA4] =	sst s9;
	s0 =	simm.s32 @!p0 $0x0  }
0x12: {  	s1 =	sld [smem:$0x3F8A];
	s0 =	simm.s32 @p0 $0x1  }
0x13: {  	[smem:$0x3FA5] =	sst s0;
	s0 =	simm.s32 @!p1 $0x0  }
0x14: {  	s2 =	sld [smem:$0x3F89];
	s0 =	simm.s32 @p1 $0x1  }
0x15: {  	[smem:$0x3FA6] =	sst s0;
	s0 =	simm.s32 @!p2 $0x0  }
0x16: {  	s3 =	sld [smem:$0x3FDB];
	s0 =	simm.s32 @p2 $0x1  }
0x17: {  	s4 =	simm.s32 $0x1BF5;
	[smem:$0x3FA8] =	sst s0  }
0x18: {  	s0 =	sld [smem:$0x3F8B];
	_ =	swait.ge [sflag:s4], $0x0  }
0x19: {  	s7 =	sld [smem:$0x3F8C]  }
0x1a: {  	s8 =	sadd.s32 $0xFFFFE003, lr  }
0x1b: {  	s9 =	sadd.s32 $0xFFFFFEF7, lr;
	s5 =	simm.s32 $0xFFFFFFFF;
	p2 =	slt.u32 s8, $0xFFFFF086  }
0x1c: {  	p1 =	slt.u32 s9, $0xF7A;
	s5 =	simm.s32 @!p2 $0x0  }
0x1d: {  	s5 =	simm.s32 @p1 $0x1;
	p0 =	seq.s32 s7, s2  }
0x1e: {  	s7 =	smul.u32 @!p0 $0xF7A, s2;
	p2 =	seq.s32 @!p0 s5, $0x0  }
0x1f: {  	s9 =	smul.u32 $0xF7A, s1;
	s8 =	simm.s32 @!p0 $0x1BF5;
	p2 =	por !p2, p0  }
0x20: {  	[sflag:s8] =	ssyncset.s32 @!p0 $0xFFFFF086;
	s6 =	sadd.s32 @!p0 s3, s7;
	s7 =	simm.s32 @!p0 $0x108  }
0x21: {  	s3 =	sadd.s32 s3, s9;
	s6 =	sadd.s32 @!p0 $0x88, s6;
	s7 =	simm.s32 @p2 $0x1082  }
0x22: {  	[simem:s7], [sflag:s8] =	dma.local @!p0 [hbm:s6], $0xF7A  }
0x23: {  	s9 =	sor.u32 $0xD0000000, s2;
	s6 =	simm.s32 $0x108;
	_ =	swait.ge @!p0 [sflag:s8], $0x0  }
0x24: {  	s3 =	sadd.s32 $0x88, s3;
	s6 =	simm.s32 @!p1 $0x1082;
	[sflag:s4] =	ssyncset.s32 $0xFFFFF086  }
0x25: {  	[simem:s6], [sflag:s4] =	dma.local [hbm:s3], $0xF7A  }
0x26: {  	[smem:$0x3F8C] =	sst s1;
	(tag) =	ssettag s2;
	_ =	strace s9  }
0x27: {  	s1 =	sld [smem:$0x3F9C]  }
0x28: {  	s2 =	sld [smem:$0x3F9D]  }
0x29: {  	s4 =	sld [smem:$0x3F9F]  }
0x2a: {  	p0 =	seq.s32 s5, $0x0;
	s5 =	sld [smem:$0x3FA0]  }
0x2b: {  	s6 =	sld [smem:$0x3FA1]  }
0x2c: {  	s7 =	sld [smem:$0x3FA2]  }
0x2d: {  	s3 =	simm.s32 $0x108;
	s8 =	sld [smem:$0x3FA3]  }
0x2e: {  	s3 =	simm.s32 @!p0 $0x1082;
	s9 =	sld [smem:$0x3FA4]  }
0x2f: {  	lr =	sadd.s32 s0, s3;
	s0 =	sld [smem:$0x3F9B]  }
0x30: {  	s3 =	sld [smem:$0x3F9E]  }
0x31: {  	[smem:$0x3FA7] =	sst s10  }
0x32: {  	s10 =	sld [smem:$0x3FA5];
	_ =	sdelay $0x3  }
0x33: {  	p0 =	seq.s32 s10, $0x1;
	s10 =	sld [smem:$0x3FA7];
	_ =	sdelay $0x3  }
0x34: {  	[smem:$0x3FA7] =	sst s10  }
0x35: {  	s10 =	sld [smem:$0x3FA6];
	_ =	sdelay $0x3  }
0x36: {  	p1 =	seq.s32 s10, $0x1;
	s10 =	sld [smem:$0x3FA7];
	_ =	sdelay $0x3  }
0x37: {  	[smem:$0x3FA7] =	sst s10  }
0x38: {  	s10 =	sld [smem:$0x3FA8]  }
0x39: {  	_ = 	snop;
	(pc) =	sbr.ind lr, $3  }
0x3a: {  	_ = 	snop  }
0x3b: {  	_ = 	snop  }
0x3c: {  	p2 =	seq.s32 s10, $0x1;
	s10 =	sld [smem:$0x3FA7]  }
0x3d: {  	_ =	shalt  }
0x3e: {  	_ =	shalt  }
0x3f: {  	_ =	shalt  }
0x40: {  	_ =	shalt  }
0x41: {  	_ =	shalt  }
0x42: {  	_ =	shalt  }
0x43: {  	_ =	shalt  }
0x44: {  	_ =	shalt  }
0x45: {  	_ =	shalt  }
0x46: {  	_ =	shalt  }
0x47: {  	_ =	shalt  }
0x48: {  	_ =	shalt  }
0x49: {  	_ =	shalt  }
0x4a: {  	_ =	shalt  }
0x4b: {  	_ =	shalt  }
0x4c: {  	_ =	shalt  }
0x4d: {  	_ =	shalt  }
0x4e: {  	_ =	shalt  }
0x4f: {  	_ =	shalt  }
0x50: {  	_ =	shalt  }
0x51: {  	_ =	shalt  }
0x52: {  	_ =	shalt  }
0x53: {  	_ =	shalt  }
0x54: {  	_ =	shalt  }
0x55: {  	_ =	shalt  }
0x56: {  	_ =	shalt  }
0x57: {  	_ =	shalt  }
0x58: {  	_ =	shalt  }
0x59: {  	_ =	shalt  }
0x5a: {  	_ =	shalt  }
0x5b: {  	_ =	shalt  }
0x5c: {  	_ =	shalt  }
0x5d: {  	_ =	shalt  }
0x5e: {  	_ =	shalt  }
0x5f: {  	_ =	shalt  }
0x60: {  	_ =	shalt  }
0x61: {  	_ =	shalt  }
0x62: {  	_ =	shalt  }
0x63: {  	_ =	shalt  }
0x64: {  	_ =	shalt  }
0x65: {  	_ =	shalt  }
0x66: {  	_ =	shalt  }
0x67: {  	_ =	shalt  }
0x68: {  	_ =	shalt  }
0x69: {  	_ =	shalt  }
0x6a: {  	_ =	shalt  }
0x6b: {  	_ =	shalt  }
0x6c: {  	_ =	shalt  }
0x6d: {  	_ =	shalt  }
0x6e: {  	_ =	shalt  }
0x6f: {  	_ =	shalt  }
0x70: {  	_ =	shalt  }
0x71: {  	_ =	shalt  }
0x72: {  	_ =	shalt  }
0x73: {  	_ =	shalt  }
0x74: {  	_ =	shalt  }
0x75: {  	_ =	shalt  }
0x76: {  	_ =	shalt  }
0x77: {  	_ =	shalt  }
0x78: {  	_ =	shalt  }
0x79: {  	_ =	shalt  }
0x7a: {  	_ =	shalt  }
0x7b: {  	_ =	shalt  }
0x7c: {  	_ =	shalt  }
0x7d: {  	_ =	shalt  }
0x7e: {  	_ =	shalt  }
0x7f: {  	_ =	shalt  }
0x80: {  	_ =	shalt  }
0x81: {  	_ =	shalt  }
0x82: {  	_ =	shalt  }
0x83: {  	_ =	shalt  }
0x84: {  	_ =	shalt  }
0x85: {  	_ =	shalt  }
0x86: {  	_ =	shalt  }
0x87: {  	_ =	shalt  }
.Lfunc_end0:
.L_simem_size_0:
called_computation.1_lowered:
.L_overlay_start_0:
0x88: {  	s2 =	sld [smem:$0x3FD9]  }
0x89: {  	s3 =	sld [smem:$0x3FFE];
	_ =	sdelay $0x1  }
0x8a: {  	s1 =	srdreg.scid  }
0x8b: {  	s0 =	sand.u32 $0x1, s1  }
0x8c: {  	s14 =	sshll.u32 s0, $0xA;
	s2 =	sadd.s32 s3, s2  }
0x8d: {  	s2 =	sadd.s32 s2, s14  }
0x8e: {  	[smem:$0x3FB3] =	sst s2  }
0x8f: {  	_ = 	snop  }
0x90: {  	s2 =	sld [smem:$0x3FD0];
	_ =	sdelay $0x2  }
0x91: {  	s4 =	simm.s32 $0xC;
	s5 =	simm.s32 $0x10;
	s15 =	sld [smem:$0x3FC5]  }
0x92: {  	[smem:s5], [sflag:s4] =	dma.local [hbm:s2], $0x1  }
0x93: {  	_ =	swait.eq [sflag:s4], $0x1  }
0x94: {  	[sflag:s4] =	ssyncset.done $0x0  }
0x95: {  	s16 =	sld [smem:$0x11];
	[sflag:s4] =	ssyncadd.s32 $0xFFFFFFFF  }
0x96: {  	s17 =	sld [smem:$0x12];
	(tm) =	ssettm $0x1  }
0x97: {  	s18 =	sld [smem:$0x3FFB];
	_ =	sdelay $0x3  }
0x98: {  	_ =	strace s18  }
0x99: {  	s5 =	sld [smem:$0x3FFC];
	_ =	sdelay $0x3  }
0x9a: {  	_ =	strace s5  }
0x9b: {  	s5 =	sld [smem:$0x3FFD];
	_ =	sdelay $0x3  }
0x9c: {  	_ =	strace s5  }
0x9d: {  	_ =	strace $0x8FFFFFFF  }
0x9e: {  	s19 =	sld [smem:$0x3FDB];
	_ =	sdelay $0x1  }
0x9f: {  	s6 =	simm.s32 $_scs_section_size  }
0xa0: {  	s7 =	simm.s32 $_size__tile_overlayer_lowered;
	s8 =	simm.s32 $_tile_overlayer_lowered  }
0xa1: {  	s22 =	simm.s32 $0x1BFF;
	s21 =	sshll.u32 s8, $0x1;
	s5 =	sadd.s32 s6, s19  }
0xa2: {  	s9 =	simm.s32 $0x0;
	s20 =	sshll.u32 s7, $0x1;
	s7 =	sadd.s32 s21, s5  }
0xa3: {  	[timem:s9], [sflag:s22] =	dma.local [hbm:s7], s20  }
0xa4: {  	_ =	swait.ge [sflag:s22], s20  }
0xa5: {  	s6 =	ssub.s32 $0x0, s20;
	[sflag:s22] =	ssyncset.done $0x0  }
0xa6: {  	[sflag:s22] =	ssyncadd.s32 s6;
	_ =	sdelay $0x1  }
0xa7: {  	s23 =	simm.s32 $0x1B8B  }
0xa8: {  	_ =	swait.ge [sflag:s23], $0x1  }
0xa9: {  	[sflag:s23] =	ssyncset.done $0x0  }
0xaa: {  	s25 =	simm.s32 $0x1B8E;
	s24 =	sld [smem:$0x3FFE];
	[sflag:s23] =	ssyncadd.s32 $0xFFFFFFFF  }
0xab: {  	s26 =	simm.s32 $execute0_lowered;
	[smem:$0x3FD2] =	sst s25  }
0xac: {  	s7 =	sshll.u32 s26, $0x1;
	_ =	strace $0x80000046;
	[dreg:$0x1] =	wrdreg $0xFFFFFFFF  }
0xad: {  	s28 =	simm.s32 $_size_execute0_lowered;
	s5 =	sadd.s32 s5, s7;
	[dreg:$0x0] =	wrdreg $0x0  }
0xae: {  	s7 =	sshll.u32 s28, $0x1;
	[dreg:$0x2] =	wrdreg s5  }
0xaf: {  	[dreg:$0x3] =	wrdreg s7  }
0xb0: {  	[dreg:$0x4] =	wrdreg $0xC0  }
0xb1: {  	_ =	task [dreg:s9], $0x5FFFF  }
0xb2: {  	[dreg:$0x1] =	wrdreg $0xFFFFFFFF  }
0xb3: {  	[dreg:$0x0] =	wrdreg $0x60  }
0xb4: {  	[dreg:$0x2] =	wrdreg s16  }
0xb5: {  	[dreg:$0x3] =	wrdreg s17  }
0xb6: {  	[dreg:$0x4] =	wrdreg s24  }
0xb7: {  	[dreg:$0x5] =	wrdreg s15  }
0xb8: {  	[dreg:$0x6] =	wrdreg $0xB  }
0xb9: {  	_ =	task.clear_ibuf [dreg:s9], $0x7FFFF;
	_ =	strace $0x90000046  }
0xba: {  	s29 =	simm.s32 $0xB;
	_ =	strace $0x80000048  }
0xbb: {  	_ =	swait.ge [sflag:s29], $0x1  }
0xbc: {  	[sflag:s29] =	ssyncadd.s32 $0xFFFFFFFF  }
0xbd: {  	_ =	strace $0x90000048  }
0xbe: {  	_ =	sfence  }
0xbf: {  	s30 =	sld [smem:$0x0];
	_ =	sdelay $0x2  }
0xc0: {  	s31 =	sshll.u32 s1, $0xD;
	s1 =	sshrl.u32 s1, $0x2  }
0xc1: {  	s3 =	sand.u32 $0x4000, s31;
	s1 =	sadd.s32 s1, s30  }
0xc2: {  	s0 =	sor.u32 s3, s0;
	s1 =	sshll.u32 s1, $0x11  }
0xc3: {  	s0 =	sor.u32 s1, s0  }
0xc4: {  	s0 =	sadd.s32 $0x8F2B, s0  }
0xc5: {  	[sflag:s0] =	ssyncadd.remote.s32 $0x1  }
0xc6: {  	_ =	sfence.sel $0xFFFF  }
0xc7: {  	[dreg:$0x0] =	wrdreg $0xFFFFFFFF;
	(pc) =	sbr.abs _section_cstart, $3  }
0xc8: {  	[dreg:$0x1] =	wrdreg $0xFFFFFFFF  }
0xc9: {  	_ =	task.clear_ibuf [dreg:s9], $0x2FFFF;
	_ =	strace $0x9FFFFFFF  }
0xca: {  	(tm) =	ssettm $0x7FFFFFFF  }
0xcb: {  	_ =	shalt  }
tec
execute0_lowered:
.L_overlay_start_1:
0x0: {  	(tag) =	ssettag $0x1  }
0x1: {  	s1 =	rddreg [dreg:$0x0]  }
0x2: {  	s2 =	rddreg [dreg:$0x1];
	s3 =	srdreg.scid  }
0x3: {  	s16 =	rddreg [dreg:$0x2];
	s0 =	stileid.u32;
	s18 =	sand.u32 $0x1, s3  }
0x4: {  	s5 =	rddreg [dreg:$0x3];
	s6 =	sshll.u32 s0, $0x8;
	s7 =	sshll.u32 s18, $0x7  }
0x5: {  	s4 =	simm.s32 $0x0;
	s3 =	rddreg [dreg:$0x4];
	s17 =	sor.u32 s7, s6  }
0x6: {  	[smem:$0x7FF] =	sst s4;
	s6 =	sshrl.u32 s17, $0x3  }
0x7: {  	_ =	strace $0x80000047;
	s6 =	sadd.s32 s5, s6;
	s5 =	simm.s32 $0x2  }
0x8: {  	[tilespmem:s4], [sflag:$0x2] =	stream.linear.gather [hbm4b:s6+s4], $0x80, $0x38;
	[tilespmem:$0x4100] =	vst v63  }
0x9: {  	_ =	swait.ge [sflag:s5], $0x80  }
0xa: {  	s8 =	simm.s32 $0x80;
	[sflag:s5] =	ssyncset.done $0x0  }
0xb: {  	s9 =	simm.s32 $0x1;
	s7 =	sadd.s32 $0x2D200, s16;
	[sflag:s5] =	ssyncadd.s32 $0xFFFFFF80  }
0xc: {  	[tilespmem:s8], [sflag:$0x1] =	stream.indirect.gather [hbm4b:s7+s8], $0x1, s4, s8, $0xb8;
	[tilespmem:$0x4100] =	vst v63  }
0xd: {  	_ =	swait.ge [sflag:s9], $0x80  }
0xe: {  	[sflag:s9] =	ssyncset.done $0x0  }
0xf: {  	s10 =	simm.s32 $0x100;
	[sflag:s9] =	ssyncadd.s32 $0xFFFFFF80  }
0x10: {  	[tilespmem:s10], [sflag:$0x1] =	stream.indirect.gather [hbm4b:s1+s8], $0x20, s4, s8, $0xb8;
	[tilespmem:$0x4100] =	vst v63  }
0x11: {  	s11 =	simm.s32 $0x1100  }
0x12: {  	[tilespmem:s11], [sflag:$0x1] =	stream.indirect.gather [hbm4b:s2+s8], $0x20, s4, s8, $0xb8;
	[tilespmem:$0x4100] =	vst v63  }
0x13: {  	s13 =	simm.s32 $0x2100;
	s12 =	sadd.s32 $0x15200, s16  }
0x14: {  	[tilespmem:s13], [sflag:$0x1] =	stream.indirect.gather [hbm4b:s12+s8], $0x20, s8, s8, $0xb8;
	[tilespmem:$0x4100] =	vst v63  }
0x15: {  	s15 =	simm.s32 $0x3100;
	s14 =	sadd.s32 $0x29200, s16  }
0x16: {  	[tilespmem:s15], [sflag:$0x1] =	stream.indirect.gather [hbm4b:s14+s8], $0x20, s8, s8, $0xb8;
	[tilespmem:$0x4100] =	vst v63  }
0x17: {  	_ =	swait.ge [sflag:s9], $0x1000  }
0x18: {  	[sflag:s9] =	ssyncset.done $0x0  }
0x19: {  	[sflag:s9] =	ssyncadd.s32 $0xFFFFF000  }
0x1a: {  	_ =	swait.ge [sflag:s9], $0x1000  }
0x1b: {  	[sflag:s9] =	ssyncset.done $0x0  }
0x1c: {  	[sflag:s9] =	ssyncadd.s32 $0xFFFFF000  }
0x1d: {  	_ =	swait.ge [sflag:s9], $0x1000  }
0x1e: {  	[sflag:s9] =	ssyncset.done $0x0  }
0x1f: {  	[sflag:s9] =	ssyncadd.s32 $0xFFFFF000  }
0x20: {  	s17 =	sshll.u32 s17, $0x2;
	_ =	swait.ge [sflag:s9], $0x1000  }
0x21: {  	s19 =	sadd.s32 s17, s16;
	[sflag:s9] =	ssyncset.done $0x0  }
0x22: {  	s16 =	sadd.s32 $0x34400, s19;
	[sflag:s9] =	ssyncadd.s32 $0xFFFFF000  }
0x23: {  	[hbm4b:s16+s4] =	stream.linear.scatter [tilespmem:s10], [sflag:$0x2], $0x1000, $0x38;
	[tilespmem:$0x4100] =	vst v63  }
0x24: {  	_ =	swait.ge [sflag:s5], $0x1000  }
0x25: {  	[sflag:s5] =	ssyncset.done $0x0  }
0x26: {  	s20 =	ssub.s32 $0x2, s18;
	s17 =	sadd.s32 $0x30400, s19;
	[sflag:s5] =	ssyncadd.s32 $0xFFFFF000  }
0x27: {  	[hbm4b:s17+s4] =	stream.linear.scatter [tilespmem:s11], [sflag:$0x2], $0x1000, $0x38;
	[tilespmem:$0x4100] =	vst v63  }
0x28: {  	s21 =	sshrl.u32 s20, $0x1;
	_ =	swait.ge [sflag:s5], $0x1000  }
0x29: {  	s20 =	ssub.s32 s20, s21;
	[sflag:s5] =	ssyncset.done $0x0  }
0x2a: {  	s20 =	smax.u32 s20, $0x1;
	s18 =	sadd.s32 $0x38400, s19;
	[sflag:s5] =	ssyncadd.s32 $0xFFFFF000  }
0x2b: {  	[hbm4b:s18+s4] =	stream.linear.scatter [tilespmem:s13], [sflag:$0x2], $0x1000, $0x38;
	[tilespmem:$0x4100] =	vst v63  }
0x2c: {  	p0 =	sne.s32 s20, $0x1;
	_ =	swait.ge [sflag:s5], $0x1000  }
.Ltmp0:
0x2d: {  	[sflag:s5] =	ssyncset.done $0x0;
	(pc) =	sbr.rel @!p0 .LBB2_2-.Ltmp0, $4  }
0x2e: {  	s19 =	sadd.s32 $0x3C400, s19;
	[sflag:s5] =	ssyncadd.s32 $0xFFFFF000  }
0x2f: {  	[hbm4b:s19+s4] =	stream.linear.scatter [tilespmem:s15], [sflag:$0x2], $0x1000, $0x38;
	[tilespmem:$0x4100] =	vst v63  }
0x30: {  	_ =	swait.ge [sflag:s5], $0x1000  }
0x31: {  	s20 =	sadd.s32 $0xFFFFFFFF, s20;
	[sflag:s5] =	ssyncset.done $0x0  }
.LBB2_1:
0x32: {  	p0 =	sne.s32 s20, $0x1;
	s20 =	sadd.s32 $0xFFFFFFFF, s20;
	[sflag:s5] =	ssyncadd.s32 $0xFFFFF000  }
0x33: {  	[tilespmem:s4], [sflag:$0x2] =	stream.linear.gather [hbm4b:s6+s4], $0x80, $0x38;
	[tilespmem:$0x4100] =	vst v63  }
0x34: {  	_ =	swait.ge [sflag:s5], $0x80  }
0x35: {  	[sflag:s5] =	ssyncset.done $0x0  }
0x36: {  	[sflag:s5] =	ssyncadd.s32 $0xFFFFFF80  }
0x37: {  	[tilespmem:s8], [sflag:$0x1] =	stream.indirect.gather [hbm4b:s7+s8], $0x1, s4, s8, $0xb8;
	[tilespmem:$0x4100] =	vst v63  }
0x38: {  	_ =	swait.ge [sflag:s9], $0x80  }
0x39: {  	[sflag:s9] =	ssyncset.done $0x0  }
0x3a: {  	[sflag:s9] =	ssyncadd.s32 $0xFFFFFF80  }
0x3b: {  	[tilespmem:s10], [sflag:$0x1] =	stream.indirect.gather [hbm4b:s1+s8], $0x20, s4, s8, $0xb8;
	[tilespmem:$0x4100] =	vst v63  }
0x3c: {  	_ = 	snop  }
0x3d: {  	[tilespmem:s11], [sflag:$0x1] =	stream.indirect.gather [hbm4b:s2+s8], $0x20, s4, s8, $0xb8;
	[tilespmem:$0x4100] =	vst v63  }
0x3e: {  	_ = 	snop  }
0x3f: {  	[tilespmem:s13], [sflag:$0x1] =	stream.indirect.gather [hbm4b:s12+s8], $0x20, s8, s8, $0xb8;
	[tilespmem:$0x4100] =	vst v63  }
0x40: {  	_ = 	snop  }
0x41: {  	[tilespmem:s15], [sflag:$0x1] =	stream.indirect.gather [hbm4b:s14+s8], $0x20, s8, s8, $0xb8;
	[tilespmem:$0x4100] =	vst v63  }
0x42: {  	_ =	swait.ge [sflag:s9], $0x1000  }
0x43: {  	[sflag:s9] =	ssyncset.done $0x0  }
0x44: {  	[sflag:s9] =	ssyncadd.s32 $0xFFFFF000  }
0x45: {  	_ =	swait.ge [sflag:s9], $0x1000  }
0x46: {  	[sflag:s9] =	ssyncset.done $0x0  }
0x47: {  	[sflag:s9] =	ssyncadd.s32 $0xFFFFF000  }
0x48: {  	_ =	swait.ge [sflag:s9], $0x1000  }
0x49: {  	[sflag:s9] =	ssyncset.done $0x0  }
0x4a: {  	[sflag:s9] =	ssyncadd.s32 $0xFFFFF000  }
0x4b: {  	_ =	swait.ge [sflag:s9], $0x1000  }
0x4c: {  	[sflag:s9] =	ssyncset.done $0x0  }
0x4d: {  	[sflag:s9] =	ssyncadd.s32 $0xFFFFF000  }
0x4e: {  	[hbm4b:s16+s4] =	stream.linear.scatter [tilespmem:s10], [sflag:$0x2], $0x1000, $0x38;
	[tilespmem:$0x4100] =	vst v63  }
0x4f: {  	_ =	swait.ge [sflag:s5], $0x1000  }
0x50: {  	[sflag:s5] =	ssyncset.done $0x0  }
0x51: {  	[sflag:s5] =	ssyncadd.s32 $0xFFFFF000  }
0x52: {  	[hbm4b:s17+s4] =	stream.linear.scatter [tilespmem:s11], [sflag:$0x2], $0x1000, $0x38;
	[tilespmem:$0x4100] =	vst v63  }
0x53: {  	_ =	swait.ge [sflag:s5], $0x1000  }
0x54: {  	[sflag:s5] =	ssyncset.done $0x0  }
0x55: {  	[sflag:s5] =	ssyncadd.s32 $0xFFFFF000  }
0x56: {  	[hbm4b:s18+s4] =	stream.linear.scatter [tilespmem:s13], [sflag:$0x2], $0x1000, $0x38;
	[tilespmem:$0x4100] =	vst v63  }
0x57: {  	_ =	swait.ge [sflag:s5], $0x1000  }
.Ltmp1:
0x58: {  	[sflag:s5] =	ssyncset.done $0x0;
	(pc) =	sbr.rel @p0 .LBB2_1-.Ltmp1, $4  }
0x59: {  	[sflag:s5] =	ssyncadd.s32 $0xFFFFF000  }
0x5a: {  	[hbm4b:s19+s4] =	stream.linear.scatter [tilespmem:s15], [sflag:$0x2], $0x1000, $0x38;
	[tilespmem:$0x4100] =	vst v63  }
0x5b: {  	_ =	swait.ge [sflag:s5], $0x1000  }
0x5c: {  	[sflag:s5] =	ssyncset.done $0x0  }
.LBB2_2:
0x5d: {  	[sflag:s5] =	ssyncadd.s32 $0xFFFFF000  }
0x5e: {  	_ =	sfence.sel $0x180000  }
0x5f: {  	[bflag:$0x0] =	sbarrier.arrive $0xFFFF  }
0x60: {  	p0 =	sne.s32 s0, $0x0;
	_ =	strace $0x90000047  }
0x61: {  	s0 =	sadd.s32 @!p0 $0x100000, s3;
	[bflag:$0x2] =	sbarrier.arrive $0xFFFF  }
0x62: {  	[sflag:s0] =	ssyncadd.tile.s32 @!p0 $0x1;
	_ =	shalt  }
.Lfunc_end2:
_tile_overlayer_lowered:
.L_overlay_start_2:
0x63: {  	(tag) =	ssettag $0x2  }
0x64: {  	s0 =	rddreg [dreg:$0x0];
	s2 =	stileid.u32  }
0x65: {  	s1 =	rddreg [dreg:$0x1];
	p0 =	sne.s32 s2, $0x0  }
0x66: {  	s3 =	rddreg [dreg:$0x2];
	[bflag:$0x3] =	sbarrier.arrive $0xFFFF;
	s2 =	simm.s32 @!p0 $0x1C02  }
0x67: {  	[timem:s3], [sflag:s2] =	dma.local @!p0 [hbm:s0], s1  }
0x68: {  	s0 =	simm.s32 @!p0 $0x2  }
0x69: {  	_ =	swait.ge @!p0 [sflag:s0], s1  }
0x6a: {  	s1 =	ssub.s32 @!p0 $0x0, s1;
	[sflag:s0] =	ssyncset.done @!p0 $0x0  }
0x6b: {  	[sflag:s0] =	ssyncadd.s32 @!p0 s1  }
0x6c: {  	[bflag:$0x3] =	sbarrier.arrive $0xFFFF  }
0x6d: {  	_ =	shalt  }

// kernel: mgn_sc_gather_wide.3.cloned.1.call-start
scs
__scs_entry_jumppad:
0x0: {  	(pc) =	sbr.rel $0x88, $3  }
0x1: {  	(tag) =	ssettag $0x0;
	lr =	simm.s32 $0x1  }
0x2: {  	[smem:$0x3F8C] =	sst lr;
	_ =	strace $0xD0000000  }
0x3: {  	_ = 	snop  }
0x4: {  	_ = 	snop  }
0x5: {  	_ = 	snop  }
0x6: {  	_ = 	snop  }
0x7: {  	_ = 	snop  }
__scs_overlays_trampoline_lowered:
0x8: {  	[smem:$0x3F9B] =	sst s0  }
0x9: {  	[smem:$0x3F9C] =	sst s1  }
0xa: {  	[smem:$0x3F9D] =	sst s2  }
0xb: {  	[smem:$0x3F9E] =	sst s3  }
0xc: {  	[smem:$0x3F9F] =	sst s4  }
0xd: {  	[smem:$0x3FA0] =	sst s5  }
0xe: {  	[smem:$0x3FA1] =	sst s6  }
0xf: {  	[smem:$0x3FA2] =	sst s7  }
0x10: {  	[smem:$0x3FA3] =	sst s8  }
0x11: {  	[smem:$0x3FA4] =	sst s9;
	s0 =	simm.s32 @!p0 $0x0  }
0x12: {  	s1 =	sld [smem:$0x3F8A];
	s0 =	simm.s32 @p0 $0x1  }
0x13: {  	[smem:$0x3FA5] =	sst s0;
	s0 =	simm.s32 @!p1 $0x0  }
0x14: {  	s2 =	sld [smem:$0x3F89];
	s0 =	simm.s32 @p1 $0x1  }
0x15: {  	[smem:$0x3FA6] =	sst s0;
	s0 =	simm.s32 @!p2 $0x0  }
0x16: {  	s3 =	sld [smem:$0x3FDB];
	s0 =	simm.s32 @p2 $0x1  }
0x17: {  	s4 =	simm.s32 $0x1BF5;
	[smem:$0x3FA8] =	sst s0  }
0x18: {  	s0 =	sld [smem:$0x3F8B];
	_ =	swait.ge [sflag:s4], $0x0  }
0x19: {  	s7 =	sld [smem:$0x3F8C]  }
0x1a: {  	s8 =	sadd.s32 $0xFFFFE003, lr  }
0x1b: {  	s9 =	sadd.s32 $0xFFFFFEF7, lr;
	s5 =	simm.s32 $0xFFFFFFFF;
	p2 =	slt.u32 s8, $0xFFFFF086  }
0x1c: {  	p1 =	slt.u32 s9, $0xF7A;
	s5 =	simm.s32 @!p2 $0x0  }
0x1d: {  	s5 =	simm.s32 @p1 $0x1;
	p0 =	seq.s32 s7, s2  }
0x1e: {  	s7 =	smul.u32 @!p0 $0xF7A, s2;
	p2 =	seq.s32 @!p0 s5, $0x0  }
0x1f: {  	s9 =	smul.u32 $0xF7A, s1;
	s8 =	simm.s32 @!p0 $0x1BF5;
	p2 =	por !p2, p0  }
0x20: {  	[sflag:s8] =	ssyncset.s32 @!p0 $0xFFFFF086;
	s6 =	sadd.s32 @!p0 s3, s7;
	s7 =	simm.s32 @!p0 $0x108  }
0x21: {  	s3 =	sadd.s32 s3, s9;
	s6 =	sadd.s32 @!p0 $0x88, s6;
	s7 =	simm.s32 @p2 $0x1082  }
0x22: {  	[simem:s7], [sflag:s8] =	dma.local @!p0 [hbm:s6], $0xF7A  }
0x23: {  	s9 =	sor.u32 $0xD0000000, s2;
	s6 =	simm.s32 $0x108;
	_ =	swait.ge @!p0 [sflag:s8], $0x0  }
0x24: {  	s3 =	sadd.s32 $0x88, s3;
	s6 =	simm.s32 @!p1 $0x1082;
	[sflag:s4] =	ssyncset.s32 $0xFFFFF086  }
0x25: {  	[simem:s6], [sflag:s4] =	dma.local [hbm:s3], $0xF7A  }
0x26: {  	[smem:$0x3F8C] =	sst s1;
	(tag) =	ssettag s2;
	_ =	strace s9  }
0x27: {  	s1 =	sld [smem:$0x3F9C]  }
0x28: {  	s2 =	sld [smem:$0x3F9D]  }
0x29: {  	s4 =	sld [smem:$0x3F9F]  }
0x2a: {  	p0 =	seq.s32 s5, $0x0;
	s5 =	sld [smem:$0x3FA0]  }
0x2b: {  	s6 =	sld [smem:$0x3FA1]  }
0x2c: {  	s7 =	sld [smem:$0x3FA2]  }
0x2d: {  	s3 =	simm.s32 $0x108;
	s8 =	sld [smem:$0x3FA3]  }
0x2e: {  	s3 =	simm.s32 @!p0 $0x1082;
	s9 =	sld [smem:$0x3FA4]  }
0x2f: {  	lr =	sadd.s32 s0, s3;
	s0 =	sld [smem:$0x3F9B]  }
0x30: {  	s3 =	sld [smem:$0x3F9E]  }
0x31: {  	[smem:$0x3FA7] =	sst s10  }
0x32: {  	s10 =	sld [smem:$0x3FA5];
	_ =	sdelay $0x3  }
0x33: {  	p0 =	seq.s32 s10, $0x1;
	s10 =	sld [smem:$0x3FA7];
	_ =	sdelay $0x3  }
0x34: {  	[smem:$0x3FA7] =	sst s10  }
0x35: {  	s10 =	sld [smem:$0x3FA6];
	_ =	sdelay $0x3  }
0x36: {  	p1 =	seq.s32 s10, $0x1;
	s10 =	sld [smem:$0x3FA7];
	_ =	sdelay $0x3  }
0x37: {  	[smem:$0x3FA7] =	sst s10  }
0x38: {  	s10 =	sld [smem:$0x3FA8]  }
0x39: {  	_ = 	snop;
	(pc) =	sbr.ind lr, $3  }
0x3a: {  	_ = 	snop  }
0x3b: {  	_ = 	snop  }
0x3c: {  	p2 =	seq.s32 s10, $0x1;
	s10 =	sld [smem:$0x3FA7]  }
0x3d: {  	_ =	shalt  }
0x3e: {  	_ =	shalt  }
0x3f: {  	_ =	shalt  }
0x40: {  	_ =	shalt  }
0x41: {  	_ =	shalt  }
0x42: {  	_ =	shalt  }
0x43: {  	_ =	shalt  }
0x44: {  	_ =	shalt  }
0x45: {  	_ =	shalt  }
0x46: {  	_ =	shalt  }
0x47: {  	_ =	shalt  }
0x48: {  	_ =	shalt  }
0x49: {  	_ =	shalt  }
0x4a: {  	_ =	shalt  }
0x4b: {  	_ =	shalt  }
0x4c: {  	_ =	shalt  }
0x4d: {  	_ =	shalt  }
0x4e: {  	_ =	shalt  }
0x4f: {  	_ =	shalt  }
0x50: {  	_ =	shalt  }
0x51: {  	_ =	shalt  }
0x52: {  	_ =	shalt  }
0x53: {  	_ =	shalt  }
0x54: {  	_ =	shalt  }
0x55: {  	_ =	shalt  }
0x56: {  	_ =	shalt  }
0x57: {  	_ =	shalt  }
0x58: {  	_ =	shalt  }
0x59: {  	_ =	shalt  }
0x5a: {  	_ =	shalt  }
0x5b: {  	_ =	shalt  }
0x5c: {  	_ =	shalt  }
0x5d: {  	_ =	shalt  }
0x5e: {  	_ =	shalt  }
0x5f: {  	_ =	shalt  }
0x60: {  	_ =	shalt  }
0x61: {  	_ =	shalt  }
0x62: {  	_ =	shalt  }
0x63: {  	_ =	shalt  }
0x64: {  	_ =	shalt  }
0x65: {  	_ =	shalt  }
0x66: {  	_ =	shalt  }
0x67: {  	_ =	shalt  }
0x68: {  	_ =	shalt  }
0x69: {  	_ =	shalt  }
0x6a: {  	_ =	shalt  }
0x6b: {  	_ =	shalt  }
0x6c: {  	_ =	shalt  }
0x6d: {  	_ =	shalt  }
0x6e: {  	_ =	shalt  }
0x6f: {  	_ =	shalt  }
0x70: {  	_ =	shalt  }
0x71: {  	_ =	shalt  }
0x72: {  	_ =	shalt  }
0x73: {  	_ =	shalt  }
0x74: {  	_ =	shalt  }
0x75: {  	_ =	shalt  }
0x76: {  	_ =	shalt  }
0x77: {  	_ =	shalt  }
0x78: {  	_ =	shalt  }
0x79: {  	_ =	shalt  }
0x7a: {  	_ =	shalt  }
0x7b: {  	_ =	shalt  }
0x7c: {  	_ =	shalt  }
0x7d: {  	_ =	shalt  }
0x7e: {  	_ =	shalt  }
0x7f: {  	_ =	shalt  }
0x80: {  	_ =	shalt  }
0x81: {  	_ =	shalt  }
0x82: {  	_ =	shalt  }
0x83: {  	_ =	shalt  }
0x84: {  	_ =	shalt  }
0x85: {  	_ =	shalt  }
0x86: {  	_ =	shalt  }
0x87: {  	_ =	shalt  }
.Lfunc_end0:
.L_simem_size_0:
called_computation_lowered:
.L_overlay_start_0:
0x88: {  	s2 =	sld [smem:$0x3FD9]  }
0x89: {  	s3 =	sld [smem:$0x3FFE];
	_ =	sdelay $0x1  }
0x8a: {  	s1 =	srdreg.scid  }
0x8b: {  	s0 =	sand.u32 $0x1, s1  }
0x8c: {  	s17 =	sshll.u32 s0, $0xA;
	s2 =	sadd.s32 s3, s2  }
0x8d: {  	s2 =	sadd.s32 s2, s17  }
0x8e: {  	[smem:$0x3FB3] =	sst s2  }
0x8f: {  	_ = 	snop  }
0x90: {  	s18 =	sld [smem:$0x3FC8]  }
0x91: {  	s4 =	sld [smem:$0x3FC5];
	(tm) =	ssettm $0x1  }
0x92: {  	s19 =	sld [smem:$0x3FFB];
	_ =	sdelay $0x3  }
0x93: {  	_ =	strace s19  }
0x94: {  	s2 =	sld [smem:$0x3FFC];
	_ =	sdelay $0x3  }
0x95: {  	_ =	strace s2  }
0x96: {  	s2 =	sld [smem:$0x3FFD];
	_ =	sdelay $0x3  }
0x97: {  	_ =	strace s2  }
0x98: {  	_ =	strace $0x8FFFFFFF  }
0x99: {  	s20 =	sld [smem:$0x3FDB];
	_ =	sdelay $0x1  }
0x9a: {  	s5 =	simm.s32 $_scs_section_size  }
0x9b: {  	s6 =	simm.s32 $_size__tile_overlayer_lowered;
	s7 =	simm.s32 $_tile_overlayer_lowered  }
0x9c: {  	s8 =	simm.s32 $0x1BFF;
	s21 =	sshll.u32 s7, $0x1;
	s5 =	sadd.s32 s5, s20  }
0x9d: {  	s22 =	simm.s32 $0x0;
	s6 =	sshll.u32 s6, $0x1;
	s7 =	sadd.s32 s21, s5  }
0x9e: {  	[timem:s22], [sflag:s8] =	dma.local [hbm:s7], s6  }
0x9f: {  	_ =	swait.ge [sflag:s8], s6  }
0xa0: {  	s6 =	ssub.s32 $0x0, s6;
	[sflag:s8] =	ssyncset.done $0x0  }
0xa1: {  	[sflag:s8] =	ssyncadd.s32 s6;
	_ =	sdelay $0x1  }
0xa2: {  	s23 =	simm.s32 $0x1B8B  }
0xa3: {  	_ =	swait.ge [sflag:s23], $0x1  }
0xa4: {  	[sflag:s23] =	ssyncset.done $0x0  }
0xa5: {  	[sflag:s23] =	ssyncadd.s32 $0xFFFFFFFF  }
0xa6: {  	s6 =	sld [smem:$0x0]  }
0xa7: {  	s7 =	sand.u32 $0xFFFFFFFE, s1  }
0xa8: {  	p0 =	sne.s32 s1, s7  }
0xa9: {  	s7 =	sshll.u32 @p0 s7, $0xE  }
0xaa: {  	s7 =	sadd.s32 @p0 $0x11B8D, s7;
	s8 =	sshll.u32 @p0 s6, $0x11  }
0xab: {  	s7 =	sor.u32 @p0 s8, s7  }
0xac: {  	[sflag:s7] =	ssyncadd.remote.s32 @p0 $0x1;
	_ =	sdelay $0x1  }
0xad: {  	s7 =	simm.s32 @p0 $0x1B8D  }
0xae: {  	_ =	swait.eq @p0 [sflag:s7], $0x1  }
0xaf: {  	[sflag:s7] =	ssyncadd.s32 @p0 $0xFFFFFFFF  }
0xb0: {  	s8 =	sshll.u32 @!p0 s1, $0xE  }
0xb1: {  	s8 =	sor.u32 @!p0 $0x4000, s8;
	s7 =	simm.s32 @!p0 $0x1B8D  }
0xb2: {  	s6 =	sshll.u32 @!p0 s6, $0x11;
	s8 =	sadd.s32 @!p0 $0x11B8D, s8;
	_ =	swait.eq @!p0 [sflag:s7], $0x1  }
0xb3: {  	s6 =	sor.u32 @!p0 s6, s8;
	[sflag:s7] =	ssyncadd.s32 @!p0 $0xFFFFFFFF  }
0xb4: {  	s25 =	simm.s32 $0x1B8E;
	s24 =	sld [smem:$0x3FFE];
	[sflag:s6] =	ssyncadd.remote.s32 @!p0 $0x1  }
0xb5: {  	s26 =	simm.s32 $execute0_lowered;
	[smem:$0x3FD2] =	sst s25  }
0xb6: {  	s7 =	sshll.u32 s26, $0x1;
	_ =	strace $0x80000049;
	[dreg:$0x1] =	wrdreg $0xFFFFFFFF  }
0xb7: {  	s28 =	simm.s32 $_size_execute0_lowered;
	s5 =	sadd.s32 s5, s7;
	[dreg:$0x0] =	wrdreg $0x0  }
0xb8: {  	s7 =	sshll.u32 s28, $0x1;
	[dreg:$0x2] =	wrdreg s5  }
0xb9: {  	[dreg:$0x3] =	wrdreg s7  }
0xba: {  	[dreg:$0x4] =	wrdreg $0xC0  }
0xbb: {  	_ =	task [dreg:s22], $0x5FFFF  }
0xbc: {  	[dreg:$0x1] =	wrdreg $0xFFFFFFFF  }
0xbd: {  	[dreg:$0x0] =	wrdreg $0x60  }
0xbe: {  	[dreg:$0x2] =	wrdreg s18  }
0xbf: {  	[dreg:$0x3] =	wrdreg s4  }
0xc0: {  	[dreg:$0x4] =	wrdreg s24  }
0xc1: {  	[dreg:$0x5] =	wrdreg $0xA  }
0xc2: {  	_ =	task.clear_ibuf [dreg:s22], $0x6FFFF;
	_ =	strace $0x90000049  }
0xc3: {  	s29 =	simm.s32 $0xA;
	_ =	strace $0x8000004B  }
0xc4: {  	_ =	swait.ge [sflag:s29], $0x1  }
0xc5: {  	[sflag:s29] =	ssyncadd.s32 $0xFFFFFFFF  }
0xc6: {  	_ =	strace $0x9000004B  }
0xc7: {  	_ =	sfence  }
0xc8: {  	s30 =	sld [smem:$0x0];
	_ =	sdelay $0x2  }
0xc9: {  	s31 =	sshll.u32 s1, $0xD;
	s1 =	sshrl.u32 s1, $0x2  }
0xca: {  	s4 =	sand.u32 $0x4000, s31;
	s1 =	sadd.s32 s1, s30  }
0xcb: {  	s0 =	sor.u32 s4, s0;
	s1 =	sshll.u32 s1, $0x11  }
0xcc: {  	s0 =	sor.u32 s1, s0  }
0xcd: {  	s0 =	sadd.s32 $0x8F2B, s0  }
0xce: {  	[sflag:s0] =	ssyncadd.remote.s32 $0x1  }
0xcf: {  	_ =	sfence.sel $0xFFFF  }
0xd0: {  	[dreg:$0x0] =	wrdreg $0xFFFFFFFF;
	(pc) =	sbr.abs _section_cstart, $3  }
0xd1: {  	[dreg:$0x1] =	wrdreg $0xFFFFFFFF  }
0xd2: {  	_ =	task.clear_ibuf [dreg:s22], $0x2FFFF;
	_ =	strace $0x9FFFFFFF  }
0xd3: {  	(tm) =	ssettm $0x7FFFFFFF  }
tec
execute0_lowered:
.L_overlay_start_1:
0x0: {  	(tag) =	ssettag $0x1  }
0x1: {  	s1 =	rddreg [dreg:$0x0]  }
0x2: {  	s2 =	srdreg.scid;
	s4 =	rddreg [dreg:$0x1]  }
0x3: {  	s0 =	stileid.u32;
	s5 =	rddreg [dreg:$0x2]  }
0x4: {  	s3 =	simm.s32 $0x0;
	s18 =	simm.s32 $0x880;
	s19 =	simm.s32 $0x1080  }
0x5: {  	s20 =	simm.s32 $0x1880;
	s21 =	simm.s32 $0x2080;
	s23 =	simm.s32 $0x2880  }
0x6: {  	s24 =	simm.s32 $0x3080;
	s25 =	simm.s32 $0x3880;
	s26 =	simm.s32 $0x4080  }
0x7: {  	s9 =	simm.s32 $0x5080;
	s10 =	simm.s32 $0x5880;
	[smem:$0x7FF] =	sst s3  }
0x8: {  	s11 =	simm.s32 $0x6080;
	_ =	strace $0x8000004A;
	[dreg:$0x6] =	wrdreg s18  }
0x9: {  	s12 =	simm.s32 $0x6880;
	s13 =	simm.s32 $0x7080;
	[dreg:$0x7] =	wrdreg s19  }
0xa: {  	s14 =	simm.s32 $0x7880;
	s15 =	simm.s32 $0x8080;
	[dreg:$0x8] =	wrdreg s20  }
0xb: {  	s16 =	simm.s32 $0x8880;
	s28 =	simm.s32 $0xE080;
	[dreg:$0x9] =	wrdreg s21  }
0xc: {  	s29 =	simm.s32 $0xE880;
	s30 =	simm.s32 $0xF080;
	[dreg:$0xa] =	wrdreg s23  }
0xd: {  	s31 =	simm.s32 $0xF880;
	s2 =	sand.u32 $0x1, s2;
	[dreg:$0xb] =	wrdreg s24  }
0xe: {  	s6 =	sshll.u32 s0, $0x8;
	s7 =	sshll.u32 s2, $0x7;
	[dreg:$0xc] =	wrdreg s25  }
0xf: {  	s2 =	ssub.s32 $0x2, s2;
	[dreg:$0xd] =	wrdreg s26;
	s18 =	simm.s32 $0x9880  }
0x10: {  	s19 =	simm.s32 $0xA080;
	s20 =	simm.s32 $0xA880;
	s21 =	simm.s32 $0xB080  }
0x11: {  	s23 =	simm.s32 $0xC080;
	s24 =	simm.s32 $0xC880;
	s25 =	simm.s32 $0xD080  }
0x12: {  	s26 =	simm.s32 $0xD880;
	s6 =	sor.u32 s7, s6;
	s22 =	sshrl.u32 s2, $0x1  }
0x13: {  	s7 =	sshll.u32 s6, $0x6;
	s6 =	sshrl.u32 s6, $0x3;
	s2 =	ssub.s32 s2, s22  }
0x14: {  	s22 =	simm.s32 $0xB880;
	s5 =	sadd.s32 s7, s5;
	s4 =	sadd.s32 s4, s6  }
0x15: {  	v2 =	vlaneseq.u32;
	s6 =	simm.s32 $0x2;
	s7 =	simm.s32 $0x80;
	[dreg:$0x4] =	wrdreg s4  }
0x16: {  	vm0 =	vmmov $0xffff;
	v1 =	vshrl.u32 v2, $0x3;
	s17 =	sadd.s32 $0x40400, s5;
	s4 =	sadd.s32 $0x100, s1;
	s5 =	smax.u32 s2, $0x1  }
0x17: {  	v0 =	vand.u32 $0x7, v2;
	v2 =	vor.u32 $0x8, v2;
	v1 =	vmul.u32 $0x8, v1;
	s2 =	simm.s32 $0x1;
	[dreg:$0x5] =	wrdreg s17;
	s17 =	simm.s32 $0x9080  }
.LBB2_1:
0x18: {  	s0 =	rddreg [dreg:$0x4]  }
0x19: {  	[tilespmem:s3], [sflag:$0x2] =	stream.linear.gather [hbm4b:s0+s3], $0x80, $0x38;
	[tilespmem:$0x10080] =	vst v63  }
0x1a: {  	_ =	swait.ge [sflag:s6], $0x80  }
0x1b: {  	[sflag:s6] =	ssyncset.done $0x0  }
0x1c: {  	[sflag:s6] =	ssyncadd.s32 $0xFFFFFF80  }
0x1d: {  	v3 =	vld [tilespmem:$0x0];
	_ =	sdelay $0x4  }
0x1e: {  	v4 =	vshll.u32 v3, $0x2  }
0x1f: {  	v3 =	vand.u32 $0x7, v3;
	v4 =	vand.u32 $0xFFFFFFE0, v4  }
0x20: {  	v3 =	vor.u32 v3, v4  }
0x21: {  	v4 =	vperm.xlane v3, v0;
	_ =	sdelay $0x1  }
0x22: {  	v4 =	vadd.s32 v1, v4;
	_ =	sdelay $0x1  }
0x23: {  	v3 =	vperm.xlane v3, v2;
	_ =	sdelay $0x1  }
0x24: {  	v3 =	vadd.s32 v1, v3  }
0x25: {  	[tilespmem:s7], [sflag:$0x1] =	stream.indirect_vreg.gather [hbm4b:s1+s3], $0x80, v4, vm0, $0xb8;
	[tilespmem:$0x10080] =	vst v63  }
0x26: {  	s0 =	rddreg [dreg:$0x6]  }
0x27: {  	[tilespmem:s0], [sflag:$0x1] =	stream.indirect_vreg.gather [hbm4b:s4+s3], $0x80, v4, vm0, $0xb8;
	[tilespmem:$0x10080] =	vst v63  }
0x28: {  	s8 =	rddreg [dreg:$0x7]  }
0x29: {  	[tilespmem:s8], [sflag:$0x1] =	stream.indirect_vreg.gather [hbm4b:s1+s3], $0x80, v3, vm0, $0xb8;
	[tilespmem:$0x10080] =	vst v63  }
0x2a: {  	s0 =	rddreg [dreg:$0x8]  }
0x2b: {  	[tilespmem:s0], [sflag:$0x1] =	stream.indirect_vreg.gather [hbm4b:s4+s3], $0x80, v3, vm0, $0xb8;
	[tilespmem:$0x10080] =	vst v63  }
0x2c: {  	v3 =	vld [tilespmem:$0x10];
	_ =	sdelay $0x4  }
0x2d: {  	v57 =	vshll.u32 v3, $0x2  }
0x2e: {  	v3 =	vand.u32 $0x7, v3;
	v4 =	vand.u32 $0xFFFFFFE0, v57  }
0x2f: {  	v3 =	vor.u32 v3, v4  }
0x30: {  	v4 =	vperm.xlane v3, v0;
	_ =	sdelay $0x1  }
0x31: {  	v4 =	vadd.s32 v1, v4;
	_ =	sdelay $0x1  }
0x32: {  	v3 =	vperm.xlane v3, v2;
	_ =	sdelay $0x1  }
0x33: {  	s0 =	rddreg [dreg:$0x9];
	v3 =	vadd.s32 v1, v3  }
0x34: {  	[tilespmem:s0], [sflag:$0x1] =	stream.indirect_vreg.gather [hbm4b:s1+s3], $0x80, v4, vm0, $0xb8;
	[tilespmem:$0x10080] =	vst v63  }
0x35: {  	s8 =	rddreg [dreg:$0xa]  }
0x36: {  	[tilespmem:s8], [sflag:$0x1] =	stream.indirect_vreg.gather [hbm4b:s4+s3], $0x80, v4, vm0, $0xb8;
	[tilespmem:$0x10080] =	vst v63  }
0x37: {  	s0 =	rddreg [dreg:$0xb]  }
0x38: {  	[tilespmem:s0], [sflag:$0x1] =	stream.indirect_vreg.gather [hbm4b:s1+s3], $0x80, v3, vm0, $0xb8;
	[tilespmem:$0x10080] =	vst v63  }
0x39: {  	s8 =	rddreg [dreg:$0xc]  }
0x3a: {  	[tilespmem:s8], [sflag:$0x1] =	stream.indirect_vreg.gather [hbm4b:s4+s3], $0x80, v3, vm0, $0xb8;
	[tilespmem:$0x10080] =	vst v63  }
0x3b: {  	v3 =	vld [tilespmem:$0x20];
	_ =	sdelay $0x4  }
0x3c: {  	v58 =	vshll.u32 v3, $0x2  }
0x3d: {  	v3 =	vand.u32 $0x7, v3;
	v4 =	vand.u32 $0xFFFFFFE0, v58  }
0x3e: {  	v3 =	vor.u32 v3, v4  }
0x3f: {  	v4 =	vperm.xlane v3, v0;
	_ =	sdelay $0x1  }
0x40: {  	v4 =	vadd.s32 v1, v4;
	_ =	sdelay $0x1  }
0x41: {  	v3 =	vperm.xlane v3, v2;
	_ =	sdelay $0x1  }
0x42: {  	s8 =	rddreg [dreg:$0xd];
	v3 =	vadd.s32 v1, v3  }
0x43: {  	[tilespmem:s8], [sflag:$0x1] =	stream.indirect_vreg.gather [hbm4b:s1+s3], $0x80, v4, vm0, $0xb8;
	[tilespmem:$0x10080] =	vst v63  }
0x44: {  	s8 =	simm.s32 $0x4880  }
0x45: {  	[tilespmem:s8], [sflag:$0x1] =	stream.indirect_vreg.gather [hbm4b:s4+s3], $0x80, v4, vm0, $0xb8;
	[tilespmem:$0x10080] =	vst v63  }
0x46: {  	_ = 	snop  }
0x47: {  	[tilespmem:s9], [sflag:$0x1] =	stream.indirect_vreg.gather [hbm4b:s1+s3], $0x80, v3, vm0, $0xb8;
	[tilespmem:$0x10080] =	vst v63  }
0x48: {  	_ = 	snop  }
0x49: {  	[tilespmem:s10], [sflag:$0x1] =	stream.indirect_vreg.gather [hbm4b:s4+s3], $0x80, v3, vm0, $0xb8;
	[tilespmem:$0x10080] =	vst v63  }
0x4a: {  	v3 =	vld [tilespmem:$0x30];
	_ =	sdelay $0x4  }
0x4b: {  	v59 =	vshll.u32 v3, $0x2  }
0x4c: {  	v3 =	vand.u32 $0x7, v3;
	v4 =	vand.u32 $0xFFFFFFE0, v59  }
0x4d: {  	v3 =	vor.u32 v3, v4  }
0x4e: {  	v4 =	vperm.xlane v3, v0;
	_ =	sdelay $0x1  }
0x4f: {  	v4 =	vadd.s32 v1, v4;
	_ =	sdelay $0x1  }
0x50: {  	v3 =	vperm.xlane v3, v2;
	_ =	sdelay $0x1  }
0x51: {  	v3 =	vadd.s32 v1, v3  }
0x52: {  	[tilespmem:s11], [sflag:$0x1] =	stream.indirect_vreg.gather [hbm4b:s1+s3], $0x80, v4, vm0, $0xb8;
	[tilespmem:$0x10080] =	vst v63  }
0x53: {  	_ = 	snop  }
0x54: {  	[tilespmem:s12], [sflag:$0x1] =	stream.indirect_vreg.gather [hbm4b:s4+s3], $0x80, v4, vm0, $0xb8;
	[tilespmem:$0x10080] =	vst v63  }
0x55: {  	_ = 	snop  }
0x56: {  	[tilespmem:s13], [sflag:$0x1] =	stream.indirect_vreg.gather [hbm4b:s1+s3], $0x80, v3, vm0, $0xb8;
	[tilespmem:$0x10080] =	vst v63  }
0x57: {  	_ = 	snop  }
0x58: {  	[tilespmem:s14], [sflag:$0x1] =	stream.indirect_vreg.gather [hbm4b:s4+s3], $0x80, v3, vm0, $0xb8;
	[tilespmem:$0x10080] =	vst v63  }
0x59: {  	v3 =	vld [tilespmem:$0x40];
	_ =	sdelay $0x4  }
0x5a: {  	v60 =	vshll.u32 v3, $0x2  }
0x5b: {  	v3 =	vand.u32 $0x7, v3;
	v4 =	vand.u32 $0xFFFFFFE0, v60  }
0x5c: {  	v3 =	vor.u32 v3, v4  }
0x5d: {  	v4 =	vperm.xlane v3, v0;
	_ =	sdelay $0x1  }
0x5e: {  	v4 =	vadd.s32 v1, v4;
	_ =	sdelay $0x1  }
0x5f: {  	v3 =	vperm.xlane v3, v2;
	_ =	sdelay $0x1  }
0x60: {  	v3 =	vadd.s32 v1, v3  }
0x61: {  	[tilespmem:s15], [sflag:$0x1] =	stream.indirect_vreg.gather [hbm4b:s1+s3], $0x80, v4, vm0, $0xb8;
	[tilespmem:$0x10080] =	vst v63  }
0x62: {  	_ = 	snop  }
0x63: {  	[tilespmem:s16], [sflag:$0x1] =	stream.indirect_vreg.gather [hbm4b:s4+s3], $0x80, v4, vm0, $0xb8;
	[tilespmem:$0x10080] =	vst v63  }
0x64: {  	_ = 	snop  }
0x65: {  	[tilespmem:s17], [sflag:$0x1] =	stream.indirect_vreg.gather [hbm4b:s1+s3], $0x80, v3, vm0, $0xb8;
	[tilespmem:$0x10080] =	vst v63  }
0x66: {  	_ = 	snop  }
0x67: {  	[tilespmem:s18], [sflag:$0x1] =	stream.indirect_vreg.gather [hbm4b:s4+s3], $0x80, v3, vm0, $0xb8;
	[tilespmem:$0x10080] =	vst v63  }
0x68: {  	v3 =	vld [tilespmem:$0x50];
	_ =	sdelay $0x4  }
0x69: {  	v61 =	vshll.u32 v3, $0x2  }
0x6a: {  	v3 =	vand.u32 $0x7, v3;
	v4 =	vand.u32 $0xFFFFFFE0, v61  }
0x6b: {  	v3 =	vor.u32 v3, v4  }
0x6c: {  	v4 =	vperm.xlane v3, v0;
	_ =	sdelay $0x1  }
0x6d: {  	v4 =	vadd.s32 v1, v4;
	_ =	sdelay $0x1  }
0x6e: {  	v3 =	vperm.xlane v3, v2;
	_ =	sdelay $0x1  }
0x6f: {  	v3 =	vadd.s32 v1, v3  }
0x70: {  	[tilespmem:s19], [sflag:$0x1] =	stream.indirect_vreg.gather [hbm4b:s1+s3], $0x80, v4, vm0, $0xb8;
	[tilespmem:$0x10080] =	vst v63  }
0x71: {  	_ = 	snop  }
0x72: {  	[tilespmem:s20], [sflag:$0x1] =	stream.indirect_vreg.gather [hbm4b:s4+s3], $0x80, v4, vm0, $0xb8;
	[tilespmem:$0x10080] =	vst v63  }
0x73: {  	_ = 	snop  }
0x74: {  	[tilespmem:s21], [sflag:$0x1] =	stream.indirect_vreg.gather [hbm4b:s1+s3], $0x80, v3, vm0, $0xb8;
	[tilespmem:$0x10080] =	vst v63  }
0x75: {  	_ = 	snop  }
0x76: {  	[tilespmem:s22], [sflag:$0x1] =	stream.indirect_vreg.gather [hbm4b:s4+s3], $0x80, v3, vm0, $0xb8;
	[tilespmem:$0x10080] =	vst v63  }
0x77: {  	v3 =	vld [tilespmem:$0x60];
	_ =	sdelay $0x4  }
0x78: {  	v62 =	vshll.u32 v3, $0x2  }
0x79: {  	v3 =	vand.u32 $0x7, v3;
	v4 =	vand.u32 $0xFFFFFFE0, v62  }
0x7a: {  	v3 =	vor.u32 v3, v4  }
0x7b: {  	v4 =	vperm.xlane v3, v0;
	_ =	sdelay $0x1  }
0x7c: {  	v4 =	vadd.s32 v1, v4;
	_ =	sdelay $0x1  }
0x7d: {  	v3 =	vperm.xlane v3, v2;
	_ =	sdelay $0x1  }
0x7e: {  	v3 =	vadd.s32 v1, v3  }
0x7f: {  	[tilespmem:s23], [sflag:$0x1] =	stream.indirect_vreg.gather [hbm4b:s1+s3], $0x80, v4, vm0, $0xb8;
	[tilespmem:$0x10080] =	vst v63  }
0x80: {  	_ = 	snop  }
0x81: {  	[tilespmem:s24], [sflag:$0x1] =	stream.indirect_vreg.gather [hbm4b:s4+s3], $0x80, v4, vm0, $0xb8;
	[tilespmem:$0x10080] =	vst v63  }
0x82: {  	_ = 	snop  }
0x83: {  	[tilespmem:s25], [sflag:$0x1] =	stream.indirect_vreg.gather [hbm4b:s1+s3], $0x80, v3, vm0, $0xb8;
	[tilespmem:$0x10080] =	vst v63  }
0x84: {  	_ = 	snop  }
0x85: {  	[tilespmem:s26], [sflag:$0x1] =	stream.indirect_vreg.gather [hbm4b:s4+s3], $0x80, v3, vm0, $0xb8;
	[tilespmem:$0x10080] =	vst v63  }
0x86: {  	v3 =	vld [tilespmem:$0x70];
	_ =	sdelay $0x4  }
0x87: {  	v63 =	vshll.u32 v3, $0x2  }
0x88: {  	v3 =	vand.u32 $0x7, v3;
	v4 =	vand.u32 $0xFFFFFFE0, v63  }
0x89: {  	v3 =	vor.u32 v3, v4  }
0x8a: {  	v4 =	vperm.xlane v3, v0;
	_ =	sdelay $0x1  }
0x8b: {  	v4 =	vadd.s32 v1, v4;
	_ =	sdelay $0x1  }
0x8c: {  	v3 =	vperm.xlane v3, v2;
	_ =	sdelay $0x1  }
0x8d: {  	v3 =	vadd.s32 v1, v3  }
0x8e: {  	[tilespmem:s28], [sflag:$0x1] =	stream.indirect_vreg.gather [hbm4b:s1+s3], $0x80, v4, vm0, $0xb8;
	[tilespmem:$0x10080] =	vst v63  }
0x8f: {  	_ = 	snop  }
0x90: {  	[tilespmem:s29], [sflag:$0x1] =	stream.indirect_vreg.gather [hbm4b:s4+s3], $0x80, v4, vm0, $0xb8;
	[tilespmem:$0x10080] =	vst v63  }
0x91: {  	_ = 	snop  }
0x92: {  	[tilespmem:s30], [sflag:$0x1] =	stream.indirect_vreg.gather [hbm4b:s1+s3], $0x80, v3, vm0, $0xb8;
	[tilespmem:$0x10080] =	vst v63  }
0x93: {  	_ = 	snop  }
0x94: {  	[tilespmem:s31], [sflag:$0x1] =	stream.indirect_vreg.gather [hbm4b:s4+s3], $0x80, v3, vm0, $0xb8;
	[tilespmem:$0x10080] =	vst v63  }
0x95: {  	_ =	swait.ge [sflag:s2], $0x10000  }
0x96: {  	p0 =	sne.s32 s5, $0x1;
	[sflag:s2] =	ssyncset.done $0x0  }
.Ltmp0:
0x97: {  	s8 =	rddreg [dreg:$0x5];
	[sflag:s2] =	ssyncadd.s32 $0xFFFF0000;
	(pc) =	sbr.rel @p0 .LBB2_1-.Ltmp0, $4  }
0x98: {  	[hbm4b:s8+s3] =	stream.linear.scatter [tilespmem:s7], [sflag:$0x2], $0x10000, $0x38;
	[tilespmem:$0x10080] =	vst v63  }
0x99: {  	_ =	swait.ge [sflag:s6], $0x10000  }
0x9a: {  	[sflag:s6] =	ssyncset.done $0x0  }
0x9b: {  	s5 =	sadd.s32 $0xFFFFFFFF, s5;
	[sflag:s6] =	ssyncadd.s32 $0xFFFF0000  }
0x9c: {  	_ =	sfence.sel $0x180000  }
0x9d: {  	[bflag:$0x0] =	sbarrier.arrive $0xFFFF  }
0x9e: {  	_ =	strace $0x9000004A  }
0x9f: {  	s0 =	stileid.u32;
	[bflag:$0x2] =	sbarrier.arrive $0xFFFF  }
0xa0: {  	p0 =	sne.s32 s0, $0x0;
	s0 =	rddreg [dreg:$0x3]  }
0xa1: {  	s0 =	sadd.s32 @!p0 $0x100000, s0  }
0xa2: {  	[sflag:s0] =	ssyncadd.tile.s32 @!p0 $0x1;
	_ =	shalt  }
.Lfunc_end2:
_tile_overlayer_lowered:
.L_overlay_start_2:
0xa3: {  	(tag) =	ssettag $0x2  }
0xa4: {  	s0 =	rddreg [dreg:$0x0];
	s2 =	stileid.u32  }
0xa5: {  	s1 =	rddreg [dreg:$0x1];
	p0 =	sne.s32 s2, $0x0  }
0xa6: {  	s3 =	rddreg [dreg:$0x2];
	[bflag:$0x3] =	sbarrier.arrive $0xFFFF;
	s2 =	simm.s32 @!p0 $0x1C02  }
0xa7: {  	[timem:s3], [sflag:s2] =	dma.local @!p0 [hbm:s0], s1  }
0xa8: {  	s0 =	simm.s32 @!p0 $0x2  }
0xa9: {  	_ =	swait.ge @!p0 [sflag:s0], s1  }
0xaa: {  	s1 =	ssub.s32 @!p0 $0x0, s1;
	[sflag:s0] =	ssyncset.done @!p0 $0x0  }
0xab: {  	[sflag:s0] =	ssyncadd.s32 @!p0 s1  }
0xac: {  	[bflag:$0x3] =	sbarrier.arrive $0xFFFF  }
0xad: {  	_ =	shalt  }

// kernel: mgn_sc_scatter_narrow.3.cloned.1.call-start
scs
__scs_entry_jumppad:
0x0: {  	(pc) =	sbr.rel $0x88, $3  }
0x1: {  	(tag) =	ssettag $0x0;
	lr =	simm.s32 $0x1  }
0x2: {  	[smem:$0x3F8C] =	sst lr;
	_ =	strace $0xD0000000  }
0x3: {  	_ = 	snop  }
0x4: {  	_ = 	snop  }
0x5: {  	_ = 	snop  }
0x6: {  	_ = 	snop  }
0x7: {  	_ = 	snop  }
__scs_overlays_trampoline_lowered:
0x8: {  	[smem:$0x3F9B] =	sst s0  }
0x9: {  	[smem:$0x3F9C] =	sst s1  }
0xa: {  	[smem:$0x3F9D] =	sst s2  }
0xb: {  	[smem:$0x3F9E] =	sst s3  }
0xc: {  	[smem:$0x3F9F] =	sst s4  }
0xd: {  	[smem:$0x3FA0] =	sst s5  }
0xe: {  	[smem:$0x3FA1] =	sst s6  }
0xf: {  	[smem:$0x3FA2] =	sst s7  }
0x10: {  	[smem:$0x3FA3] =	sst s8  }
0x11: {  	[smem:$0x3FA4] =	sst s9;
	s0 =	simm.s32 @!p0 $0x0  }
0x12: {  	s1 =	sld [smem:$0x3F8A];
	s0 =	simm.s32 @p0 $0x1  }
0x13: {  	[smem:$0x3FA5] =	sst s0;
	s0 =	simm.s32 @!p1 $0x0  }
0x14: {  	s2 =	sld [smem:$0x3F89];
	s0 =	simm.s32 @p1 $0x1  }
0x15: {  	[smem:$0x3FA6] =	sst s0;
	s0 =	simm.s32 @!p2 $0x0  }
0x16: {  	s3 =	sld [smem:$0x3FDB];
	s0 =	simm.s32 @p2 $0x1  }
0x17: {  	s4 =	simm.s32 $0x1BF5;
	[smem:$0x3FA8] =	sst s0  }
0x18: {  	s0 =	sld [smem:$0x3F8B];
	_ =	swait.ge [sflag:s4], $0x0  }
0x19: {  	s7 =	sld [smem:$0x3F8C]  }
0x1a: {  	s8 =	sadd.s32 $0xFFFFE003, lr  }
0x1b: {  	s9 =	sadd.s32 $0xFFFFFEF7, lr;
	s5 =	simm.s32 $0xFFFFFFFF;
	p2 =	slt.u32 s8, $0xFFFFF086  }
0x1c: {  	p1 =	slt.u32 s9, $0xF7A;
	s5 =	simm.s32 @!p2 $0x0  }
0x1d: {  	s5 =	simm.s32 @p1 $0x1;
	p0 =	seq.s32 s7, s2  }
0x1e: {  	s7 =	smul.u32 @!p0 $0xF7A, s2;
	p2 =	seq.s32 @!p0 s5, $0x0  }
0x1f: {  	s9 =	smul.u32 $0xF7A, s1;
	s8 =	simm.s32 @!p0 $0x1BF5;
	p2 =	por !p2, p0  }
0x20: {  	[sflag:s8] =	ssyncset.s32 @!p0 $0xFFFFF086;
	s6 =	sadd.s32 @!p0 s3, s7;
	s7 =	simm.s32 @!p0 $0x108  }
0x21: {  	s3 =	sadd.s32 s3, s9;
	s6 =	sadd.s32 @!p0 $0x88, s6;
	s7 =	simm.s32 @p2 $0x1082  }
0x22: {  	[simem:s7], [sflag:s8] =	dma.local @!p0 [hbm:s6], $0xF7A  }
0x23: {  	s9 =	sor.u32 $0xD0000000, s2;
	s6 =	simm.s32 $0x108;
	_ =	swait.ge @!p0 [sflag:s8], $0x0  }
0x24: {  	s3 =	sadd.s32 $0x88, s3;
	s6 =	simm.s32 @!p1 $0x1082;
	[sflag:s4] =	ssyncset.s32 $0xFFFFF086  }
0x25: {  	[simem:s6], [sflag:s4] =	dma.local [hbm:s3], $0xF7A  }
0x26: {  	[smem:$0x3F8C] =	sst s1;
	(tag) =	ssettag s2;
	_ =	strace s9  }
0x27: {  	s1 =	sld [smem:$0x3F9C]  }
0x28: {  	s2 =	sld [smem:$0x3F9D]  }
0x29: {  	s4 =	sld [smem:$0x3F9F]  }
0x2a: {  	p0 =	seq.s32 s5, $0x0;
	s5 =	sld [smem:$0x3FA0]  }
0x2b: {  	s6 =	sld [smem:$0x3FA1]  }
0x2c: {  	s7 =	sld [smem:$0x3FA2]  }
0x2d: {  	s3 =	simm.s32 $0x108;
	s8 =	sld [smem:$0x3FA3]  }
0x2e: {  	s3 =	simm.s32 @!p0 $0x1082;
	s9 =	sld [smem:$0x3FA4]  }
0x2f: {  	lr =	sadd.s32 s0, s3;
	s0 =	sld [smem:$0x3F9B]  }
0x30: {  	s3 =	sld [smem:$0x3F9E]  }
0x31: {  	[smem:$0x3FA7] =	sst s10  }
0x32: {  	s10 =	sld [smem:$0x3FA5];
	_ =	sdelay $0x3  }
0x33: {  	p0 =	seq.s32 s10, $0x1;
	s10 =	sld [smem:$0x3FA7];
	_ =	sdelay $0x3  }
0x34: {  	[smem:$0x3FA7] =	sst s10  }
0x35: {  	s10 =	sld [smem:$0x3FA6];
	_ =	sdelay $0x3  }
0x36: {  	p1 =	seq.s32 s10, $0x1;
	s10 =	sld [smem:$0x3FA7];
	_ =	sdelay $0x3  }
0x37: {  	[smem:$0x3FA7] =	sst s10  }
0x38: {  	s10 =	sld [smem:$0x3FA8]  }
0x39: {  	_ = 	snop;
	(pc) =	sbr.ind lr, $3  }
0x3a: {  	_ = 	snop  }
0x3b: {  	_ = 	snop  }
0x3c: {  	p2 =	seq.s32 s10, $0x1;
	s10 =	sld [smem:$0x3FA7]  }
0x3d: {  	_ =	shalt  }
0x3e: {  	_ =	shalt  }
0x3f: {  	_ =	shalt  }
0x40: {  	_ =	shalt  }
0x41: {  	_ =	shalt  }
0x42: {  	_ =	shalt  }
0x43: {  	_ =	shalt  }
0x44: {  	_ =	shalt  }
0x45: {  	_ =	shalt  }
0x46: {  	_ =	shalt  }
0x47: {  	_ =	shalt  }
0x48: {  	_ =	shalt  }
0x49: {  	_ =	shalt  }
0x4a: {  	_ =	shalt  }
0x4b: {  	_ =	shalt  }
0x4c: {  	_ =	shalt  }
0x4d: {  	_ =	shalt  }
0x4e: {  	_ =	shalt  }
0x4f: {  	_ =	shalt  }
0x50: {  	_ =	shalt  }
0x51: {  	_ =	shalt  }
0x52: {  	_ =	shalt  }
0x53: {  	_ =	shalt  }
0x54: {  	_ =	shalt  }
0x55: {  	_ =	shalt  }
0x56: {  	_ =	shalt  }
0x57: {  	_ =	shalt  }
0x58: {  	_ =	shalt  }
0x59: {  	_ =	shalt  }
0x5a: {  	_ =	shalt  }
0x5b: {  	_ =	shalt  }
0x5c: {  	_ =	shalt  }
0x5d: {  	_ =	shalt  }
0x5e: {  	_ =	shalt  }
0x5f: {  	_ =	shalt  }
0x60: {  	_ =	shalt  }
0x61: {  	_ =	shalt  }
0x62: {  	_ =	shalt  }
0x63: {  	_ =	shalt  }
0x64: {  	_ =	shalt  }
0x65: {  	_ =	shalt  }
0x66: {  	_ =	shalt  }
0x67: {  	_ =	shalt  }
0x68: {  	_ =	shalt  }
0x69: {  	_ =	shalt  }
0x6a: {  	_ =	shalt  }
0x6b: {  	_ =	shalt  }
0x6c: {  	_ =	shalt  }
0x6d: {  	_ =	shalt  }
0x6e: {  	_ =	shalt  }
0x6f: {  	_ =	shalt  }
0x70: {  	_ =	shalt  }
0x71: {  	_ =	shalt  }
0x72: {  	_ =	shalt  }
0x73: {  	_ =	shalt  }
0x74: {  	_ =	shalt  }
0x75: {  	_ =	shalt  }
0x76: {  	_ =	shalt  }
0x77: {  	_ =	shalt  }
0x78: {  	_ =	shalt  }
0x79: {  	_ =	shalt  }
0x7a: {  	_ =	shalt  }
0x7b: {  	_ =	shalt  }
0x7c: {  	_ =	shalt  }
0x7d: {  	_ =	shalt  }
0x7e: {  	_ =	shalt  }
0x7f: {  	_ =	shalt  }
0x80: {  	_ =	shalt  }
0x81: {  	_ =	shalt  }
0x82: {  	_ =	shalt  }
0x83: {  	_ =	shalt  }
0x84: {  	_ =	shalt  }
0x85: {  	_ =	shalt  }
0x86: {  	_ =	shalt  }
0x87: {  	_ =	shalt  }
.Lfunc_end0:
.L_simem_size_0:
called_computation.4_lowered:
.L_overlay_start_0:
0x88: {  	s2 =	sld [smem:$0x3FD9]  }
0x89: {  	s3 =	sld [smem:$0x3FFE];
	_ =	sdelay $0x1  }
0x8a: {  	s1 =	srdreg.scid  }
0x8b: {  	s0 =	sand.u32 $0x1, s1  }
0x8c: {  	s15 =	sshll.u32 s0, $0xA;
	s2 =	sadd.s32 s3, s2  }
0x8d: {  	s2 =	sadd.s32 s2, s15  }
0x8e: {  	[smem:$0x3FB3] =	sst s2  }
0x8f: {  	_ = 	snop  }
0x90: {  	s16 =	sld [smem:$0x3FD0];
	_ =	sdelay $0x2  }
0x91: {  	s5 =	simm.s32 $0xC;
	s4 =	simm.s32 $0x10;
	s2 =	sld [smem:$0x3FC5]  }
0x92: {  	[smem:s4], [sflag:s5] =	dma.local [hbm:s16], $0x1  }
0x93: {  	_ =	swait.eq [sflag:s5], $0x1  }
0x94: {  	[sflag:s5] =	ssyncset.done $0x0  }
0x95: {  	s17 =	sld [smem:$0x11];
	[sflag:s5] =	ssyncadd.s32 $0xFFFFFFFF  }
0x96: {  	s18 =	sld [smem:$0x12];
	(tm) =	ssettm $0x1  }
0x97: {  	s19 =	sld [smem:$0x3FFB];
	_ =	sdelay $0x3  }
0x98: {  	_ =	strace s19  }
0x99: {  	s3 =	sld [smem:$0x3FFC];
	_ =	sdelay $0x3  }
0x9a: {  	_ =	strace s3  }
0x9b: {  	s3 =	sld [smem:$0x3FFD];
	_ =	sdelay $0x3  }
0x9c: {  	_ =	strace s3  }
0x9d: {  	_ =	strace $0x8FFFFFFF  }
0x9e: {  	s20 =	sld [smem:$0x3FDB];
	_ =	sdelay $0x1  }
0x9f: {  	s6 =	simm.s32 $_scs_section_size  }
0xa0: {  	s7 =	simm.s32 $_size__tile_overlayer_lowered;
	s8 =	simm.s32 $_tile_overlayer_lowered  }
0xa1: {  	s9 =	simm.s32 $0x1BFF;
	s21 =	sshll.u32 s8, $0x1;
	s6 =	sadd.s32 s6, s20  }
0xa2: {  	s22 =	simm.s32 $0x0;
	s7 =	sshll.u32 s7, $0x1;
	s8 =	sadd.s32 s21, s6  }
0xa3: {  	[timem:s22], [sflag:s9] =	dma.local [hbm:s8], s7  }
0xa4: {  	_ =	swait.ge [sflag:s9], s7  }
0xa5: {  	s7 =	ssub.s32 $0x0, s7;
	[sflag:s9] =	ssyncset.done $0x0  }
0xa6: {  	[sflag:s9] =	ssyncadd.s32 s7;
	_ =	sdelay $0x1  }
0xa7: {  	s23 =	simm.s32 $0x1B8B  }
0xa8: {  	_ =	swait.ge [sflag:s23], $0x1  }
0xa9: {  	[sflag:s23] =	ssyncset.done $0x0  }
0xaa: {  	[sflag:s23] =	ssyncadd.s32 $0xFFFFFFFF  }
0xab: {  	s7 =	sld [smem:$0x0]  }
0xac: {  	s8 =	sand.u32 $0xFFFFFFFE, s1  }
0xad: {  	p0 =	sne.s32 s1, s8  }
0xae: {  	s8 =	sshll.u32 @p0 s8, $0xE  }
0xaf: {  	s8 =	sadd.s32 @p0 $0x11B8D, s8;
	s9 =	sshll.u32 @p0 s7, $0x11  }
0xb0: {  	s8 =	sor.u32 @p0 s9, s8  }
0xb1: {  	[sflag:s8] =	ssyncadd.remote.s32 @p0 $0x1;
	_ =	sdelay $0x1  }
0xb2: {  	s8 =	simm.s32 @p0 $0x1B8D  }
0xb3: {  	_ =	swait.eq @p0 [sflag:s8], $0x1  }
0xb4: {  	[sflag:s8] =	ssyncadd.s32 @p0 $0xFFFFFFFF  }
0xb5: {  	s9 =	sshll.u32 @!p0 s1, $0xE  }
0xb6: {  	s9 =	sor.u32 @!p0 $0x4000, s9;
	s8 =	simm.s32 @!p0 $0x1B8D  }
0xb7: {  	s7 =	sshll.u32 @!p0 s7, $0x11;
	s9 =	sadd.s32 @!p0 $0x11B8D, s9;
	_ =	swait.eq @!p0 [sflag:s8], $0x1  }
0xb8: {  	s7 =	sor.u32 @!p0 s7, s9;
	[sflag:s8] =	ssyncadd.s32 @!p0 $0xFFFFFFFF  }
0xb9: {  	s25 =	simm.s32 $0x1B8E;
	s24 =	sld [smem:$0x3FFE];
	[sflag:s7] =	ssyncadd.remote.s32 @!p0 $0x1  }
0xba: {  	s26 =	simm.s32 $execute0_lowered;
	[smem:$0x3FD2] =	sst s25  }
0xbb: {  	s8 =	sshll.u32 s26, $0x1;
	_ =	strace $0x8000004F;
	[dreg:$0x1] =	wrdreg $0xFFFFFFFF  }
0xbc: {  	s28 =	simm.s32 $_size_execute0_lowered;
	s6 =	sadd.s32 s6, s8;
	[dreg:$0x0] =	wrdreg $0x0  }
0xbd: {  	s8 =	sshll.u32 s28, $0x1;
	[dreg:$0x2] =	wrdreg s6  }
0xbe: {  	[dreg:$0x3] =	wrdreg s8  }
0xbf: {  	[dreg:$0x4] =	wrdreg $0xC0  }
0xc0: {  	_ =	task [dreg:s22], $0x5FFFF  }
0xc1: {  	[dreg:$0x1] =	wrdreg $0xFFFFFFFF  }
0xc2: {  	[dreg:$0x0] =	wrdreg $0x60  }
0xc3: {  	[dreg:$0x2] =	wrdreg s24  }
0xc4: {  	[dreg:$0x3] =	wrdreg s2  }
0xc5: {  	[dreg:$0x4] =	wrdreg s17  }
0xc6: {  	[dreg:$0x5] =	wrdreg s18  }
0xc7: {  	[dreg:$0x6] =	wrdreg $0xA  }
0xc8: {  	_ =	task.clear_ibuf [dreg:s22], $0x7FFFF;
	_ =	strace $0x9000004F  }
0xc9: {  	s29 =	simm.s32 $0xA;
	_ =	strace $0x80000051  }
0xca: {  	_ =	swait.ge [sflag:s29], $0x1  }
0xcb: {  	[sflag:s29] =	ssyncadd.s32 $0xFFFFFFFF  }
0xcc: {  	_ =	strace $0x90000051  }
0xcd: {  	_ =	sfence  }
0xce: {  	s30 =	sld [smem:$0x0];
	_ =	sdelay $0x2  }
0xcf: {  	s31 =	sshll.u32 s1, $0xD;
	s1 =	sshrl.u32 s1, $0x2  }
0xd0: {  	s4 =	sand.u32 $0x4000, s31;
	s1 =	sadd.s32 s1, s30  }
0xd1: {  	s0 =	sor.u32 s4, s0;
	s1 =	sshll.u32 s1, $0x11  }
0xd2: {  	s0 =	sor.u32 s1, s0  }
0xd3: {  	s0 =	sadd.s32 $0x8F2B, s0  }
0xd4: {  	[sflag:s0] =	ssyncadd.remote.s32 $0x1  }
0xd5: {  	_ =	sfence.sel $0xFFFF  }
0xd6: {  	[dreg:$0x0] =	wrdreg $0xFFFFFFFF;
	(pc) =	sbr.abs _section_cstart, $3  }
0xd7: {  	[dreg:$0x1] =	wrdreg $0xFFFFFFFF  }
0xd8: {  	_ =	task.clear_ibuf [dreg:s22], $0x2FFFF;
	_ =	strace $0x9FFFFFFF  }
0xd9: {  	(tm) =	ssettm $0x7FFFFFFF  }
tec
execute0_lowered:
.L_overlay_start_1:
0x0: {  	(tag) =	ssettag $0x1  }
0x1: {  	s7 =	rddreg [dreg:$0x0]  }
0x2: {  	s5 =	rddreg [dreg:$0x1];
	s1 =	srdreg.scid  }
0x3: {  	s2 =	rddreg [dreg:$0x2];
	s0 =	stileid.u32;
	s11 =	sand.u32 $0x1, s1  }
0x4: {  	s3 =	rddreg [dreg:$0x3];
	s6 =	sshll.u32 s0, $0x8;
	s8 =	sshll.u32 s11, $0x7  }
0x5: {  	s4 =	simm.s32 $0x0;
	s1 =	rddreg [dreg:$0x4];
	s8 =	sor.u32 s8, s6  }
0x6: {  	[smem:$0x7FF] =	sst s4;
	s6 =	sshrl.u32 s8, $0x3  }
0x7: {  	_ =	strace $0x80000050;
	s5 =	sadd.s32 s5, s6;
	s6 =	simm.s32 $0x2  }
0x8: {  	[tilespmem:s4], [sflag:$0x2] =	stream.linear.gather [hbm4b:s5+s4], $0x80, $0x38;
	[tilespmem:$0x2080] =	vst v63  }
0x9: {  	s8 =	sshll.u32 s8, $0x2;
	_ =	swait.ge [sflag:s6], $0x80  }
0xa: {  	s9 =	sadd.s32 s8, s7;
	[sflag:s6] =	ssyncset.done $0x0  }
0xb: {  	s8 =	simm.s32 $0x80;
	s7 =	sadd.s32 $0x5200, s9;
	[sflag:s6] =	ssyncadd.s32 $0xFFFFFF80  }
0xc: {  	[tilespmem:s8], [sflag:$0x2] =	stream.linear.gather [hbm4b:s7+s4], $0x1000, $0x38;
	[tilespmem:$0x2080] =	vst v63  }
0xd: {  	_ =	swait.ge [sflag:s6], $0x1000  }
0xe: {  	s10 =	simm.s32 $0x1080;
	[sflag:s6] =	ssyncset.done $0x0  }
0xf: {  	s12 =	ssub.s32 $0x2, s11;
	s9 =	sadd.s32 $0x9200, s9;
	[sflag:s6] =	ssyncadd.s32 $0xFFFFF000  }
0x10: {  	[tilespmem:s10], [sflag:$0x2] =	stream.linear.gather [hbm4b:s9+s4], $0x1000, $0x38;
	[tilespmem:$0x2080] =	vst v63  }
0x11: {  	s13 =	sshrl.u32 s12, $0x1;
	_ =	swait.ge [sflag:s6], $0x1000  }
0x12: {  	s12 =	ssub.s32 s12, s13;
	[sflag:s6] =	ssyncset.done $0x0  }
0x13: {  	s12 =	smax.u32 s12, $0x1;
	[sflag:s6] =	ssyncadd.s32 $0xFFFFF000  }
0x14: {  	[hbm4b:s2+s8] =	stream.indirect.scatter [tilespmem:s8], [sflag:$0x1], $0x20, s4, s8, $0xb8;
	[tilespmem:$0x2080] =	vst v63  }
0x15: {  	s11 =	simm.s32 $0x1;
	p0 =	sne.s32 s12, $0x1  }
0x16: {  	[hbm4b:s3+s8] =	stream.indirect.scatter [tilespmem:s10], [sflag:$0x1], $0x20, s4, s8, $0xb8;
	[tilespmem:$0x2080] =	vst v63  }
.Ltmp0:
0x17: {  	_ =	swait.ge [sflag:s11], $0x1000;
	(pc) =	sbr.rel @!p0 .LBB2_2-.Ltmp0, $4  }
0x18: {  	[sflag:s11] =	ssyncset.done $0x0  }
0x19: {  	[sflag:s11] =	ssyncadd.s32 $0xFFFFF000  }
0x1a: {  	_ =	swait.ge [sflag:s11], $0x1000  }
0x1b: {  	s12 =	sadd.s32 $0xFFFFFFFF, s12;
	[sflag:s11] =	ssyncset.done $0x0  }
.LBB2_1:
0x1c: {  	p0 =	sne.s32 s12, $0x1;
	s12 =	sadd.s32 $0xFFFFFFFF, s12;
	[sflag:s11] =	ssyncadd.s32 $0xFFFFF000  }
0x1d: {  	[tilespmem:s4], [sflag:$0x2] =	stream.linear.gather [hbm4b:s5+s4], $0x80, $0x38;
	[tilespmem:$0x2080] =	vst v63  }
0x1e: {  	_ =	swait.ge [sflag:s6], $0x80  }
0x1f: {  	[sflag:s6] =	ssyncset.done $0x0  }
0x20: {  	[sflag:s6] =	ssyncadd.s32 $0xFFFFFF80  }
0x21: {  	[tilespmem:s8], [sflag:$0x2] =	stream.linear.gather [hbm4b:s7+s4], $0x1000, $0x38;
	[tilespmem:$0x2080] =	vst v63  }
0x22: {  	_ =	swait.ge [sflag:s6], $0x1000  }
0x23: {  	[sflag:s6] =	ssyncset.done $0x0  }
0x24: {  	[sflag:s6] =	ssyncadd.s32 $0xFFFFF000  }
0x25: {  	[tilespmem:s10], [sflag:$0x2] =	stream.linear.gather [hbm4b:s9+s4], $0x1000, $0x38;
	[tilespmem:$0x2080] =	vst v63  }
0x26: {  	_ =	swait.ge [sflag:s6], $0x1000  }
0x27: {  	[sflag:s6] =	ssyncset.done $0x0  }
0x28: {  	[sflag:s6] =	ssyncadd.s32 $0xFFFFF000  }
0x29: {  	[hbm4b:s2+s8] =	stream.indirect.scatter [tilespmem:s8], [sflag:$0x1], $0x20, s4, s8, $0xb8;
	[tilespmem:$0x2080] =	vst v63  }
0x2a: {  	_ = 	snop  }
0x2b: {  	[hbm4b:s3+s8] =	stream.indirect.scatter [tilespmem:s10], [sflag:$0x1], $0x20, s4, s8, $0xb8;
	[tilespmem:$0x2080] =	vst v63  }
.Ltmp1:
0x2c: {  	_ =	swait.ge [sflag:s11], $0x1000;
	(pc) =	sbr.rel @p0 .LBB2_1-.Ltmp1, $4  }
0x2d: {  	[sflag:s11] =	ssyncset.done $0x0  }
0x2e: {  	[sflag:s11] =	ssyncadd.s32 $0xFFFFF000  }
0x2f: {  	_ =	swait.ge [sflag:s11], $0x1000  }
0x30: {  	[sflag:s11] =	ssyncset.done $0x0  }
.LBB2_2:
0x31: {  	[sflag:s11] =	ssyncadd.s32 $0xFFFFF000  }
0x32: {  	_ =	sfence.sel $0x180000  }
0x33: {  	[bflag:$0x0] =	sbarrier.arrive $0xFFFF  }
0x34: {  	p0 =	sne.s32 s0, $0x0;
	_ =	strace $0x90000050  }
0x35: {  	s0 =	sadd.s32 @!p0 $0x100000, s1;
	[bflag:$0x2] =	sbarrier.arrive $0xFFFF  }
0x36: {  	[sflag:s0] =	ssyncadd.tile.s32 @!p0 $0x1;
	_ =	shalt  }
.Lfunc_end2:
_tile_overlayer_lowered:
.L_overlay_start_2:
0x37: {  	(tag) =	ssettag $0x2  }
0x38: {  	s0 =	rddreg [dreg:$0x0];
	s2 =	stileid.u32  }
0x39: {  	s1 =	rddreg [dreg:$0x1];
	p0 =	sne.s32 s2, $0x0  }
0x3a: {  	s3 =	rddreg [dreg:$0x2];
	[bflag:$0x3] =	sbarrier.arrive $0xFFFF;
	s2 =	simm.s32 @!p0 $0x1C02  }
0x3b: {  	[timem:s3], [sflag:s2] =	dma.local @!p0 [hbm:s0], s1  }
0x3c: {  	s0 =	simm.s32 @!p0 $0x2  }
0x3d: {  	_ =	swait.ge @!p0 [sflag:s0], s1  }
0x3e: {  	s1 =	ssub.s32 @!p0 $0x0, s1;
	[sflag:s0] =	ssyncset.done @!p0 $0x0  }
0x3f: {  	[sflag:s0] =	ssyncadd.s32 @!p0 s1  }
0x40: {  	[bflag:$0x3] =	sbarrier.arrive $0xFFFF  }
0x41: {  	_ =	shalt  }

// kernel: mgn_sc_scatter_wide.3.cloned.1.call-start
scs
__scs_entry_jumppad:
0x0: {  	(pc) =	sbr.rel $0x88, $3  }
0x1: {  	(tag) =	ssettag $0x0;
	lr =	simm.s32 $0x1  }
0x2: {  	[smem:$0x3F8C] =	sst lr;
	_ =	strace $0xD0000000  }
0x3: {  	_ = 	snop  }
0x4: {  	_ = 	snop  }
0x5: {  	_ = 	snop  }
0x6: {  	_ = 	snop  }
0x7: {  	_ = 	snop  }
__scs_overlays_trampoline_lowered:
0x8: {  	[smem:$0x3F9B] =	sst s0  }
0x9: {  	[smem:$0x3F9C] =	sst s1  }
0xa: {  	[smem:$0x3F9D] =	sst s2  }
0xb: {  	[smem:$0x3F9E] =	sst s3  }
0xc: {  	[smem:$0x3F9F] =	sst s4  }
0xd: {  	[smem:$0x3FA0] =	sst s5  }
0xe: {  	[smem:$0x3FA1] =	sst s6  }
0xf: {  	[smem:$0x3FA2] =	sst s7  }
0x10: {  	[smem:$0x3FA3] =	sst s8  }
0x11: {  	[smem:$0x3FA4] =	sst s9;
	s0 =	simm.s32 @!p0 $0x0  }
0x12: {  	s1 =	sld [smem:$0x3F8A];
	s0 =	simm.s32 @p0 $0x1  }
0x13: {  	[smem:$0x3FA5] =	sst s0;
	s0 =	simm.s32 @!p1 $0x0  }
0x14: {  	s2 =	sld [smem:$0x3F89];
	s0 =	simm.s32 @p1 $0x1  }
0x15: {  	[smem:$0x3FA6] =	sst s0;
	s0 =	simm.s32 @!p2 $0x0  }
0x16: {  	s3 =	sld [smem:$0x3FDB];
	s0 =	simm.s32 @p2 $0x1  }
0x17: {  	s4 =	simm.s32 $0x1BF5;
	[smem:$0x3FA8] =	sst s0  }
0x18: {  	s0 =	sld [smem:$0x3F8B];
	_ =	swait.ge [sflag:s4], $0x0  }
0x19: {  	s7 =	sld [smem:$0x3F8C]  }
0x1a: {  	s8 =	sadd.s32 $0xFFFFE003, lr  }
0x1b: {  	s9 =	sadd.s32 $0xFFFFFEF7, lr;
	s5 =	simm.s32 $0xFFFFFFFF;
	p2 =	slt.u32 s8, $0xFFFFF086  }
0x1c: {  	p1 =	slt.u32 s9, $0xF7A;
	s5 =	simm.s32 @!p2 $0x0  }
0x1d: {  	s5 =	simm.s32 @p1 $0x1;
	p0 =	seq.s32 s7, s2  }
0x1e: {  	s7 =	smul.u32 @!p0 $0xF7A, s2;
	p2 =	seq.s32 @!p0 s5, $0x0  }
0x1f: {  	s9 =	smul.u32 $0xF7A, s1;
	s8 =	simm.s32 @!p0 $0x1BF5;
	p2 =	por !p2, p0  }
0x20: {  	[sflag:s8] =	ssyncset.s32 @!p0 $0xFFFFF086;
	s6 =	sadd.s32 @!p0 s3, s7;
	s7 =	simm.s32 @!p0 $0x108  }
0x21: {  	s3 =	sadd.s32 s3, s9;
	s6 =	sadd.s32 @!p0 $0x88, s6;
	s7 =	simm.s32 @p2 $0x1082  }
0x22: {  	[simem:s7], [sflag:s8] =	dma.local @!p0 [hbm:s6], $0xF7A  }
0x23: {  	s9 =	sor.u32 $0xD0000000, s2;
	s6 =	simm.s32 $0x108;
	_ =	swait.ge @!p0 [sflag:s8], $0x0  }
0x24: {  	s3 =	sadd.s32 $0x88, s3;
	s6 =	simm.s32 @!p1 $0x1082;
	[sflag:s4] =	ssyncset.s32 $0xFFFFF086  }
0x25: {  	[simem:s6], [sflag:s4] =	dma.local [hbm:s3], $0xF7A  }
0x26: {  	[smem:$0x3F8C] =	sst s1;
	(tag) =	ssettag s2;
	_ =	strace s9  }
0x27: {  	s1 =	sld [smem:$0x3F9C]  }
0x28: {  	s2 =	sld [smem:$0x3F9D]  }
0x29: {  	s4 =	sld [smem:$0x3F9F]  }
0x2a: {  	p0 =	seq.s32 s5, $0x0;
	s5 =	sld [smem:$0x3FA0]  }
0x2b: {  	s6 =	sld [smem:$0x3FA1]  }
0x2c: {  	s7 =	sld [smem:$0x3FA2]  }
0x2d: {  	s3 =	simm.s32 $0x108;
	s8 =	sld [smem:$0x3FA3]  }
0x2e: {  	s3 =	simm.s32 @!p0 $0x1082;
	s9 =	sld [smem:$0x3FA4]  }
0x2f: {  	lr =	sadd.s32 s0, s3;
	s0 =	sld [smem:$0x3F9B]  }
0x30: {  	s3 =	sld [smem:$0x3F9E]  }
0x31: {  	[smem:$0x3FA7] =	sst s10  }
0x32: {  	s10 =	sld [smem:$0x3FA5];
	_ =	sdelay $0x3  }
0x33: {  	p0 =	seq.s32 s10, $0x1;
	s10 =	sld [smem:$0x3FA7];
	_ =	sdelay $0x3  }
0x34: {  	[smem:$0x3FA7] =	sst s10  }
0x35: {  	s10 =	sld [smem:$0x3FA6];
	_ =	sdelay $0x3  }
0x36: {  	p1 =	seq.s32 s10, $0x1;
	s10 =	sld [smem:$0x3FA7];
	_ =	sdelay $0x3  }
0x37: {  	[smem:$0x3FA7] =	sst s10  }
0x38: {  	s10 =	sld [smem:$0x3FA8]  }
0x39: {  	_ = 	snop;
	(pc) =	sbr.ind lr, $3  }
0x3a: {  	_ = 	snop  }
0x3b: {  	_ = 	snop  }
0x3c: {  	p2 =	seq.s32 s10, $0x1;
	s10 =	sld [smem:$0x3FA7]  }
0x3d: {  	_ =	shalt  }
0x3e: {  	_ =	shalt  }
0x3f: {  	_ =	shalt  }
0x40: {  	_ =	shalt  }
0x41: {  	_ =	shalt  }
0x42: {  	_ =	shalt  }
0x43: {  	_ =	shalt  }
0x44: {  	_ =	shalt  }
0x45: {  	_ =	shalt  }
0x46: {  	_ =	shalt  }
0x47: {  	_ =	shalt  }
0x48: {  	_ =	shalt  }
0x49: {  	_ =	shalt  }
0x4a: {  	_ =	shalt  }
0x4b: {  	_ =	shalt  }
0x4c: {  	_ =	shalt  }
0x4d: {  	_ =	shalt  }
0x4e: {  	_ =	shalt  }
0x4f: {  	_ =	shalt  }
0x50: {  	_ =	shalt  }
0x51: {  	_ =	shalt  }
0x52: {  	_ =	shalt  }
0x53: {  	_ =	shalt  }
0x54: {  	_ =	shalt  }
0x55: {  	_ =	shalt  }
0x56: {  	_ =	shalt  }
0x57: {  	_ =	shalt  }
0x58: {  	_ =	shalt  }
0x59: {  	_ =	shalt  }
0x5a: {  	_ =	shalt  }
0x5b: {  	_ =	shalt  }
0x5c: {  	_ =	shalt  }
0x5d: {  	_ =	shalt  }
0x5e: {  	_ =	shalt  }
0x5f: {  	_ =	shalt  }
0x60: {  	_ =	shalt  }
0x61: {  	_ =	shalt  }
0x62: {  	_ =	shalt  }
0x63: {  	_ =	shalt  }
0x64: {  	_ =	shalt  }
0x65: {  	_ =	shalt  }
0x66: {  	_ =	shalt  }
0x67: {  	_ =	shalt  }
0x68: {  	_ =	shalt  }
0x69: {  	_ =	shalt  }
0x6a: {  	_ =	shalt  }
0x6b: {  	_ =	shalt  }
0x6c: {  	_ =	shalt  }
0x6d: {  	_ =	shalt  }
0x6e: {  	_ =	shalt  }
0x6f: {  	_ =	shalt  }
0x70: {  	_ =	shalt  }
0x71: {  	_ =	shalt  }
0x72: {  	_ =	shalt  }
0x73: {  	_ =	shalt  }
0x74: {  	_ =	shalt  }
0x75: {  	_ =	shalt  }
0x76: {  	_ =	shalt  }
0x77: {  	_ =	shalt  }
0x78: {  	_ =	shalt  }
0x79: {  	_ =	shalt  }
0x7a: {  	_ =	shalt  }
0x7b: {  	_ =	shalt  }
0x7c: {  	_ =	shalt  }
0x7d: {  	_ =	shalt  }
0x7e: {  	_ =	shalt  }
0x7f: {  	_ =	shalt  }
0x80: {  	_ =	shalt  }
0x81: {  	_ =	shalt  }
0x82: {  	_ =	shalt  }
0x83: {  	_ =	shalt  }
0x84: {  	_ =	shalt  }
0x85: {  	_ =	shalt  }
0x86: {  	_ =	shalt  }
0x87: {  	_ =	shalt  }
.Lfunc_end0:
.L_simem_size_0:
called_computation.3_lowered:
.L_overlay_start_0:
0x88: {  	s2 =	sld [smem:$0x3FD9]  }
0x89: {  	s3 =	sld [smem:$0x3FFE];
	_ =	sdelay $0x1  }
0x8a: {  	s1 =	srdreg.scid  }
0x8b: {  	s0 =	sand.u32 $0x1, s1  }
0x8c: {  	s15 =	sshll.u32 s0, $0xA;
	s2 =	sadd.s32 s3, s2  }
0x8d: {  	s2 =	sadd.s32 s2, s15  }
0x8e: {  	[smem:$0x3FB3] =	sst s2  }
0x8f: {  	_ = 	snop  }
0x90: {  	s16 =	sld [smem:$0x3FD0];
	_ =	sdelay $0x2  }
0x91: {  	s4 =	simm.s32 $0xC;
	s5 =	simm.s32 $0x10;
	s2 =	sld [smem:$0x3FC5]  }
0x92: {  	[smem:s5], [sflag:s4] =	dma.local [hbm:s16], $0x1  }
0x93: {  	_ =	swait.eq [sflag:s4], $0x1  }
0x94: {  	[sflag:s4] =	ssyncset.done $0x0  }
0x95: {  	[sflag:s4] =	ssyncadd.s32 $0xFFFFFFFF  }
0x96: {  	s17 =	sld [smem:$0x10];
	(tm) =	ssettm $0x1  }
0x97: {  	s18 =	sld [smem:$0x3FFB];
	_ =	sdelay $0x3  }
0x98: {  	_ =	strace s18  }
0x99: {  	s3 =	sld [smem:$0x3FFC];
	_ =	sdelay $0x3  }
0x9a: {  	_ =	strace s3  }
0x9b: {  	s3 =	sld [smem:$0x3FFD];
	_ =	sdelay $0x3  }
0x9c: {  	_ =	strace s3  }
0x9d: {  	_ =	strace $0x8FFFFFFF  }
0x9e: {  	s19 =	sld [smem:$0x3FDB];
	_ =	sdelay $0x1  }
0x9f: {  	s20 =	simm.s32 $_scs_section_size  }
0xa0: {  	s6 =	simm.s32 $_size__tile_overlayer_lowered;
	s7 =	simm.s32 $_tile_overlayer_lowered  }
0xa1: {  	s8 =	simm.s32 $0x1BFF;
	s21 =	sshll.u32 s7, $0x1;
	s5 =	sadd.s32 s20, s19  }
0xa2: {  	s22 =	simm.s32 $0x0;
	s6 =	sshll.u32 s6, $0x1;
	s7 =	sadd.s32 s21, s5  }
0xa3: {  	[timem:s22], [sflag:s8] =	dma.local [hbm:s7], s6  }
0xa4: {  	_ =	swait.ge [sflag:s8], s6  }
0xa5: {  	s6 =	ssub.s32 $0x0, s6;
	[sflag:s8] =	ssyncset.done $0x0  }
0xa6: {  	[sflag:s8] =	ssyncadd.s32 s6;
	_ =	sdelay $0x1  }
0xa7: {  	s23 =	simm.s32 $0x1B8B  }
0xa8: {  	_ =	swait.ge [sflag:s23], $0x1  }
0xa9: {  	[sflag:s23] =	ssyncset.done $0x0  }
0xaa: {  	[sflag:s23] =	ssyncadd.s32 $0xFFFFFFFF  }
0xab: {  	s6 =	sld [smem:$0x0]  }
0xac: {  	s7 =	sand.u32 $0xFFFFFFFE, s1  }
0xad: {  	p0 =	sne.s32 s1, s7  }
0xae: {  	s7 =	sshll.u32 @p0 s7, $0xE  }
0xaf: {  	s7 =	sadd.s32 @p0 $0x11B8D, s7;
	s8 =	sshll.u32 @p0 s6, $0x11  }
0xb0: {  	s7 =	sor.u32 @p0 s8, s7  }
0xb1: {  	[sflag:s7] =	ssyncadd.remote.s32 @p0 $0x1;
	_ =	sdelay $0x1  }
0xb2: {  	s7 =	simm.s32 @p0 $0x1B8D  }
0xb3: {  	_ =	swait.eq @p0 [sflag:s7], $0x1  }
0xb4: {  	[sflag:s7] =	ssyncadd.s32 @p0 $0xFFFFFFFF  }
0xb5: {  	s8 =	sshll.u32 @!p0 s1, $0xE  }
0xb6: {  	s8 =	sor.u32 @!p0 $0x4000, s8;
	s7 =	simm.s32 @!p0 $0x1B8D  }
0xb7: {  	s6 =	sshll.u32 @!p0 s6, $0x11;
	s8 =	sadd.s32 @!p0 $0x11B8D, s8;
	_ =	swait.eq @!p0 [sflag:s7], $0x1  }
0xb8: {  	s6 =	sor.u32 @!p0 s6, s8;
	[sflag:s7] =	ssyncadd.s32 @!p0 $0xFFFFFFFF  }
0xb9: {  	s25 =	simm.s32 $0x1B8E;
	s24 =	sld [smem:$0x3FFE];
	[sflag:s6] =	ssyncadd.remote.s32 @!p0 $0x1  }
0xba: {  	s26 =	simm.s32 $execute0_lowered;
	[smem:$0x3FD2] =	sst s25  }
0xbb: {  	s7 =	sshll.u32 s26, $0x1;
	_ =	strace $0x80000052;
	[dreg:$0x1] =	wrdreg $0xFFFFFFFF  }
0xbc: {  	s28 =	simm.s32 $_size_execute0_lowered;
	s5 =	sadd.s32 s5, s7;
	[dreg:$0x0] =	wrdreg $0x0  }
0xbd: {  	s7 =	sshll.u32 s28, $0x1;
	[dreg:$0x2] =	wrdreg s5  }
0xbe: {  	[dreg:$0x3] =	wrdreg s7  }
0xbf: {  	[dreg:$0x4] =	wrdreg $0xC0  }
0xc0: {  	_ =	task [dreg:s22], $0x5FFFF  }
0xc1: {  	[dreg:$0x1] =	wrdreg $0xFFFFFFFF  }
0xc2: {  	[dreg:$0x0] =	wrdreg $0x60  }
0xc3: {  	[dreg:$0x2] =	wrdreg s24  }
0xc4: {  	[dreg:$0x3] =	wrdreg s2  }
0xc5: {  	[dreg:$0x4] =	wrdreg s17  }
0xc6: {  	[dreg:$0x5] =	wrdreg $0x9  }
0xc7: {  	_ =	task.clear_ibuf [dreg:s22], $0x6FFFF;
	_ =	strace $0x90000052  }
0xc8: {  	s29 =	simm.s32 $0x9;
	_ =	strace $0x80000054  }
0xc9: {  	_ =	swait.ge [sflag:s29], $0x1  }
0xca: {  	[sflag:s29] =	ssyncadd.s32 $0xFFFFFFFF  }
0xcb: {  	_ =	strace $0x90000054  }
0xcc: {  	_ =	sfence  }
0xcd: {  	s30 =	sld [smem:$0x0];
	_ =	sdelay $0x2  }
0xce: {  	s31 =	sshll.u32 s1, $0xD;
	s1 =	sshrl.u32 s1, $0x2  }
0xcf: {  	s4 =	sand.u32 $0x4000, s31;
	s1 =	sadd.s32 s1, s30  }
0xd0: {  	s0 =	sor.u32 s4, s0;
	s1 =	sshll.u32 s1, $0x11  }
0xd1: {  	s0 =	sor.u32 s1, s0  }
0xd2: {  	s0 =	sadd.s32 $0x8F2B, s0  }
0xd3: {  	[sflag:s0] =	ssyncadd.remote.s32 $0x1  }
0xd4: {  	_ =	sfence.sel $0xFFFF  }
0xd5: {  	[dreg:$0x0] =	wrdreg $0xFFFFFFFF;
	(pc) =	sbr.abs _section_cstart, $3  }
0xd6: {  	[dreg:$0x1] =	wrdreg $0xFFFFFFFF  }
0xd7: {  	_ =	task.clear_ibuf [dreg:s22], $0x2FFFF;
	_ =	strace $0x9FFFFFFF  }
0xd8: {  	(tm) =	ssettm $0x7FFFFFFF  }
0xd9: {  	_ =	shalt  }
tec
execute0_lowered:
.L_overlay_start_1:
0x0: {  	(tag) =	ssettag $0x1  }
0x1: {  	s0 =	rddreg [dreg:$0x0]  }
0x2: {  	s3 =	rddreg [dreg:$0x1]  }
0x3: {  	s1 =	rddreg [dreg:$0x2];
	s2 =	simm.s32 $0x0;
	s5 =	srdreg.scid  }
0x4: {  	s9 =	stileid.u32;
	s10 =	simm.s32 $0x1;
	s22 =	simm.s32 $0x1100  }
0x5: {  	s23 =	simm.s32 $0x1900;
	s24 =	simm.s32 $0x2100;
	s25 =	simm.s32 $0x2900  }
0x6: {  	s26 =	simm.s32 $0x3100;
	s28 =	simm.s32 $0x3900;
	s29 =	simm.s32 $0x4100  }
0x7: {  	s30 =	simm.s32 $0x4900;
	s31 =	simm.s32 $0x5100;
	s11 =	simm.s32 $0x7100  }
0x8: {  	s12 =	simm.s32 $0x7900;
	s13 =	simm.s32 $0x8100;
	s14 =	simm.s32 $0x8900  }
0x9: {  	s15 =	simm.s32 $0x9100;
	s16 =	simm.s32 $0x9900;
	s17 =	simm.s32 $0xA100  }
0xa: {  	s18 =	simm.s32 $0xA900;
	s19 =	simm.s32 $0xB100;
	[smem:$0x7FF] =	sst s2  }
0xb: {  	s4 =	sadd.s32 $0x80600, s0;
	s6 =	sadd.s32 $0x2D200, s0;
	s5 =	sand.u32 $0x1, s5  }
0xc: {  	s9 =	sshll.u32 s9, $0x5;
	_ =	strace $0x80000053;
	s7 =	ssub.s32 $0x2, s5  }
0xd: {  	s5 =	sshll.u32 s5, $0x4;
	[dreg:$0x4] =	wrdreg s6;
	s6 =	sadd.s32 $0x100, s1  }
0xe: {  	v2 =	vlaneseq.u32;
	s8 =	sshrl.u32 s7, $0x1;
	s3 =	sadd.s32 s3, s5;
	s5 =	sadd.s32 $0x80700, s0  }
0xf: {  	vm0 =	vmmov $0xffff;
	v1 =	vshrl.u32 v2, $0x3;
	s7 =	ssub.s32 s7, s8;
	s3 =	sadd.s32 s9, s3;
	s9 =	simm.s32 $0x6900  }
0x10: {  	v0 =	vand.u32 $0x7, v2;
	v2 =	vor.u32 $0x8, v2;
	v1 =	vmul.u32 $0x8, v1;
	s8 =	simm.s32 $0xB900;
	[dreg:$0x5] =	wrdreg s3;
	s7 =	smax.u32 s7, $0x1  }
.LBB2_1:
0x11: {  	s20 =	rddreg [dreg:$0x5];
	s0 =	simm.s32 $0x2  }
0x12: {  	[tilespmem:s2], [sflag:$0x2] =	stream.linear.gather [hbm4b:s20+s2], $0x80, $0x38;
	[tilespmem:$0x10100] =	vst v63  }
0x13: {  	_ =	swait.ge [sflag:s0], $0x80  }
0x14: {  	[sflag:s0] =	ssyncset.done $0x0  }
0x15: {  	s21 =	simm.s32 $0x80;
	s3 =	rddreg [dreg:$0x4];
	[sflag:s0] =	ssyncadd.s32 $0xFFFFFF80  }
0x16: {  	[tilespmem:s21], [sflag:$0x1] =	stream.indirect.gather [hbm4b:s3+s21], $0x1, s2, s21, $0xb8;
	[tilespmem:$0x10100] =	vst v63  }
0x17: {  	_ =	swait.ge [sflag:s10], $0x80  }
0x18: {  	[sflag:s10] =	ssyncset.done $0x0  }
0x19: {  	[sflag:s10] =	ssyncadd.s32 $0xFFFFFF80  }
0x1a: {  	v3 =	vld [tilespmem:$0x80];
	_ =	sdelay $0x4  }
0x1b: {  	v4 =	vshll.u32 v3, $0x2  }
0x1c: {  	v3 =	vand.u32 $0x7, v3;
	v4 =	vand.u32 $0xFFFFFFE0, v4  }
0x1d: {  	v3 =	vor.u32 v3, v4  }
0x1e: {  	v4 =	vperm.xlane v3, v0;
	_ =	sdelay $0x1  }
0x1f: {  	v4 =	vadd.s32 v1, v4;
	_ =	sdelay $0x1  }
0x20: {  	v3 =	vperm.xlane v3, v2;
	_ =	sdelay $0x1  }
0x21: {  	s20 =	simm.s32 $0x100;
	v3 =	vadd.s32 v1, v3  }
0x22: {  	[tilespmem:s20], [sflag:$0x1] =	stream.indirect_vreg.gather [hbm4b:s4+s2], $0x80, v4, vm0, $0xb8;
	[tilespmem:$0x10100] =	vst v63  }
0x23: {  	s21 =	simm.s32 $0x900  }
0x24: {  	[tilespmem:s21], [sflag:$0x1] =	stream.indirect_vreg.gather [hbm4b:s5+s2], $0x80, v4, vm0, $0xb8;
	[tilespmem:$0x10100] =	vst v63  }
0x25: {  	_ = 	snop  }
0x26: {  	[tilespmem:s22], [sflag:$0x1] =	stream.indirect_vreg.gather [hbm4b:s4+s2], $0x80, v3, vm0, $0xb8;
	[tilespmem:$0x10100] =	vst v63  }
0x27: {  	_ = 	snop  }
0x28: {  	[tilespmem:s23], [sflag:$0x1] =	stream.indirect_vreg.gather [hbm4b:s5+s2], $0x80, v3, vm0, $0xb8;
	[tilespmem:$0x10100] =	vst v63  }
0x29: {  	v3 =	vld [tilespmem:$0x90];
	_ =	sdelay $0x4  }
0x2a: {  	v49 =	vshll.u32 v3, $0x2  }
0x2b: {  	v3 =	vand.u32 $0x7, v3;
	v4 =	vand.u32 $0xFFFFFFE0, v49  }
0x2c: {  	v3 =	vor.u32 v3, v4  }
0x2d: {  	v4 =	vperm.xlane v3, v0;
	_ =	sdelay $0x1  }
0x2e: {  	v4 =	vadd.s32 v1, v4;
	_ =	sdelay $0x1  }
0x2f: {  	v3 =	vperm.xlane v3, v2;
	_ =	sdelay $0x1  }
0x30: {  	v3 =	vadd.s32 v1, v3  }
0x31: {  	[tilespmem:s24], [sflag:$0x1] =	stream.indirect_vreg.gather [hbm4b:s4+s2], $0x80, v4, vm0, $0xb8;
	[tilespmem:$0x10100] =	vst v63  }
0x32: {  	_ = 	snop  }
0x33: {  	[tilespmem:s25], [sflag:$0x1] =	stream.indirect_vreg.gather [hbm4b:s5+s2], $0x80, v4, vm0, $0xb8;
	[tilespmem:$0x10100] =	vst v63  }
0x34: {  	_ = 	snop  }
0x35: {  	[tilespmem:s26], [sflag:$0x1] =	stream.indirect_vreg.gather [hbm4b:s4+s2], $0x80, v3, vm0, $0xb8;
	[tilespmem:$0x10100] =	vst v63  }
0x36: {  	_ = 	snop  }
0x37: {  	[tilespmem:s28], [sflag:$0x1] =	stream.indirect_vreg.gather [hbm4b:s5+s2], $0x80, v3, vm0, $0xb8;
	[tilespmem:$0x10100] =	vst v63  }
0x38: {  	v3 =	vld [tilespmem:$0xA0];
	_ =	sdelay $0x4  }
0x39: {  	v50 =	vshll.u32 v3, $0x2  }
0x3a: {  	v3 =	vand.u32 $0x7, v3;
	v4 =	vand.u32 $0xFFFFFFE0, v50  }
0x3b: {  	v3 =	vor.u32 v3, v4  }
0x3c: {  	v4 =	vperm.xlane v3, v0;
	_ =	sdelay $0x1  }
0x3d: {  	v4 =	vadd.s32 v1, v4;
	_ =	sdelay $0x1  }
0x3e: {  	v3 =	vperm.xlane v3, v2;
	_ =	sdelay $0x1  }
0x3f: {  	v3 =	vadd.s32 v1, v3  }
0x40: {  	[tilespmem:s29], [sflag:$0x1] =	stream.indirect_vreg.gather [hbm4b:s4+s2], $0x80, v4, vm0, $0xb8;
	[tilespmem:$0x10100] =	vst v63  }
0x41: {  	_ = 	snop  }
0x42: {  	[tilespmem:s30], [sflag:$0x1] =	stream.indirect_vreg.gather [hbm4b:s5+s2], $0x80, v4, vm0, $0xb8;
	[tilespmem:$0x10100] =	vst v63  }
0x43: {  	_ = 	snop  }
0x44: {  	[tilespmem:s31], [sflag:$0x1] =	stream.indirect_vreg.gather [hbm4b:s4+s2], $0x80, v3, vm0, $0xb8;
	[tilespmem:$0x10100] =	vst v63  }
0x45: {  	s3 =	simm.s32 $0x5900  }
0x46: {  	[tilespmem:s3], [sflag:$0x1] =	stream.indirect_vreg.gather [hbm4b:s5+s2], $0x80, v3, vm0, $0xb8;
	[tilespmem:$0x10100] =	vst v63  }
0x47: {  	v3 =	vld [tilespmem:$0xB0];
	_ =	sdelay $0x4  }
0x48: {  	v51 =	vshll.u32 v3, $0x2  }
0x49: {  	v3 =	vand.u32 $0x7, v3;
	v4 =	vand.u32 $0xFFFFFFE0, v51  }
0x4a: {  	v3 =	vor.u32 v3, v4  }
0x4b: {  	v4 =	vperm.xlane v3, v0;
	_ =	sdelay $0x1  }
0x4c: {  	v4 =	vadd.s32 v1, v4;
	_ =	sdelay $0x1  }
0x4d: {  	v3 =	vperm.xlane v3, v2;
	_ =	sdelay $0x1  }
0x4e: {  	s3 =	simm.s32 $0x6100;
	v3 =	vadd.s32 v1, v3  }
0x4f: {  	[tilespmem:s3], [sflag:$0x1] =	stream.indirect_vreg.gather [hbm4b:s4+s2], $0x80, v4, vm0, $0xb8;
	[tilespmem:$0x10100] =	vst v63  }
0x50: {  	_ = 	snop  }
0x51: {  	[tilespmem:s9], [sflag:$0x1] =	stream.indirect_vreg.gather [hbm4b:s5+s2], $0x80, v4, vm0, $0xb8;
	[tilespmem:$0x10100] =	vst v63  }
0x52: {  	_ = 	snop  }
0x53: {  	[tilespmem:s11], [sflag:$0x1] =	stream.indirect_vreg.gather [hbm4b:s4+s2], $0x80, v3, vm0, $0xb8;
	[tilespmem:$0x10100] =	vst v63  }
0x54: {  	_ = 	snop  }
0x55: {  	[tilespmem:s12], [sflag:$0x1] =	stream.indirect_vreg.gather [hbm4b:s5+s2], $0x80, v3, vm0, $0xb8;
	[tilespmem:$0x10100] =	vst v63  }
0x56: {  	v3 =	vld [tilespmem:$0xC0];
	_ =	sdelay $0x4  }
0x57: {  	v52 =	vshll.u32 v3, $0x2  }
0x58: {  	v3 =	vand.u32 $0x7, v3;
	v4 =	vand.u32 $0xFFFFFFE0, v52  }
0x59: {  	v3 =	vor.u32 v3, v4  }
0x5a: {  	v4 =	vperm.xlane v3, v0;
	_ =	sdelay $0x1  }
0x5b: {  	v4 =	vadd.s32 v1, v4;
	_ =	sdelay $0x1  }
0x5c: {  	v3 =	vperm.xlane v3, v2;
	_ =	sdelay $0x1  }
0x5d: {  	v3 =	vadd.s32 v1, v3  }
0x5e: {  	[tilespmem:s13], [sflag:$0x1] =	stream.indirect_vreg.gather [hbm4b:s4+s2], $0x80, v4, vm0, $0xb8;
	[tilespmem:$0x10100] =	vst v63  }
0x5f: {  	_ = 	snop  }
0x60: {  	[tilespmem:s14], [sflag:$0x1] =	stream.indirect_vreg.gather [hbm4b:s5+s2], $0x80, v4, vm0, $0xb8;
	[tilespmem:$0x10100] =	vst v63  }
0x61: {  	_ = 	snop  }
0x62: {  	[tilespmem:s15], [sflag:$0x1] =	stream.indirect_vreg.gather [hbm4b:s4+s2], $0x80, v3, vm0, $0xb8;
	[tilespmem:$0x10100] =	vst v63  }
0x63: {  	_ = 	snop  }
0x64: {  	[tilespmem:s16], [sflag:$0x1] =	stream.indirect_vreg.gather [hbm4b:s5+s2], $0x80, v3, vm0, $0xb8;
	[tilespmem:$0x10100] =	vst v63  }
0x65: {  	v3 =	vld [tilespmem:$0xD0];
	_ =	sdelay $0x4  }
0x66: {  	v53 =	vshll.u32 v3, $0x2  }
0x67: {  	v3 =	vand.u32 $0x7, v3;
	v4 =	vand.u32 $0xFFFFFFE0, v53  }
0x68: {  	v3 =	vor.u32 v3, v4  }
0x69: {  	v4 =	vperm.xlane v3, v0;
	_ =	sdelay $0x1  }
0x6a: {  	v4 =	vadd.s32 v1, v4;
	_ =	sdelay $0x1  }
0x6b: {  	v3 =	vperm.xlane v3, v2;
	_ =	sdelay $0x1  }
0x6c: {  	v3 =	vadd.s32 v1, v3  }
0x6d: {  	[tilespmem:s17], [sflag:$0x1] =	stream.indirect_vreg.gather [hbm4b:s4+s2], $0x80, v4, vm0, $0xb8;
	[tilespmem:$0x10100] =	vst v63  }
0x6e: {  	_ = 	snop  }
0x6f: {  	[tilespmem:s18], [sflag:$0x1] =	stream.indirect_vreg.gather [hbm4b:s5+s2], $0x80, v4, vm0, $0xb8;
	[tilespmem:$0x10100] =	vst v63  }
0x70: {  	_ = 	snop  }
0x71: {  	[tilespmem:s19], [sflag:$0x1] =	stream.indirect_vreg.gather [hbm4b:s4+s2], $0x80, v3, vm0, $0xb8;
	[tilespmem:$0x10100] =	vst v63  }
0x72: {  	_ = 	snop  }
0x73: {  	[tilespmem:s8], [sflag:$0x1] =	stream.indirect_vreg.gather [hbm4b:s5+s2], $0x80, v3, vm0, $0xb8;
	[tilespmem:$0x10100] =	vst v63  }
0x74: {  	v3 =	vld [tilespmem:$0xE0];
	_ =	sdelay $0x4  }
0x75: {  	v54 =	vshll.u32 v3, $0x2  }
0x76: {  	v3 =	vand.u32 $0x7, v3;
	v4 =	vand.u32 $0xFFFFFFE0, v54  }
0x77: {  	v3 =	vor.u32 v3, v4  }
0x78: {  	v4 =	vperm.xlane v3, v0;
	_ =	sdelay $0x1  }
0x79: {  	v4 =	vadd.s32 v1, v4;
	_ =	sdelay $0x1  }
0x7a: {  	v3 =	vperm.xlane v3, v2;
	_ =	sdelay $0x1  }
0x7b: {  	s0 =	simm.s32 $0xC100;
	v3 =	vadd.s32 v1, v3  }
0x7c: {  	[tilespmem:s0], [sflag:$0x1] =	stream.indirect_vreg.gather [hbm4b:s4+s2], $0x80, v4, vm0, $0xb8;
	[tilespmem:$0x10100] =	vst v63  }
0x7d: {  	s0 =	simm.s32 $0xC900  }
0x7e: {  	[tilespmem:s0], [sflag:$0x1] =	stream.indirect_vreg.gather [hbm4b:s5+s2], $0x80, v4, vm0, $0xb8;
	[tilespmem:$0x10100] =	vst v63  }
0x7f: {  	s0 =	simm.s32 $0xD100  }
0x80: {  	[tilespmem:s0], [sflag:$0x1] =	stream.indirect_vreg.gather [hbm4b:s4+s2], $0x80, v3, vm0, $0xb8;
	[tilespmem:$0x10100] =	vst v63  }
0x81: {  	s0 =	simm.s32 $0xD900  }
0x82: {  	[tilespmem:s0], [sflag:$0x1] =	stream.indirect_vreg.gather [hbm4b:s5+s2], $0x80, v3, vm0, $0xb8;
	[tilespmem:$0x10100] =	vst v63  }
0x83: {  	v3 =	vld [tilespmem:$0xF0];
	_ =	sdelay $0x4  }
0x84: {  	v55 =	vshll.u32 v3, $0x2  }
0x85: {  	v3 =	vand.u32 $0x7, v3;
	v4 =	vand.u32 $0xFFFFFFE0, v55  }
0x86: {  	v3 =	vor.u32 v3, v4  }
0x87: {  	v4 =	vperm.xlane v3, v0;
	_ =	sdelay $0x1  }
0x88: {  	v4 =	vadd.s32 v1, v4;
	_ =	sdelay $0x1  }
0x89: {  	v3 =	vperm.xlane v3, v2;
	_ =	sdelay $0x1  }
0x8a: {  	s0 =	simm.s32 $0xE100;
	v3 =	vadd.s32 v1, v3  }
0x8b: {  	[tilespmem:s0], [sflag:$0x1] =	stream.indirect_vreg.gather [hbm4b:s4+s2], $0x80, v4, vm0, $0xb8;
	[tilespmem:$0x10100] =	vst v63  }
0x8c: {  	s0 =	simm.s32 $0xE900  }
0x8d: {  	[tilespmem:s0], [sflag:$0x1] =	stream.indirect_vreg.gather [hbm4b:s5+s2], $0x80, v4, vm0, $0xb8;
	[tilespmem:$0x10100] =	vst v63  }
0x8e: {  	s0 =	simm.s32 $0xF100  }
0x8f: {  	[tilespmem:s0], [sflag:$0x1] =	stream.indirect_vreg.gather [hbm4b:s4+s2], $0x80, v3, vm0, $0xb8;
	[tilespmem:$0x10100] =	vst v63  }
0x90: {  	s0 =	simm.s32 $0xF900  }
0x91: {  	[tilespmem:s0], [sflag:$0x1] =	stream.indirect_vreg.gather [hbm4b:s5+s2], $0x80, v3, vm0, $0xb8;
	[tilespmem:$0x10100] =	vst v63  }
0x92: {  	_ =	swait.ge [sflag:s10], $0x10000  }
0x93: {  	[sflag:s10] =	ssyncset.done $0x0  }
0x94: {  	[sflag:s10] =	ssyncadd.s32 $0xFFFF0000  }
0x95: {  	v3 =	vld [tilespmem:$0x0];
	_ =	sdelay $0x4  }
0x96: {  	v56 =	vshll.u32 v3, $0x2  }
0x97: {  	v3 =	vand.u32 $0x7, v3;
	v4 =	vand.u32 $0xFFFFFFE0, v56  }
0x98: {  	v3 =	vor.u32 v3, v4  }
0x99: {  	v4 =	vperm.xlane v3, v0;
	_ =	sdelay $0x1  }
0x9a: {  	v4 =	vadd.s32 v1, v4;
	_ =	sdelay $0x1  }
0x9b: {  	v3 =	vperm.xlane v3, v2;
	_ =	sdelay $0x1  }
0x9c: {  	v3 =	vadd.s32 v1, v3  }
0x9d: {  	[hbm4b:s1+s2] =	stream.indirect_vreg.scatter [tilespmem:s20], [sflag:$0x1], $0x80, v4, vm0, $0xb8;
	[tilespmem:$0x10100] =	vst v63  }
0x9e: {  	_ = 	snop  }
0x9f: {  	[hbm4b:s6+s2] =	stream.indirect_vreg.scatter [tilespmem:s21], [sflag:$0x1], $0x80, v4, vm0, $0xb8;
	[tilespmem:$0x10100] =	vst v63  }
0xa0: {  	_ = 	snop  }
0xa1: {  	[hbm4b:s1+s2] =	stream.indirect_vreg.scatter [tilespmem:s22], [sflag:$0x1], $0x80, v3, vm0, $0xb8;
	[tilespmem:$0x10100] =	vst v63  }
0xa2: {  	_ = 	snop  }
0xa3: {  	[hbm4b:s6+s2] =	stream.indirect_vreg.scatter [tilespmem:s23], [sflag:$0x1], $0x80, v3, vm0, $0xb8;
	[tilespmem:$0x10100] =	vst v63  }
0xa4: {  	v3 =	vld [tilespmem:$0x10];
	_ =	sdelay $0x4  }
0xa5: {  	v57 =	vshll.u32 v3, $0x2  }
0xa6: {  	v3 =	vand.u32 $0x7, v3;
	v4 =	vand.u32 $0xFFFFFFE0, v57  }
0xa7: {  	v3 =	vor.u32 v3, v4  }
0xa8: {  	v4 =	vperm.xlane v3, v0;
	_ =	sdelay $0x1  }
0xa9: {  	v4 =	vadd.s32 v1, v4;
	_ =	sdelay $0x1  }
0xaa: {  	v3 =	vperm.xlane v3, v2;
	_ =	sdelay $0x1  }
0xab: {  	v3 =	vadd.s32 v1, v3  }
0xac: {  	[hbm4b:s1+s2] =	stream.indirect_vreg.scatter [tilespmem:s24], [sflag:$0x1], $0x80, v4, vm0, $0xb8;
	[tilespmem:$0x10100] =	vst v63  }
0xad: {  	_ = 	snop  }
0xae: {  	[hbm4b:s6+s2] =	stream.indirect_vreg.scatter [tilespmem:s25], [sflag:$0x1], $0x80, v4, vm0, $0xb8;
	[tilespmem:$0x10100] =	vst v63  }
0xaf: {  	_ = 	snop  }
0xb0: {  	[hbm4b:s1+s2] =	stream.indirect_vreg.scatter [tilespmem:s26], [sflag:$0x1], $0x80, v3, vm0, $0xb8;
	[tilespmem:$0x10100] =	vst v63  }
0xb1: {  	_ = 	snop  }
0xb2: {  	[hbm4b:s6+s2] =	stream.indirect_vreg.scatter [tilespmem:s28], [sflag:$0x1], $0x80, v3, vm0, $0xb8;
	[tilespmem:$0x10100] =	vst v63  }
0xb3: {  	v3 =	vld [tilespmem:$0x20];
	_ =	sdelay $0x4  }
0xb4: {  	v58 =	vshll.u32 v3, $0x2  }
0xb5: {  	v3 =	vand.u32 $0x7, v3;
	v4 =	vand.u32 $0xFFFFFFE0, v58  }
0xb6: {  	v3 =	vor.u32 v3, v4  }
0xb7: {  	v4 =	vperm.xlane v3, v0;
	_ =	sdelay $0x1  }
0xb8: {  	v4 =	vadd.s32 v1, v4;
	_ =	sdelay $0x1  }
0xb9: {  	v3 =	vperm.xlane v3, v2;
	_ =	sdelay $0x1  }
0xba: {  	v3 =	vadd.s32 v1, v3  }
0xbb: {  	[hbm4b:s1+s2] =	stream.indirect_vreg.scatter [tilespmem:s29], [sflag:$0x1], $0x80, v4, vm0, $0xb8;
	[tilespmem:$0x10100] =	vst v63  }
0xbc: {  	_ = 	snop  }
0xbd: {  	[hbm4b:s6+s2] =	stream.indirect_vreg.scatter [tilespmem:s30], [sflag:$0x1], $0x80, v4, vm0, $0xb8;
	[tilespmem:$0x10100] =	vst v63  }
0xbe: {  	_ = 	snop  }
0xbf: {  	[hbm4b:s1+s2] =	stream.indirect_vreg.scatter [tilespmem:s31], [sflag:$0x1], $0x80, v3, vm0, $0xb8;
	[tilespmem:$0x10100] =	vst v63  }
0xc0: {  	s21 =	simm.s32 $0x5900  }
0xc1: {  	[hbm4b:s6+s2] =	stream.indirect_vreg.scatter [tilespmem:s21], [sflag:$0x1], $0x80, v3, vm0, $0xb8;
	[tilespmem:$0x10100] =	vst v63  }
0xc2: {  	v3 =	vld [tilespmem:$0x30];
	_ =	sdelay $0x4  }
0xc3: {  	v59 =	vshll.u32 v3, $0x2  }
0xc4: {  	v3 =	vand.u32 $0x7, v3;
	v4 =	vand.u32 $0xFFFFFFE0, v59  }
0xc5: {  	v3 =	vor.u32 v3, v4  }
0xc6: {  	v4 =	vperm.xlane v3, v0;
	_ =	sdelay $0x1  }
0xc7: {  	v4 =	vadd.s32 v1, v4;
	_ =	sdelay $0x1  }
0xc8: {  	v3 =	vperm.xlane v3, v2;
	_ =	sdelay $0x1  }
0xc9: {  	v3 =	vadd.s32 v1, v3  }
0xca: {  	[hbm4b:s1+s2] =	stream.indirect_vreg.scatter [tilespmem:s3], [sflag:$0x1], $0x80, v4, vm0, $0xb8;
	[tilespmem:$0x10100] =	vst v63  }
0xcb: {  	_ = 	snop  }
0xcc: {  	[hbm4b:s6+s2] =	stream.indirect_vreg.scatter [tilespmem:s9], [sflag:$0x1], $0x80, v4, vm0, $0xb8;
	[tilespmem:$0x10100] =	vst v63  }
0xcd: {  	_ = 	snop  }
0xce: {  	[hbm4b:s1+s2] =	stream.indirect_vreg.scatter [tilespmem:s11], [sflag:$0x1], $0x80, v3, vm0, $0xb8;
	[tilespmem:$0x10100] =	vst v63  }
0xcf: {  	_ = 	snop  }
0xd0: {  	[hbm4b:s6+s2] =	stream.indirect_vreg.scatter [tilespmem:s12], [sflag:$0x1], $0x80, v3, vm0, $0xb8;
	[tilespmem:$0x10100] =	vst v63  }
0xd1: {  	v3 =	vld [tilespmem:$0x40];
	_ =	sdelay $0x4  }
0xd2: {  	v60 =	vshll.u32 v3, $0x2  }
0xd3: {  	v3 =	vand.u32 $0x7, v3;
	v4 =	vand.u32 $0xFFFFFFE0, v60  }
0xd4: {  	v3 =	vor.u32 v3, v4  }
0xd5: {  	v4 =	vperm.xlane v3, v0;
	_ =	sdelay $0x1  }
0xd6: {  	v4 =	vadd.s32 v1, v4;
	_ =	sdelay $0x1  }
0xd7: {  	v3 =	vperm.xlane v3, v2;
	_ =	sdelay $0x1  }
0xd8: {  	v3 =	vadd.s32 v1, v3  }
0xd9: {  	[hbm4b:s1+s2] =	stream.indirect_vreg.scatter [tilespmem:s13], [sflag:$0x1], $0x80, v4, vm0, $0xb8;
	[tilespmem:$0x10100] =	vst v63  }
0xda: {  	_ = 	snop  }
0xdb: {  	[hbm4b:s6+s2] =	stream.indirect_vreg.scatter [tilespmem:s14], [sflag:$0x1], $0x80, v4, vm0, $0xb8;
	[tilespmem:$0x10100] =	vst v63  }
0xdc: {  	_ = 	snop  }
0xdd: {  	[hbm4b:s1+s2] =	stream.indirect_vreg.scatter [tilespmem:s15], [sflag:$0x1], $0x80, v3, vm0, $0xb8;
	[tilespmem:$0x10100] =	vst v63  }
0xde: {  	_ = 	snop  }
0xdf: {  	[hbm4b:s6+s2] =	stream.indirect_vreg.scatter [tilespmem:s16], [sflag:$0x1], $0x80, v3, vm0, $0xb8;
	[tilespmem:$0x10100] =	vst v63  }
0xe0: {  	v3 =	vld [tilespmem:$0x50];
	_ =	sdelay $0x4  }
0xe1: {  	v61 =	vshll.u32 v3, $0x2  }
0xe2: {  	v3 =	vand.u32 $0x7, v3;
	v4 =	vand.u32 $0xFFFFFFE0, v61  }
0xe3: {  	v3 =	vor.u32 v3, v4  }
0xe4: {  	v4 =	vperm.xlane v3, v0;
	_ =	sdelay $0x1  }
0xe5: {  	v4 =	vadd.s32 v1, v4;
	_ =	sdelay $0x1  }
0xe6: {  	v3 =	vperm.xlane v3, v2;
	_ =	sdelay $0x1  }
0xe7: {  	v3 =	vadd.s32 v1, v3  }
0xe8: {  	[hbm4b:s1+s2] =	stream.indirect_vreg.scatter [tilespmem:s17], [sflag:$0x1], $0x80, v4, vm0, $0xb8;
	[tilespmem:$0x10100] =	vst v63  }
0xe9: {  	_ = 	snop  }
0xea: {  	[hbm4b:s6+s2] =	stream.indirect_vreg.scatter [tilespmem:s18], [sflag:$0x1], $0x80, v4, vm0, $0xb8;
	[tilespmem:$0x10100] =	vst v63  }
0xeb: {  	_ = 	snop  }
0xec: {  	[hbm4b:s1+s2] =	stream.indirect_vreg.scatter [tilespmem:s19], [sflag:$0x1], $0x80, v3, vm0, $0xb8;
	[tilespmem:$0x10100] =	vst v63  }
0xed: {  	_ = 	snop  }
0xee: {  	[hbm4b:s6+s2] =	stream.indirect_vreg.scatter [tilespmem:s8], [sflag:$0x1], $0x80, v3, vm0, $0xb8;
	[tilespmem:$0x10100] =	vst v63  }
0xef: {  	v3 =	vld [tilespmem:$0x60];
	_ =	sdelay $0x4  }
0xf0: {  	v62 =	vshll.u32 v3, $0x2  }
0xf1: {  	v3 =	vand.u32 $0x7, v3;
	v4 =	vand.u32 $0xFFFFFFE0, v62  }
0xf2: {  	v3 =	vor.u32 v3, v4  }
0xf3: {  	v4 =	vperm.xlane v3, v0;
	_ =	sdelay $0x1  }
0xf4: {  	v4 =	vadd.s32 v1, v4;
	_ =	sdelay $0x1  }
0xf5: {  	v3 =	vperm.xlane v3, v2;
	_ =	sdelay $0x1  }
0xf6: {  	s21 =	simm.s32 $0xC100;
	v3 =	vadd.s32 v1, v3  }
0xf7: {  	[hbm4b:s1+s2] =	stream.indirect_vreg.scatter [tilespmem:s21], [sflag:$0x1], $0x80, v4, vm0, $0xb8;
	[tilespmem:$0x10100] =	vst v63  }
0xf8: {  	s20 =	simm.s32 $0xC900  }
0xf9: {  	[hbm4b:s6+s2] =	stream.indirect_vreg.scatter [tilespmem:s20], [sflag:$0x1], $0x80, v4, vm0, $0xb8;
	[tilespmem:$0x10100] =	vst v63  }
0xfa: {  	s21 =	simm.s32 $0xD100  }
0xfb: {  	[hbm4b:s1+s2] =	stream.indirect_vreg.scatter [tilespmem:s21], [sflag:$0x1], $0x80, v3, vm0, $0xb8;
	[tilespmem:$0x10100] =	vst v63  }
0xfc: {  	s20 =	simm.s32 $0xD900  }
0xfd: {  	[hbm4b:s6+s2] =	stream.indirect_vreg.scatter [tilespmem:s20], [sflag:$0x1], $0x80, v3, vm0, $0xb8;
	[tilespmem:$0x10100] =	vst v63  }
0xfe: {  	v3 =	vld [tilespmem:$0x70];
	_ =	sdelay $0x4  }
0xff: {  	v63 =	vshll.u32 v3, $0x2  }
0x100: {  	v3 =	vand.u32 $0x7, v3;
	v4 =	vand.u32 $0xFFFFFFE0, v63  }
0x101: {  	v3 =	vor.u32 v3, v4  }
0x102: {  	v4 =	vperm.xlane v3, v0;
	_ =	sdelay $0x1  }
0x103: {  	v4 =	vadd.s32 v1, v4;
	_ =	sdelay $0x1  }
0x104: {  	v3 =	vperm.xlane v3, v2;
	_ =	sdelay $0x1  }
0x105: {  	s21 =	simm.s32 $0xE100;
	v3 =	vadd.s32 v1, v3  }
0x106: {  	[hbm4b:s1+s2] =	stream.indirect_vreg.scatter [tilespmem:s21], [sflag:$0x1], $0x80, v4, vm0, $0xb8;
	[tilespmem:$0x10100] =	vst v63  }
0x107: {  	s20 =	simm.s32 $0xE900  }
0x108: {  	[hbm4b:s6+s2] =	stream.indirect_vreg.scatter [tilespmem:s20], [sflag:$0x1], $0x80, v4, vm0, $0xb8;
	[tilespmem:$0x10100] =	vst v63  }
0x109: {  	p0 =	sne.s32 s7, $0x1;
	s21 =	simm.s32 $0xF100  }
0x10a: {  	[hbm4b:s1+s2] =	stream.indirect_vreg.scatter [tilespmem:s21], [sflag:$0x1], $0x80, v3, vm0, $0xb8;
	[tilespmem:$0x10100] =	vst v63  }
.Ltmp0:
0x10b: {  	_ = 	snop;
	(pc) =	sbr.rel @p0 .LBB2_1-.Ltmp0, $4  }
0x10c: {  	[hbm4b:s6+s2] =	stream.indirect_vreg.scatter [tilespmem:s0], [sflag:$0x1], $0x80, v3, vm0, $0xb8;
	[tilespmem:$0x10100] =	vst v63  }
0x10d: {  	_ =	swait.ge [sflag:s10], $0x10000  }
0x10e: {  	[sflag:s10] =	ssyncset.done $0x0  }
0x10f: {  	s7 =	sadd.s32 $0xFFFFFFFF, s7;
	[sflag:s10] =	ssyncadd.s32 $0xFFFF0000  }
0x110: {  	_ =	sfence.sel $0x180000  }
0x111: {  	[bflag:$0x0] =	sbarrier.arrive $0xFFFF  }
0x112: {  	_ =	strace $0x90000053  }
0x113: {  	s0 =	stileid.u32;
	[bflag:$0x2] =	sbarrier.arrive $0xFFFF  }
0x114: {  	p0 =	sne.s32 s0, $0x0;
	s0 =	rddreg [dreg:$0x3]  }
0x115: {  	s0 =	sadd.s32 @!p0 $0x100000, s0  }
0x116: {  	[sflag:s0] =	ssyncadd.tile.s32 @!p0 $0x1;
	_ =	shalt  }
.Lfunc_end2:
_tile_overlayer_lowered:
.L_overlay_start_2:
0x117: {  	(tag) =	ssettag $0x2  }
0x118: {  	s0 =	rddreg [dreg:$0x0];
	s2 =	stileid.u32  }
0x119: {  	s1 =	rddreg [dreg:$0x1];
	p0 =	sne.s32 s2, $0x0  }
0x11a: {  	s3 =	rddreg [dreg:$0x2];
	[bflag:$0x3] =	sbarrier.arrive $0xFFFF;
	s2 =	simm.s32 @!p0 $0x1C02  }
0x11b: {  	[timem:s3], [sflag:s2] =	dma.local @!p0 [hbm:s0], s1  }
0x11c: {  	s0 =	simm.s32 @!p0 $0x2  }
0x11d: {  	_ =	swait.ge @!p0 [sflag:s0], s1  }
0x11e: {  	s1 =	ssub.s32 @!p0 $0x0, s1;
	[sflag:s0] =	ssyncset.done @!p0 $0x0  }
0x11f: {  	[sflag:s0] =	ssyncadd.s32 @!p0 s1  }
0x120: {  	[bflag:$0x3] =	sbarrier.arrive $0xFFFF  }
0x121: {  	_ =	shalt  }

</sc_bundles>
